<compile_context>
chip_gen: v7x
topology: tpu7x:2x2x1
jax: 0.10.2.dev20260603
libtpu: 0.0.44.dev20260713+nightly
codegen_flags: <defaults>
</compile_context>

<pallas_src>
import functools

import jax
import jax.numpy as jnp
from jax import lax
from jax.experimental import pallas as pl
from jax.experimental.pallas import tpu as pltpu
from jax.experimental.pallas import tpu_sc as plsc

N = 10000
H = 64
NC = 2
NS = 16
NW = NC * NS
CHUNK = 128
CPW = 80
EPAD = NW * CPW * CHUNK
NPAD = 10112
DUMMY = N
RPW = NPAD // NS
CPW_LAST = 20

_mesh = plsc.VectorSubcoreMesh(core_axis_name="c", subcore_axis_name="s")
_sc_params = pltpu.CompilerParams(use_tc_tiling_on_sc=False,
                                 needs_layout_passes=False)
_f32 = jnp.float32


@functools.partial(
    pl.kernel,
    out_type=jax.ShapeDtypeStruct((NW, NPAD), _f32),
    mesh=_mesh,
    compiler_params=_sc_params,
    scratch_types=[
        pltpu.VMEM((CPW, CHUNK), jnp.int32),
        pltpu.VMEM((NPAD,), _f32),
    ],
)
def _deg_sc(dst_hbm, zeros_hbm, out_hbm, dst_v, hist):
    c = lax.axis_index("c")
    s = lax.axis_index("s")
    wid = c * NS + s

    pltpu.sync_copy(zeros_hbm, hist)
    pltpu.sync_copy(dst_hbm.at[wid], dst_v)
    ones_v = jnp.ones((16,), _f32)
    limit = jnp.where(wid == NW - 1, CPW_LAST, CPW)

    def outer(j, carry):
        for k in range(CHUNK // 16):
            idx = dst_v[j, pl.ds(16 * k, 16)]
            plsc.addupdate_scatter(hist, [idx], ones_v)
        return carry

    lax.fori_loop(0, limit, outer, 0)
    pltpu.sync_copy(hist, out_hbm.at[wid])


@functools.partial(
    pl.kernel,
    out_type=jax.ShapeDtypeStruct((NC, NPAD, H), _f32),
    mesh=_mesh,
    compiler_params=_sc_params,
    scratch_types=[
        pltpu.VMEM((CPW, CHUNK), jnp.int32),
        pltpu.VMEM((CPW, CHUNK), jnp.int32),
        pltpu.VMEM((4, CHUNK, H), _f32),
        pltpu.VMEM_SHARED((NPAD, H), _f32),
        pltpu.SemaphoreType.DMA,
        pltpu.SemaphoreType.DMA,
        pltpu.SemaphoreType.DMA,
        pltpu.SemaphoreType.DMA,
    ],
)
def _agg_sc(hs_hbm, src_hbm, dst_hbm, zeros_hbm, out_hbm,
            src_v, dst_v, rb, acc, g0, g1, g2, g3):
    c = lax.axis_index("c")
    s = lax.axis_index("s")
    wid = c * NS + s
    r0 = s * RPW
    gsem = [g0, g1, g2, g3]
    table = hs_hbm

    pltpu.sync_copy(zeros_hbm, acc.at[pl.ds(r0, RPW)])
    pltpu.sync_copy(src_hbm.at[wid], src_v)
    pltpu.sync_copy(dst_hbm.at[wid], dst_v)
    plsc.subcore_barrier()

    pltpu.async_copy(table.at[src_v.at[0]], rb.at[0], g0)
    pltpu.async_copy(table.at[src_v.at[1]], rb.at[1], g1)

    limit = jnp.where(wid == NW - 1, CPW_LAST, CPW)

    def outer(t, carry):
        for b in range(4):
            j = 4 * t + b
            pltpu.make_async_copy(
                table.at[src_v.at[j]], rb.at[b], gsem[b]).wait()
            pltpu.sync_copy(rb.at[b], acc.at[dst_v.at[j]], add=True)
            b2 = (b + 2) % 4

            @pl.when(j + 2 < limit)
            def _():
                pltpu.async_copy(
                    table.at[src_v.at[j + 2]], rb.at[b2], gsem[b2])
        return carry

    lax.fori_loop(0, limit // 4, outer, 0)
    plsc.subcore_barrier()
    pltpu.sync_copy(acc.at[pl.ds(r0, RPW)], out_hbm.at[c].at[pl.ds(r0, RPW)])


def _enc_tc_body(x_ref, we_ref, be_ref, cnt_ref, h_ref, hs_ref, dinv_ref):
    deg = 1.0 + jnp.sum(cnt_ref[:, :N], axis=0)[:, None]
    dinv = 1.0 / jnp.sqrt(deg)
    h = jnp.dot(x_ref[...], we_ref[...],
                preferred_element_type=_f32) + be_ref[...]
    h_ref[...] = h
    hs_ref[...] = h * dinv
    dinv_ref[...] = dinv


def _mid_tc_body(agg_ref, hs_ref, dinv_ref, w_ref, b_ref, h_o, hs_o):
    dinv = dinv_ref[...]
    ssum = (agg_ref[0, :N, :] + agg_ref[1, :N, :]) + hs_ref[...]
    m = ssum * dinv
    h = jnp.maximum(
        jnp.dot(m, w_ref[...], preferred_element_type=_f32) + b_ref[...],
        0.0)
    h_o[...] = h
    hs_o[...] = h * dinv


def _fin_tc_body(h_ref, wo1_ref, bo1_ref, wo2_ref, bo2_ref, out_ref):
    g = jnp.mean(h_ref[...], axis=0, keepdims=True)
    hid = jnp.maximum(
        jnp.dot(g, wo1_ref[...], preferred_element_type=_f32)
        + bo1_ref[...], 0.0)
    out_ref[...] = (
        jnp.dot(hid, wo2_ref[...], preferred_element_type=_f32)
        + bo2_ref[...])


_enc_tc = pl.pallas_call(
    _enc_tc_body,
    out_shape=[
        jax.ShapeDtypeStruct((N, H), _f32),
        jax.ShapeDtypeStruct((N, H), _f32),
        jax.ShapeDtypeStruct((N, 1), _f32),
    ],
)

_mid_tc = pl.pallas_call(
    _mid_tc_body,
    out_shape=[
        jax.ShapeDtypeStruct((N, H), _f32),
        jax.ShapeDtypeStruct((N, H), _f32),
    ],
)

_fin_tc = pl.pallas_call(
    _fin_tc_body,
    out_shape=jax.ShapeDtypeStruct((1, 1), _f32),
)


def kernel(x, edge_index, edge_attr, W_enc, b_enc, W_edge, b_edge,
           W_g0, b_g0, W_g1, b_g1, W_g2, b_g2, W_o1, b_o1, W_o2, b_o2):
    del edge_attr, W_edge, b_edge
    src = edge_index[0].astype(jnp.int32)
    dst = edge_index[1].astype(jnp.int32)
    pad = EPAD - src.shape[0]
    src_p = jnp.concatenate(
        [src, jnp.zeros((pad,), jnp.int32)]).reshape(NW, CPW, CHUNK)
    dst_p = jnp.concatenate(
        [dst, jnp.full((pad,), DUMMY, jnp.int32)]).reshape(NW, CPW, CHUNK)

    zeros1 = jnp.zeros((NPAD,), _f32)
    zeros64 = jnp.zeros((RPW, H), _f32)

    cnt = _deg_sc(dst_p, zeros1)
    h, hs, dinv = _enc_tc(x, W_enc, b_enc.reshape(1, H), cnt)

    for W_l, b_l in ((W_g0, b_g0), (W_g1, b_g1), (W_g2, b_g2)):
        agg = _agg_sc(hs, src_p, dst_p, zeros64)
        h, hs = _mid_tc(agg, hs, dinv, W_l, b_l.reshape(1, H))

    return _fin_tc(h, W_o1, b_o1.reshape(1, H // 2), W_o2, b_o2.reshape(1, 1))

# --- scband reference (transcript-rebuilt; emitter-appended) ---
"""Pipeline reference for scband-process-gnn-33311766347862 (READ-ONLY COPY).

The authoritative reference and input builder live on the scoring server;
editing this copy changes nothing except your own understanding.
"""

import jax, jax.numpy as jnp
import numpy as np

N = 10000
E = 320000
D_NODE = 128
D_EDGE = 16
H = 64


def gcn_conv(h, edge_index, W, b):
    # PyG-style GCNConv: add self-loops, symmetric normalization, scatter-add aggregation
    n = h.shape[0]
    loop = jnp.arange(n, dtype=edge_index.dtype)
    src = jnp.concatenate([edge_index[0], loop])
    dst = jnp.concatenate([edge_index[1], loop])
    hw = h @ W
    deg = jnp.zeros((n,), dtype=h.dtype).at[dst].add(1.0)
    dinv = 1.0 / jnp.sqrt(deg)
    norm = dinv[src] * dinv[dst]
    msg = hw[src] * norm[:, None]
    out = jnp.zeros_like(hw).at[dst].add(msg)
    return out + b


def setup_inputs(seed: int = 0):
    key = jax.random.key(seed)
    ks = jax.random.split(key, 20)
    x = jax.random.normal(ks[0], (N, D_NODE), dtype=jnp.float32)
    edge_index = jax.random.randint(ks[1], (2, E), 0, N, dtype=jnp.int32)
    edge_attr = jax.random.normal(ks[2], (E, D_EDGE), dtype=jnp.float32)
    s = 0.05
    W_enc = jax.random.normal(ks[3], (D_NODE, H), dtype=jnp.float32) * s
    b_enc = jnp.zeros((H,), dtype=jnp.float32)
    W_edge = jax.random.normal(ks[4], (D_EDGE, H), dtype=jnp.float32) * s
    b_edge = jnp.zeros((H,), dtype=jnp.float32)
    W_g0 = jax.random.normal(ks[5], (H, H), dtype=jnp.float32) * s
    b_g0 = jnp.zeros((H,), dtype=jnp.float32)
    W_g1 = jax.random.normal(ks[6], (H, H), dtype=jnp.float32) * s
    b_g1 = jnp.zeros((H,), dtype=jnp.float32)
    W_g2 = jax.random.normal(ks[7], (H, H), dtype=jnp.float32) * s
    b_g2 = jnp.zeros((H,), dtype=jnp.float32)
    W_o1 = jax.random.normal(ks[8], (H, H // 2), dtype=jnp.float32) * s
    b_o1 = jnp.zeros((H // 2,), dtype=jnp.float32)
    W_o2 = jax.random.normal(ks[9], (H // 2, 1), dtype=jnp.float32) * s
    b_o2 = jnp.zeros((1,), dtype=jnp.float32)
    return {"x": x, "edge_index": edge_index, "edge_attr": edge_attr,
            "W_enc": W_enc, "b_enc": b_enc, "W_edge": W_edge, "b_edge": b_edge,
            "W_g0": W_g0, "b_g0": b_g0, "W_g1": W_g1, "b_g1": b_g1,
            "W_g2": W_g2, "b_g2": b_g2, "W_o1": W_o1, "b_o1": b_o1,
            "W_o2": W_o2, "b_o2": b_o2}


def reference(x, edge_index, edge_attr, W_enc, b_enc, W_edge, b_edge,
              W_g0, b_g0, W_g1, b_g1, W_g2, b_g2, W_o1, b_o1, W_o2, b_o2):
    h = x @ W_enc + b_enc
    # edge_attr is encoded in the original module but not consumed by GCN layers
    e = edge_attr @ W_edge + b_edge
    for W, b in ((W_g0, b_g0), (W_g1, b_g1), (W_g2, b_g2)):
        h = gcn_conv(h, edge_index, W, b)
        h = jax.nn.relu(h)
    g = jnp.mean(h, axis=0, keepdims=True)
    hidden = jax.nn.relu(g @ W_o1 + b_o1)
    emissions = hidden @ W_o2 + b_o2
    return emissions

if __name__ == "__main__":
    import jax
    _d = setup_inputs()
    print(jax.jit(kernel)(*tuple(_d.values())))

</pallas_src>

<mosaic_0001>
#map = affine_map<(d0, d1) -> (0, 0)>
#map1 = affine_map<(d0, d1) -> (0, 0, 0)>
module attributes {stable_mosaic.version = 14 : i64} {
  func.func @_agg_sc(%arg0: i32, %arg1: i32, %arg2: memref<10000x64xf32, #tpu.memory_space<hbm>>, %arg3: memref<32x80x128xi32, #tpu.memory_space<hbm>>, %arg4: memref<32x80x128xi32, #tpu.memory_space<hbm>>, %arg5: memref<632x64xf32, #tpu.memory_space<hbm>>, %arg6: memref<2x10112x64xf32, #tpu.memory_space<hbm>>, %arg7: memref<80x128xi32, #tpu.memory_space<vmem>>, %arg8: memref<80x128xi32, #tpu.memory_space<vmem>>, %arg9: memref<4x128x64xf32, #tpu.memory_space<vmem>>, %arg10: memref<10112x64xf32, #tpu.memory_space<vmem_shared>>, %arg11: memref<!tpu.dma_semaphore, #tpu.memory_space<semaphore_mem>>, %arg12: memref<!tpu.dma_semaphore, #tpu.memory_space<semaphore_mem>>, %arg13: memref<!tpu.dma_semaphore, #tpu.memory_space<semaphore_mem>>, %arg14: memref<!tpu.dma_semaphore, #tpu.memory_space<semaphore_mem>>) attributes {dimension_semantics = [#tpu.dimension_semantics<core_parallel>, #tpu.dimension_semantics<subcore_parallel>], iteration_bounds = array<i64: 2, 16>, scalar_prefetch = 0 : i64, scratch_operands = 8 : i64, tpu.core_type = #tpu.core_type<sc_vector_subcore>, window_params = [{transform_indices = #map}, {transform_indices = #map1}, {transform_indices = #map1}, {transform_indices = #map}, {transform_indices = #map1}]} {
    %mul3A = arith.constant 16 : i32
    %mul3A_0 = arith.muli %arg0, %mul3A : i32
    %add3A = arith.addi %mul3A_0, %arg1 : i32
    %mul3A_1 = arith.constant 632 : i32
    %mul3A_2 = arith.muli %arg1, %mul3A_1 : i32
    "tpu.region"() ({
      %run_scoped3A = tpu.sem_alloc : memref<!tpu.dma_semaphore, #tpu.memory_space<semaphore_mem>>
      %dma_start3A_56 = arith.constant 0 : i32
      %dma_start3A_57 = tpu.memref_slice %arg10[%mul3A_2, %dma_start3A_56] : memref<10112x64xf32, #tpu.memory_space<vmem_shared>> -> memref<632x64xf32, #tpu.memory_space<vmem_shared>>
      tpu.enqueue_dma source(%arg5 : memref<632x64xf32, #tpu.memory_space<hbm>>) target(%dma_start3A_57 : memref<632x64xf32, #tpu.memory_space<vmem_shared>>) target_semaphore(%run_scoped3A : memref<!tpu.dma_semaphore, #tpu.memory_space<semaphore_mem>>)
      %dma_wait3A = arith.constant 0 : i32
      %dma_wait3A_58 = tpu.memref_slice %arg10[%mul3A_2, %dma_wait3A] : memref<10112x64xf32, #tpu.memory_space<vmem_shared>> -> memref<632x64xf32, #tpu.memory_space<vmem_shared>>
      tpu.wait_dma2 semaphore(%run_scoped3A : memref<!tpu.dma_semaphore, #tpu.memory_space<semaphore_mem>>) src(%arg5 : memref<632x64xf32, #tpu.memory_space<hbm>>) dst(%dma_wait3A_58 : memref<632x64xf32, #tpu.memory_space<vmem_shared>>)
      tpu.yield
    }) : () -> ()
    "tpu.region"() ({
      %run_scoped3A = tpu.sem_alloc : memref<!tpu.dma_semaphore, #tpu.memory_space<semaphore_mem>>
      %dma_start3A_56 = arith.constant 0 : i32
      %dma_start3A_57 = arith.constant 0 : i32
      %dma_start3A_58 = tpu.memref_slice %arg3[%add3A, %dma_start3A_56, %dma_start3A_57] : memref<32x80x128xi32, #tpu.memory_space<hbm>> -> memref<1x80x128xi32, #tpu.memory_space<hbm>>
      %dma_start3A_59 = tpu.memref_squeeze %dma_start3A_58 : memref<1x80x128xi32, #tpu.memory_space<hbm>> -> memref<80x128xi32, #tpu.memory_space<hbm>>
      %dma_start3A_60 = arith.constant 0 : i32
      %dma_start3A_61 = arith.constant 0 : i32
      %dma_start3A_62 = tpu.memref_slice %arg3[%add3A, %dma_start3A_60, %dma_start3A_61] : memref<32x80x128xi32, #tpu.memory_space<hbm>> -> memref<1x80x128xi32, #tpu.memory_space<hbm>>
      %dma_start3A_63 = tpu.memref_squeeze %dma_start3A_62 : memref<1x80x128xi32, #tpu.memory_space<hbm>> -> memref<80x128xi32, #tpu.memory_space<hbm>>
      tpu.enqueue_dma source(%dma_start3A_63 : memref<80x128xi32, #tpu.memory_space<hbm>>) target(%arg7 : memref<80x128xi32, #tpu.memory_space<vmem>>) target_semaphore(%run_scoped3A : memref<!tpu.dma_semaphore, #tpu.memory_space<semaphore_mem>>)
      %dma_wait3A = arith.constant 0 : i32
      %dma_wait3A_64 = arith.constant 0 : i32
      %dma_wait3A_65 = tpu.memref_slice %arg3[%add3A, %dma_wait3A, %dma_wait3A_64] : memref<32x80x128xi32, #tpu.memory_space<hbm>> -> memref<1x80x128xi32, #tpu.memory_space<hbm>>
      %dma_wait3A_66 = tpu.memref_squeeze %dma_wait3A_65 : memref<1x80x128xi32, #tpu.memory_space<hbm>> -> memref<80x128xi32, #tpu.memory_space<hbm>>
      %dma_wait3A_67 = arith.constant 0 : i32
      %dma_wait3A_68 = arith.constant 0 : i32
      %dma_wait3A_69 = tpu.memref_slice %arg3[%add3A, %dma_wait3A_67, %dma_wait3A_68] : memref<32x80x128xi32, #tpu.memory_space<hbm>> -> memref<1x80x128xi32, #tpu.memory_space<hbm>>
      %dma_wait3A_70 = tpu.memref_squeeze %dma_wait3A_69 : memref<1x80x128xi32, #tpu.memory_space<hbm>> -> memref<80x128xi32, #tpu.memory_space<hbm>>
      tpu.wait_dma2 semaphore(%run_scoped3A : memref<!tpu.dma_semaphore, #tpu.memory_space<semaphore_mem>>) src(%dma_wait3A_70 : memref<80x128xi32, #tpu.memory_space<hbm>>) dst(%arg7 : memref<80x128xi32, #tpu.memory_space<vmem>>)
      tpu.yield
    }) : () -> ()
    "tpu.region"() ({
      %run_scoped3A = tpu.sem_alloc : memref<!tpu.dma_semaphore, #tpu.memory_space<semaphore_mem>>
      %dma_start3A_56 = arith.constant 0 : i32
      %dma_start3A_57 = arith.constant 0 : i32
      %dma_start3A_58 = tpu.memref_slice %arg4[%add3A, %dma_start3A_56, %dma_start3A_57] : memref<32x80x128xi32, #tpu.memory_space<hbm>> -> memref<1x80x128xi32, #tpu.memory_space<hbm>>
      %dma_start3A_59 = tpu.memref_squeeze %dma_start3A_58 : memref<1x80x128xi32, #tpu.memory_space<hbm>> -> memref<80x128xi32, #tpu.memory_space<hbm>>
      %dma_start3A_60 = arith.constant 0 : i32
      %dma_start3A_61 = arith.constant 0 : i32
      %dma_start3A_62 = tpu.memref_slice %arg4[%add3A, %dma_start3A_60, %dma_start3A_61] : memref<32x80x128xi32, #tpu.memory_space<hbm>> -> memref<1x80x128xi32, #tpu.memory_space<hbm>>
      %dma_start3A_63 = tpu.memref_squeeze %dma_start3A_62 : memref<1x80x128xi32, #tpu.memory_space<hbm>> -> memref<80x128xi32, #tpu.memory_space<hbm>>
      tpu.enqueue_dma source(%dma_start3A_63 : memref<80x128xi32, #tpu.memory_space<hbm>>) target(%arg8 : memref<80x128xi32, #tpu.memory_space<vmem>>) target_semaphore(%run_scoped3A : memref<!tpu.dma_semaphore, #tpu.memory_space<semaphore_mem>>)
      %dma_wait3A = arith.constant 0 : i32
      %dma_wait3A_64 = arith.constant 0 : i32
      %dma_wait3A_65 = tpu.memref_slice %arg4[%add3A, %dma_wait3A, %dma_wait3A_64] : memref<32x80x128xi32, #tpu.memory_space<hbm>> -> memref<1x80x128xi32, #tpu.memory_space<hbm>>
      %dma_wait3A_66 = tpu.memref_squeeze %dma_wait3A_65 : memref<1x80x128xi32, #tpu.memory_space<hbm>> -> memref<80x128xi32, #tpu.memory_space<hbm>>
      %dma_wait3A_67 = arith.constant 0 : i32
      %dma_wait3A_68 = arith.constant 0 : i32
      %dma_wait3A_69 = tpu.memref_slice %arg4[%add3A, %dma_wait3A_67, %dma_wait3A_68] : memref<32x80x128xi32, #tpu.memory_space<hbm>> -> memref<1x80x128xi32, #tpu.memory_space<hbm>>
      %dma_wait3A_70 = tpu.memref_squeeze %dma_wait3A_69 : memref<1x80x128xi32, #tpu.memory_space<hbm>> -> memref<80x128xi32, #tpu.memory_space<hbm>>
      tpu.wait_dma2 semaphore(%run_scoped3A : memref<!tpu.dma_semaphore, #tpu.memory_space<semaphore_mem>>) src(%dma_wait3A_70 : memref<80x128xi32, #tpu.memory_space<hbm>>) dst(%arg8 : memref<80x128xi32, #tpu.memory_space<vmem>>)
      tpu.yield
    }) : () -> ()
    %barrier3A = arith.constant 0 : index
    tpu.barrier barrier_id(%barrier3A)
    %dma_start3A = arith.constant 0 : i32
    %dma_start3A_3 = arith.constant 0 : i32
    %dma_start3A_4 = arith.constant 0 : i32
    %dma_start3A_5 = arith.constant 0 : i32
    %dma_start3A_6 = tpu.memref_slice %arg9[%dma_start3A_3, %dma_start3A_4, %dma_start3A_5] : memref<4x128x64xf32, #tpu.memory_space<vmem>> -> memref<1x128x64xf32, #tpu.memory_space<vmem>>
    %dma_start3A_7 = tpu.memref_squeeze %dma_start3A_6 : memref<1x128x64xf32, #tpu.memory_space<vmem>> -> memref<128x64xf32, #tpu.memory_space<vmem>>
    %dma_start3A_8 = arith.constant 0 : i32
    %dma_start3A_9 = tpu.memref_slice %arg7[%dma_start3A, %dma_start3A_8] : memref<80x128xi32, #tpu.memory_space<vmem>> -> memref<1x128xi32, #tpu.memory_space<vmem>>
    %dma_start3A_10 = tpu.memref_squeeze %dma_start3A_9 : memref<1x128xi32, #tpu.memory_space<vmem>> -> memref<128xi32, #tpu.memory_space<vmem>>
    %dma_start3A_11 = arith.constant 0 : i32
    %dma_start3A_12 = arith.constant 0 : i32
    %dma_start3A_13 = tpu.memref_slice %arg2[%dma_start3A_11, %dma_start3A_12] : memref<10000x64xf32, #tpu.memory_space<hbm>> -> memref<10000x64xf32, #tpu.memory_space<hbm>>
    tpu.enqueue_indirect_dma source(%dma_start3A_13 : memref<10000x64xf32, #tpu.memory_space<hbm>>) target(%dma_start3A_7 : memref<128x64xf32, #tpu.memory_space<vmem>>) offsets(%dma_start3A_10 : memref<128xi32, #tpu.memory_space<vmem>>) semaphore(%arg11 : memref<!tpu.dma_semaphore, #tpu.memory_space<semaphore_mem>>)
    %dma_start3A_14 = arith.constant 1 : i32
    %dma_start3A_15 = arith.constant 1 : i32
    %dma_start3A_16 = arith.constant 0 : i32
    %dma_start3A_17 = arith.constant 0 : i32
    %dma_start3A_18 = tpu.memref_slice %arg9[%dma_start3A_15, %dma_start3A_16, %dma_start3A_17] : memref<4x128x64xf32, #tpu.memory_space<vmem>> -> memref<1x128x64xf32, #tpu.memory_space<vmem>>
    %dma_start3A_19 = tpu.memref_squeeze %dma_start3A_18 : memref<1x128x64xf32, #tpu.memory_space<vmem>> -> memref<128x64xf32, #tpu.memory_space<vmem>>
    %dma_start3A_20 = arith.constant 0 : i32
    %dma_start3A_21 = tpu.memref_slice %arg7[%dma_start3A_14, %dma_start3A_20] : memref<80x128xi32, #tpu.memory_space<vmem>> -> memref<1x128xi32, #tpu.memory_space<vmem>>
    %dma_start3A_22 = tpu.memref_squeeze %dma_start3A_21 : memref<1x128xi32, #tpu.memory_space<vmem>> -> memref<128xi32, #tpu.memory_space<vmem>>
    %dma_start3A_23 = arith.constant 0 : i32
    %dma_start3A_24 = arith.constant 0 : i32
    %dma_start3A_25 = tpu.memref_slice %arg2[%dma_start3A_23, %dma_start3A_24] : memref<10000x64xf32, #tpu.memory_space<hbm>> -> memref<10000x64xf32, #tpu.memory_space<hbm>>
    tpu.enqueue_indirect_dma source(%dma_start3A_25 : memref<10000x64xf32, #tpu.memory_space<hbm>>) target(%dma_start3A_19 : memref<128x64xf32, #tpu.memory_space<vmem>>) offsets(%dma_start3A_22 : memref<128xi32, #tpu.memory_space<vmem>>) semaphore(%arg12 : memref<!tpu.dma_semaphore, #tpu.memory_space<semaphore_mem>>)
    %eq3A = arith.constant 31 : i32
    %eq3A_26 = arith.cmpi eq, %add3A, %eq3A : i32
    %jit3A = arith.constant 20 : i32
    %jit3A_27 = arith.constant 80 : i32
    %select_n3A = arith.select %eq3A_26, %jit3A, %jit3A_27 : i32
    %jit3A_28 = arith.constant 4 : i32
    %div3A = arith.divsi %select_n3A, %jit3A_28 : i32
    %sign3A = arith.constant 0 : i32
    %sign3A_29 = arith.cmpi sgt, %select_n3A, %sign3A : i32
    %sign3A_30 = arith.extui %sign3A_29 : i1 to i32
    %sign3A_31 = arith.constant 0 : i32
    %sign3A_32 = arith.cmpi slt, %select_n3A, %sign3A_31 : i32
    %sign3A_33 = arith.extui %sign3A_32 : i1 to i32
    %sign3A_34 = arith.subi %sign3A_30, %sign3A_33 : i32
    %sign3A_35 = arith.constant 0 : i32
    %sign3A_36 = arith.cmpi sgt, %jit3A_28, %sign3A_35 : i32
    %sign3A_37 = arith.extui %sign3A_36 : i1 to i32
    %sign3A_38 = arith.constant 0 : i32
    %sign3A_39 = arith.cmpi slt, %jit3A_28, %sign3A_38 : i32
    %sign3A_40 = arith.extui %sign3A_39 : i1 to i32
    %sign3A_41 = arith.subi %sign3A_37, %sign3A_40 : i32
    %ne3A = arith.cmpi ne, %sign3A_34, %sign3A_41 : i32
    %rem3A = arith.remsi %select_n3A, %jit3A_28 : i32
    %ne3A_42 = arith.constant 0 : i32
    %ne3A_43 = arith.cmpi ne, %rem3A, %ne3A_42 : i32
    %and3A = arith.andi %ne3A, %ne3A_43 : i1
    %sub3A = arith.constant 1 : i32
    %sub3A_44 = arith.subi %div3A, %sub3A : i32
    %select_n3A_45 = arith.select %and3A, %sub3A_44, %div3A : i32
    %while3A = arith.constant 0 : i32
    %while3A_46 = arith.constant 0 : i32
    %while3A_47 = arith.subi %select_n3A_45, %while3A_46 : i32
    %while3A_48 = arith.addi %while3A_46, %while3A_47 : i32
    %while3A_49 = arith.constant 1 : i32
    %while3A_50 = arith.divsi %while3A_47, %while3A_49 : i32
    %while3A_51 = arith.muli %while3A_50, %while3A_49 : i32
    %while3A_52 = arith.addi %while3A_46, %while3A_51 : i32
    %while3A_53 = arith.constant 1 : i32
    scf.for %while3A_56 = %while3A_46 to %while3A_52 step %while3A_53  : i32 {
      %mul3A_57 = arith.constant 4 : i32
      %mul3A_58 = arith.muli %mul3A_57, %while3A_56 : i32
      %add3A_59 = arith.constant 0 : i32
      %add3A_60 = arith.addi %mul3A_58, %add3A_59 : i32
      %dma_wait3A = arith.constant 0 : i32
      %dma_wait3A_61 = arith.constant 0 : i32
      %dma_wait3A_62 = arith.constant 0 : i32
      %dma_wait3A_63 = tpu.memref_slice %arg9[%dma_wait3A, %dma_wait3A_61, %dma_wait3A_62] : memref<4x128x64xf32, #tpu.memory_space<vmem>> -> memref<1x128x64xf32, #tpu.memory_space<vmem>>
      %dma_wait3A_64 = tpu.memref_squeeze %dma_wait3A_63 : memref<1x128x64xf32, #tpu.memory_space<vmem>> -> memref<128x64xf32, #tpu.memory_space<vmem>>
      %dma_wait3A_65 = arith.constant 0 : i32
      %dma_wait3A_66 = tpu.memref_slice %arg7[%add3A_60, %dma_wait3A_65] : memref<80x128xi32, #tpu.memory_space<vmem>> -> memref<1x128xi32, #tpu.memory_space<vmem>>
      %dma_wait3A_67 = tpu.memref_squeeze %dma_wait3A_66 : memref<1x128xi32, #tpu.memory_space<vmem>> -> memref<128xi32, #tpu.memory_space<vmem>>
      %dma_wait3A_68 = arith.constant 0 : i32
      %dma_wait3A_69 = arith.constant 0 : i32
      %dma_wait3A_70 = tpu.memref_slice %arg2[%dma_wait3A_68, %dma_wait3A_69] : memref<10000x64xf32, #tpu.memory_space<hbm>> -> memref<10000x64xf32, #tpu.memory_space<hbm>>
      tpu.wait_indirect_dma semaphore(%arg11 : memref<!tpu.dma_semaphore, #tpu.memory_space<semaphore_mem>>) src(%dma_wait3A_70 : memref<10000x64xf32, #tpu.memory_space<hbm>>) dst(%dma_wait3A_64 : memref<128x64xf32, #tpu.memory_space<vmem>>)
      %run_scoped3A = arith.constant 0 : i32
      "tpu.region"() ({
        %run_scoped3A_140 = tpu.sem_alloc : memref<!tpu.dma_semaphore, #tpu.memory_space<semaphore_mem>>
        %dma_start3A_141 = arith.constant 0 : i32
        %dma_start3A_142 = arith.constant 0 : i32
        %dma_start3A_143 = tpu.memref_slice %arg9[%run_scoped3A, %dma_start3A_141, %dma_start3A_142] : memref<4x128x64xf32, #tpu.memory_space<vmem>> -> memref<1x128x64xf32, #tpu.memory_space<vmem>>
        %dma_start3A_144 = tpu.memref_squeeze %dma_start3A_143 : memref<1x128x64xf32, #tpu.memory_space<vmem>> -> memref<128x64xf32, #tpu.memory_space<vmem>>
        %dma_start3A_145 = arith.constant 0 : i32
        %dma_start3A_146 = tpu.memref_slice %arg8[%add3A_60, %dma_start3A_145] : memref<80x128xi32, #tpu.memory_space<vmem>> -> memref<1x128xi32, #tpu.memory_space<vmem>>
        %dma_start3A_147 = tpu.memref_squeeze %dma_start3A_146 : memref<1x128xi32, #tpu.memory_space<vmem>> -> memref<128xi32, #tpu.memory_space<vmem>>
        %dma_start3A_148 = arith.constant 0 : i32
        %dma_start3A_149 = arith.constant 0 : i32
        %dma_start3A_150 = tpu.memref_slice %arg10[%dma_start3A_148, %dma_start3A_149] : memref<10112x64xf32, #tpu.memory_space<vmem_shared>> -> memref<10112x64xf32, #tpu.memory_space<vmem_shared>>
        tpu.enqueue_indirect_dma source(%dma_start3A_144 : memref<128x64xf32, #tpu.memory_space<vmem>>) target(%dma_start3A_150 : memref<10112x64xf32, #tpu.memory_space<vmem_shared>>) offsets(%dma_start3A_147 : memref<128xi32, #tpu.memory_space<vmem>>) semaphore(%run_scoped3A_140 : memref<!tpu.dma_semaphore, #tpu.memory_space<semaphore_mem>>) {add = true}
        %dma_wait3A_151 = arith.constant 0 : i32
        %dma_wait3A_152 = arith.constant 0 : i32
        %dma_wait3A_153 = tpu.memref_slice %arg9[%run_scoped3A, %dma_wait3A_151, %dma_wait3A_152] : memref<4x128x64xf32, #tpu.memory_space<vmem>> -> memref<1x128x64xf32, #tpu.memory_space<vmem>>
        %dma_wait3A_154 = tpu.memref_squeeze %dma_wait3A_153 : memref<1x128x64xf32, #tpu.memory_space<vmem>> -> memref<128x64xf32, #tpu.memory_space<vmem>>
        %dma_wait3A_155 = arith.constant 0 : i32
        %dma_wait3A_156 = tpu.memref_slice %arg8[%add3A_60, %dma_wait3A_155] : memref<80x128xi32, #tpu.memory_space<vmem>> -> memref<1x128xi32, #tpu.memory_space<vmem>>
        %dma_wait3A_157 = tpu.memref_squeeze %dma_wait3A_156 : memref<1x128xi32, #tpu.memory_space<vmem>> -> memref<128xi32, #tpu.memory_space<vmem>>
        %dma_wait3A_158 = arith.constant 0 : i32
        %dma_wait3A_159 = arith.constant 0 : i32
        %dma_wait3A_160 = tpu.memref_slice %arg10[%dma_wait3A_158, %dma_wait3A_159] : memref<10112x64xf32, #tpu.memory_space<vmem_shared>> -> memref<10112x64xf32, #tpu.memory_space<vmem_shared>>
        tpu.wait_indirect_dma semaphore(%run_scoped3A_140 : memref<!tpu.dma_semaphore, #tpu.memory_space<semaphore_mem>>) src(%dma_wait3A_154 : memref<128x64xf32, #tpu.memory_space<vmem>>) dst(%dma_wait3A_160 : memref<10112x64xf32, #tpu.memory_space<vmem_shared>>)
        tpu.yield
      }) : () -> ()
      %add3A_71 = arith.constant 2 : i32
      %add3A_72 = arith.addi %add3A_60, %add3A_71 : i32
      %lt3A = arith.cmpi slt, %add3A_72, %select_n3A : i32
      %convert_element_type3A = arith.extui %lt3A : i1 to i32
      %cond3A = arith.constant 0 : i32
      %cond3A_73 = arith.cmpi ne, %convert_element_type3A, %cond3A : i32
      scf.if %cond3A_73 {
        %add3A_140 = arith.constant 2 : i32
        %add3A_141 = arith.addi %add3A_60, %add3A_140 : i32
        %dma_start3A_142 = arith.constant 2 : i32
        %dma_start3A_143 = arith.constant 0 : i32
        %dma_start3A_144 = arith.constant 0 : i32
        %dma_start3A_145 = tpu.memref_slice %arg9[%dma_start3A_142, %dma_start3A_143, %dma_start3A_144] : memref<4x128x64xf32, #tpu.memory_space<vmem>> -> memref<1x128x64xf32, #tpu.memory_space<vmem>>
        %dma_start3A_146 = tpu.memref_squeeze %dma_start3A_145 : memref<1x128x64xf32, #tpu.memory_space<vmem>> -> memref<128x64xf32, #tpu.memory_space<vmem>>
        %dma_start3A_147 = arith.constant 0 : i32
        %dma_start3A_148 = tpu.memref_slice %arg7[%add3A_141, %dma_start3A_147] : memref<80x128xi32, #tpu.memory_space<vmem>> -> memref<1x128xi32, #tpu.memory_space<vmem>>
        %dma_start3A_149 = tpu.memref_squeeze %dma_start3A_148 : memref<1x128xi32, #tpu.memory_space<vmem>> -> memref<128xi32, #tpu.memory_space<vmem>>
        %dma_start3A_150 = arith.constant 0 : i32
        %dma_start3A_151 = arith.constant 0 : i32
        %dma_start3A_152 = tpu.memref_slice %arg2[%dma_start3A_150, %dma_start3A_151] : memref<10000x64xf32, #tpu.memory_space<hbm>> -> memref<10000x64xf32, #tpu.memory_space<hbm>>
        tpu.enqueue_indirect_dma source(%dma_start3A_152 : memref<10000x64xf32, #tpu.memory_space<hbm>>) target(%dma_start3A_146 : memref<128x64xf32, #tpu.memory_space<vmem>>) offsets(%dma_start3A_149 : memref<128xi32, #tpu.memory_space<vmem>>) semaphore(%arg13 : memref<!tpu.dma_semaphore, #tpu.memory_space<semaphore_mem>>)
      } else {
      }
      %mul3A_74 = arith.constant 4 : i32
      %mul3A_75 = arith.muli %mul3A_74, %while3A_56 : i32
      %add3A_76 = arith.constant 1 : i32
      %add3A_77 = arith.addi %mul3A_75, %add3A_76 : i32
      %dma_wait3A_78 = arith.constant 1 : i32
      %dma_wait3A_79 = arith.constant 0 : i32
      %dma_wait3A_80 = arith.constant 0 : i32
      %dma_wait3A_81 = tpu.memref_slice %arg9[%dma_wait3A_78, %dma_wait3A_79, %dma_wait3A_80] : memref<4x128x64xf32, #tpu.memory_space<vmem>> -> memref<1x128x64xf32, #tpu.memory_space<vmem>>
      %dma_wait3A_82 = tpu.memref_squeeze %dma_wait3A_81 : memref<1x128x64xf32, #tpu.memory_space<vmem>> -> memref<128x64xf32, #tpu.memory_space<vmem>>
      %dma_wait3A_83 = arith.constant 0 : i32
      %dma_wait3A_84 = tpu.memref_slice %arg7[%add3A_77, %dma_wait3A_83] : memref<80x128xi32, #tpu.memory_space<vmem>> -> memref<1x128xi32, #tpu.memory_space<vmem>>
      %dma_wait3A_85 = tpu.memref_squeeze %dma_wait3A_84 : memref<1x128xi32, #tpu.memory_space<vmem>> -> memref<128xi32, #tpu.memory_space<vmem>>
      %dma_wait3A_86 = arith.constant 0 : i32
      %dma_wait3A_87 = arith.constant 0 : i32
      %dma_wait3A_88 = tpu.memref_slice %arg2[%dma_wait3A_86, %dma_wait3A_87] : memref<10000x64xf32, #tpu.memory_space<hbm>> -> memref<10000x64xf32, #tpu.memory_space<hbm>>
      tpu.wait_indirect_dma semaphore(%arg12 : memref<!tpu.dma_semaphore, #tpu.memory_space<semaphore_mem>>) src(%dma_wait3A_88 : memref<10000x64xf32, #tpu.memory_space<hbm>>) dst(%dma_wait3A_82 : memref<128x64xf32, #tpu.memory_space<vmem>>)
      %run_scoped3A_89 = arith.constant 1 : i32
      "tpu.region"() ({
        %run_scoped3A_140 = tpu.sem_alloc : memref<!tpu.dma_semaphore, #tpu.memory_space<semaphore_mem>>
        %dma_start3A_141 = arith.constant 0 : i32
        %dma_start3A_142 = arith.constant 0 : i32
        %dma_start3A_143 = tpu.memref_slice %arg9[%run_scoped3A_89, %dma_start3A_141, %dma_start3A_142] : memref<4x128x64xf32, #tpu.memory_space<vmem>> -> memref<1x128x64xf32, #tpu.memory_space<vmem>>
        %dma_start3A_144 = tpu.memref_squeeze %dma_start3A_143 : memref<1x128x64xf32, #tpu.memory_space<vmem>> -> memref<128x64xf32, #tpu.memory_space<vmem>>
        %dma_start3A_145 = arith.constant 0 : i32
        %dma_start3A_146 = tpu.memref_slice %arg8[%add3A_77, %dma_start3A_145] : memref<80x128xi32, #tpu.memory_space<vmem>> -> memref<1x128xi32, #tpu.memory_space<vmem>>
        %dma_start3A_147 = tpu.memref_squeeze %dma_start3A_146 : memref<1x128xi32, #tpu.memory_space<vmem>> -> memref<128xi32, #tpu.memory_space<vmem>>
        %dma_start3A_148 = arith.constant 0 : i32
        %dma_start3A_149 = arith.constant 0 : i32
        %dma_start3A_150 = tpu.memref_slice %arg10[%dma_start3A_148, %dma_start3A_149] : memref<10112x64xf32, #tpu.memory_space<vmem_shared>> -> memref<10112x64xf32, #tpu.memory_space<vmem_shared>>
        tpu.enqueue_indirect_dma source(%dma_start3A_144 : memref<128x64xf32, #tpu.memory_space<vmem>>) target(%dma_start3A_150 : memref<10112x64xf32, #tpu.memory_space<vmem_shared>>) offsets(%dma_start3A_147 : memref<128xi32, #tpu.memory_space<vmem>>) semaphore(%run_scoped3A_140 : memref<!tpu.dma_semaphore, #tpu.memory_space<semaphore_mem>>) {add = true}
        %dma_wait3A_151 = arith.constant 0 : i32
        %dma_wait3A_152 = arith.constant 0 : i32
        %dma_wait3A_153 = tpu.memref_slice %arg9[%run_scoped3A_89, %dma_wait3A_151, %dma_wait3A_152] : memref<4x128x64xf32, #tpu.memory_space<vmem>> -> memref<1x128x64xf32, #tpu.memory_space<vmem>>
        %dma_wait3A_154 = tpu.memref_squeeze %dma_wait3A_153 : memref<1x128x64xf32, #tpu.memory_space<vmem>> -> memref<128x64xf32, #tpu.memory_space<vmem>>
        %dma_wait3A_155 = arith.constant 0 : i32
        %dma_wait3A_156 = tpu.memref_slice %arg8[%add3A_77, %dma_wait3A_155] : memref<80x128xi32, #tpu.memory_space<vmem>> -> memref<1x128xi32, #tpu.memory_space<vmem>>
        %dma_wait3A_157 = tpu.memref_squeeze %dma_wait3A_156 : memref<1x128xi32, #tpu.memory_space<vmem>> -> memref<128xi32, #tpu.memory_space<vmem>>
        %dma_wait3A_158 = arith.constant 0 : i32
        %dma_wait3A_159 = arith.constant 0 : i32
        %dma_wait3A_160 = tpu.memref_slice %arg10[%dma_wait3A_158, %dma_wait3A_159] : memref<10112x64xf32, #tpu.memory_space<vmem_shared>> -> memref<10112x64xf32, #tpu.memory_space<vmem_shared>>
        tpu.wait_indirect_dma semaphore(%run_scoped3A_140 : memref<!tpu.dma_semaphore, #tpu.memory_space<semaphore_mem>>) src(%dma_wait3A_154 : memref<128x64xf32, #tpu.memory_space<vmem>>) dst(%dma_wait3A_160 : memref<10112x64xf32, #tpu.memory_space<vmem_shared>>)
        tpu.yield
      }) : () -> ()
      %add3A_90 = arith.constant 2 : i32
      %add3A_91 = arith.addi %add3A_77, %add3A_90 : i32
      %lt3A_92 = arith.cmpi slt, %add3A_91, %select_n3A : i32
      %convert_element_type3A_93 = arith.extui %lt3A_92 : i1 to i32
      %cond3A_94 = arith.constant 0 : i32
      %cond3A_95 = arith.cmpi ne, %convert_element_type3A_93, %cond3A_94 : i32
      scf.if %cond3A_95 {
        %add3A_140 = arith.constant 2 : i32
        %add3A_141 = arith.addi %add3A_77, %add3A_140 : i32
        %dma_start3A_142 = arith.constant 3 : i32
        %dma_start3A_143 = arith.constant 0 : i32
        %dma_start3A_144 = arith.constant 0 : i32
        %dma_start3A_145 = tpu.memref_slice %arg9[%dma_start3A_142, %dma_start3A_143, %dma_start3A_144] : memref<4x128x64xf32, #tpu.memory_space<vmem>> -> memref<1x128x64xf32, #tpu.memory_space<vmem>>
        %dma_start3A_146 = tpu.memref_squeeze %dma_start3A_145 : memref<1x128x64xf32, #tpu.memory_space<vmem>> -> memref<128x64xf32, #tpu.memory_space<vmem>>
        %dma_start3A_147 = arith.constant 0 : i32
        %dma_start3A_148 = tpu.memref_slice %arg7[%add3A_141, %dma_start3A_147] : memref<80x128xi32, #tpu.memory_space<vmem>> -> memref<1x128xi32, #tpu.memory_space<vmem>>
        %dma_start3A_149 = tpu.memref_squeeze %dma_start3A_148 : memref<1x128xi32, #tpu.memory_space<vmem>> -> memref<128xi32, #tpu.memory_space<vmem>>
        %dma_start3A_150 = arith.constant 0 : i32
        %dma_start3A_151 = arith.constant 0 : i32
        %dma_start3A_152 = tpu.memref_slice %arg2[%dma_start3A_150, %dma_start3A_151] : memref<10000x64xf32, #tpu.memory_space<hbm>> -> memref<10000x64xf32, #tpu.memory_space<hbm>>
        tpu.enqueue_indirect_dma source(%dma_start3A_152 : memref<10000x64xf32, #tpu.memory_space<hbm>>) target(%dma_start3A_146 : memref<128x64xf32, #tpu.memory_space<vmem>>) offsets(%dma_start3A_149 : memref<128xi32, #tpu.memory_space<vmem>>) semaphore(%arg14 : memref<!tpu.dma_semaphore, #tpu.memory_space<semaphore_mem>>)
      } else {
      }
      %mul3A_96 = arith.constant 4 : i32
      %mul3A_97 = arith.muli %mul3A_96, %while3A_56 : i32
      %add3A_98 = arith.constant 2 : i32
      %add3A_99 = arith.addi %mul3A_97, %add3A_98 : i32
      %dma_wait3A_100 = arith.constant 2 : i32
      %dma_wait3A_101 = arith.constant 0 : i32
      %dma_wait3A_102 = arith.constant 0 : i32
      %dma_wait3A_103 = tpu.memref_slice %arg9[%dma_wait3A_100, %dma_wait3A_101, %dma_wait3A_102] : memref<4x128x64xf32, #tpu.memory_space<vmem>> -> memref<1x128x64xf32, #tpu.memory_space<vmem>>
      %dma_wait3A_104 = tpu.memref_squeeze %dma_wait3A_103 : memref<1x128x64xf32, #tpu.memory_space<vmem>> -> memref<128x64xf32, #tpu.memory_space<vmem>>
      %dma_wait3A_105 = arith.constant 0 : i32
      %dma_wait3A_106 = tpu.memref_slice %arg7[%add3A_99, %dma_wait3A_105] : memref<80x128xi32, #tpu.memory_space<vmem>> -> memref<1x128xi32, #tpu.memory_space<vmem>>
      %dma_wait3A_107 = tpu.memref_squeeze %dma_wait3A_106 : memref<1x128xi32, #tpu.memory_space<vmem>> -> memref<128xi32, #tpu.memory_space<vmem>>
      %dma_wait3A_108 = arith.constant 0 : i32
      %dma_wait3A_109 = arith.constant 0 : i32
      %dma_wait3A_110 = tpu.memref_slice %arg2[%dma_wait3A_108, %dma_wait3A_109] : memref<10000x64xf32, #tpu.memory_space<hbm>> -> memref<10000x64xf32, #tpu.memory_space<hbm>>
      tpu.wait_indirect_dma semaphore(%arg13 : memref<!tpu.dma_semaphore, #tpu.memory_space<semaphore_mem>>) src(%dma_wait3A_110 : memref<10000x64xf32, #tpu.memory_space<hbm>>) dst(%dma_wait3A_104 : memref<128x64xf32, #tpu.memory_space<vmem>>)
      %run_scoped3A_111 = arith.constant 2 : i32
      "tpu.region"() ({
        %run_scoped3A_140 = tpu.sem_alloc : memref<!tpu.dma_semaphore, #tpu.memory_space<semaphore_mem>>
        %dma_start3A_141 = arith.constant 0 : i32
        %dma_start3A_142 = arith.constant 0 : i32
        %dma_start3A_143 = tpu.memref_slice %arg9[%run_scoped3A_111, %dma_start3A_141, %dma_start3A_142] : memref<4x128x64xf32, #tpu.memory_space<vmem>> -> memref<1x128x64xf32, #tpu.memory_space<vmem>>
        %dma_start3A_144 = tpu.memref_squeeze %dma_start3A_143 : memref<1x128x64xf32, #tpu.memory_space<vmem>> -> memref<128x64xf32, #tpu.memory_space<vmem>>
        %dma_start3A_145 = arith.constant 0 : i32
        %dma_start3A_146 = tpu.memref_slice %arg8[%add3A_99, %dma_start3A_145] : memref<80x128xi32, #tpu.memory_space<vmem>> -> memref<1x128xi32, #tpu.memory_space<vmem>>
        %dma_start3A_147 = tpu.memref_squeeze %dma_start3A_146 : memref<1x128xi32, #tpu.memory_space<vmem>> -> memref<128xi32, #tpu.memory_space<vmem>>
        %dma_start3A_148 = arith.constant 0 : i32
        %dma_start3A_149 = arith.constant 0 : i32
        %dma_start3A_150 = tpu.memref_slice %arg10[%dma_start3A_148, %dma_start3A_149] : memref<10112x64xf32, #tpu.memory_space<vmem_shared>> -> memref<10112x64xf32, #tpu.memory_space<vmem_shared>>
        tpu.enqueue_indirect_dma source(%dma_start3A_144 : memref<128x64xf32, #tpu.memory_space<vmem>>) target(%dma_start3A_150 : memref<10112x64xf32, #tpu.memory_space<vmem_shared>>) offsets(%dma_start3A_147 : memref<128xi32, #tpu.memory_space<vmem>>) semaphore(%run_scoped3A_140 : memref<!tpu.dma_semaphore, #tpu.memory_space<semaphore_mem>>) {add = true}
        %dma_wait3A_151 = arith.constant 0 : i32
        %dma_wait3A_152 = arith.constant 0 : i32
        %dma_wait3A_153 = tpu.memref_slice %arg9[%run_scoped3A_111, %dma_wait3A_151, %dma_wait3A_152] : memref<4x128x64xf32, #tpu.memory_space<vmem>> -> memref<1x128x64xf32, #tpu.memory_space<vmem>>
        %dma_wait3A_154 = tpu.memref_squeeze %dma_wait3A_153 : memref<1x128x64xf32, #tpu.memory_space<vmem>> -> memref<128x64xf32, #tpu.memory_space<vmem>>
        %dma_wait3A_155 = arith.constant 0 : i32
        %dma_wait3A_156 = tpu.memref_slice %arg8[%add3A_99, %dma_wait3A_155] : memref<80x128xi32, #tpu.memory_space<vmem>> -> memref<1x128xi32, #tpu.memory_space<vmem>>
        %dma_wait3A_157 = tpu.memref_squeeze %dma_wait3A_156 : memref<1x128xi32, #tpu.memory_space<vmem>> -> memref<128xi32, #tpu.memory_space<vmem>>
        %dma_wait3A_158 = arith.constant 0 : i32
        %dma_wait3A_159 = arith.constant 0 : i32
        %dma_wait3A_160 = tpu.memref_slice %arg10[%dma_wait3A_158, %dma_wait3A_159] : memref<10112x64xf32, #tpu.memory_space<vmem_shared>> -> memref<10112x64xf32, #tpu.memory_space<vmem_shared>>
        tpu.wait_indirect_dma semaphore(%run_scoped3A_140 : memref<!tpu.dma_semaphore, #tpu.memory_space<semaphore_mem>>) src(%dma_wait3A_154 : memref<128x64xf32, #tpu.memory_space<vmem>>) dst(%dma_wait3A_160 : memref<10112x64xf32, #tpu.memory_space<vmem_shared>>)
        tpu.yield
      }) : () -> ()
      %add3A_112 = arith.constant 2 : i32
      %add3A_113 = arith.addi %add3A_99, %add3A_112 : i32
      %lt3A_114 = arith.cmpi slt, %add3A_113, %select_n3A : i32
      %convert_element_type3A_115 = arith.extui %lt3A_114 : i1 to i32
      %cond3A_116 = arith.constant 0 : i32
      %cond3A_117 = arith.cmpi ne, %convert_element_type3A_115, %cond3A_116 : i32
      scf.if %cond3A_117 {
        %add3A_140 = arith.constant 2 : i32
        %add3A_141 = arith.addi %add3A_99, %add3A_140 : i32
        %dma_start3A_142 = arith.constant 0 : i32
        %dma_start3A_143 = arith.constant 0 : i32
        %dma_start3A_144 = arith.constant 0 : i32
        %dma_start3A_145 = tpu.memref_slice %arg9[%dma_start3A_142, %dma_start3A_143, %dma_start3A_144] : memref<4x128x64xf32, #tpu.memory_space<vmem>> -> memref<1x128x64xf32, #tpu.memory_space<vmem>>
        %dma_start3A_146 = tpu.memref_squeeze %dma_start3A_145 : memref<1x128x64xf32, #tpu.memory_space<vmem>> -> memref<128x64xf32, #tpu.memory_space<vmem>>
        %dma_start3A_147 = arith.constant 0 : i32
        %dma_start3A_148 = tpu.memref_slice %arg7[%add3A_141, %dma_start3A_147] : memref<80x128xi32, #tpu.memory_space<vmem>> -> memref<1x128xi32, #tpu.memory_space<vmem>>
        %dma_start3A_149 = tpu.memref_squeeze %dma_start3A_148 : memref<1x128xi32, #tpu.memory_space<vmem>> -> memref<128xi32, #tpu.memory_space<vmem>>
        %dma_start3A_150 = arith.constant 0 : i32
        %dma_start3A_151 = arith.constant 0 : i32
        %dma_start3A_152 = tpu.memref_slice %arg2[%dma_start3A_150, %dma_start3A_151] : memref<10000x64xf32, #tpu.memory_space<hbm>> -> memref<10000x64xf32, #tpu.memory_space<hbm>>
        tpu.enqueue_indirect_dma source(%dma_start3A_152 : memref<10000x64xf32, #tpu.memory_space<hbm>>) target(%dma_start3A_146 : memref<128x64xf32, #tpu.memory_space<vmem>>) offsets(%dma_start3A_149 : memref<128xi32, #tpu.memory_space<vmem>>) semaphore(%arg11 : memref<!tpu.dma_semaphore, #tpu.memory_space<semaphore_mem>>)
      } else {
      }
      %mul3A_118 = arith.constant 4 : i32
      %mul3A_119 = arith.muli %mul3A_118, %while3A_56 : i32
      %add3A_120 = arith.constant 3 : i32
      %add3A_121 = arith.addi %mul3A_119, %add3A_120 : i32
      %dma_wait3A_122 = arith.constant 3 : i32
      %dma_wait3A_123 = arith.constant 0 : i32
      %dma_wait3A_124 = arith.constant 0 : i32
      %dma_wait3A_125 = tpu.memref_slice %arg9[%dma_wait3A_122, %dma_wait3A_123, %dma_wait3A_124] : memref<4x128x64xf32, #tpu.memory_space<vmem>> -> memref<1x128x64xf32, #tpu.memory_space<vmem>>
      %dma_wait3A_126 = tpu.memref_squeeze %dma_wait3A_125 : memref<1x128x64xf32, #tpu.memory_space<vmem>> -> memref<128x64xf32, #tpu.memory_space<vmem>>
      %dma_wait3A_127 = arith.constant 0 : i32
      %dma_wait3A_128 = tpu.memref_slice %arg7[%add3A_121, %dma_wait3A_127] : memref<80x128xi32, #tpu.memory_space<vmem>> -> memref<1x128xi32, #tpu.memory_space<vmem>>
      %dma_wait3A_129 = tpu.memref_squeeze %dma_wait3A_128 : memref<1x128xi32, #tpu.memory_space<vmem>> -> memref<128xi32, #tpu.memory_space<vmem>>
      %dma_wait3A_130 = arith.constant 0 : i32
      %dma_wait3A_131 = arith.constant 0 : i32
      %dma_wait3A_132 = tpu.memref_slice %arg2[%dma_wait3A_130, %dma_wait3A_131] : memref<10000x64xf32, #tpu.memory_space<hbm>> -> memref<10000x64xf32, #tpu.memory_space<hbm>>
      tpu.wait_indirect_dma semaphore(%arg14 : memref<!tpu.dma_semaphore, #tpu.memory_space<semaphore_mem>>) src(%dma_wait3A_132 : memref<10000x64xf32, #tpu.memory_space<hbm>>) dst(%dma_wait3A_126 : memref<128x64xf32, #tpu.memory_space<vmem>>)
      %run_scoped3A_133 = arith.constant 3 : i32
      "tpu.region"() ({
        %run_scoped3A_140 = tpu.sem_alloc : memref<!tpu.dma_semaphore, #tpu.memory_space<semaphore_mem>>
        %dma_start3A_141 = arith.constant 0 : i32
        %dma_start3A_142 = arith.constant 0 : i32
        %dma_start3A_143 = tpu.memref_slice %arg9[%run_scoped3A_133, %dma_start3A_141, %dma_start3A_142] : memref<4x128x64xf32, #tpu.memory_space<vmem>> -> memref<1x128x64xf32, #tpu.memory_space<vmem>>
        %dma_start3A_144 = tpu.memref_squeeze %dma_start3A_143 : memref<1x128x64xf32, #tpu.memory_space<vmem>> -> memref<128x64xf32, #tpu.memory_space<vmem>>
        %dma_start3A_145 = arith.constant 0 : i32
        %dma_start3A_146 = tpu.memref_slice %arg8[%add3A_121, %dma_start3A_145] : memref<80x128xi32, #tpu.memory_space<vmem>> -> memref<1x128xi32, #tpu.memory_space<vmem>>
        %dma_start3A_147 = tpu.memref_squeeze %dma_start3A_146 : memref<1x128xi32, #tpu.memory_space<vmem>> -> memref<128xi32, #tpu.memory_space<vmem>>
        %dma_start3A_148 = arith.constant 0 : i32
        %dma_start3A_149 = arith.constant 0 : i32
        %dma_start3A_150 = tpu.memref_slice %arg10[%dma_start3A_148, %dma_start3A_149] : memref<10112x64xf32, #tpu.memory_space<vmem_shared>> -> memref<10112x64xf32, #tpu.memory_space<vmem_shared>>
        tpu.enqueue_indirect_dma source(%dma_start3A_144 : memref<128x64xf32, #tpu.memory_space<vmem>>) target(%dma_start3A_150 : memref<10112x64xf32, #tpu.memory_space<vmem_shared>>) offsets(%dma_start3A_147 : memref<128xi32, #tpu.memory_space<vmem>>) semaphore(%run_scoped3A_140 : memref<!tpu.dma_semaphore, #tpu.memory_space<semaphore_mem>>) {add = true}
        %dma_wait3A_151 = arith.constant 0 : i32
        %dma_wait3A_152 = arith.constant 0 : i32
        %dma_wait3A_153 = tpu.memref_slice %arg9[%run_scoped3A_133, %dma_wait3A_151, %dma_wait3A_152] : memref<4x128x64xf32, #tpu.memory_space<vmem>> -> memref<1x128x64xf32, #tpu.memory_space<vmem>>
        %dma_wait3A_154 = tpu.memref_squeeze %dma_wait3A_153 : memref<1x128x64xf32, #tpu.memory_space<vmem>> -> memref<128x64xf32, #tpu.memory_space<vmem>>
        %dma_wait3A_155 = arith.constant 0 : i32
        %dma_wait3A_156 = tpu.memref_slice %arg8[%add3A_121, %dma_wait3A_155] : memref<80x128xi32, #tpu.memory_space<vmem>> -> memref<1x128xi32, #tpu.memory_space<vmem>>
        %dma_wait3A_157 = tpu.memref_squeeze %dma_wait3A_156 : memref<1x128xi32, #tpu.memory_space<vmem>> -> memref<128xi32, #tpu.memory_space<vmem>>
        %dma_wait3A_158 = arith.constant 0 : i32
        %dma_wait3A_159 = arith.constant 0 : i32
        %dma_wait3A_160 = tpu.memref_slice %arg10[%dma_wait3A_158, %dma_wait3A_159] : memref<10112x64xf32, #tpu.memory_space<vmem_shared>> -> memref<10112x64xf32, #tpu.memory_space<vmem_shared>>
        tpu.wait_indirect_dma semaphore(%run_scoped3A_140 : memref<!tpu.dma_semaphore, #tpu.memory_space<semaphore_mem>>) src(%dma_wait3A_154 : memref<128x64xf32, #tpu.memory_space<vmem>>) dst(%dma_wait3A_160 : memref<10112x64xf32, #tpu.memory_space<vmem_shared>>)
        tpu.yield
      }) : () -> ()
      %add3A_134 = arith.constant 2 : i32
      %add3A_135 = arith.addi %add3A_121, %add3A_134 : i32
      %lt3A_136 = arith.cmpi slt, %add3A_135, %select_n3A : i32
      %convert_element_type3A_137 = arith.extui %lt3A_136 : i1 to i32
      %cond3A_138 = arith.constant 0 : i32
      %cond3A_139 = arith.cmpi ne, %convert_element_type3A_137, %cond3A_138 : i32
      scf.if %cond3A_139 {
        %add3A_140 = arith.constant 2 : i32
        %add3A_141 = arith.addi %add3A_121, %add3A_140 : i32
        %dma_start3A_142 = arith.constant 1 : i32
        %dma_start3A_143 = arith.constant 0 : i32
        %dma_start3A_144 = arith.constant 0 : i32
        %dma_start3A_145 = tpu.memref_slice %arg9[%dma_start3A_142, %dma_start3A_143, %dma_start3A_144] : memref<4x128x64xf32, #tpu.memory_space<vmem>> -> memref<1x128x64xf32, #tpu.memory_space<vmem>>
        %dma_start3A_146 = tpu.memref_squeeze %dma_start3A_145 : memref<1x128x64xf32, #tpu.memory_space<vmem>> -> memref<128x64xf32, #tpu.memory_space<vmem>>
        %dma_start3A_147 = arith.constant 0 : i32
        %dma_start3A_148 = tpu.memref_slice %arg7[%add3A_141, %dma_start3A_147] : memref<80x128xi32, #tpu.memory_space<vmem>> -> memref<1x128xi32, #tpu.memory_space<vmem>>
        %dma_start3A_149 = tpu.memref_squeeze %dma_start3A_148 : memref<1x128xi32, #tpu.memory_space<vmem>> -> memref<128xi32, #tpu.memory_space<vmem>>
        %dma_start3A_150 = arith.constant 0 : i32
        %dma_start3A_151 = arith.constant 0 : i32
        %dma_start3A_152 = tpu.memref_slice %arg2[%dma_start3A_150, %dma_start3A_151] : memref<10000x64xf32, #tpu.memory_space<hbm>> -> memref<10000x64xf32, #tpu.memory_space<hbm>>
        tpu.enqueue_indirect_dma source(%dma_start3A_152 : memref<10000x64xf32, #tpu.memory_space<hbm>>) target(%dma_start3A_146 : memref<128x64xf32, #tpu.memory_space<vmem>>) offsets(%dma_start3A_149 : memref<128xi32, #tpu.memory_space<vmem>>) semaphore(%arg12 : memref<!tpu.dma_semaphore, #tpu.memory_space<semaphore_mem>>)
      } else {
      }
    }
    %while3A_54 = arith.constant 1 : i32
    scf.for %while3A_56 = %while3A_52 to %while3A_48 step %while3A_54  : i32 {
      %mul3A_57 = arith.constant 4 : i32
      %mul3A_58 = arith.muli %mul3A_57, %while3A_56 : i32
      %add3A_59 = arith.constant 0 : i32
      %add3A_60 = arith.addi %mul3A_58, %add3A_59 : i32
      %dma_wait3A = arith.constant 0 : i32
      %dma_wait3A_61 = arith.constant 0 : i32
      %dma_wait3A_62 = arith.constant 0 : i32
      %dma_wait3A_63 = tpu.memref_slice %arg9[%dma_wait3A, %dma_wait3A_61, %dma_wait3A_62] : memref<4x128x64xf32, #tpu.memory_space<vmem>> -> memref<1x128x64xf32, #tpu.memory_space<vmem>>
      %dma_wait3A_64 = tpu.memref_squeeze %dma_wait3A_63 : memref<1x128x64xf32, #tpu.memory_space<vmem>> -> memref<128x64xf32, #tpu.memory_space<vmem>>
      %dma_wait3A_65 = arith.constant 0 : i32
      %dma_wait3A_66 = tpu.memref_slice %arg7[%add3A_60, %dma_wait3A_65] : memref<80x128xi32, #tpu.memory_space<vmem>> -> memref<1x128xi32, #tpu.memory_space<vmem>>
      %dma_wait3A_67 = tpu.memref_squeeze %dma_wait3A_66 : memref<1x128xi32, #tpu.memory_space<vmem>> -> memref<128xi32, #tpu.memory_space<vmem>>
      %dma_wait3A_68 = arith.constant 0 : i32
      %dma_wait3A_69 = arith.constant 0 : i32
      %dma_wait3A_70 = tpu.memref_slice %arg2[%dma_wait3A_68, %dma_wait3A_69] : memref<10000x64xf32, #tpu.memory_space<hbm>> -> memref<10000x64xf32, #tpu.memory_space<hbm>>
      tpu.wait_indirect_dma semaphore(%arg11 : memref<!tpu.dma_semaphore, #tpu.memory_space<semaphore_mem>>) src(%dma_wait3A_70 : memref<10000x64xf32, #tpu.memory_space<hbm>>) dst(%dma_wait3A_64 : memref<128x64xf32, #tpu.memory_space<vmem>>)
      %run_scoped3A = arith.constant 0 : i32
      "tpu.region"() ({
        %run_scoped3A_140 = tpu.sem_alloc : memref<!tpu.dma_semaphore, #tpu.memory_space<semaphore_mem>>
        %dma_start3A_141 = arith.constant 0 : i32
        %dma_start3A_142 = arith.constant 0 : i32
        %dma_start3A_143 = tpu.memref_slice %arg9[%run_scoped3A, %dma_start3A_141, %dma_start3A_142] : memref<4x128x64xf32, #tpu.memory_space<vmem>> -> memref<1x128x64xf32, #tpu.memory_space<vmem>>
        %dma_start3A_144 = tpu.memref_squeeze %dma_start3A_143 : memref<1x128x64xf32, #tpu.memory_space<vmem>> -> memref<128x64xf32, #tpu.memory_space<vmem>>
        %dma_start3A_145 = arith.constant 0 : i32
        %dma_start3A_146 = tpu.memref_slice %arg8[%add3A_60, %dma_start3A_145] : memref<80x128xi32, #tpu.memory_space<vmem>> -> memref<1x128xi32, #tpu.memory_space<vmem>>
        %dma_start3A_147 = tpu.memref_squeeze %dma_start3A_146 : memref<1x128xi32, #tpu.memory_space<vmem>> -> memref<128xi32, #tpu.memory_space<vmem>>
        %dma_start3A_148 = arith.constant 0 : i32
        %dma_start3A_149 = arith.constant 0 : i32
        %dma_start3A_150 = tpu.memref_slice %arg10[%dma_start3A_148, %dma_start3A_149] : memref<10112x64xf32, #tpu.memory_space<vmem_shared>> -> memref<10112x64xf32, #tpu.memory_space<vmem_shared>>
        tpu.enqueue_indirect_dma source(%dma_start3A_144 : memref<128x64xf32, #tpu.memory_space<vmem>>) target(%dma_start3A_150 : memref<10112x64xf32, #tpu.memory_space<vmem_shared>>) offsets(%dma_start3A_147 : memref<128xi32, #tpu.memory_space<vmem>>) semaphore(%run_scoped3A_140 : memref<!tpu.dma_semaphore, #tpu.memory_space<semaphore_mem>>) {add = true}
        %dma_wait3A_151 = arith.constant 0 : i32
        %dma_wait3A_152 = arith.constant 0 : i32
        %dma_wait3A_153 = tpu.memref_slice %arg9[%run_scoped3A, %dma_wait3A_151, %dma_wait3A_152] : memref<4x128x64xf32, #tpu.memory_space<vmem>> -> memref<1x128x64xf32, #tpu.memory_space<vmem>>
        %dma_wait3A_154 = tpu.memref_squeeze %dma_wait3A_153 : memref<1x128x64xf32, #tpu.memory_space<vmem>> -> memref<128x64xf32, #tpu.memory_space<vmem>>
        %dma_wait3A_155 = arith.constant 0 : i32
        %dma_wait3A_156 = tpu.memref_slice %arg8[%add3A_60, %dma_wait3A_155] : memref<80x128xi32, #tpu.memory_space<vmem>> -> memref<1x128xi32, #tpu.memory_space<vmem>>
        %dma_wait3A_157 = tpu.memref_squeeze %dma_wait3A_156 : memref<1x128xi32, #tpu.memory_space<vmem>> -> memref<128xi32, #tpu.memory_space<vmem>>
        %dma_wait3A_158 = arith.constant 0 : i32
        %dma_wait3A_159 = arith.constant 0 : i32
        %dma_wait3A_160 = tpu.memref_slice %arg10[%dma_wait3A_158, %dma_wait3A_159] : memref<10112x64xf32, #tpu.memory_space<vmem_shared>> -> memref<10112x64xf32, #tpu.memory_space<vmem_shared>>
        tpu.wait_indirect_dma semaphore(%run_scoped3A_140 : memref<!tpu.dma_semaphore, #tpu.memory_space<semaphore_mem>>) src(%dma_wait3A_154 : memref<128x64xf32, #tpu.memory_space<vmem>>) dst(%dma_wait3A_160 : memref<10112x64xf32, #tpu.memory_space<vmem_shared>>)
        tpu.yield
      }) : () -> ()
      %add3A_71 = arith.constant 2 : i32
      %add3A_72 = arith.addi %add3A_60, %add3A_71 : i32
      %lt3A = arith.cmpi slt, %add3A_72, %select_n3A : i32
      %convert_element_type3A = arith.extui %lt3A : i1 to i32
      %cond3A = arith.constant 0 : i32
      %cond3A_73 = arith.cmpi ne, %convert_element_type3A, %cond3A : i32
      scf.if %cond3A_73 {
        %add3A_140 = arith.constant 2 : i32
        %add3A_141 = arith.addi %add3A_60, %add3A_140 : i32
        %dma_start3A_142 = arith.constant 2 : i32
        %dma_start3A_143 = arith.constant 0 : i32
        %dma_start3A_144 = arith.constant 0 : i32
        %dma_start3A_145 = tpu.memref_slice %arg9[%dma_start3A_142, %dma_start3A_143, %dma_start3A_144] : memref<4x128x64xf32, #tpu.memory_space<vmem>> -> memref<1x128x64xf32, #tpu.memory_space<vmem>>
        %dma_start3A_146 = tpu.memref_squeeze %dma_start3A_145 : memref<1x128x64xf32, #tpu.memory_space<vmem>> -> memref<128x64xf32, #tpu.memory_space<vmem>>
        %dma_start3A_147 = arith.constant 0 : i32
        %dma_start3A_148 = tpu.memref_slice %arg7[%add3A_141, %dma_start3A_147] : memref<80x128xi32, #tpu.memory_space<vmem>> -> memref<1x128xi32, #tpu.memory_space<vmem>>
        %dma_start3A_149 = tpu.memref_squeeze %dma_start3A_148 : memref<1x128xi32, #tpu.memory_space<vmem>> -> memref<128xi32, #tpu.memory_space<vmem>>
        %dma_start3A_150 = arith.constant 0 : i32
        %dma_start3A_151 = arith.constant 0 : i32
        %dma_start3A_152 = tpu.memref_slice %arg2[%dma_start3A_150, %dma_start3A_151] : memref<10000x64xf32, #tpu.memory_space<hbm>> -> memref<10000x64xf32, #tpu.memory_space<hbm>>
        tpu.enqueue_indirect_dma source(%dma_start3A_152 : memref<10000x64xf32, #tpu.memory_space<hbm>>) target(%dma_start3A_146 : memref<128x64xf32, #tpu.memory_space<vmem>>) offsets(%dma_start3A_149 : memref<128xi32, #tpu.memory_space<vmem>>) semaphore(%arg13 : memref<!tpu.dma_semaphore, #tpu.memory_space<semaphore_mem>>)
      } else {
      }
      %mul3A_74 = arith.constant 4 : i32
      %mul3A_75 = arith.muli %mul3A_74, %while3A_56 : i32
      %add3A_76 = arith.constant 1 : i32
      %add3A_77 = arith.addi %mul3A_75, %add3A_76 : i32
      %dma_wait3A_78 = arith.constant 1 : i32
      %dma_wait3A_79 = arith.constant 0 : i32
      %dma_wait3A_80 = arith.constant 0 : i32
      %dma_wait3A_81 = tpu.memref_slice %arg9[%dma_wait3A_78, %dma_wait3A_79, %dma_wait3A_80] : memref<4x128x64xf32, #tpu.memory_space<vmem>> -> memref<1x128x64xf32, #tpu.memory_space<vmem>>
      %dma_wait3A_82 = tpu.memref_squeeze %dma_wait3A_81 : memref<1x128x64xf32, #tpu.memory_space<vmem>> -> memref<128x64xf32, #tpu.memory_space<vmem>>
      %dma_wait3A_83 = arith.constant 0 : i32
      %dma_wait3A_84 = tpu.memref_slice %arg7[%add3A_77, %dma_wait3A_83] : memref<80x128xi32, #tpu.memory_space<vmem>> -> memref<1x128xi32, #tpu.memory_space<vmem>>
      %dma_wait3A_85 = tpu.memref_squeeze %dma_wait3A_84 : memref<1x128xi32, #tpu.memory_space<vmem>> -> memref<128xi32, #tpu.memory_space<vmem>>
      %dma_wait3A_86 = arith.constant 0 : i32
      %dma_wait3A_87 = arith.constant 0 : i32
      %dma_wait3A_88 = tpu.memref_slice %arg2[%dma_wait3A_86, %dma_wait3A_87] : memref<10000x64xf32, #tpu.memory_space<hbm>> -> memref<10000x64xf32, #tpu.memory_space<hbm>>
      tpu.wait_indirect_dma semaphore(%arg12 : memref<!tpu.dma_semaphore, #tpu.memory_space<semaphore_mem>>) src(%dma_wait3A_88 : memref<10000x64xf32, #tpu.memory_space<hbm>>) dst(%dma_wait3A_82 : memref<128x64xf32, #tpu.memory_space<vmem>>)
      %run_scoped3A_89 = arith.constant 1 : i32
      "tpu.region"() ({
        %run_scoped3A_140 = tpu.sem_alloc : memref<!tpu.dma_semaphore, #tpu.memory_space<semaphore_mem>>
        %dma_start3A_141 = arith.constant 0 : i32
        %dma_start3A_142 = arith.constant 0 : i32
        %dma_start3A_143 = tpu.memref_slice %arg9[%run_scoped3A_89, %dma_start3A_141, %dma_start3A_142] : memref<4x128x64xf32, #tpu.memory_space<vmem>> -> memref<1x128x64xf32, #tpu.memory_space<vmem>>
        %dma_start3A_144 = tpu.memref_squeeze %dma_start3A_143 : memref<1x128x64xf32, #tpu.memory_space<vmem>> -> memref<128x64xf32, #tpu.memory_space<vmem>>
        %dma_start3A_145 = arith.constant 0 : i32
        %dma_start3A_146 = tpu.memref_slice %arg8[%add3A_77, %dma_start3A_145] : memref<80x128xi32, #tpu.memory_space<vmem>> -> memref<1x128xi32, #tpu.memory_space<vmem>>
        %dma_start3A_147 = tpu.memref_squeeze %dma_start3A_146 : memref<1x128xi32, #tpu.memory_space<vmem>> -> memref<128xi32, #tpu.memory_space<vmem>>
        %dma_start3A_148 = arith.constant 0 : i32
        %dma_start3A_149 = arith.constant 0 : i32
        %dma_start3A_150 = tpu.memref_slice %arg10[%dma_start3A_148, %dma_start3A_149] : memref<10112x64xf32, #tpu.memory_space<vmem_shared>> -> memref<10112x64xf32, #tpu.memory_space<vmem_shared>>
        tpu.enqueue_indirect_dma source(%dma_start3A_144 : memref<128x64xf32, #tpu.memory_space<vmem>>) target(%dma_start3A_150 : memref<10112x64xf32, #tpu.memory_space<vmem_shared>>) offsets(%dma_start3A_147 : memref<128xi32, #tpu.memory_space<vmem>>) semaphore(%run_scoped3A_140 : memref<!tpu.dma_semaphore, #tpu.memory_space<semaphore_mem>>) {add = true}
        %dma_wait3A_151 = arith.constant 0 : i32
        %dma_wait3A_152 = arith.constant 0 : i32
        %dma_wait3A_153 = tpu.memref_slice %arg9[%run_scoped3A_89, %dma_wait3A_151, %dma_wait3A_152] : memref<4x128x64xf32, #tpu.memory_space<vmem>> -> memref<1x128x64xf32, #tpu.memory_space<vmem>>
        %dma_wait3A_154 = tpu.memref_squeeze %dma_wait3A_153 : memref<1x128x64xf32, #tpu.memory_space<vmem>> -> memref<128x64xf32, #tpu.memory_space<vmem>>
        %dma_wait3A_155 = arith.constant 0 : i32
        %dma_wait3A_156 = tpu.memref_slice %arg8[%add3A_77, %dma_wait3A_155] : memref<80x128xi32, #tpu.memory_space<vmem>> -> memref<1x128xi32, #tpu.memory_space<vmem>>
        %dma_wait3A_157 = tpu.memref_squeeze %dma_wait3A_156 : memref<1x128xi32, #tpu.memory_space<vmem>> -> memref<128xi32, #tpu.memory_space<vmem>>
        %dma_wait3A_158 = arith.constant 0 : i32
        %dma_wait3A_159 = arith.constant 0 : i32
        %dma_wait3A_160 = tpu.memref_slice %arg10[%dma_wait3A_158, %dma_wait3A_159] : memref<10112x64xf32, #tpu.memory_space<vmem_shared>> -> memref<10112x64xf32, #tpu.memory_space<vmem_shared>>
        tpu.wait_indirect_dma semaphore(%run_scoped3A_140 : memref<!tpu.dma_semaphore, #tpu.memory_space<semaphore_mem>>) src(%dma_wait3A_154 : memref<128x64xf32, #tpu.memory_space<vmem>>) dst(%dma_wait3A_160 : memref<10112x64xf32, #tpu.memory_space<vmem_shared>>)
        tpu.yield
      }) : () -> ()
      %add3A_90 = arith.constant 2 : i32
      %add3A_91 = arith.addi %add3A_77, %add3A_90 : i32
      %lt3A_92 = arith.cmpi slt, %add3A_91, %select_n3A : i32
      %convert_element_type3A_93 = arith.extui %lt3A_92 : i1 to i32
      %cond3A_94 = arith.constant 0 : i32
      %cond3A_95 = arith.cmpi ne, %convert_element_type3A_93, %cond3A_94 : i32
      scf.if %cond3A_95 {
        %add3A_140 = arith.constant 2 : i32
        %add3A_141 = arith.addi %add3A_77, %add3A_140 : i32
        %dma_start3A_142 = arith.constant 3 : i32
        %dma_start3A_143 = arith.constant 0 : i32
        %dma_start3A_144 = arith.constant 0 : i32
        %dma_start3A_145 = tpu.memref_slice %arg9[%dma_start3A_142, %dma_start3A_143, %dma_start3A_144] : memref<4x128x64xf32, #tpu.memory_space<vmem>> -> memref<1x128x64xf32, #tpu.memory_space<vmem>>
        %dma_start3A_146 = tpu.memref_squeeze %dma_start3A_145 : memref<1x128x64xf32, #tpu.memory_space<vmem>> -> memref<128x64xf32, #tpu.memory_space<vmem>>
        %dma_start3A_147 = arith.constant 0 : i32
        %dma_start3A_148 = tpu.memref_slice %arg7[%add3A_141, %dma_start3A_147] : memref<80x128xi32, #tpu.memory_space<vmem>> -> memref<1x128xi32, #tpu.memory_space<vmem>>
        %dma_start3A_149 = tpu.memref_squeeze %dma_start3A_148 : memref<1x128xi32, #tpu.memory_space<vmem>> -> memref<128xi32, #tpu.memory_space<vmem>>
        %dma_start3A_150 = arith.constant 0 : i32
        %dma_start3A_151 = arith.constant 0 : i32
        %dma_start3A_152 = tpu.memref_slice %arg2[%dma_start3A_150, %dma_start3A_151] : memref<10000x64xf32, #tpu.memory_space<hbm>> -> memref<10000x64xf32, #tpu.memory_space<hbm>>
        tpu.enqueue_indirect_dma source(%dma_start3A_152 : memref<10000x64xf32, #tpu.memory_space<hbm>>) target(%dma_start3A_146 : memref<128x64xf32, #tpu.memory_space<vmem>>) offsets(%dma_start3A_149 : memref<128xi32, #tpu.memory_space<vmem>>) semaphore(%arg14 : memref<!tpu.dma_semaphore, #tpu.memory_space<semaphore_mem>>)
      } else {
      }
      %mul3A_96 = arith.constant 4 : i32
      %mul3A_97 = arith.muli %mul3A_96, %while3A_56 : i32
      %add3A_98 = arith.constant 2 : i32
      %add3A_99 = arith.addi %mul3A_97, %add3A_98 : i32
      %dma_wait3A_100 = arith.constant 2 : i32
      %dma_wait3A_101 = arith.constant 0 : i32
      %dma_wait3A_102 = arith.constant 0 : i32
      %dma_wait3A_103 = tpu.memref_slice %arg9[%dma_wait3A_100, %dma_wait3A_101, %dma_wait3A_102] : memref<4x128x64xf32, #tpu.memory_space<vmem>> -> memref<1x128x64xf32, #tpu.memory_space<vmem>>
      %dma_wait3A_104 = tpu.memref_squeeze %dma_wait3A_103 : memref<1x128x64xf32, #tpu.memory_space<vmem>> -> memref<128x64xf32, #tpu.memory_space<vmem>>
      %dma_wait3A_105 = arith.constant 0 : i32
      %dma_wait3A_106 = tpu.memref_slice %arg7[%add3A_99, %dma_wait3A_105] : memref<80x128xi32, #tpu.memory_space<vmem>> -> memref<1x128xi32, #tpu.memory_space<vmem>>
      %dma_wait3A_107 = tpu.memref_squeeze %dma_wait3A_106 : memref<1x128xi32, #tpu.memory_space<vmem>> -> memref<128xi32, #tpu.memory_space<vmem>>
      %dma_wait3A_108 = arith.constant 0 : i32
      %dma_wait3A_109 = arith.constant 0 : i32
      %dma_wait3A_110 = tpu.memref_slice %arg2[%dma_wait3A_108, %dma_wait3A_109] : memref<10000x64xf32, #tpu.memory_space<hbm>> -> memref<10000x64xf32, #tpu.memory_space<hbm>>
      tpu.wait_indirect_dma semaphore(%arg13 : memref<!tpu.dma_semaphore, #tpu.memory_space<semaphore_mem>>) src(%dma_wait3A_110 : memref<10000x64xf32, #tpu.memory_space<hbm>>) dst(%dma_wait3A_104 : memref<128x64xf32, #tpu.memory_space<vmem>>)
      %run_scoped3A_111 = arith.constant 2 : i32
      "tpu.region"() ({
        %run_scoped3A_140 = tpu.sem_alloc : memref<!tpu.dma_semaphore, #tpu.memory_space<semaphore_mem>>
        %dma_start3A_141 = arith.constant 0 : i32
        %dma_start3A_142 = arith.constant 0 : i32
        %dma_start3A_143 = tpu.memref_slice %arg9[%run_scoped3A_111, %dma_start3A_141, %dma_start3A_142] : memref<4x128x64xf32, #tpu.memory_space<vmem>> -> memref<1x128x64xf32, #tpu.memory_space<vmem>>
        %dma_start3A_144 = tpu.memref_squeeze %dma_start3A_143 : memref<1x128x64xf32, #tpu.memory_space<vmem>> -> memref<128x64xf32, #tpu.memory_space<vmem>>
        %dma_start3A_145 = arith.constant 0 : i32
        %dma_start3A_146 = tpu.memref_slice %arg8[%add3A_99, %dma_start3A_145] : memref<80x128xi32, #tpu.memory_space<vmem>> -> memref<1x128xi32, #tpu.memory_space<vmem>>
        %dma_start3A_147 = tpu.memref_squeeze %dma_start3A_146 : memref<1x128xi32, #tpu.memory_space<vmem>> -> memref<128xi32, #tpu.memory_space<vmem>>
        %dma_start3A_148 = arith.constant 0 : i32
        %dma_start3A_149 = arith.constant 0 : i32
        %dma_start3A_150 = tpu.memref_slice %arg10[%dma_start3A_148, %dma_start3A_149] : memref<10112x64xf32, #tpu.memory_space<vmem_shared>> -> memref<10112x64xf32, #tpu.memory_space<vmem_shared>>
        tpu.enqueue_indirect_dma source(%dma_start3A_144 : memref<128x64xf32, #tpu.memory_space<vmem>>) target(%dma_start3A_150 : memref<10112x64xf32, #tpu.memory_space<vmem_shared>>) offsets(%dma_start3A_147 : memref<128xi32, #tpu.memory_space<vmem>>) semaphore(%run_scoped3A_140 : memref<!tpu.dma_semaphore, #tpu.memory_space<semaphore_mem>>) {add = true}
        %dma_wait3A_151 = arith.constant 0 : i32
        %dma_wait3A_152 = arith.constant 0 : i32
        %dma_wait3A_153 = tpu.memref_slice %arg9[%run_scoped3A_111, %dma_wait3A_151, %dma_wait3A_152] : memref<4x128x64xf32, #tpu.memory_space<vmem>> -> memref<1x128x64xf32, #tpu.memory_space<vmem>>
        %dma_wait3A_154 = tpu.memref_squeeze %dma_wait3A_153 : memref<1x128x64xf32, #tpu.memory_space<vmem>> -> memref<128x64xf32, #tpu.memory_space<vmem>>
        %dma_wait3A_155 = arith.constant 0 : i32
        %dma_wait3A_156 = tpu.memref_slice %arg8[%add3A_99, %dma_wait3A_155] : memref<80x128xi32, #tpu.memory_space<vmem>> -> memref<1x128xi32, #tpu.memory_space<vmem>>
        %dma_wait3A_157 = tpu.memref_squeeze %dma_wait3A_156 : memref<1x128xi32, #tpu.memory_space<vmem>> -> memref<128xi32, #tpu.memory_space<vmem>>
        %dma_wait3A_158 = arith.constant 0 : i32
        %dma_wait3A_159 = arith.constant 0 : i32
        %dma_wait3A_160 = tpu.memref_slice %arg10[%dma_wait3A_158, %dma_wait3A_159] : memref<10112x64xf32, #tpu.memory_space<vmem_shared>> -> memref<10112x64xf32, #tpu.memory_space<vmem_shared>>
        tpu.wait_indirect_dma semaphore(%run_scoped3A_140 : memref<!tpu.dma_semaphore, #tpu.memory_space<semaphore_mem>>) src(%dma_wait3A_154 : memref<128x64xf32, #tpu.memory_space<vmem>>) dst(%dma_wait3A_160 : memref<10112x64xf32, #tpu.memory_space<vmem_shared>>)
        tpu.yield
      }) : () -> ()
      %add3A_112 = arith.constant 2 : i32
      %add3A_113 = arith.addi %add3A_99, %add3A_112 : i32
      %lt3A_114 = arith.cmpi slt, %add3A_113, %select_n3A : i32
      %convert_element_type3A_115 = arith.extui %lt3A_114 : i1 to i32
      %cond3A_116 = arith.constant 0 : i32
      %cond3A_117 = arith.cmpi ne, %convert_element_type3A_115, %cond3A_116 : i32
      scf.if %cond3A_117 {
        %add3A_140 = arith.constant 2 : i32
        %add3A_141 = arith.addi %add3A_99, %add3A_140 : i32
        %dma_start3A_142 = arith.constant 0 : i32
        %dma_start3A_143 = arith.constant 0 : i32
        %dma_start3A_144 = arith.constant 0 : i32
        %dma_start3A_145 = tpu.memref_slice %arg9[%dma_start3A_142, %dma_start3A_143, %dma_start3A_144] : memref<4x128x64xf32, #tpu.memory_space<vmem>> -> memref<1x128x64xf32, #tpu.memory_space<vmem>>
        %dma_start3A_146 = tpu.memref_squeeze %dma_start3A_145 : memref<1x128x64xf32, #tpu.memory_space<vmem>> -> memref<128x64xf32, #tpu.memory_space<vmem>>
        %dma_start3A_147 = arith.constant 0 : i32
        %dma_start3A_148 = tpu.memref_slice %arg7[%add3A_141, %dma_start3A_147] : memref<80x128xi32, #tpu.memory_space<vmem>> -> memref<1x128xi32, #tpu.memory_space<vmem>>
        %dma_start3A_149 = tpu.memref_squeeze %dma_start3A_148 : memref<1x128xi32, #tpu.memory_space<vmem>> -> memref<128xi32, #tpu.memory_space<vmem>>
        %dma_start3A_150 = arith.constant 0 : i32
        %dma_start3A_151 = arith.constant 0 : i32
        %dma_start3A_152 = tpu.memref_slice %arg2[%dma_start3A_150, %dma_start3A_151] : memref<10000x64xf32, #tpu.memory_space<hbm>> -> memref<10000x64xf32, #tpu.memory_space<hbm>>
        tpu.enqueue_indirect_dma source(%dma_start3A_152 : memref<10000x64xf32, #tpu.memory_space<hbm>>) target(%dma_start3A_146 : memref<128x64xf32, #tpu.memory_space<vmem>>) offsets(%dma_start3A_149 : memref<128xi32, #tpu.memory_space<vmem>>) semaphore(%arg11 : memref<!tpu.dma_semaphore, #tpu.memory_space<semaphore_mem>>)
      } else {
      }
      %mul3A_118 = arith.constant 4 : i32
      %mul3A_119 = arith.muli %mul3A_118, %while3A_56 : i32
      %add3A_120 = arith.constant 3 : i32
      %add3A_121 = arith.addi %mul3A_119, %add3A_120 : i32
      %dma_wait3A_122 = arith.constant 3 : i32
      %dma_wait3A_123 = arith.constant 0 : i32
      %dma_wait3A_124 = arith.constant 0 : i32
      %dma_wait3A_125 = tpu.memref_slice %arg9[%dma_wait3A_122, %dma_wait3A_123, %dma_wait3A_124] : memref<4x128x64xf32, #tpu.memory_space<vmem>> -> memref<1x128x64xf32, #tpu.memory_space<vmem>>
      %dma_wait3A_126 = tpu.memref_squeeze %dma_wait3A_125 : memref<1x128x64xf32, #tpu.memory_space<vmem>> -> memref<128x64xf32, #tpu.memory_space<vmem>>
      %dma_wait3A_127 = arith.constant 0 : i32
      %dma_wait3A_128 = tpu.memref_slice %arg7[%add3A_121, %dma_wait3A_127] : memref<80x128xi32, #tpu.memory_space<vmem>> -> memref<1x128xi32, #tpu.memory_space<vmem>>
      %dma_wait3A_129 = tpu.memref_squeeze %dma_wait3A_128 : memref<1x128xi32, #tpu.memory_space<vmem>> -> memref<128xi32, #tpu.memory_space<vmem>>
      %dma_wait3A_130 = arith.constant 0 : i32
      %dma_wait3A_131 = arith.constant 0 : i32
      %dma_wait3A_132 = tpu.memref_slice %arg2[%dma_wait3A_130, %dma_wait3A_131] : memref<10000x64xf32, #tpu.memory_space<hbm>> -> memref<10000x64xf32, #tpu.memory_space<hbm>>
      tpu.wait_indirect_dma semaphore(%arg14 : memref<!tpu.dma_semaphore, #tpu.memory_space<semaphore_mem>>) src(%dma_wait3A_132 : memref<10000x64xf32, #tpu.memory_space<hbm>>) dst(%dma_wait3A_126 : memref<128x64xf32, #tpu.memory_space<vmem>>)
      %run_scoped3A_133 = arith.constant 3 : i32
      "tpu.region"() ({
        %run_scoped3A_140 = tpu.sem_alloc : memref<!tpu.dma_semaphore, #tpu.memory_space<semaphore_mem>>
        %dma_start3A_141 = arith.constant 0 : i32
        %dma_start3A_142 = arith.constant 0 : i32
        %dma_start3A_143 = tpu.memref_slice %arg9[%run_scoped3A_133, %dma_start3A_141, %dma_start3A_142] : memref<4x128x64xf32, #tpu.memory_space<vmem>> -> memref<1x128x64xf32, #tpu.memory_space<vmem>>
        %dma_start3A_144 = tpu.memref_squeeze %dma_start3A_143 : memref<1x128x64xf32, #tpu.memory_space<vmem>> -> memref<128x64xf32, #tpu.memory_space<vmem>>
        %dma_start3A_145 = arith.constant 0 : i32
        %dma_start3A_146 = tpu.memref_slice %arg8[%add3A_121, %dma_start3A_145] : memref<80x128xi32, #tpu.memory_space<vmem>> -> memref<1x128xi32, #tpu.memory_space<vmem>>
        %dma_start3A_147 = tpu.memref_squeeze %dma_start3A_146 : memref<1x128xi32, #tpu.memory_space<vmem>> -> memref<128xi32, #tpu.memory_space<vmem>>
        %dma_start3A_148 = arith.constant 0 : i32
        %dma_start3A_149 = arith.constant 0 : i32
        %dma_start3A_150 = tpu.memref_slice %arg10[%dma_start3A_148, %dma_start3A_149] : memref<10112x64xf32, #tpu.memory_space<vmem_shared>> -> memref<10112x64xf32, #tpu.memory_space<vmem_shared>>
        tpu.enqueue_indirect_dma source(%dma_start3A_144 : memref<128x64xf32, #tpu.memory_space<vmem>>) target(%dma_start3A_150 : memref<10112x64xf32, #tpu.memory_space<vmem_shared>>) offsets(%dma_start3A_147 : memref<128xi32, #tpu.memory_space<vmem>>) semaphore(%run_scoped3A_140 : memref<!tpu.dma_semaphore, #tpu.memory_space<semaphore_mem>>) {add = true}
        %dma_wait3A_151 = arith.constant 0 : i32
        %dma_wait3A_152 = arith.constant 0 : i32
        %dma_wait3A_153 = tpu.memref_slice %arg9[%run_scoped3A_133, %dma_wait3A_151, %dma_wait3A_152] : memref<4x128x64xf32, #tpu.memory_space<vmem>> -> memref<1x128x64xf32, #tpu.memory_space<vmem>>
        %dma_wait3A_154 = tpu.memref_squeeze %dma_wait3A_153 : memref<1x128x64xf32, #tpu.memory_space<vmem>> -> memref<128x64xf32, #tpu.memory_space<vmem>>
        %dma_wait3A_155 = arith.constant 0 : i32
        %dma_wait3A_156 = tpu.memref_slice %arg8[%add3A_121, %dma_wait3A_155] : memref<80x128xi32, #tpu.memory_space<vmem>> -> memref<1x128xi32, #tpu.memory_space<vmem>>
        %dma_wait3A_157 = tpu.memref_squeeze %dma_wait3A_156 : memref<1x128xi32, #tpu.memory_space<vmem>> -> memref<128xi32, #tpu.memory_space<vmem>>
        %dma_wait3A_158 = arith.constant 0 : i32
        %dma_wait3A_159 = arith.constant 0 : i32
        %dma_wait3A_160 = tpu.memref_slice %arg10[%dma_wait3A_158, %dma_wait3A_159] : memref<10112x64xf32, #tpu.memory_space<vmem_shared>> -> memref<10112x64xf32, #tpu.memory_space<vmem_shared>>
        tpu.wait_indirect_dma semaphore(%run_scoped3A_140 : memref<!tpu.dma_semaphore, #tpu.memory_space<semaphore_mem>>) src(%dma_wait3A_154 : memref<128x64xf32, #tpu.memory_space<vmem>>) dst(%dma_wait3A_160 : memref<10112x64xf32, #tpu.memory_space<vmem_shared>>)
        tpu.yield
      }) : () -> ()
      %add3A_134 = arith.constant 2 : i32
      %add3A_135 = arith.addi %add3A_121, %add3A_134 : i32
      %lt3A_136 = arith.cmpi slt, %add3A_135, %select_n3A : i32
      %convert_element_type3A_137 = arith.extui %lt3A_136 : i1 to i32
      %cond3A_138 = arith.constant 0 : i32
      %cond3A_139 = arith.cmpi ne, %convert_element_type3A_137, %cond3A_138 : i32
      scf.if %cond3A_139 {
        %add3A_140 = arith.constant 2 : i32
        %add3A_141 = arith.addi %add3A_121, %add3A_140 : i32
        %dma_start3A_142 = arith.constant 1 : i32
        %dma_start3A_143 = arith.constant 0 : i32
        %dma_start3A_144 = arith.constant 0 : i32
        %dma_start3A_145 = tpu.memref_slice %arg9[%dma_start3A_142, %dma_start3A_143, %dma_start3A_144] : memref<4x128x64xf32, #tpu.memory_space<vmem>> -> memref<1x128x64xf32, #tpu.memory_space<vmem>>
        %dma_start3A_146 = tpu.memref_squeeze %dma_start3A_145 : memref<1x128x64xf32, #tpu.memory_space<vmem>> -> memref<128x64xf32, #tpu.memory_space<vmem>>
        %dma_start3A_147 = arith.constant 0 : i32
        %dma_start3A_148 = tpu.memref_slice %arg7[%add3A_141, %dma_start3A_147] : memref<80x128xi32, #tpu.memory_space<vmem>> -> memref<1x128xi32, #tpu.memory_space<vmem>>
        %dma_start3A_149 = tpu.memref_squeeze %dma_start3A_148 : memref<1x128xi32, #tpu.memory_space<vmem>> -> memref<128xi32, #tpu.memory_space<vmem>>
        %dma_start3A_150 = arith.constant 0 : i32
        %dma_start3A_151 = arith.constant 0 : i32
        %dma_start3A_152 = tpu.memref_slice %arg2[%dma_start3A_150, %dma_start3A_151] : memref<10000x64xf32, #tpu.memory_space<hbm>> -> memref<10000x64xf32, #tpu.memory_space<hbm>>
        tpu.enqueue_indirect_dma source(%dma_start3A_152 : memref<10000x64xf32, #tpu.memory_space<hbm>>) target(%dma_start3A_146 : memref<128x64xf32, #tpu.memory_space<vmem>>) offsets(%dma_start3A_149 : memref<128xi32, #tpu.memory_space<vmem>>) semaphore(%arg12 : memref<!tpu.dma_semaphore, #tpu.memory_space<semaphore_mem>>)
      } else {
      }
    }
    %barrier3A_55 = arith.constant 0 : index
    tpu.barrier barrier_id(%barrier3A_55)
    "tpu.region"() ({
      %run_scoped3A = tpu.sem_alloc : memref<!tpu.dma_semaphore, #tpu.memory_space<semaphore_mem>>
      %dma_start3A_56 = arith.constant 0 : i32
      %dma_start3A_57 = arith.constant 0 : i32
      %dma_start3A_58 = tpu.memref_slice %arg6[%arg0, %dma_start3A_56, %dma_start3A_57] : memref<2x10112x64xf32, #tpu.memory_space<hbm>> -> memref<1x10112x64xf32, #tpu.memory_space<hbm>>
      %dma_start3A_59 = tpu.memref_squeeze %dma_start3A_58 : memref<1x10112x64xf32, #tpu.memory_space<hbm>> -> memref<10112x64xf32, #tpu.memory_space<hbm>>
      %dma_start3A_60 = arith.constant 0 : i32
      %dma_start3A_61 = tpu.memref_slice %dma_start3A_59[%mul3A_2, %dma_start3A_60] : memref<10112x64xf32, #tpu.memory_space<hbm>> -> memref<632x64xf32, #tpu.memory_space<hbm>>
      %dma_start3A_62 = arith.constant 0 : i32
      %dma_start3A_63 = tpu.memref_slice %arg10[%mul3A_2, %dma_start3A_62] : memref<10112x64xf32, #tpu.memory_space<vmem_shared>> -> memref<632x64xf32, #tpu.memory_space<vmem_shared>>
      tpu.enqueue_dma source(%dma_start3A_63 : memref<632x64xf32, #tpu.memory_space<vmem_shared>>) target(%dma_start3A_61 : memref<632x64xf32, #tpu.memory_space<hbm>>) target_semaphore(%run_scoped3A : memref<!tpu.dma_semaphore, #tpu.memory_space<semaphore_mem>>)
      %dma_wait3A = arith.constant 0 : i32
      %dma_wait3A_64 = arith.constant 0 : i32
      %dma_wait3A_65 = tpu.memref_slice %arg6[%arg0, %dma_wait3A, %dma_wait3A_64] : memref<2x10112x64xf32, #tpu.memory_space<hbm>> -> memref<1x10112x64xf32, #tpu.memory_space<hbm>>
      %dma_wait3A_66 = tpu.memref_squeeze %dma_wait3A_65 : memref<1x10112x64xf32, #tpu.memory_space<hbm>> -> memref<10112x64xf32, #tpu.memory_space<hbm>>
      %dma_wait3A_67 = arith.constant 0 : i32
      %dma_wait3A_68 = tpu.memref_slice %dma_wait3A_66[%mul3A_2, %dma_wait3A_67] : memref<10112x64xf32, #tpu.memory_space<hbm>> -> memref<632x64xf32, #tpu.memory_space<hbm>>
      %dma_wait3A_69 = arith.constant 0 : i32
      %dma_wait3A_70 = tpu.memref_slice %arg10[%mul3A_2, %dma_wait3A_69] : memref<10112x64xf32, #tpu.memory_space<vmem_shared>> -> memref<632x64xf32, #tpu.memory_space<vmem_shared>>
      tpu.wait_dma2 semaphore(%run_scoped3A : memref<!tpu.dma_semaphore, #tpu.memory_space<semaphore_mem>>) src(%dma_wait3A_70 : memref<632x64xf32, #tpu.memory_space<vmem_shared>>) dst(%dma_wait3A_68 : memref<632x64xf32, #tpu.memory_space<hbm>>)
      tpu.yield
    }) : () -> ()
    return
  }
}

#map = affine_map<(d0, d1) -> (0, 0)>
#map1 = affine_map<(d0, d1) -> (0, 0, 0)>
module attributes {stable_mosaic.version = 14 : i64} {
  func.func @_agg_sc(%arg0: i32, %arg1: i32, %arg2: memref<10000x64xf32, #tpu.memory_space<hbm>>, %arg3: memref<32x80x128xi32, #tpu.memory_space<hbm>>, %arg4: memref<32x80x128xi32, #tpu.memory_space<hbm>>, %arg5: memref<632x64xf32, #tpu.memory_space<hbm>>, %arg6: memref<2x10112x64xf32, #tpu.memory_space<hbm>>, %arg7: memref<80x128xi32, #tpu.memory_space<vmem>>, %arg8: memref<80x128xi32, #tpu.memory_space<vmem>>, %arg9: memref<4x128x64xf32, #tpu.memory_space<vmem>>, %arg10: memref<10112x64xf32, #tpu.memory_space<vmem_shared>>, %arg11: memref<!tpu.dma_semaphore, #tpu.memory_space<semaphore_mem>>, %arg12: memref<!tpu.dma_semaphore, #tpu.memory_space<semaphore_mem>>, %arg13: memref<!tpu.dma_semaphore, #tpu.memory_space<semaphore_mem>>, %arg14: memref<!tpu.dma_semaphore, #tpu.memory_space<semaphore_mem>>) attributes {dimension_semantics = [#tpu.dimension_semantics<core_parallel>, #tpu.dimension_semantics<subcore_parallel>], iteration_bounds = array<i64: 2, 16>, scalar_prefetch = 0 : i64, scratch_operands = 8 : i64, tpu.core_type = #tpu.core_type<sc_vector_subcore>, window_params = [{transform_indices = #map}, {transform_indices = #map1}, {transform_indices = #map1}, {transform_indices = #map}, {transform_indices = #map1}]} {
    %mul3A = arith.constant 16 : i32
    %mul3A_0 = arith.muli %arg0, %mul3A : i32
    %add3A = arith.addi %mul3A_0, %arg1 : i32
    %mul3A_1 = arith.constant 632 : i32
    %mul3A_2 = arith.muli %arg1, %mul3A_1 : i32
    "tpu.region"() ({
      %run_scoped3A = tpu.sem_alloc : memref<!tpu.dma_semaphore, #tpu.memory_space<semaphore_mem>>
      %dma_start3A_56 = arith.constant 0 : i32
      %dma_start3A_57 = tpu.memref_slice %arg10[%mul3A_2, %dma_start3A_56] : memref<10112x64xf32, #tpu.memory_space<vmem_shared>> -> memref<632x64xf32, #tpu.memory_space<vmem_shared>>
      tpu.enqueue_dma source(%arg5 : memref<632x64xf32, #tpu.memory_space<hbm>>) target(%dma_start3A_57 : memref<632x64xf32, #tpu.memory_space<vmem_shared>>) target_semaphore(%run_scoped3A : memref<!tpu.dma_semaphore, #tpu.memory_space<semaphore_mem>>)
      %dma_wait3A = arith.constant 0 : i32
      %dma_wait3A_58 = tpu.memref_slice %arg10[%mul3A_2, %dma_wait3A] : memref<10112x64xf32, #tpu.memory_space<vmem_shared>> -> memref<632x64xf32, #tpu.memory_space<vmem_shared>>
      tpu.wait_dma2 semaphore(%run_scoped3A : memref<!tpu.dma_semaphore, #tpu.memory_space<semaphore_mem>>) src(%arg5 : memref<632x64xf32, #tpu.memory_space<hbm>>) dst(%dma_wait3A_58 : memref<632x64xf32, #tpu.memory_space<vmem_shared>>)
      tpu.yield
    }) : () -> ()
    "tpu.region"() ({
      %run_scoped3A = tpu.sem_alloc : memref<!tpu.dma_semaphore, #tpu.memory_space<semaphore_mem>>
      %dma_start3A_56 = arith.constant 0 : i32
      %dma_start3A_57 = arith.constant 0 : i32
      %dma_start3A_58 = tpu.memref_slice %arg3[%add3A, %dma_start3A_56, %dma_start3A_57] : memref<32x80x128xi32, #tpu.memory_space<hbm>> -> memref<1x80x128xi32, #tpu.memory_space<hbm>>
      %dma_start3A_59 = tpu.memref_squeeze %dma_start3A_58 : memref<1x80x128xi32, #tpu.memory_space<hbm>> -> memref<80x128xi32, #tpu.memory_space<hbm>>
      %dma_start3A_60 = arith.constant 0 : i32
      %dma_start3A_61 = arith.constant 0 : i32
      %dma_start3A_62 = tpu.memref_slice %arg3[%add3A, %dma_start3A_60, %dma_start3A_61] : memref<32x80x128xi32, #tpu.memory_space<hbm>> -> memref<1x80x128xi32, #tpu.memory_space<hbm>>
      %dma_start3A_63 = tpu.memref_squeeze %dma_start3A_62 : memref<1x80x128xi32, #tpu.memory_space<hbm>> -> memref<80x128xi32, #tpu.memory_space<hbm>>
      tpu.enqueue_dma source(%dma_start3A_63 : memref<80x128xi32, #tpu.memory_space<hbm>>) target(%arg7 : memref<80x128xi32, #tpu.memory_space<vmem>>) target_semaphore(%run_scoped3A : memref<!tpu.dma_semaphore, #tpu.memory_space<semaphore_mem>>)
      %dma_wait3A = arith.constant 0 : i32
      %dma_wait3A_64 = arith.constant 0 : i32
      %dma_wait3A_65 = tpu.memref_slice %arg3[%add3A, %dma_wait3A, %dma_wait3A_64] : memref<32x80x128xi32, #tpu.memory_space<hbm>> -> memref<1x80x128xi32, #tpu.memory_space<hbm>>
      %dma_wait3A_66 = tpu.memref_squeeze %dma_wait3A_65 : memref<1x80x128xi32, #tpu.memory_space<hbm>> -> memref<80x128xi32, #tpu.memory_space<hbm>>
      %dma_wait3A_67 = arith.constant 0 : i32
      %dma_wait3A_68 = arith.constant 0 : i32
      %dma_wait3A_69 = tpu.memref_slice %arg3[%add3A, %dma_wait3A_67, %dma_wait3A_68] : memref<32x80x128xi32, #tpu.memory_space<hbm>> -> memref<1x80x128xi32, #tpu.memory_space<hbm>>
      %dma_wait3A_70 = tpu.memref_squeeze %dma_wait3A_69 : memref<1x80x128xi32, #tpu.memory_space<hbm>> -> memref<80x128xi32, #tpu.memory_space<hbm>>
      tpu.wait_dma2 semaphore(%run_scoped3A : memref<!tpu.dma_semaphore, #tpu.memory_space<semaphore_mem>>) src(%dma_wait3A_70 : memref<80x128xi32, #tpu.memory_space<hbm>>) dst(%arg7 : memref<80x128xi32, #tpu.memory_space<vmem>>)
      tpu.yield
    }) : () -> ()
    "tpu.region"() ({
      %run_scoped3A = tpu.sem_alloc : memref<!tpu.dma_semaphore, #tpu.memory_space<semaphore_mem>>
      %dma_start3A_56 = arith.constant 0 : i32
      %dma_start3A_57 = arith.constant 0 : i32
      %dma_start3A_58 = tpu.memref_slice %arg4[%add3A, %dma_start3A_56, %dma_start3A_57] : memref<32x80x128xi32, #tpu.memory_space<hbm>> -> memref<1x80x128xi32, #tpu.memory_space<hbm>>
      %dma_start3A_59 = tpu.memref_squeeze %dma_start3A_58 : memref<1x80x128xi32, #tpu.memory_space<hbm>> -> memref<80x128xi32, #tpu.memory_space<hbm>>
      %dma_start3A_60 = arith.constant 0 : i32
      %dma_start3A_61 = arith.constant 0 : i32
      %dma_start3A_62 = tpu.memref_slice %arg4[%add3A, %dma_start3A_60, %dma_start3A_61] : memref<32x80x128xi32, #tpu.memory_space<hbm>> -> memref<1x80x128xi32, #tpu.memory_space<hbm>>
      %dma_start3A_63 = tpu.memref_squeeze %dma_start3A_62 : memref<1x80x128xi32, #tpu.memory_space<hbm>> -> memref<80x128xi32, #tpu.memory_space<hbm>>
      tpu.enqueue_dma source(%dma_start3A_63 : memref<80x128xi32, #tpu.memory_space<hbm>>) target(%arg8 : memref<80x128xi32, #tpu.memory_space<vmem>>) target_semaphore(%run_scoped3A : memref<!tpu.dma_semaphore, #tpu.memory_space<semaphore_mem>>)
      %dma_wait3A = arith.constant 0 : i32
      %dma_wait3A_64 = arith.constant 0 : i32
      %dma_wait3A_65 = tpu.memref_slice %arg4[%add3A, %dma_wait3A, %dma_wait3A_64] : memref<32x80x128xi32, #tpu.memory_space<hbm>> -> memref<1x80x128xi32, #tpu.memory_space<hbm>>
      %dma_wait3A_66 = tpu.memref_squeeze %dma_wait3A_65 : memref<1x80x128xi32, #tpu.memory_space<hbm>> -> memref<80x128xi32, #tpu.memory_space<hbm>>
      %dma_wait3A_67 = arith.constant 0 : i32
      %dma_wait3A_68 = arith.constant 0 : i32
      %dma_wait3A_69 = tpu.memref_slice %arg4[%add3A, %dma_wait3A_67, %dma_wait3A_68] : memref<32x80x128xi32, #tpu.memory_space<hbm>> -> memref<1x80x128xi32, #tpu.memory_space<hbm>>
      %dma_wait3A_70 = tpu.memref_squeeze %dma_wait3A_69 : memref<1x80x128xi32, #tpu.memory_space<hbm>> -> memref<80x128xi32, #tpu.memory_space<hbm>>
      tpu.wait_dma2 semaphore(%run_scoped3A : memref<!tpu.dma_semaphore, #tpu.memory_space<semaphore_mem>>) src(%dma_wait3A_70 : memref<80x128xi32, #tpu.memory_space<hbm>>) dst(%arg8 : memref<80x128xi32, #tpu.memory_space<vmem>>)
      tpu.yield
    }) : () -> ()
    %barrier3A = arith.constant 0 : index
    tpu.barrier barrier_id(%barrier3A)
    %dma_start3A = arith.constant 0 : i32
    %dma_start3A_3 = arith.constant 0 : i32
    %dma_start3A_4 = arith.constant 0 : i32
    %dma_start3A_5 = arith.constant 0 : i32
    %dma_start3A_6 = tpu.memref_slice %arg9[%dma_start3A_3, %dma_start3A_4, %dma_start3A_5] : memref<4x128x64xf32, #tpu.memory_space<vmem>> -> memref<1x128x64xf32, #tpu.memory_space<vmem>>
    %dma_start3A_7 = tpu.memref_squeeze %dma_start3A_6 : memref<1x128x64xf32, #tpu.memory_space<vmem>> -> memref<128x64xf32, #tpu.memory_space<vmem>>
    %dma_start3A_8 = arith.constant 0 : i32
    %dma_start3A_9 = tpu.memref_slice %arg7[%dma_start3A, %dma_start3A_8] : memref<80x128xi32, #tpu.memory_space<vmem>> -> memref<1x128xi32, #tpu.memory_space<vmem>>
    %dma_start3A_10 = tpu.memref_squeeze %dma_start3A_9 : memref<1x128xi32, #tpu.memory_space<vmem>> -> memref<128xi32, #tpu.memory_space<vmem>>
    %dma_start3A_11 = arith.constant 0 : i32
    %dma_start3A_12 = arith.constant 0 : i32
    %dma_start3A_13 = tpu.memref_slice %arg2[%dma_start3A_11, %dma_start3A_12] : memref<10000x64xf32, #tpu.memory_space<hbm>> -> memref<10000x64xf32, #tpu.memory_space<hbm>>
    tpu.enqueue_indirect_dma source(%dma_start3A_13 : memref<10000x64xf32, #tpu.memory_space<hbm>>) target(%dma_start3A_7 : memref<128x64xf32, #tpu.memory_space<vmem>>) offsets(%dma_start3A_10 : memref<128xi32, #tpu.memory_space<vmem>>) semaphore(%arg11 : memref<!tpu.dma_semaphore, #tpu.memory_space<semaphore_mem>>)
    %dma_start3A_14 = arith.constant 1 : i32
    %dma_start3A_15 = arith.constant 1 : i32
    %dma_start3A_16 = arith.constant 0 : i32
    %dma_start3A_17 = arith.constant 0 : i32
    %dma_start3A_18 = tpu.memref_slice %arg9[%dma_start3A_15, %dma_start3A_16, %dma_start3A_17] : memref<4x128x64xf32, #tpu.memory_space<vmem>> -> memref<1x128x64xf32, #tpu.memory_space<vmem>>
    %dma_start3A_19 = tpu.memref_squeeze %dma_start3A_18 : memref<1x128x64xf32, #tpu.memory_space<vmem>> -> memref<128x64xf32, #tpu.memory_space<vmem>>
    %dma_start3A_20 = arith.constant 0 : i32
    %dma_start3A_21 = tpu.memref_slice %arg7[%dma_start3A_14, %dma_start3A_20] : memref<80x128xi32, #tpu.memory_space<vmem>> -> memref<1x128xi32, #tpu.memory_space<vmem>>
    %dma_start3A_22 = tpu.memref_squeeze %dma_start3A_21 : memref<1x128xi32, #tpu.memory_space<vmem>> -> memref<128xi32, #tpu.memory_space<vmem>>
    %dma_start3A_23 = arith.constant 0 : i32
    %dma_start3A_24 = arith.constant 0 : i32
    %dma_start3A_25 = tpu.memref_slice %arg2[%dma_start3A_23, %dma_start3A_24] : memref<10000x64xf32, #tpu.memory_space<hbm>> -> memref<10000x64xf32, #tpu.memory_space<hbm>>
    tpu.enqueue_indirect_dma source(%dma_start3A_25 : memref<10000x64xf32, #tpu.memory_space<hbm>>) target(%dma_start3A_19 : memref<128x64xf32, #tpu.memory_space<vmem>>) offsets(%dma_start3A_22 : memref<128xi32, #tpu.memory_space<vmem>>) semaphore(%arg12 : memref<!tpu.dma_semaphore, #tpu.memory_space<semaphore_mem>>)
    %eq3A = arith.constant 31 : i32
    %eq3A_26 = arith.cmpi eq, %add3A, %eq3A : i32
    %jit3A = arith.constant 20 : i32
    %jit3A_27 = arith.constant 80 : i32
    %select_n3A = arith.select %eq3A_26, %jit3A, %jit3A_27 : i32
    %jit3A_28 = arith.constant 4 : i32
    %div3A = arith.divsi %select_n3A, %jit3A_28 : i32
    %sign3A = arith.constant 0 : i32
    %sign3A_29 = arith.cmpi sgt, %select_n3A, %sign3A : i32
    %sign3A_30 = arith.extui %sign3A_29 : i1 to i32
    %sign3A_31 = arith.constant 0 : i32
    %sign3A_32 = arith.cmpi slt, %select_n3A, %sign3A_31 : i32
    %sign3A_33 = arith.extui %sign3A_32 : i1 to i32
    %sign3A_34 = arith.subi %sign3A_30, %sign3A_33 : i32
    %sign3A_35 = arith.constant 0 : i32
    %sign3A_36 = arith.cmpi sgt, %jit3A_28, %sign3A_35 : i32
    %sign3A_37 = arith.extui %sign3A_36 : i1 to i32
    %sign3A_38 = arith.constant 0 : i32
    %sign3A_39 = arith.cmpi slt, %jit3A_28, %sign3A_38 : i32
    %sign3A_40 = arith.extui %sign3A_39 : i1 to i32
    %sign3A_41 = arith.subi %sign3A_37, %sign3A_40 : i32
    %ne3A = arith.cmpi ne, %sign3A_34, %sign3A_41 : i32
    %rem3A = arith.remsi %select_n3A, %jit3A_28 : i32
    %ne3A_42 = arith.constant 0 : i32
    %ne3A_43 = arith.cmpi ne, %rem3A, %ne3A_42 : i32
    %and3A = arith.andi %ne3A, %ne3A_43 : i1
    %sub3A = arith.constant 1 : i32
    %sub3A_44 = arith.subi %div3A, %sub3A : i32
    %select_n3A_45 = arith.select %and3A, %sub3A_44, %div3A : i32
    %while3A = arith.constant 0 : i32
    %while3A_46 = arith.constant 0 : i32
    %while3A_47 = arith.subi %select_n3A_45, %while3A_46 : i32
    %while3A_48 = arith.addi %while3A_46, %while3A_47 : i32
    %while3A_49 = arith.constant 1 : i32
    %while3A_50 = arith.divsi %while3A_47, %while3A_49 : i32
    %while3A_51 = arith.muli %while3A_50, %while3A_49 : i32
    %while3A_52 = arith.addi %while3A_46, %while3A_51 : i32
    %while3A_53 = arith.constant 1 : i32
    scf.for %while3A_56 = %while3A_46 to %while3A_52 step %while3A_53  : i32 {
      %mul3A_57 = arith.constant 4 : i32
      %mul3A_58 = arith.muli %mul3A_57, %while3A_56 : i32
      %add3A_59 = arith.constant 0 : i32
      %add3A_60 = arith.addi %mul3A_58, %add3A_59 : i32
      %dma_wait3A = arith.constant 0 : i32
      %dma_wait3A_61 = arith.constant 0 : i32
      %dma_wait3A_62 = arith.constant 0 : i32
      %dma_wait3A_63 = tpu.memref_slice %arg9[%dma_wait3A, %dma_wait3A_61, %dma_wait3A_62] : memref<4x128x64xf32, #tpu.memory_space<vmem>> -> memref<1x128x64xf32, #tpu.memory_space<vmem>>
      %dma_wait3A_64 = tpu.memref_squeeze %dma_wait3A_63 : memref<1x128x64xf32, #tpu.memory_space<vmem>> -> memref<128x64xf32, #tpu.memory_space<vmem>>
      %dma_wait3A_65 = arith.constant 0 : i32
      %dma_wait3A_66 = tpu.memref_slice %arg7[%add3A_60, %dma_wait3A_65] : memref<80x128xi32, #tpu.memory_space<vmem>> -> memref<1x128xi32, #tpu.memory_space<vmem>>
      %dma_wait3A_67 = tpu.memref_squeeze %dma_wait3A_66 : memref<1x128xi32, #tpu.memory_space<vmem>> -> memref<128xi32, #tpu.memory_space<vmem>>
      %dma_wait3A_68 = arith.constant 0 : i32
      %dma_wait3A_69 = arith.constant 0 : i32
      %dma_wait3A_70 = tpu.memref_slice %arg2[%dma_wait3A_68, %dma_wait3A_69] : memref<10000x64xf32, #tpu.memory_space<hbm>> -> memref<10000x64xf32, #tpu.memory_space<hbm>>
      tpu.wait_indirect_dma semaphore(%arg11 : memref<!tpu.dma_semaphore, #tpu.memory_space<semaphore_mem>>) src(%dma_wait3A_70 : memref<10000x64xf32, #tpu.memory_space<hbm>>) dst(%dma_wait3A_64 : memref<128x64xf32, #tpu.memory_space<vmem>>)
      %run_scoped3A = arith.constant 0 : i32
      "tpu.region"() ({
        %run_scoped3A_140 = tpu.sem_alloc : memref<!tpu.dma_semaphore, #tpu.memory_space<semaphore_mem>>
        %dma_start3A_141 = arith.constant 0 : i32
        %dma_start3A_142 = arith.constant 0 : i32
        %dma_start3A_143 = tpu.memref_slice %arg9[%run_scoped3A, %dma_start3A_141, %dma_start3A_142] : memref<4x128x64xf32, #tpu.memory_space<vmem>> -> memref<1x128x64xf32, #tpu.memory_space<vmem>>
        %dma_start3A_144 = tpu.memref_squeeze %dma_start3A_143 : memref<1x128x64xf32, #tpu.memory_space<vmem>> -> memref<128x64xf32, #tpu.memory_space<vmem>>
        %dma_start3A_145 = arith.constant 0 : i32
        %dma_start3A_146 = tpu.memref_slice %arg8[%add3A_60, %dma_start3A_145] : memref<80x128xi32, #tpu.memory_space<vmem>> -> memref<1x128xi32, #tpu.memory_space<vmem>>
        %dma_start3A_147 = tpu.memref_squeeze %dma_start3A_146 : memref<1x128xi32, #tpu.memory_space<vmem>> -> memref<128xi32, #tpu.memory_space<vmem>>
        %dma_start3A_148 = arith.constant 0 : i32
        %dma_start3A_149 = arith.constant 0 : i32
        %dma_start3A_150 = tpu.memref_slice %arg10[%dma_start3A_148, %dma_start3A_149] : memref<10112x64xf32, #tpu.memory_space<vmem_shared>> -> memref<10112x64xf32, #tpu.memory_space<vmem_shared>>
        tpu.enqueue_indirect_dma source(%dma_start3A_144 : memref<128x64xf32, #tpu.memory_space<vmem>>) target(%dma_start3A_150 : memref<10112x64xf32, #tpu.memory_space<vmem_shared>>) offsets(%dma_start3A_147 : memref<128xi32, #tpu.memory_space<vmem>>) semaphore(%run_scoped3A_140 : memref<!tpu.dma_semaphore, #tpu.memory_space<semaphore_mem>>) {add = true}
        %dma_wait3A_151 = arith.constant 0 : i32
        %dma_wait3A_152 = arith.constant 0 : i32
        %dma_wait3A_153 = tpu.memref_slice %arg9[%run_scoped3A, %dma_wait3A_151, %dma_wait3A_152] : memref<4x128x64xf32, #tpu.memory_space<vmem>> -> memref<1x128x64xf32, #tpu.memory_space<vmem>>
        %dma_wait3A_154 = tpu.memref_squeeze %dma_wait3A_153 : memref<1x128x64xf32, #tpu.memory_space<vmem>> -> memref<128x64xf32, #tpu.memory_space<vmem>>
        %dma_wait3A_155 = arith.constant 0 : i32
        %dma_wait3A_156 = tpu.memref_slice %arg8[%add3A_60, %dma_wait3A_155] : memref<80x128xi32, #tpu.memory_space<vmem>> -> memref<1x128xi32, #tpu.memory_space<vmem>>
        %dma_wait3A_157 = tpu.memref_squeeze %dma_wait3A_156 : memref<1x128xi32, #tpu.memory_space<vmem>> -> memref<128xi32, #tpu.memory_space<vmem>>
        %dma_wait3A_158 = arith.constant 0 : i32
        %dma_wait3A_159 = arith.constant 0 : i32
        %dma_wait3A_160 = tpu.memref_slice %arg10[%dma_wait3A_158, %dma_wait3A_159] : memref<10112x64xf32, #tpu.memory_space<vmem_shared>> -> memref<10112x64xf32, #tpu.memory_space<vmem_shared>>
        tpu.wait_indirect_dma semaphore(%run_scoped3A_140 : memref<!tpu.dma_semaphore, #tpu.memory_space<semaphore_mem>>) src(%dma_wait3A_154 : memref<128x64xf32, #tpu.memory_space<vmem>>) dst(%dma_wait3A_160 : memref<10112x64xf32, #tpu.memory_space<vmem_shared>>)
        tpu.yield
      }) : () -> ()
      %add3A_71 = arith.constant 2 : i32
      %add3A_72 = arith.addi %add3A_60, %add3A_71 : i32
      %lt3A = arith.cmpi slt, %add3A_72, %select_n3A : i32
      %convert_element_type3A = arith.extui %lt3A : i1 to i32
      %cond3A = arith.constant 0 : i32
      %cond3A_73 = arith.cmpi ne, %convert_element_type3A, %cond3A : i32
      scf.if %cond3A_73 {
        %add3A_140 = arith.constant 2 : i32
        %add3A_141 = arith.addi %add3A_60, %add3A_140 : i32
        %dma_start3A_142 = arith.constant 2 : i32
        %dma_start3A_143 = arith.constant 0 : i32
        %dma_start3A_144 = arith.constant 0 : i32
        %dma_start3A_145 = tpu.memref_slice %arg9[%dma_start3A_142, %dma_start3A_143, %dma_start3A_144] : memref<4x128x64xf32, #tpu.memory_space<vmem>> -> memref<1x128x64xf32, #tpu.memory_space<vmem>>
        %dma_start3A_146 = tpu.memref_squeeze %dma_start3A_145 : memref<1x128x64xf32, #tpu.memory_space<vmem>> -> memref<128x64xf32, #tpu.memory_space<vmem>>
        %dma_start3A_147 = arith.constant 0 : i32
        %dma_start3A_148 = tpu.memref_slice %arg7[%add3A_141, %dma_start3A_147] : memref<80x128xi32, #tpu.memory_space<vmem>> -> memref<1x128xi32, #tpu.memory_space<vmem>>
        %dma_start3A_149 = tpu.memref_squeeze %dma_start3A_148 : memref<1x128xi32, #tpu.memory_space<vmem>> -> memref<128xi32, #tpu.memory_space<vmem>>
        %dma_start3A_150 = arith.constant 0 : i32
        %dma_start3A_151 = arith.constant 0 : i32
        %dma_start3A_152 = tpu.memref_slice %arg2[%dma_start3A_150, %dma_start3A_151] : memref<10000x64xf32, #tpu.memory_space<hbm>> -> memref<10000x64xf32, #tpu.memory_space<hbm>>
        tpu.enqueue_indirect_dma source(%dma_start3A_152 : memref<10000x64xf32, #tpu.memory_space<hbm>>) target(%dma_start3A_146 : memref<128x64xf32, #tpu.memory_space<vmem>>) offsets(%dma_start3A_149 : memref<128xi32, #tpu.memory_space<vmem>>) semaphore(%arg13 : memref<!tpu.dma_semaphore, #tpu.memory_space<semaphore_mem>>)
      } else {
      }
      %mul3A_74 = arith.constant 4 : i32
      %mul3A_75 = arith.muli %mul3A_74, %while3A_56 : i32
      %add3A_76 = arith.constant 1 : i32
      %add3A_77 = arith.addi %mul3A_75, %add3A_76 : i32
      %dma_wait3A_78 = arith.constant 1 : i32
      %dma_wait3A_79 = arith.constant 0 : i32
      %dma_wait3A_80 = arith.constant 0 : i32
      %dma_wait3A_81 = tpu.memref_slice %arg9[%dma_wait3A_78, %dma_wait3A_79, %dma_wait3A_80] : memref<4x128x64xf32, #tpu.memory_space<vmem>> -> memref<1x128x64xf32, #tpu.memory_space<vmem>>
      %dma_wait3A_82 = tpu.memref_squeeze %dma_wait3A_81 : memref<1x128x64xf32, #tpu.memory_space<vmem>> -> memref<128x64xf32, #tpu.memory_space<vmem>>
      %dma_wait3A_83 = arith.constant 0 : i32
      %dma_wait3A_84 = tpu.memref_slice %arg7[%add3A_77, %dma_wait3A_83] : memref<80x128xi32, #tpu.memory_space<vmem>> -> memref<1x128xi32, #tpu.memory_space<vmem>>
      %dma_wait3A_85 = tpu.memref_squeeze %dma_wait3A_84 : memref<1x128xi32, #tpu.memory_space<vmem>> -> memref<128xi32, #tpu.memory_space<vmem>>
      %dma_wait3A_86 = arith.constant 0 : i32
      %dma_wait3A_87 = arith.constant 0 : i32
      %dma_wait3A_88 = tpu.memref_slice %arg2[%dma_wait3A_86, %dma_wait3A_87] : memref<10000x64xf32, #tpu.memory_space<hbm>> -> memref<10000x64xf32, #tpu.memory_space<hbm>>
      tpu.wait_indirect_dma semaphore(%arg12 : memref<!tpu.dma_semaphore, #tpu.memory_space<semaphore_mem>>) src(%dma_wait3A_88 : memref<10000x64xf32, #tpu.memory_space<hbm>>) dst(%dma_wait3A_82 : memref<128x64xf32, #tpu.memory_space<vmem>>)
      %run_scoped3A_89 = arith.constant 1 : i32
      "tpu.region"() ({
        %run_scoped3A_140 = tpu.sem_alloc : memref<!tpu.dma_semaphore, #tpu.memory_space<semaphore_mem>>
        %dma_start3A_141 = arith.constant 0 : i32
        %dma_start3A_142 = arith.constant 0 : i32
        %dma_start3A_143 = tpu.memref_slice %arg9[%run_scoped3A_89, %dma_start3A_141, %dma_start3A_142] : memref<4x128x64xf32, #tpu.memory_space<vmem>> -> memref<1x128x64xf32, #tpu.memory_space<vmem>>
        %dma_start3A_144 = tpu.memref_squeeze %dma_start3A_143 : memref<1x128x64xf32, #tpu.memory_space<vmem>> -> memref<128x64xf32, #tpu.memory_space<vmem>>
        %dma_start3A_145 = arith.constant 0 : i32
        %dma_start3A_146 = tpu.memref_slice %arg8[%add3A_77, %dma_start3A_145] : memref<80x128xi32, #tpu.memory_space<vmem>> -> memref<1x128xi32, #tpu.memory_space<vmem>>
        %dma_start3A_147 = tpu.memref_squeeze %dma_start3A_146 : memref<1x128xi32, #tpu.memory_space<vmem>> -> memref<128xi32, #tpu.memory_space<vmem>>
        %dma_start3A_148 = arith.constant 0 : i32
        %dma_start3A_149 = arith.constant 0 : i32
        %dma_start3A_150 = tpu.memref_slice %arg10[%dma_start3A_148, %dma_start3A_149] : memref<10112x64xf32, #tpu.memory_space<vmem_shared>> -> memref<10112x64xf32, #tpu.memory_space<vmem_shared>>
        tpu.enqueue_indirect_dma source(%dma_start3A_144 : memref<128x64xf32, #tpu.memory_space<vmem>>) target(%dma_start3A_150 : memref<10112x64xf32, #tpu.memory_space<vmem_shared>>) offsets(%dma_start3A_147 : memref<128xi32, #tpu.memory_space<vmem>>) semaphore(%run_scoped3A_140 : memref<!tpu.dma_semaphore, #tpu.memory_space<semaphore_mem>>) {add = true}
        %dma_wait3A_151 = arith.constant 0 : i32
        %dma_wait3A_152 = arith.constant 0 : i32
        %dma_wait3A_153 = tpu.memref_slice %arg9[%run_scoped3A_89, %dma_wait3A_151, %dma_wait3A_152] : memref<4x128x64xf32, #tpu.memory_space<vmem>> -> memref<1x128x64xf32, #tpu.memory_space<vmem>>
        %dma_wait3A_154 = tpu.memref_squeeze %dma_wait3A_153 : memref<1x128x64xf32, #tpu.memory_space<vmem>> -> memref<128x64xf32, #tpu.memory_space<vmem>>
        %dma_wait3A_155 = arith.constant 0 : i32
        %dma_wait3A_156 = tpu.memref_slice %arg8[%add3A_77, %dma_wait3A_155] : memref<80x128xi32, #tpu.memory_space<vmem>> -> memref<1x128xi32, #tpu.memory_space<vmem>>
        %dma_wait3A_157 = tpu.memref_squeeze %dma_wait3A_156 : memref<1x128xi32, #tpu.memory_space<vmem>> -> memref<128xi32, #tpu.memory_space<vmem>>
        %dma_wait3A_158 = arith.constant 0 : i32
        %dma_wait3A_159 = arith.constant 0 : i32
        %dma_wait3A_160 = tpu.memref_slice %arg10[%dma_wait3A_158, %dma_wait3A_159] : memref<10112x64xf32, #tpu.memory_space<vmem_shared>> -> memref<10112x64xf32, #tpu.memory_space<vmem_shared>>
        tpu.wait_indirect_dma semaphore(%run_scoped3A_140 : memref<!tpu.dma_semaphore, #tpu.memory_space<semaphore_mem>>) src(%dma_wait3A_154 : memref<128x64xf32, #tpu.memory_space<vmem>>) dst(%dma_wait3A_160 : memref<10112x64xf32, #tpu.memory_space<vmem_shared>>)
        tpu.yield
      }) : () -> ()
      %add3A_90 = arith.constant 2 : i32
      %add3A_91 = arith.addi %add3A_77, %add3A_90 : i32
      %lt3A_92 = arith.cmpi slt, %add3A_91, %select_n3A : i32
      %convert_element_type3A_93 = arith.extui %lt3A_92 : i1 to i32
      %cond3A_94 = arith.constant 0 : i32
      %cond3A_95 = arith.cmpi ne, %convert_element_type3A_93, %cond3A_94 : i32
      scf.if %cond3A_95 {
        %add3A_140 = arith.constant 2 : i32
        %add3A_141 = arith.addi %add3A_77, %add3A_140 : i32
        %dma_start3A_142 = arith.constant 3 : i32
        %dma_start3A_143 = arith.constant 0 : i32
        %dma_start3A_144 = arith.constant 0 : i32
        %dma_start3A_145 = tpu.memref_slice %arg9[%dma_start3A_142, %dma_start3A_143, %dma_start3A_144] : memref<4x128x64xf32, #tpu.memory_space<vmem>> -> memref<1x128x64xf32, #tpu.memory_space<vmem>>
        %dma_start3A_146 = tpu.memref_squeeze %dma_start3A_145 : memref<1x128x64xf32, #tpu.memory_space<vmem>> -> memref<128x64xf32, #tpu.memory_space<vmem>>
        %dma_start3A_147 = arith.constant 0 : i32
        %dma_start3A_148 = tpu.memref_slice %arg7[%add3A_141, %dma_start3A_147] : memref<80x128xi32, #tpu.memory_space<vmem>> -> memref<1x128xi32, #tpu.memory_space<vmem>>
        %dma_start3A_149 = tpu.memref_squeeze %dma_start3A_148 : memref<1x128xi32, #tpu.memory_space<vmem>> -> memref<128xi32, #tpu.memory_space<vmem>>
        %dma_start3A_150 = arith.constant 0 : i32
        %dma_start3A_151 = arith.constant 0 : i32
        %dma_start3A_152 = tpu.memref_slice %arg2[%dma_start3A_150, %dma_start3A_151] : memref<10000x64xf32, #tpu.memory_space<hbm>> -> memref<10000x64xf32, #tpu.memory_space<hbm>>
        tpu.enqueue_indirect_dma source(%dma_start3A_152 : memref<10000x64xf32, #tpu.memory_space<hbm>>) target(%dma_start3A_146 : memref<128x64xf32, #tpu.memory_space<vmem>>) offsets(%dma_start3A_149 : memref<128xi32, #tpu.memory_space<vmem>>) semaphore(%arg14 : memref<!tpu.dma_semaphore, #tpu.memory_space<semaphore_mem>>)
      } else {
      }
      %mul3A_96 = arith.constant 4 : i32
      %mul3A_97 = arith.muli %mul3A_96, %while3A_56 : i32
      %add3A_98 = arith.constant 2 : i32
      %add3A_99 = arith.addi %mul3A_97, %add3A_98 : i32
      %dma_wait3A_100 = arith.constant 2 : i32
      %dma_wait3A_101 = arith.constant 0 : i32
      %dma_wait3A_102 = arith.constant 0 : i32
      %dma_wait3A_103 = tpu.memref_slice %arg9[%dma_wait3A_100, %dma_wait3A_101, %dma_wait3A_102] : memref<4x128x64xf32, #tpu.memory_space<vmem>> -> memref<1x128x64xf32, #tpu.memory_space<vmem>>
      %dma_wait3A_104 = tpu.memref_squeeze %dma_wait3A_103 : memref<1x128x64xf32, #tpu.memory_space<vmem>> -> memref<128x64xf32, #tpu.memory_space<vmem>>
      %dma_wait3A_105 = arith.constant 0 : i32
      %dma_wait3A_106 = tpu.memref_slice %arg7[%add3A_99, %dma_wait3A_105] : memref<80x128xi32, #tpu.memory_space<vmem>> -> memref<1x128xi32, #tpu.memory_space<vmem>>
      %dma_wait3A_107 = tpu.memref_squeeze %dma_wait3A_106 : memref<1x128xi32, #tpu.memory_space<vmem>> -> memref<128xi32, #tpu.memory_space<vmem>>
      %dma_wait3A_108 = arith.constant 0 : i32
      %dma_wait3A_109 = arith.constant 0 : i32
      %dma_wait3A_110 = tpu.memref_slice %arg2[%dma_wait3A_108, %dma_wait3A_109] : memref<10000x64xf32, #tpu.memory_space<hbm>> -> memref<10000x64xf32, #tpu.memory_space<hbm>>
      tpu.wait_indirect_dma semaphore(%arg13 : memref<!tpu.dma_semaphore, #tpu.memory_space<semaphore_mem>>) src(%dma_wait3A_110 : memref<10000x64xf32, #tpu.memory_space<hbm>>) dst(%dma_wait3A_104 : memref<128x64xf32, #tpu.memory_space<vmem>>)
      %run_scoped3A_111 = arith.constant 2 : i32
      "tpu.region"() ({
        %run_scoped3A_140 = tpu.sem_alloc : memref<!tpu.dma_semaphore, #tpu.memory_space<semaphore_mem>>
        %dma_start3A_141 = arith.constant 0 : i32
        %dma_start3A_142 = arith.constant 0 : i32
        %dma_start3A_143 = tpu.memref_slice %arg9[%run_scoped3A_111, %dma_start3A_141, %dma_start3A_142] : memref<4x128x64xf32, #tpu.memory_space<vmem>> -> memref<1x128x64xf32, #tpu.memory_space<vmem>>
        %dma_start3A_144 = tpu.memref_squeeze %dma_start3A_143 : memref<1x128x64xf32, #tpu.memory_space<vmem>> -> memref<128x64xf32, #tpu.memory_space<vmem>>
        %dma_start3A_145 = arith.constant 0 : i32
        %dma_start3A_146 = tpu.memref_slice %arg8[%add3A_99, %dma_start3A_145] : memref<80x128xi32, #tpu.memory_space<vmem>> -> memref<1x128xi32, #tpu.memory_space<vmem>>
        %dma_start3A_147 = tpu.memref_squeeze %dma_start3A_146 : memref<1x128xi32, #tpu.memory_space<vmem>> -> memref<128xi32, #tpu.memory_space<vmem>>
        %dma_start3A_148 = arith.constant 0 : i32
        %dma_start3A_149 = arith.constant 0 : i32
        %dma_start3A_150 = tpu.memref_slice %arg10[%dma_start3A_148, %dma_start3A_149] : memref<10112x64xf32, #tpu.memory_space<vmem_shared>> -> memref<10112x64xf32, #tpu.memory_space<vmem_shared>>
        tpu.enqueue_indirect_dma source(%dma_start3A_144 : memref<128x64xf32, #tpu.memory_space<vmem>>) target(%dma_start3A_150 : memref<10112x64xf32, #tpu.memory_space<vmem_shared>>) offsets(%dma_start3A_147 : memref<128xi32, #tpu.memory_space<vmem>>) semaphore(%run_scoped3A_140 : memref<!tpu.dma_semaphore, #tpu.memory_space<semaphore_mem>>) {add = true}
        %dma_wait3A_151 = arith.constant 0 : i32
        %dma_wait3A_152 = arith.constant 0 : i32
        %dma_wait3A_153 = tpu.memref_slice %arg9[%run_scoped3A_111, %dma_wait3A_151, %dma_wait3A_152] : memref<4x128x64xf32, #tpu.memory_space<vmem>> -> memref<1x128x64xf32, #tpu.memory_space<vmem>>
        %dma_wait3A_154 = tpu.memref_squeeze %dma_wait3A_153 : memref<1x128x64xf32, #tpu.memory_space<vmem>> -> memref<128x64xf32, #tpu.memory_space<vmem>>
        %dma_wait3A_155 = arith.constant 0 : i32
        %dma_wait3A_156 = tpu.memref_slice %arg8[%add3A_99, %dma_wait3A_155] : memref<80x128xi32, #tpu.memory_space<vmem>> -> memref<1x128xi32, #tpu.memory_space<vmem>>
        %dma_wait3A_157 = tpu.memref_squeeze %dma_wait3A_156 : memref<1x128xi32, #tpu.memory_space<vmem>> -> memref<128xi32, #tpu.memory_space<vmem>>
        %dma_wait3A_158 = arith.constant 0 : i32
        %dma_wait3A_159 = arith.constant 0 : i32
        %dma_wait3A_160 = tpu.memref_slice %arg10[%dma_wait3A_158, %dma_wait3A_159] : memref<10112x64xf32, #tpu.memory_space<vmem_shared>> -> memref<10112x64xf32, #tpu.memory_space<vmem_shared>>
        tpu.wait_indirect_dma semaphore(%run_scoped3A_140 : memref<!tpu.dma_semaphore, #tpu.memory_space<semaphore_mem>>) src(%dma_wait3A_154 : memref<128x64xf32, #tpu.memory_space<vmem>>) dst(%dma_wait3A_160 : memref<10112x64xf32, #tpu.memory_space<vmem_shared>>)
        tpu.yield
      }) : () -> ()
      %add3A_112 = arith.constant 2 : i32
      %add3A_113 = arith.addi %add3A_99, %add3A_112 : i32
      %lt3A_114 = arith.cmpi slt, %add3A_113, %select_n3A : i32
      %convert_element_type3A_115 = arith.extui %lt3A_114 : i1 to i32
      %cond3A_116 = arith.constant 0 : i32
      %cond3A_117 = arith.cmpi ne, %convert_element_type3A_115, %cond3A_116 : i32
      scf.if %cond3A_117 {
        %add3A_140 = arith.constant 2 : i32
        %add3A_141 = arith.addi %add3A_99, %add3A_140 : i32
        %dma_start3A_142 = arith.constant 0 : i32
        %dma_start3A_143 = arith.constant 0 : i32
        %dma_start3A_144 = arith.constant 0 : i32
        %dma_start3A_145 = tpu.memref_slice %arg9[%dma_start3A_142, %dma_start3A_143, %dma_start3A_144] : memref<4x128x64xf32, #tpu.memory_space<vmem>> -> memref<1x128x64xf32, #tpu.memory_space<vmem>>
        %dma_start3A_146 = tpu.memref_squeeze %dma_start3A_145 : memref<1x128x64xf32, #tpu.memory_space<vmem>> -> memref<128x64xf32, #tpu.memory_space<vmem>>
        %dma_start3A_147 = arith.constant 0 : i32
        %dma_start3A_148 = tpu.memref_slice %arg7[%add3A_141, %dma_start3A_147] : memref<80x128xi32, #tpu.memory_space<vmem>> -> memref<1x128xi32, #tpu.memory_space<vmem>>
        %dma_start3A_149 = tpu.memref_squeeze %dma_start3A_148 : memref<1x128xi32, #tpu.memory_space<vmem>> -> memref<128xi32, #tpu.memory_space<vmem>>
        %dma_start3A_150 = arith.constant 0 : i32
        %dma_start3A_151 = arith.constant 0 : i32
        %dma_start3A_152 = tpu.memref_slice %arg2[%dma_start3A_150, %dma_start3A_151] : memref<10000x64xf32, #tpu.memory_space<hbm>> -> memref<10000x64xf32, #tpu.memory_space<hbm>>
        tpu.enqueue_indirect_dma source(%dma_start3A_152 : memref<10000x64xf32, #tpu.memory_space<hbm>>) target(%dma_start3A_146 : memref<128x64xf32, #tpu.memory_space<vmem>>) offsets(%dma_start3A_149 : memref<128xi32, #tpu.memory_space<vmem>>) semaphore(%arg11 : memref<!tpu.dma_semaphore, #tpu.memory_space<semaphore_mem>>)
      } else {
      }
      %mul3A_118 = arith.constant 4 : i32
      %mul3A_119 = arith.muli %mul3A_118, %while3A_56 : i32
      %add3A_120 = arith.constant 3 : i32
      %add3A_121 = arith.addi %mul3A_119, %add3A_120 : i32
      %dma_wait3A_122 = arith.constant 3 : i32
      %dma_wait3A_123 = arith.constant 0 : i32
      %dma_wait3A_124 = arith.constant 0 : i32
      %dma_wait3A_125 = tpu.memref_slice %arg9[%dma_wait3A_122, %dma_wait3A_123, %dma_wait3A_124] : memref<4x128x64xf32, #tpu.memory_space<vmem>> -> memref<1x128x64xf32, #tpu.memory_space<vmem>>
      %dma_wait3A_126 = tpu.memref_squeeze %dma_wait3A_125 : memref<1x128x64xf32, #tpu.memory_space<vmem>> -> memref<128x64xf32, #tpu.memory_space<vmem>>
      %dma_wait3A_127 = arith.constant 0 : i32
      %dma_wait3A_128 = tpu.memref_slice %arg7[%add3A_121, %dma_wait3A_127] : memref<80x128xi32, #tpu.memory_space<vmem>> -> memref<1x128xi32, #tpu.memory_space<vmem>>
      %dma_wait3A_129 = tpu.memref_squeeze %dma_wait3A_128 : memref<1x128xi32, #tpu.memory_space<vmem>> -> memref<128xi32, #tpu.memory_space<vmem>>
      %dma_wait3A_130 = arith.constant 0 : i32
      %dma_wait3A_131 = arith.constant 0 : i32
      %dma_wait3A_132 = tpu.memref_slice %arg2[%dma_wait3A_130, %dma_wait3A_131] : memref<10000x64xf32, #tpu.memory_space<hbm>> -> memref<10000x64xf32, #tpu.memory_space<hbm>>
      tpu.wait_indirect_dma semaphore(%arg14 : memref<!tpu.dma_semaphore, #tpu.memory_space<semaphore_mem>>) src(%dma_wait3A_132 : memref<10000x64xf32, #tpu.memory_space<hbm>>) dst(%dma_wait3A_126 : memref<128x64xf32, #tpu.memory_space<vmem>>)
      %run_scoped3A_133 = arith.constant 3 : i32
      "tpu.region"() ({
        %run_scoped3A_140 = tpu.sem_alloc : memref<!tpu.dma_semaphore, #tpu.memory_space<semaphore_mem>>
        %dma_start3A_141 = arith.constant 0 : i32
        %dma_start3A_142 = arith.constant 0 : i32
        %dma_start3A_143 = tpu.memref_slice %arg9[%run_scoped3A_133, %dma_start3A_141, %dma_start3A_142] : memref<4x128x64xf32, #tpu.memory_space<vmem>> -> memref<1x128x64xf32, #tpu.memory_space<vmem>>
        %dma_start3A_144 = tpu.memref_squeeze %dma_start3A_143 : memref<1x128x64xf32, #tpu.memory_space<vmem>> -> memref<128x64xf32, #tpu.memory_space<vmem>>
        %dma_start3A_145 = arith.constant 0 : i32
        %dma_start3A_146 = tpu.memref_slice %arg8[%add3A_121, %dma_start3A_145] : memref<80x128xi32, #tpu.memory_space<vmem>> -> memref<1x128xi32, #tpu.memory_space<vmem>>
        %dma_start3A_147 = tpu.memref_squeeze %dma_start3A_146 : memref<1x128xi32, #tpu.memory_space<vmem>> -> memref<128xi32, #tpu.memory_space<vmem>>
        %dma_start3A_148 = arith.constant 0 : i32
        %dma_start3A_149 = arith.constant 0 : i32
        %dma_start3A_150 = tpu.memref_slice %arg10[%dma_start3A_148, %dma_start3A_149] : memref<10112x64xf32, #tpu.memory_space<vmem_shared>> -> memref<10112x64xf32, #tpu.memory_space<vmem_shared>>
        tpu.enqueue_indirect_dma source(%dma_start3A_144 : memref<128x64xf32, #tpu.memory_space<vmem>>) target(%dma_start3A_150 : memref<10112x64xf32, #tpu.memory_space<vmem_shared>>) offsets(%dma_start3A_147 : memref<128xi32, #tpu.memory_space<vmem>>) semaphore(%run_scoped3A_140 : memref<!tpu.dma_semaphore, #tpu.memory_space<semaphore_mem>>) {add = true}
        %dma_wait3A_151 = arith.constant 0 : i32
        %dma_wait3A_152 = arith.constant 0 : i32
        %dma_wait3A_153 = tpu.memref_slice %arg9[%run_scoped3A_133, %dma_wait3A_151, %dma_wait3A_152] : memref<4x128x64xf32, #tpu.memory_space<vmem>> -> memref<1x128x64xf32, #tpu.memory_space<vmem>>
        %dma_wait3A_154 = tpu.memref_squeeze %dma_wait3A_153 : memref<1x128x64xf32, #tpu.memory_space<vmem>> -> memref<128x64xf32, #tpu.memory_space<vmem>>
        %dma_wait3A_155 = arith.constant 0 : i32
        %dma_wait3A_156 = tpu.memref_slice %arg8[%add3A_121, %dma_wait3A_155] : memref<80x128xi32, #tpu.memory_space<vmem>> -> memref<1x128xi32, #tpu.memory_space<vmem>>
        %dma_wait3A_157 = tpu.memref_squeeze %dma_wait3A_156 : memref<1x128xi32, #tpu.memory_space<vmem>> -> memref<128xi32, #tpu.memory_space<vmem>>
        %dma_wait3A_158 = arith.constant 0 : i32
        %dma_wait3A_159 = arith.constant 0 : i32
        %dma_wait3A_160 = tpu.memref_slice %arg10[%dma_wait3A_158, %dma_wait3A_159] : memref<10112x64xf32, #tpu.memory_space<vmem_shared>> -> memref<10112x64xf32, #tpu.memory_space<vmem_shared>>
        tpu.wait_indirect_dma semaphore(%run_scoped3A_140 : memref<!tpu.dma_semaphore, #tpu.memory_space<semaphore_mem>>) src(%dma_wait3A_154 : memref<128x64xf32, #tpu.memory_space<vmem>>) dst(%dma_wait3A_160 : memref<10112x64xf32, #tpu.memory_space<vmem_shared>>)
        tpu.yield
      }) : () -> ()
      %add3A_134 = arith.constant 2 : i32
      %add3A_135 = arith.addi %add3A_121, %add3A_134 : i32
      %lt3A_136 = arith.cmpi slt, %add3A_135, %select_n3A : i32
      %convert_element_type3A_137 = arith.extui %lt3A_136 : i1 to i32
      %cond3A_138 = arith.constant 0 : i32
      %cond3A_139 = arith.cmpi ne, %convert_element_type3A_137, %cond3A_138 : i32
      scf.if %cond3A_139 {
        %add3A_140 = arith.constant 2 : i32
        %add3A_141 = arith.addi %add3A_121, %add3A_140 : i32
        %dma_start3A_142 = arith.constant 1 : i32
        %dma_start3A_143 = arith.constant 0 : i32
        %dma_start3A_144 = arith.constant 0 : i32
        %dma_start3A_145 = tpu.memref_slice %arg9[%dma_start3A_142, %dma_start3A_143, %dma_start3A_144] : memref<4x128x64xf32, #tpu.memory_space<vmem>> -> memref<1x128x64xf32, #tpu.memory_space<vmem>>
        %dma_start3A_146 = tpu.memref_squeeze %dma_start3A_145 : memref<1x128x64xf32, #tpu.memory_space<vmem>> -> memref<128x64xf32, #tpu.memory_space<vmem>>
        %dma_start3A_147 = arith.constant 0 : i32
        %dma_start3A_148 = tpu.memref_slice %arg7[%add3A_141, %dma_start3A_147] : memref<80x128xi32, #tpu.memory_space<vmem>> -> memref<1x128xi32, #tpu.memory_space<vmem>>
        %dma_start3A_149 = tpu.memref_squeeze %dma_start3A_148 : memref<1x128xi32, #tpu.memory_space<vmem>> -> memref<128xi32, #tpu.memory_space<vmem>>
        %dma_start3A_150 = arith.constant 0 : i32
        %dma_start3A_151 = arith.constant 0 : i32
        %dma_start3A_152 = tpu.memref_slice %arg2[%dma_start3A_150, %dma_start3A_151] : memref<10000x64xf32, #tpu.memory_space<hbm>> -> memref<10000x64xf32, #tpu.memory_space<hbm>>
        tpu.enqueue_indirect_dma source(%dma_start3A_152 : memref<10000x64xf32, #tpu.memory_space<hbm>>) target(%dma_start3A_146 : memref<128x64xf32, #tpu.memory_space<vmem>>) offsets(%dma_start3A_149 : memref<128xi32, #tpu.memory_space<vmem>>) semaphore(%arg12 : memref<!tpu.dma_semaphore, #tpu.memory_space<semaphore_mem>>)
      } else {
      }
    }
    %while3A_54 = arith.constant 1 : i32
    scf.for %while3A_56 = %while3A_52 to %while3A_48 step %while3A_54  : i32 {
      %mul3A_57 = arith.constant 4 : i32
      %mul3A_58 = arith.muli %mul3A_57, %while3A_56 : i32
      %add3A_59 = arith.constant 0 : i32
      %add3A_60 = arith.addi %mul3A_58, %add3A_59 : i32
      %dma_wait3A = arith.constant 0 : i32
      %dma_wait3A_61 = arith.constant 0 : i32
      %dma_wait3A_62 = arith.constant 0 : i32
      %dma_wait3A_63 = tpu.memref_slice %arg9[%dma_wait3A, %dma_wait3A_61, %dma_wait3A_62] : memref<4x128x64xf32, #tpu.memory_space<vmem>> -> memref<1x128x64xf32, #tpu.memory_space<vmem>>
      %dma_wait3A_64 = tpu.memref_squeeze %dma_wait3A_63 : memref<1x128x64xf32, #tpu.memory_space<vmem>> -> memref<128x64xf32, #tpu.memory_space<vmem>>
      %dma_wait3A_65 = arith.constant 0 : i32
      %dma_wait3A_66 = tpu.memref_slice %arg7[%add3A_60, %dma_wait3A_65] : memref<80x128xi32, #tpu.memory_space<vmem>> -> memref<1x128xi32, #tpu.memory_space<vmem>>
      %dma_wait3A_67 = tpu.memref_squeeze %dma_wait3A_66 : memref<1x128xi32, #tpu.memory_space<vmem>> -> memref<128xi32, #tpu.memory_space<vmem>>
      %dma_wait3A_68 = arith.constant 0 : i32
      %dma_wait3A_69 = arith.constant 0 : i32
      %dma_wait3A_70 = tpu.memref_slice %arg2[%dma_wait3A_68, %dma_wait3A_69] : memref<10000x64xf32, #tpu.memory_space<hbm>> -> memref<10000x64xf32, #tpu.memory_space<hbm>>
      tpu.wait_indirect_dma semaphore(%arg11 : memref<!tpu.dma_semaphore, #tpu.memory_space<semaphore_mem>>) src(%dma_wait3A_70 : memref<10000x64xf32, #tpu.memory_space<hbm>>) dst(%dma_wait3A_64 : memref<128x64xf32, #tpu.memory_space<vmem>>)
      %run_scoped3A = arith.constant 0 : i32
      "tpu.region"() ({
        %run_scoped3A_140 = tpu.sem_alloc : memref<!tpu.dma_semaphore, #tpu.memory_space<semaphore_mem>>
        %dma_start3A_141 = arith.constant 0 : i32
        %dma_start3A_142 = arith.constant 0 : i32
        %dma_start3A_143 = tpu.memref_slice %arg9[%run_scoped3A, %dma_start3A_141, %dma_start3A_142] : memref<4x128x64xf32, #tpu.memory_space<vmem>> -> memref<1x128x64xf32, #tpu.memory_space<vmem>>
        %dma_start3A_144 = tpu.memref_squeeze %dma_start3A_143 : memref<1x128x64xf32, #tpu.memory_space<vmem>> -> memref<128x64xf32, #tpu.memory_space<vmem>>
        %dma_start3A_145 = arith.constant 0 : i32
        %dma_start3A_146 = tpu.memref_slice %arg8[%add3A_60, %dma_start3A_145] : memref<80x128xi32, #tpu.memory_space<vmem>> -> memref<1x128xi32, #tpu.memory_space<vmem>>
        %dma_start3A_147 = tpu.memref_squeeze %dma_start3A_146 : memref<1x128xi32, #tpu.memory_space<vmem>> -> memref<128xi32, #tpu.memory_space<vmem>>
        %dma_start3A_148 = arith.constant 0 : i32
        %dma_start3A_149 = arith.constant 0 : i32
        %dma_start3A_150 = tpu.memref_slice %arg10[%dma_start3A_148, %dma_start3A_149] : memref<10112x64xf32, #tpu.memory_space<vmem_shared>> -> memref<10112x64xf32, #tpu.memory_space<vmem_shared>>
        tpu.enqueue_indirect_dma source(%dma_start3A_144 : memref<128x64xf32, #tpu.memory_space<vmem>>) target(%dma_start3A_150 : memref<10112x64xf32, #tpu.memory_space<vmem_shared>>) offsets(%dma_start3A_147 : memref<128xi32, #tpu.memory_space<vmem>>) semaphore(%run_scoped3A_140 : memref<!tpu.dma_semaphore, #tpu.memory_space<semaphore_mem>>) {add = true}
        %dma_wait3A_151 = arith.constant 0 : i32
        %dma_wait3A_152 = arith.constant 0 : i32
        %dma_wait3A_153 = tpu.memref_slice %arg9[%run_scoped3A, %dma_wait3A_151, %dma_wait3A_152] : memref<4x128x64xf32, #tpu.memory_space<vmem>> -> memref<1x128x64xf32, #tpu.memory_space<vmem>>
        %dma_wait3A_154 = tpu.memref_squeeze %dma_wait3A_153 : memref<1x128x64xf32, #tpu.memory_space<vmem>> -> memref<128x64xf32, #tpu.memory_space<vmem>>
        %dma_wait3A_155 = arith.constant 0 : i32
        %dma_wait3A_156 = tpu.memref_slice %arg8[%add3A_60, %dma_wait3A_155] : memref<80x128xi32, #tpu.memory_space<vmem>> -> memref<1x128xi32, #tpu.memory_space<vmem>>
        %dma_wait3A_157 = tpu.memref_squeeze %dma_wait3A_156 : memref<1x128xi32, #tpu.memory_space<vmem>> -> memref<128xi32, #tpu.memory_space<vmem>>
        %dma_wait3A_158 = arith.constant 0 : i32
        %dma_wait3A_159 = arith.constant 0 : i32
        %dma_wait3A_160 = tpu.memref_slice %arg10[%dma_wait3A_158, %dma_wait3A_159] : memref<10112x64xf32, #tpu.memory_space<vmem_shared>> -> memref<10112x64xf32, #tpu.memory_space<vmem_shared>>
        tpu.wait_indirect_dma semaphore(%run_scoped3A_140 : memref<!tpu.dma_semaphore, #tpu.memory_space<semaphore_mem>>) src(%dma_wait3A_154 : memref<128x64xf32, #tpu.memory_space<vmem>>) dst(%dma_wait3A_160 : memref<10112x64xf32, #tpu.memory_space<vmem_shared>>)
        tpu.yield
      }) : () -> ()
      %add3A_71 = arith.constant 2 : i32
      %add3A_72 = arith.addi %add3A_60, %add3A_71 : i32
      %lt3A = arith.cmpi slt, %add3A_72, %select_n3A : i32
      %convert_element_type3A = arith.extui %lt3A : i1 to i32
      %cond3A = arith.constant 0 : i32
      %cond3A_73 = arith.cmpi ne, %convert_element_type3A, %cond3A : i32
      scf.if %cond3A_73 {
        %add3A_140 = arith.constant 2 : i32
        %add3A_141 = arith.addi %add3A_60, %add3A_140 : i32
        %dma_start3A_142 = arith.constant 2 : i32
        %dma_start3A_143 = arith.constant 0 : i32
        %dma_start3A_144 = arith.constant 0 : i32
        %dma_start3A_145 = tpu.memref_slice %arg9[%dma_start3A_142, %dma_start3A_143, %dma_start3A_144] : memref<4x128x64xf32, #tpu.memory_space<vmem>> -> memref<1x128x64xf32, #tpu.memory_space<vmem>>
        %dma_start3A_146 = tpu.memref_squeeze %dma_start3A_145 : memref<1x128x64xf32, #tpu.memory_space<vmem>> -> memref<128x64xf32, #tpu.memory_space<vmem>>
        %dma_start3A_147 = arith.constant 0 : i32
        %dma_start3A_148 = tpu.memref_slice %arg7[%add3A_141, %dma_start3A_147] : memref<80x128xi32, #tpu.memory_space<vmem>> -> memref<1x128xi32, #tpu.memory_space<vmem>>
        %dma_start3A_149 = tpu.memref_squeeze %dma_start3A_148 : memref<1x128xi32, #tpu.memory_space<vmem>> -> memref<128xi32, #tpu.memory_space<vmem>>
        %dma_start3A_150 = arith.constant 0 : i32
        %dma_start3A_151 = arith.constant 0 : i32
        %dma_start3A_152 = tpu.memref_slice %arg2[%dma_start3A_150, %dma_start3A_151] : memref<10000x64xf32, #tpu.memory_space<hbm>> -> memref<10000x64xf32, #tpu.memory_space<hbm>>
        tpu.enqueue_indirect_dma source(%dma_start3A_152 : memref<10000x64xf32, #tpu.memory_space<hbm>>) target(%dma_start3A_146 : memref<128x64xf32, #tpu.memory_space<vmem>>) offsets(%dma_start3A_149 : memref<128xi32, #tpu.memory_space<vmem>>) semaphore(%arg13 : memref<!tpu.dma_semaphore, #tpu.memory_space<semaphore_mem>>)
      } else {
      }
      %mul3A_74 = arith.constant 4 : i32
      %mul3A_75 = arith.muli %mul3A_74, %while3A_56 : i32
      %add3A_76 = arith.constant 1 : i32
      %add3A_77 = arith.addi %mul3A_75, %add3A_76 : i32
      %dma_wait3A_78 = arith.constant 1 : i32
      %dma_wait3A_79 = arith.constant 0 : i32
      %dma_wait3A_80 = arith.constant 0 : i32
      %dma_wait3A_81 = tpu.memref_slice %arg9[%dma_wait3A_78, %dma_wait3A_79, %dma_wait3A_80] : memref<4x128x64xf32, #tpu.memory_space<vmem>> -> memref<1x128x64xf32, #tpu.memory_space<vmem>>
      %dma_wait3A_82 = tpu.memref_squeeze %dma_wait3A_81 : memref<1x128x64xf32, #tpu.memory_space<vmem>> -> memref<128x64xf32, #tpu.memory_space<vmem>>
      %dma_wait3A_83 = arith.constant 0 : i32
      %dma_wait3A_84 = tpu.memref_slice %arg7[%add3A_77, %dma_wait3A_83] : memref<80x128xi32, #tpu.memory_space<vmem>> -> memref<1x128xi32, #tpu.memory_space<vmem>>
      %dma_wait3A_85 = tpu.memref_squeeze %dma_wait3A_84 : memref<1x128xi32, #tpu.memory_space<vmem>> -> memref<128xi32, #tpu.memory_space<vmem>>
      %dma_wait3A_86 = arith.constant 0 : i32
      %dma_wait3A_87 = arith.constant 0 : i32
      %dma_wait3A_88 = tpu.memref_slice %arg2[%dma_wait3A_86, %dma_wait3A_87] : memref<10000x64xf32, #tpu.memory_space<hbm>> -> memref<10000x64xf32, #tpu.memory_space<hbm>>
      tpu.wait_indirect_dma semaphore(%arg12 : memref<!tpu.dma_semaphore, #tpu.memory_space<semaphore_mem>>) src(%dma_wait3A_88 : memref<10000x64xf32, #tpu.memory_space<hbm>>) dst(%dma_wait3A_82 : memref<128x64xf32, #tpu.memory_space<vmem>>)
      %run_scoped3A_89 = arith.constant 1 : i32
      "tpu.region"() ({
        %run_scoped3A_140 = tpu.sem_alloc : memref<!tpu.dma_semaphore, #tpu.memory_space<semaphore_mem>>
        %dma_start3A_141 = arith.constant 0 : i32
        %dma_start3A_142 = arith.constant 0 : i32
        %dma_start3A_143 = tpu.memref_slice %arg9[%run_scoped3A_89, %dma_start3A_141, %dma_start3A_142] : memref<4x128x64xf32, #tpu.memory_space<vmem>> -> memref<1x128x64xf32, #tpu.memory_space<vmem>>
        %dma_start3A_144 = tpu.memref_squeeze %dma_start3A_143 : memref<1x128x64xf32, #tpu.memory_space<vmem>> -> memref<128x64xf32, #tpu.memory_space<vmem>>
        %dma_start3A_145 = arith.constant 0 : i32
        %dma_start3A_146 = tpu.memref_slice %arg8[%add3A_77, %dma_start3A_145] : memref<80x128xi32, #tpu.memory_space<vmem>> -> memref<1x128xi32, #tpu.memory_space<vmem>>
        %dma_start3A_147 = tpu.memref_squeeze %dma_start3A_146 : memref<1x128xi32, #tpu.memory_space<vmem>> -> memref<128xi32, #tpu.memory_space<vmem>>
        %dma_start3A_148 = arith.constant 0 : i32
        %dma_start3A_149 = arith.constant 0 : i32
        %dma_start3A_150 = tpu.memref_slice %arg10[%dma_start3A_148, %dma_start3A_149] : memref<10112x64xf32, #tpu.memory_space<vmem_shared>> -> memref<10112x64xf32, #tpu.memory_space<vmem_shared>>
        tpu.enqueue_indirect_dma source(%dma_start3A_144 : memref<128x64xf32, #tpu.memory_space<vmem>>) target(%dma_start3A_150 : memref<10112x64xf32, #tpu.memory_space<vmem_shared>>) offsets(%dma_start3A_147 : memref<128xi32, #tpu.memory_space<vmem>>) semaphore(%run_scoped3A_140 : memref<!tpu.dma_semaphore, #tpu.memory_space<semaphore_mem>>) {add = true}
        %dma_wait3A_151 = arith.constant 0 : i32
        %dma_wait3A_152 = arith.constant 0 : i32
        %dma_wait3A_153 = tpu.memref_slice %arg9[%run_scoped3A_89, %dma_wait3A_151, %dma_wait3A_152] : memref<4x128x64xf32, #tpu.memory_space<vmem>> -> memref<1x128x64xf32, #tpu.memory_space<vmem>>
        %dma_wait3A_154 = tpu.memref_squeeze %dma_wait3A_153 : memref<1x128x64xf32, #tpu.memory_space<vmem>> -> memref<128x64xf32, #tpu.memory_space<vmem>>
        %dma_wait3A_155 = arith.constant 0 : i32
        %dma_wait3A_156 = tpu.memref_slice %arg8[%add3A_77, %dma_wait3A_155] : memref<80x128xi32, #tpu.memory_space<vmem>> -> memref<1x128xi32, #tpu.memory_space<vmem>>
        %dma_wait3A_157 = tpu.memref_squeeze %dma_wait3A_156 : memref<1x128xi32, #tpu.memory_space<vmem>> -> memref<128xi32, #tpu.memory_space<vmem>>
        %dma_wait3A_158 = arith.constant 0 : i32
        %dma_wait3A_159 = arith.constant 0 : i32
        %dma_wait3A_160 = tpu.memref_slice %arg10[%dma_wait3A_158, %dma_wait3A_159] : memref<10112x64xf32, #tpu.memory_space<vmem_shared>> -> memref<10112x64xf32, #tpu.memory_space<vmem_shared>>
        tpu.wait_indirect_dma semaphore(%run_scoped3A_140 : memref<!tpu.dma_semaphore, #tpu.memory_space<semaphore_mem>>) src(%dma_wait3A_154 : memref<128x64xf32, #tpu.memory_space<vmem>>) dst(%dma_wait3A_160 : memref<10112x64xf32, #tpu.memory_space<vmem_shared>>)
        tpu.yield
      }) : () -> ()
      %add3A_90 = arith.constant 2 : i32
      %add3A_91 = arith.addi %add3A_77, %add3A_90 : i32
      %lt3A_92 = arith.cmpi slt, %add3A_91, %select_n3A : i32
      %convert_element_type3A_93 = arith.extui %lt3A_92 : i1 to i32
      %cond3A_94 = arith.constant 0 : i32
      %cond3A_95 = arith.cmpi ne, %convert_element_type3A_93, %cond3A_94 : i32
      scf.if %cond3A_95 {
        %add3A_140 = arith.constant 2 : i32
        %add3A_141 = arith.addi %add3A_77, %add3A_140 : i32
        %dma_start3A_142 = arith.constant 3 : i32
        %dma_start3A_143 = arith.constant 0 : i32
        %dma_start3A_144 = arith.constant 0 : i32
        %dma_start3A_145 = tpu.memref_slice %arg9[%dma_start3A_142, %dma_start3A_143, %dma_start3A_144] : memref<4x128x64xf32, #tpu.memory_space<vmem>> -> memref<1x128x64xf32, #tpu.memory_space<vmem>>
        %dma_start3A_146 = tpu.memref_squeeze %dma_start3A_145 : memref<1x128x64xf32, #tpu.memory_space<vmem>> -> memref<128x64xf32, #tpu.memory_space<vmem>>
        %dma_start3A_147 = arith.constant 0 : i32
        %dma_start3A_148 = tpu.memref_slice %arg7[%add3A_141, %dma_start3A_147] : memref<80x128xi32, #tpu.memory_space<vmem>> -> memref<1x128xi32, #tpu.memory_space<vmem>>
        %dma_start3A_149 = tpu.memref_squeeze %dma_start3A_148 : memref<1x128xi32, #tpu.memory_space<vmem>> -> memref<128xi32, #tpu.memory_space<vmem>>
        %dma_start3A_150 = arith.constant 0 : i32
        %dma_start3A_151 = arith.constant 0 : i32
        %dma_start3A_152 = tpu.memref_slice %arg2[%dma_start3A_150, %dma_start3A_151] : memref<10000x64xf32, #tpu.memory_space<hbm>> -> memref<10000x64xf32, #tpu.memory_space<hbm>>
        tpu.enqueue_indirect_dma source(%dma_start3A_152 : memref<10000x64xf32, #tpu.memory_space<hbm>>) target(%dma_start3A_146 : memref<128x64xf32, #tpu.memory_space<vmem>>) offsets(%dma_start3A_149 : memref<128xi32, #tpu.memory_space<vmem>>) semaphore(%arg14 : memref<!tpu.dma_semaphore, #tpu.memory_space<semaphore_mem>>)
      } else {
      }
      %mul3A_96 = arith.constant 4 : i32
      %mul3A_97 = arith.muli %mul3A_96, %while3A_56 : i32
      %add3A_98 = arith.constant 2 : i32
      %add3A_99 = arith.addi %mul3A_97, %add3A_98 : i32
      %dma_wait3A_100 = arith.constant 2 : i32
      %dma_wait3A_101 = arith.constant 0 : i32
      %dma_wait3A_102 = arith.constant 0 : i32
      %dma_wait3A_103 = tpu.memref_slice %arg9[%dma_wait3A_100, %dma_wait3A_101, %dma_wait3A_102] : memref<4x128x64xf32, #tpu.memory_space<vmem>> -> memref<1x128x64xf32, #tpu.memory_space<vmem>>
      %dma_wait3A_104 = tpu.memref_squeeze %dma_wait3A_103 : memref<1x128x64xf32, #tpu.memory_space<vmem>> -> memref<128x64xf32, #tpu.memory_space<vmem>>
      %dma_wait3A_105 = arith.constant 0 : i32
      %dma_wait3A_106 = tpu.memref_slice %arg7[%add3A_99, %dma_wait3A_105] : memref<80x128xi32, #tpu.memory_space<vmem>> -> memref<1x128xi32, #tpu.memory_space<vmem>>
      %dma_wait3A_107 = tpu.memref_squeeze %dma_wait3A_106 : memref<1x128xi32, #tpu.memory_space<vmem>> -> memref<128xi32, #tpu.memory_space<vmem>>
      %dma_wait3A_108 = arith.constant 0 : i32
      %dma_wait3A_109 = arith.constant 0 : i32
      %dma_wait3A_110 = tpu.memref_slice %arg2[%dma_wait3A_108, %dma_wait3A_109] : memref<10000x64xf32, #tpu.memory_space<hbm>> -> memref<10000x64xf32, #tpu.memory_space<hbm>>
      tpu.wait_indirect_dma semaphore(%arg13 : memref<!tpu.dma_semaphore, #tpu.memory_space<semaphore_mem>>) src(%dma_wait3A_110 : memref<10000x64xf32, #tpu.memory_space<hbm>>) dst(%dma_wait3A_104 : memref<128x64xf32, #tpu.memory_space<vmem>>)
      %run_scoped3A_111 = arith.constant 2 : i32
      "tpu.region"() ({
        %run_scoped3A_140 = tpu.sem_alloc : memref<!tpu.dma_semaphore, #tpu.memory_space<semaphore_mem>>
        %dma_start3A_141 = arith.constant 0 : i32
        %dma_start3A_142 = arith.constant 0 : i32
        %dma_start3A_143 = tpu.memref_slice %arg9[%run_scoped3A_111, %dma_start3A_141, %dma_start3A_142] : memref<4x128x64xf32, #tpu.memory_space<vmem>> -> memref<1x128x64xf32, #tpu.memory_space<vmem>>
        %dma_start3A_144 = tpu.memref_squeeze %dma_start3A_143 : memref<1x128x64xf32, #tpu.memory_space<vmem>> -> memref<128x64xf32, #tpu.memory_space<vmem>>
        %dma_start3A_145 = arith.constant 0 : i32
        %dma_start3A_146 = tpu.memref_slice %arg8[%add3A_99, %dma_start3A_145] : memref<80x128xi32, #tpu.memory_space<vmem>> -> memref<1x128xi32, #tpu.memory_space<vmem>>
        %dma_start3A_147 = tpu.memref_squeeze %dma_start3A_146 : memref<1x128xi32, #tpu.memory_space<vmem>> -> memref<128xi32, #tpu.memory_space<vmem>>
        %dma_start3A_148 = arith.constant 0 : i32
        %dma_start3A_149 = arith.constant 0 : i32
        %dma_start3A_150 = tpu.memref_slice %arg10[%dma_start3A_148, %dma_start3A_149] : memref<10112x64xf32, #tpu.memory_space<vmem_shared>> -> memref<10112x64xf32, #tpu.memory_space<vmem_shared>>
        tpu.enqueue_indirect_dma source(%dma_start3A_144 : memref<128x64xf32, #tpu.memory_space<vmem>>) target(%dma_start3A_150 : memref<10112x64xf32, #tpu.memory_space<vmem_shared>>) offsets(%dma_start3A_147 : memref<128xi32, #tpu.memory_space<vmem>>) semaphore(%run_scoped3A_140 : memref<!tpu.dma_semaphore, #tpu.memory_space<semaphore_mem>>) {add = true}
        %dma_wait3A_151 = arith.constant 0 : i32
        %dma_wait3A_152 = arith.constant 0 : i32
        %dma_wait3A_153 = tpu.memref_slice %arg9[%run_scoped3A_111, %dma_wait3A_151, %dma_wait3A_152] : memref<4x128x64xf32, #tpu.memory_space<vmem>> -> memref<1x128x64xf32, #tpu.memory_space<vmem>>
        %dma_wait3A_154 = tpu.memref_squeeze %dma_wait3A_153 : memref<1x128x64xf32, #tpu.memory_space<vmem>> -> memref<128x64xf32, #tpu.memory_space<vmem>>
        %dma_wait3A_155 = arith.constant 0 : i32
        %dma_wait3A_156 = tpu.memref_slice %arg8[%add3A_99, %dma_wait3A_155] : memref<80x128xi32, #tpu.memory_space<vmem>> -> memref<1x128xi32, #tpu.memory_space<vmem>>
        %dma_wait3A_157 = tpu.memref_squeeze %dma_wait3A_156 : memref<1x128xi32, #tpu.memory_space<vmem>> -> memref<128xi32, #tpu.memory_space<vmem>>
        %dma_wait3A_158 = arith.constant 0 : i32
        %dma_wait3A_159 = arith.constant 0 : i32
        %dma_wait3A_160 = tpu.memref_slice %arg10[%dma_wait3A_158, %dma_wait3A_159] : memref<10112x64xf32, #tpu.memory_space<vmem_shared>> -> memref<10112x64xf32, #tpu.memory_space<vmem_shared>>
        tpu.wait_indirect_dma semaphore(%run_scoped3A_140 : memref<!tpu.dma_semaphore, #tpu.memory_space<semaphore_mem>>) src(%dma_wait3A_154 : memref<128x64xf32, #tpu.memory_space<vmem>>) dst(%dma_wait3A_160 : memref<10112x64xf32, #tpu.memory_space<vmem_shared>>)
        tpu.yield
      }) : () -> ()
      %add3A_112 = arith.constant 2 : i32
      %add3A_113 = arith.addi %add3A_99, %add3A_112 : i32
      %lt3A_114 = arith.cmpi slt, %add3A_113, %select_n3A : i32
      %convert_element_type3A_115 = arith.extui %lt3A_114 : i1 to i32
      %cond3A_116 = arith.constant 0 : i32
      %cond3A_117 = arith.cmpi ne, %convert_element_type3A_115, %cond3A_116 : i32
      scf.if %cond3A_117 {
        %add3A_140 = arith.constant 2 : i32
        %add3A_141 = arith.addi %add3A_99, %add3A_140 : i32
        %dma_start3A_142 = arith.constant 0 : i32
        %dma_start3A_143 = arith.constant 0 : i32
        %dma_start3A_144 = arith.constant 0 : i32
        %dma_start3A_145 = tpu.memref_slice %arg9[%dma_start3A_142, %dma_start3A_143, %dma_start3A_144] : memref<4x128x64xf32, #tpu.memory_space<vmem>> -> memref<1x128x64xf32, #tpu.memory_space<vmem>>
        %dma_start3A_146 = tpu.memref_squeeze %dma_start3A_145 : memref<1x128x64xf32, #tpu.memory_space<vmem>> -> memref<128x64xf32, #tpu.memory_space<vmem>>
        %dma_start3A_147 = arith.constant 0 : i32
        %dma_start3A_148 = tpu.memref_slice %arg7[%add3A_141, %dma_start3A_147] : memref<80x128xi32, #tpu.memory_space<vmem>> -> memref<1x128xi32, #tpu.memory_space<vmem>>
        %dma_start3A_149 = tpu.memref_squeeze %dma_start3A_148 : memref<1x128xi32, #tpu.memory_space<vmem>> -> memref<128xi32, #tpu.memory_space<vmem>>
        %dma_start3A_150 = arith.constant 0 : i32
        %dma_start3A_151 = arith.constant 0 : i32
        %dma_start3A_152 = tpu.memref_slice %arg2[%dma_start3A_150, %dma_start3A_151] : memref<10000x64xf32, #tpu.memory_space<hbm>> -> memref<10000x64xf32, #tpu.memory_space<hbm>>
        tpu.enqueue_indirect_dma source(%dma_start3A_152 : memref<10000x64xf32, #tpu.memory_space<hbm>>) target(%dma_start3A_146 : memref<128x64xf32, #tpu.memory_space<vmem>>) offsets(%dma_start3A_149 : memref<128xi32, #tpu.memory_space<vmem>>) semaphore(%arg11 : memref<!tpu.dma_semaphore, #tpu.memory_space<semaphore_mem>>)
      } else {
      }
      %mul3A_118 = arith.constant 4 : i32
      %mul3A_119 = arith.muli %mul3A_118, %while3A_56 : i32
      %add3A_120 = arith.constant 3 : i32
      %add3A_121 = arith.addi %mul3A_119, %add3A_120 : i32
      %dma_wait3A_122 = arith.constant 3 : i32
      %dma_wait3A_123 = arith.constant 0 : i32
      %dma_wait3A_124 = arith.constant 0 : i32
      %dma_wait3A_125 = tpu.memref_slice %arg9[%dma_wait3A_122, %dma_wait3A_123, %dma_wait3A_124] : memref<4x128x64xf32, #tpu.memory_space<vmem>> -> memref<1x128x64xf32, #tpu.memory_space<vmem>>
      %dma_wait3A_126 = tpu.memref_squeeze %dma_wait3A_125 : memref<1x128x64xf32, #tpu.memory_space<vmem>> -> memref<128x64xf32, #tpu.memory_space<vmem>>
      %dma_wait3A_127 = arith.constant 0 : i32
      %dma_wait3A_128 = tpu.memref_slice %arg7[%add3A_121, %dma_wait3A_127] : memref<80x128xi32, #tpu.memory_space<vmem>> -> memref<1x128xi32, #tpu.memory_space<vmem>>
      %dma_wait3A_129 = tpu.memref_squeeze %dma_wait3A_128 : memref<1x128xi32, #tpu.memory_space<vmem>> -> memref<128xi32, #tpu.memory_space<vmem>>
      %dma_wait3A_130 = arith.constant 0 : i32
      %dma_wait3A_131 = arith.constant 0 : i32
      %dma_wait3A_132 = tpu.memref_slice %arg2[%dma_wait3A_130, %dma_wait3A_131] : memref<10000x64xf32, #tpu.memory_space<hbm>> -> memref<10000x64xf32, #tpu.memory_space<hbm>>
      tpu.wait_indirect_dma semaphore(%arg14 : memref<!tpu.dma_semaphore, #tpu.memory_space<semaphore_mem>>) src(%dma_wait3A_132 : memref<10000x64xf32, #tpu.memory_space<hbm>>) dst(%dma_wait3A_126 : memref<128x64xf32, #tpu.memory_space<vmem>>)
      %run_scoped3A_133 = arith.constant 3 : i32
      "tpu.region"() ({
        %run_scoped3A_140 = tpu.sem_alloc : memref<!tpu.dma_semaphore, #tpu.memory_space<semaphore_mem>>
        %dma_start3A_141 = arith.constant 0 : i32
        %dma_start3A_142 = arith.constant 0 : i32
        %dma_start3A_143 = tpu.memref_slice %arg9[%run_scoped3A_133, %dma_start3A_141, %dma_start3A_142] : memref<4x128x64xf32, #tpu.memory_space<vmem>> -> memref<1x128x64xf32, #tpu.memory_space<vmem>>
        %dma_start3A_144 = tpu.memref_squeeze %dma_start3A_143 : memref<1x128x64xf32, #tpu.memory_space<vmem>> -> memref<128x64xf32, #tpu.memory_space<vmem>>
        %dma_start3A_145 = arith.constant 0 : i32
        %dma_start3A_146 = tpu.memref_slice %arg8[%add3A_121, %dma_start3A_145] : memref<80x128xi32, #tpu.memory_space<vmem>> -> memref<1x128xi32, #tpu.memory_space<vmem>>
        %dma_start3A_147 = tpu.memref_squeeze %dma_start3A_146 : memref<1x128xi32, #tpu.memory_space<vmem>> -> memref<128xi32, #tpu.memory_space<vmem>>
        %dma_start3A_148 = arith.constant 0 : i32
        %dma_start3A_149 = arith.constant 0 : i32
        %dma_start3A_150 = tpu.memref_slice %arg10[%dma_start3A_148, %dma_start3A_149] : memref<10112x64xf32, #tpu.memory_space<vmem_shared>> -> memref<10112x64xf32, #tpu.memory_space<vmem_shared>>
        tpu.enqueue_indirect_dma source(%dma_start3A_144 : memref<128x64xf32, #tpu.memory_space<vmem>>) target(%dma_start3A_150 : memref<10112x64xf32, #tpu.memory_space<vmem_shared>>) offsets(%dma_start3A_147 : memref<128xi32, #tpu.memory_space<vmem>>) semaphore(%run_scoped3A_140 : memref<!tpu.dma_semaphore, #tpu.memory_space<semaphore_mem>>) {add = true}
        %dma_wait3A_151 = arith.constant 0 : i32
        %dma_wait3A_152 = arith.constant 0 : i32
        %dma_wait3A_153 = tpu.memref_slice %arg9[%run_scoped3A_133, %dma_wait3A_151, %dma_wait3A_152] : memref<4x128x64xf32, #tpu.memory_space<vmem>> -> memref<1x128x64xf32, #tpu.memory_space<vmem>>
        %dma_wait3A_154 = tpu.memref_squeeze %dma_wait3A_153 : memref<1x128x64xf32, #tpu.memory_space<vmem>> -> memref<128x64xf32, #tpu.memory_space<vmem>>
        %dma_wait3A_155 = arith.constant 0 : i32
        %dma_wait3A_156 = tpu.memref_slice %arg8[%add3A_121, %dma_wait3A_155] : memref<80x128xi32, #tpu.memory_space<vmem>> -> memref<1x128xi32, #tpu.memory_space<vmem>>
        %dma_wait3A_157 = tpu.memref_squeeze %dma_wait3A_156 : memref<1x128xi32, #tpu.memory_space<vmem>> -> memref<128xi32, #tpu.memory_space<vmem>>
        %dma_wait3A_158 = arith.constant 0 : i32
        %dma_wait3A_159 = arith.constant 0 : i32
        %dma_wait3A_160 = tpu.memref_slice %arg10[%dma_wait3A_158, %dma_wait3A_159] : memref<10112x64xf32, #tpu.memory_space<vmem_shared>> -> memref<10112x64xf32, #tpu.memory_space<vmem_shared>>
        tpu.wait_indirect_dma semaphore(%run_scoped3A_140 : memref<!tpu.dma_semaphore, #tpu.memory_space<semaphore_mem>>) src(%dma_wait3A_154 : memref<128x64xf32, #tpu.memory_space<vmem>>) dst(%dma_wait3A_160 : memref<10112x64xf32, #tpu.memory_space<vmem_shared>>)
        tpu.yield
      }) : () -> ()
      %add3A_134 = arith.constant 2 : i32
      %add3A_135 = arith.addi %add3A_121, %add3A_134 : i32
      %lt3A_136 = arith.cmpi slt, %add3A_135, %select_n3A : i32
      %convert_element_type3A_137 = arith.extui %lt3A_136 : i1 to i32
      %cond3A_138 = arith.constant 0 : i32
      %cond3A_139 = arith.cmpi ne, %convert_element_type3A_137, %cond3A_138 : i32
      scf.if %cond3A_139 {
        %add3A_140 = arith.constant 2 : i32
        %add3A_141 = arith.addi %add3A_121, %add3A_140 : i32
        %dma_start3A_142 = arith.constant 1 : i32
        %dma_start3A_143 = arith.constant 0 : i32
        %dma_start3A_144 = arith.constant 0 : i32
        %dma_start3A_145 = tpu.memref_slice %arg9[%dma_start3A_142, %dma_start3A_143, %dma_start3A_144] : memref<4x128x64xf32, #tpu.memory_space<vmem>> -> memref<1x128x64xf32, #tpu.memory_space<vmem>>
        %dma_start3A_146 = tpu.memref_squeeze %dma_start3A_145 : memref<1x128x64xf32, #tpu.memory_space<vmem>> -> memref<128x64xf32, #tpu.memory_space<vmem>>
        %dma_start3A_147 = arith.constant 0 : i32
        %dma_start3A_148 = tpu.memref_slice %arg7[%add3A_141, %dma_start3A_147] : memref<80x128xi32, #tpu.memory_space<vmem>> -> memref<1x128xi32, #tpu.memory_space<vmem>>
        %dma_start3A_149 = tpu.memref_squeeze %dma_start3A_148 : memref<1x128xi32, #tpu.memory_space<vmem>> -> memref<128xi32, #tpu.memory_space<vmem>>
        %dma_start3A_150 = arith.constant 0 : i32
        %dma_start3A_151 = arith.constant 0 : i32
        %dma_start3A_152 = tpu.memref_slice %arg2[%dma_start3A_150, %dma_start3A_151] : memref<10000x64xf32, #tpu.memory_space<hbm>> -> memref<10000x64xf32, #tpu.memory_space<hbm>>
        tpu.enqueue_indirect_dma source(%dma_start3A_152 : memref<10000x64xf32, #tpu.memory_space<hbm>>) target(%dma_start3A_146 : memref<128x64xf32, #tpu.memory_space<vmem>>) offsets(%dma_start3A_149 : memref<128xi32, #tpu.memory_space<vmem>>) semaphore(%arg12 : memref<!tpu.dma_semaphore, #tpu.memory_space<semaphore_mem>>)
      } else {
      }
    }
    %barrier3A_55 = arith.constant 0 : index
    tpu.barrier barrier_id(%barrier3A_55)
    "tpu.region"() ({
      %run_scoped3A = tpu.sem_alloc : memref<!tpu.dma_semaphore, #tpu.memory_space<semaphore_mem>>
      %dma_start3A_56 = arith.constant 0 : i32
      %dma_start3A_57 = arith.constant 0 : i32
      %dma_start3A_58 = tpu.memref_slice %arg6[%arg0, %dma_start3A_56, %dma_start3A_57] : memref<2x10112x64xf32, #tpu.memory_space<hbm>> -> memref<1x10112x64xf32, #tpu.memory_space<hbm>>
      %dma_start3A_59 = tpu.memref_squeeze %dma_start3A_58 : memref<1x10112x64xf32, #tpu.memory_space<hbm>> -> memref<10112x64xf32, #tpu.memory_space<hbm>>
      %dma_start3A_60 = arith.constant 0 : i32
      %dma_start3A_61 = tpu.memref_slice %dma_start3A_59[%mul3A_2, %dma_start3A_60] : memref<10112x64xf32, #tpu.memory_space<hbm>> -> memref<632x64xf32, #tpu.memory_space<hbm>>
      %dma_start3A_62 = arith.constant 0 : i32
      %dma_start3A_63 = tpu.memref_slice %arg10[%mul3A_2, %dma_start3A_62] : memref<10112x64xf32, #tpu.memory_space<vmem_shared>> -> memref<632x64xf32, #tpu.memory_space<vmem_shared>>
      tpu.enqueue_dma source(%dma_start3A_63 : memref<632x64xf32, #tpu.memory_space<vmem_shared>>) target(%dma_start3A_61 : memref<632x64xf32, #tpu.memory_space<hbm>>) target_semaphore(%run_scoped3A : memref<!tpu.dma_semaphore, #tpu.memory_space<semaphore_mem>>)
      %dma_wait3A = arith.constant 0 : i32
      %dma_wait3A_64 = arith.constant 0 : i32
      %dma_wait3A_65 = tpu.memref_slice %arg6[%arg0, %dma_wait3A, %dma_wait3A_64] : memref<2x10112x64xf32, #tpu.memory_space<hbm>> -> memref<1x10112x64xf32, #tpu.memory_space<hbm>>
      %dma_wait3A_66 = tpu.memref_squeeze %dma_wait3A_65 : memref<1x10112x64xf32, #tpu.memory_space<hbm>> -> memref<10112x64xf32, #tpu.memory_space<hbm>>
      %dma_wait3A_67 = arith.constant 0 : i32
      %dma_wait3A_68 = tpu.memref_slice %dma_wait3A_66[%mul3A_2, %dma_wait3A_67] : memref<10112x64xf32, #tpu.memory_space<hbm>> -> memref<632x64xf32, #tpu.memory_space<hbm>>
      %dma_wait3A_69 = arith.constant 0 : i32
      %dma_wait3A_70 = tpu.memref_slice %arg10[%mul3A_2, %dma_wait3A_69] : memref<10112x64xf32, #tpu.memory_space<vmem_shared>> -> memref<632x64xf32, #tpu.memory_space<vmem_shared>>
      tpu.wait_dma2 semaphore(%run_scoped3A : memref<!tpu.dma_semaphore, #tpu.memory_space<semaphore_mem>>) src(%dma_wait3A_70 : memref<632x64xf32, #tpu.memory_space<vmem_shared>>) dst(%dma_wait3A_68 : memref<632x64xf32, #tpu.memory_space<hbm>>)
      tpu.yield
    }) : () -> ()
    return
  }
}

#map = affine_map<(d0, d1) -> (0, 0, 0)>
#map1 = affine_map<(d0, d1) -> (0)>
#map2 = affine_map<(d0, d1) -> (0, 0)>
module attributes {stable_mosaic.version = 14 : i64} {
  func.func @_deg_sc(%arg0: i32, %arg1: i32, %arg2: memref<32x80x128xi32, #tpu.memory_space<hbm>>, %arg3: memref<10112xf32, #tpu.memory_space<hbm>>, %arg4: memref<32x10112xf32, #tpu.memory_space<hbm>>, %arg5: memref<80x128xi32, #tpu.memory_space<vmem>>, %arg6: memref<10112xf32, #tpu.memory_space<vmem>>) attributes {dimension_semantics = [#tpu.dimension_semantics<core_parallel>, #tpu.dimension_semantics<subcore_parallel>], iteration_bounds = array<i64: 2, 16>, scalar_prefetch = 0 : i64, scratch_operands = 2 : i64, tpu.core_type = #tpu.core_type<sc_vector_subcore>, window_params = [{transform_indices = #map}, {transform_indices = #map1}, {transform_indices = #map2}]} {
    %mul3A = arith.constant 16 : i32
    %mul3A_0 = arith.muli %arg0, %mul3A : i32
    %add3A = arith.addi %mul3A_0, %arg1 : i32
    "tpu.region"() ({
      %run_scoped3A = tpu.sem_alloc : memref<!tpu.dma_semaphore, #tpu.memory_space<semaphore_mem>>
      tpu.enqueue_dma source(%arg3 : memref<10112xf32, #tpu.memory_space<hbm>>) target(%arg6 : memref<10112xf32, #tpu.memory_space<vmem>>) target_semaphore(%run_scoped3A : memref<!tpu.dma_semaphore, #tpu.memory_space<semaphore_mem>>)
      tpu.wait_dma2 semaphore(%run_scoped3A : memref<!tpu.dma_semaphore, #tpu.memory_space<semaphore_mem>>) src(%arg3 : memref<10112xf32, #tpu.memory_space<hbm>>) dst(%arg6 : memref<10112xf32, #tpu.memory_space<vmem>>)
      tpu.yield
    }) : () -> ()
    "tpu.region"() ({
      %run_scoped3A = tpu.sem_alloc : memref<!tpu.dma_semaphore, #tpu.memory_space<semaphore_mem>>
      %dma_start3A = arith.constant 0 : i32
      %dma_start3A_13 = arith.constant 0 : i32
      %dma_start3A_14 = tpu.memref_slice %arg2[%add3A, %dma_start3A, %dma_start3A_13] : memref<32x80x128xi32, #tpu.memory_space<hbm>> -> memref<1x80x128xi32, #tpu.memory_space<hbm>>
      %dma_start3A_15 = tpu.memref_squeeze %dma_start3A_14 : memref<1x80x128xi32, #tpu.memory_space<hbm>> -> memref<80x128xi32, #tpu.memory_space<hbm>>
      %dma_start3A_16 = arith.constant 0 : i32
      %dma_start3A_17 = arith.constant 0 : i32
      %dma_start3A_18 = tpu.memref_slice %arg2[%add3A, %dma_start3A_16, %dma_start3A_17] : memref<32x80x128xi32, #tpu.memory_space<hbm>> -> memref<1x80x128xi32, #tpu.memory_space<hbm>>
      %dma_start3A_19 = tpu.memref_squeeze %dma_start3A_18 : memref<1x80x128xi32, #tpu.memory_space<hbm>> -> memref<80x128xi32, #tpu.memory_space<hbm>>
      tpu.enqueue_dma source(%dma_start3A_19 : memref<80x128xi32, #tpu.memory_space<hbm>>) target(%arg5 : memref<80x128xi32, #tpu.memory_space<vmem>>) target_semaphore(%run_scoped3A : memref<!tpu.dma_semaphore, #tpu.memory_space<semaphore_mem>>)
      %dma_wait3A = arith.constant 0 : i32
      %dma_wait3A_20 = arith.constant 0 : i32
      %dma_wait3A_21 = tpu.memref_slice %arg2[%add3A, %dma_wait3A, %dma_wait3A_20] : memref<32x80x128xi32, #tpu.memory_space<hbm>> -> memref<1x80x128xi32, #tpu.memory_space<hbm>>
      %dma_wait3A_22 = tpu.memref_squeeze %dma_wait3A_21 : memref<1x80x128xi32, #tpu.memory_space<hbm>> -> memref<80x128xi32, #tpu.memory_space<hbm>>
      %dma_wait3A_23 = arith.constant 0 : i32
      %dma_wait3A_24 = arith.constant 0 : i32
      %dma_wait3A_25 = tpu.memref_slice %arg2[%add3A, %dma_wait3A_23, %dma_wait3A_24] : memref<32x80x128xi32, #tpu.memory_space<hbm>> -> memref<1x80x128xi32, #tpu.memory_space<hbm>>
      %dma_wait3A_26 = tpu.memref_squeeze %dma_wait3A_25 : memref<1x80x128xi32, #tpu.memory_space<hbm>> -> memref<80x128xi32, #tpu.memory_space<hbm>>
      tpu.wait_dma2 semaphore(%run_scoped3A : memref<!tpu.dma_semaphore, #tpu.memory_space<semaphore_mem>>) src(%dma_wait3A_26 : memref<80x128xi32, #tpu.memory_space<hbm>>) dst(%arg5 : memref<80x128xi32, #tpu.memory_space<vmem>>)
      tpu.yield
    }) : () -> ()
    %broadcast_in_dim3A = arith.constant 1.000000e+00 : f32
    %broadcast_in_dim3A_1 = vector.broadcast %broadcast_in_dim3A : f32 to vector<16xf32>
    %eq3A = arith.constant 31 : i32
    %eq3A_2 = arith.cmpi eq, %add3A, %eq3A : i32
    %jit3A = arith.constant 20 : i32
    %jit3A_3 = arith.constant 80 : i32
    %select_n3A = arith.select %eq3A_2, %jit3A, %jit3A_3 : i32
    %while3A = arith.constant 0 : i32
    %while3A_4 = arith.constant 0 : i32
    %while3A_5 = arith.subi %select_n3A, %while3A_4 : i32
    %while3A_6 = arith.addi %while3A_4, %while3A_5 : i32
    %while3A_7 = arith.constant 1 : i32
    %while3A_8 = arith.divsi %while3A_5, %while3A_7 : i32
    %while3A_9 = arith.muli %while3A_8, %while3A_7 : i32
    %while3A_10 = arith.addi %while3A_4, %while3A_9 : i32
    %while3A_11 = arith.constant 1 : i32
    scf.for %while3A_13 = %while3A_4 to %while3A_10 step %while3A_11  : i32 {
      %get3A = arith.index_cast %while3A_13 : i32 to index
      %get3A_14 = arith.constant 0 : index
      %get3A_15 = tpu.vector_load %arg5[%get3A, %get3A_14] {strides = array<i32>} : memref<80x128xi32, #tpu.memory_space<vmem>>, vector<16xi32>,
      tpu.vector_store_idx %arg6[%get3A_15], %broadcast_in_dim3A_1 {add = true} : memref<10112xf32, #tpu.memory_space<vmem>>[vector<16xi32>], vector<16xf32>,
      %get3A_16 = arith.index_cast %while3A_13 : i32 to index
      %get3A_17 = arith.constant 16 : index
      %get3A_18 = tpu.vector_load %arg5[%get3A_16, %get3A_17] {strides = array<i32>} : memref<80x128xi32, #tpu.memory_space<vmem>>, vector<16xi32>,
      tpu.vector_store_idx %arg6[%get3A_18], %broadcast_in_dim3A_1 {add = true} : memref<10112xf32, #tpu.memory_space<vmem>>[vector<16xi32>], vector<16xf32>,
      %get3A_19 = arith.index_cast %while3A_13 : i32 to index
      %get3A_20 = arith.constant 32 : index
      %get3A_21 = tpu.vector_load %arg5[%get3A_19, %get3A_20] {strides = array<i32>} : memref<80x128xi32, #tpu.memory_space<vmem>>, vector<16xi32>,
      tpu.vector_store_idx %arg6[%get3A_21], %broadcast_in_dim3A_1 {add = true} : memref<10112xf32, #tpu.memory_space<vmem>>[vector<16xi32>], vector<16xf32>,
      %get3A_22 = arith.index_cast %while3A_13 : i32 to index
      %get3A_23 = arith.constant 48 : index
      %get3A_24 = tpu.vector_load %arg5[%get3A_22, %get3A_23] {strides = array<i32>} : memref<80x128xi32, #tpu.memory_space<vmem>>, vector<16xi32>,
      tpu.vector_store_idx %arg6[%get3A_24], %broadcast_in_dim3A_1 {add = true} : memref<10112xf32, #tpu.memory_space<vmem>>[vector<16xi32>], vector<16xf32>,
      %get3A_25 = arith.index_cast %while3A_13 : i32 to index
      %get3A_26 = arith.constant 64 : index
      %get3A_27 = tpu.vector_load %arg5[%get3A_25, %get3A_26] {strides = array<i32>} : memref<80x128xi32, #tpu.memory_space<vmem>>, vector<16xi32>,
      tpu.vector_store_idx %arg6[%get3A_27], %broadcast_in_dim3A_1 {add = true} : memref<10112xf32, #tpu.memory_space<vmem>>[vector<16xi32>], vector<16xf32>,
      %get3A_28 = arith.index_cast %while3A_13 : i32 to index
      %get3A_29 = arith.constant 80 : index
      %get3A_30 = tpu.vector_load %arg5[%get3A_28, %get3A_29] {strides = array<i32>} : memref<80x128xi32, #tpu.memory_space<vmem>>, vector<16xi32>,
      tpu.vector_store_idx %arg6[%get3A_30], %broadcast_in_dim3A_1 {add = true} : memref<10112xf32, #tpu.memory_space<vmem>>[vector<16xi32>], vector<16xf32>,
      %get3A_31 = arith.index_cast %while3A_13 : i32 to index
      %get3A_32 = arith.constant 96 : index
      %get3A_33 = tpu.vector_load %arg5[%get3A_31, %get3A_32] {strides = array<i32>} : memref<80x128xi32, #tpu.memory_space<vmem>>, vector<16xi32>,
      tpu.vector_store_idx %arg6[%get3A_33], %broadcast_in_dim3A_1 {add = true} : memref<10112xf32, #tpu.memory_space<vmem>>[vector<16xi32>], vector<16xf32>,
      %get3A_34 = arith.index_cast %while3A_13 : i32 to index
      %get3A_35 = arith.constant 112 : index
      %get3A_36 = tpu.vector_load %arg5[%get3A_34, %get3A_35] {strides = array<i32>} : memref<80x128xi32, #tpu.memory_space<vmem>>, vector<16xi32>,
      tpu.vector_store_idx %arg6[%get3A_36], %broadcast_in_dim3A_1 {add = true} : memref<10112xf32, #tpu.memory_space<vmem>>[vector<16xi32>], vector<16xf32>,
    }
    %while3A_12 = arith.constant 1 : i32
    scf.for %while3A_13 = %while3A_10 to %while3A_6 step %while3A_12  : i32 {
      %get3A = arith.index_cast %while3A_13 : i32 to index
      %get3A_14 = arith.constant 0 : index
      %get3A_15 = tpu.vector_load %arg5[%get3A, %get3A_14] {strides = array<i32>} : memref<80x128xi32, #tpu.memory_space<vmem>>, vector<16xi32>,
      tpu.vector_store_idx %arg6[%get3A_15], %broadcast_in_dim3A_1 {add = true} : memref<10112xf32, #tpu.memory_space<vmem>>[vector<16xi32>], vector<16xf32>,
      %get3A_16 = arith.index_cast %while3A_13 : i32 to index
      %get3A_17 = arith.constant 16 : index
      %get3A_18 = tpu.vector_load %arg5[%get3A_16, %get3A_17] {strides = array<i32>} : memref<80x128xi32, #tpu.memory_space<vmem>>, vector<16xi32>,
      tpu.vector_store_idx %arg6[%get3A_18], %broadcast_in_dim3A_1 {add = true} : memref<10112xf32, #tpu.memory_space<vmem>>[vector<16xi32>], vector<16xf32>,
      %get3A_19 = arith.index_cast %while3A_13 : i32 to index
      %get3A_20 = arith.constant 32 : index
      %get3A_21 = tpu.vector_load %arg5[%get3A_19, %get3A_20] {strides = array<i32>} : memref<80x128xi32, #tpu.memory_space<vmem>>, vector<16xi32>,
      tpu.vector_store_idx %arg6[%get3A_21], %broadcast_in_dim3A_1 {add = true} : memref<10112xf32, #tpu.memory_space<vmem>>[vector<16xi32>], vector<16xf32>,
      %get3A_22 = arith.index_cast %while3A_13 : i32 to index
      %get3A_23 = arith.constant 48 : index
      %get3A_24 = tpu.vector_load %arg5[%get3A_22, %get3A_23] {strides = array<i32>} : memref<80x128xi32, #tpu.memory_space<vmem>>, vector<16xi32>,
      tpu.vector_store_idx %arg6[%get3A_24], %broadcast_in_dim3A_1 {add = true} : memref<10112xf32, #tpu.memory_space<vmem>>[vector<16xi32>], vector<16xf32>,
      %get3A_25 = arith.index_cast %while3A_13 : i32 to index
      %get3A_26 = arith.constant 64 : index
      %get3A_27 = tpu.vector_load %arg5[%get3A_25, %get3A_26] {strides = array<i32>} : memref<80x128xi32, #tpu.memory_space<vmem>>, vector<16xi32>,
      tpu.vector_store_idx %arg6[%get3A_27], %broadcast_in_dim3A_1 {add = true} : memref<10112xf32, #tpu.memory_space<vmem>>[vector<16xi32>], vector<16xf32>,
      %get3A_28 = arith.index_cast %while3A_13 : i32 to index
      %get3A_29 = arith.constant 80 : index
      %get3A_30 = tpu.vector_load %arg5[%get3A_28, %get3A_29] {strides = array<i32>} : memref<80x128xi32, #tpu.memory_space<vmem>>, vector<16xi32>,
      tpu.vector_store_idx %arg6[%get3A_30], %broadcast_in_dim3A_1 {add = true} : memref<10112xf32, #tpu.memory_space<vmem>>[vector<16xi32>], vector<16xf32>,
      %get3A_31 = arith.index_cast %while3A_13 : i32 to index
      %get3A_32 = arith.constant 96 : index
      %get3A_33 = tpu.vector_load %arg5[%get3A_31, %get3A_32] {strides = array<i32>} : memref<80x128xi32, #tpu.memory_space<vmem>>, vector<16xi32>,
      tpu.vector_store_idx %arg6[%get3A_33], %broadcast_in_dim3A_1 {add = true} : memref<10112xf32, #tpu.memory_space<vmem>>[vector<16xi32>], vector<16xf32>,
      %get3A_34 = arith.index_cast %while3A_13 : i32 to index
      %get3A_35 = arith.constant 112 : index
      %get3A_36 = tpu.vector_load %arg5[%get3A_34, %get3A_35] {strides = array<i32>} : memref<80x128xi32, #tpu.memory_space<vmem>>, vector<16xi32>,
      tpu.vector_store_idx %arg6[%get3A_36], %broadcast_in_dim3A_1 {add = true} : memref<10112xf32, #tpu.memory_space<vmem>>[vector<16xi32>], vector<16xf32>,
    }
    "tpu.region"() ({
      %run_scoped3A = tpu.sem_alloc : memref<!tpu.dma_semaphore, #tpu.memory_space<semaphore_mem>>
      %dma_start3A = arith.constant 0 : i32
      %dma_start3A_13 = tpu.memref_slice %arg4[%add3A, %dma_start3A] : memref<32x10112xf32, #tpu.memory_space<hbm>> -> memref<1x10112xf32, #tpu.memory_space<hbm>>
      %dma_start3A_14 = tpu.memref_squeeze %dma_start3A_13 : memref<1x10112xf32, #tpu.memory_space<hbm>> -> memref<10112xf32, #tpu.memory_space<hbm>>
      %dma_start3A_15 = arith.constant 0 : i32
      %dma_start3A_16 = tpu.memref_slice %arg4[%add3A, %dma_start3A_15] : memref<32x10112xf32, #tpu.memory_space<hbm>> -> memref<1x10112xf32, #tpu.memory_space<hbm>>
      %dma_start3A_17 = tpu.memref_squeeze %dma_start3A_16 : memref<1x10112xf32, #tpu.memory_space<hbm>> -> memref<10112xf32, #tpu.memory_space<hbm>>
      tpu.enqueue_dma source(%arg6 : memref<10112xf32, #tpu.memory_space<vmem>>) target(%dma_start3A_17 : memref<10112xf32, #tpu.memory_space<hbm>>) target_semaphore(%run_scoped3A : memref<!tpu.dma_semaphore, #tpu.memory_space<semaphore_mem>>)
      %dma_wait3A = arith.constant 0 : i32
      %dma_wait3A_18 = tpu.memref_slice %arg4[%add3A, %dma_wait3A] : memref<32x10112xf32, #tpu.memory_space<hbm>> -> memref<1x10112xf32, #tpu.memory_space<hbm>>
      %dma_wait3A_19 = tpu.memref_squeeze %dma_wait3A_18 : memref<1x10112xf32, #tpu.memory_space<hbm>> -> memref<10112xf32, #tpu.memory_space<hbm>>
      %dma_wait3A_20 = arith.constant 0 : i32
      %dma_wait3A_21 = tpu.memref_slice %arg4[%add3A, %dma_wait3A_20] : memref<32x10112xf32, #tpu.memory_space<hbm>> -> memref<1x10112xf32, #tpu.memory_space<hbm>>
      %dma_wait3A_22 = tpu.memref_squeeze %dma_wait3A_21 : memref<1x10112xf32, #tpu.memory_space<hbm>> -> memref<10112xf32, #tpu.memory_space<hbm>>
      tpu.wait_dma2 semaphore(%run_scoped3A : memref<!tpu.dma_semaphore, #tpu.memory_space<semaphore_mem>>) src(%arg6 : memref<10112xf32, #tpu.memory_space<vmem>>) dst(%dma_wait3A_22 : memref<10112xf32, #tpu.memory_space<hbm>>)
      tpu.yield
    }) : () -> ()
    return
  }
}

#map = affine_map<(d0, d1) -> (0, 0)>
#map1 = affine_map<(d0, d1) -> (0, 0, 0)>
module attributes {stable_mosaic.version = 14 : i64} {
  func.func @_agg_sc(%arg0: i32, %arg1: i32, %arg2: memref<10000x64xf32, #tpu.memory_space<hbm>>, %arg3: memref<32x80x128xi32, #tpu.memory_space<hbm>>, %arg4: memref<32x80x128xi32, #tpu.memory_space<hbm>>, %arg5: memref<632x64xf32, #tpu.memory_space<hbm>>, %arg6: memref<2x10112x64xf32, #tpu.memory_space<hbm>>, %arg7: memref<80x128xi32, #tpu.memory_space<vmem>>, %arg8: memref<80x128xi32, #tpu.memory_space<vmem>>, %arg9: memref<4x128x64xf32, #tpu.memory_space<vmem>>, %arg10: memref<10112x64xf32, #tpu.memory_space<vmem_shared>>, %arg11: memref<!tpu.dma_semaphore, #tpu.memory_space<semaphore_mem>>, %arg12: memref<!tpu.dma_semaphore, #tpu.memory_space<semaphore_mem>>, %arg13: memref<!tpu.dma_semaphore, #tpu.memory_space<semaphore_mem>>, %arg14: memref<!tpu.dma_semaphore, #tpu.memory_space<semaphore_mem>>) attributes {dimension_semantics = [#tpu.dimension_semantics<core_parallel>, #tpu.dimension_semantics<subcore_parallel>], iteration_bounds = array<i64: 2, 16>, scalar_prefetch = 0 : i64, scratch_operands = 8 : i64, tpu.core_type = #tpu.core_type<sc_vector_subcore>, window_params = [{transform_indices = #map}, {transform_indices = #map1}, {transform_indices = #map1}, {transform_indices = #map}, {transform_indices = #map1}]} {
    %mul3A = arith.constant 16 : i32
    %mul3A_0 = arith.muli %arg0, %mul3A : i32
    %add3A = arith.addi %mul3A_0, %arg1 : i32
    %mul3A_1 = arith.constant 632 : i32
    %mul3A_2 = arith.muli %arg1, %mul3A_1 : i32
    "tpu.region"() ({
      %run_scoped3A = tpu.sem_alloc : memref<!tpu.dma_semaphore, #tpu.memory_space<semaphore_mem>>
      %dma_start3A_56 = arith.constant 0 : i32
      %dma_start3A_57 = tpu.memref_slice %arg10[%mul3A_2, %dma_start3A_56] : memref<10112x64xf32, #tpu.memory_space<vmem_shared>> -> memref<632x64xf32, #tpu.memory_space<vmem_shared>>
      tpu.enqueue_dma source(%arg5 : memref<632x64xf32, #tpu.memory_space<hbm>>) target(%dma_start3A_57 : memref<632x64xf32, #tpu.memory_space<vmem_shared>>) target_semaphore(%run_scoped3A : memref<!tpu.dma_semaphore, #tpu.memory_space<semaphore_mem>>)
      %dma_wait3A = arith.constant 0 : i32
      %dma_wait3A_58 = tpu.memref_slice %arg10[%mul3A_2, %dma_wait3A] : memref<10112x64xf32, #tpu.memory_space<vmem_shared>> -> memref<632x64xf32, #tpu.memory_space<vmem_shared>>
      tpu.wait_dma2 semaphore(%run_scoped3A : memref<!tpu.dma_semaphore, #tpu.memory_space<semaphore_mem>>) src(%arg5 : memref<632x64xf32, #tpu.memory_space<hbm>>) dst(%dma_wait3A_58 : memref<632x64xf32, #tpu.memory_space<vmem_shared>>)
      tpu.yield
    }) : () -> ()
    "tpu.region"() ({
      %run_scoped3A = tpu.sem_alloc : memref<!tpu.dma_semaphore, #tpu.memory_space<semaphore_mem>>
      %dma_start3A_56 = arith.constant 0 : i32
      %dma_start3A_57 = arith.constant 0 : i32
      %dma_start3A_58 = tpu.memref_slice %arg3[%add3A, %dma_start3A_56, %dma_start3A_57] : memref<32x80x128xi32, #tpu.memory_space<hbm>> -> memref<1x80x128xi32, #tpu.memory_space<hbm>>
      %dma_start3A_59 = tpu.memref_squeeze %dma_start3A_58 : memref<1x80x128xi32, #tpu.memory_space<hbm>> -> memref<80x128xi32, #tpu.memory_space<hbm>>
      %dma_start3A_60 = arith.constant 0 : i32
      %dma_start3A_61 = arith.constant 0 : i32
      %dma_start3A_62 = tpu.memref_slice %arg3[%add3A, %dma_start3A_60, %dma_start3A_61] : memref<32x80x128xi32, #tpu.memory_space<hbm>> -> memref<1x80x128xi32, #tpu.memory_space<hbm>>
      %dma_start3A_63 = tpu.memref_squeeze %dma_start3A_62 : memref<1x80x128xi32, #tpu.memory_space<hbm>> -> memref<80x128xi32, #tpu.memory_space<hbm>>
      tpu.enqueue_dma source(%dma_start3A_63 : memref<80x128xi32, #tpu.memory_space<hbm>>) target(%arg7 : memref<80x128xi32, #tpu.memory_space<vmem>>) target_semaphore(%run_scoped3A : memref<!tpu.dma_semaphore, #tpu.memory_space<semaphore_mem>>)
      %dma_wait3A = arith.constant 0 : i32
      %dma_wait3A_64 = arith.constant 0 : i32
      %dma_wait3A_65 = tpu.memref_slice %arg3[%add3A, %dma_wait3A, %dma_wait3A_64] : memref<32x80x128xi32, #tpu.memory_space<hbm>> -> memref<1x80x128xi32, #tpu.memory_space<hbm>>
      %dma_wait3A_66 = tpu.memref_squeeze %dma_wait3A_65 : memref<1x80x128xi32, #tpu.memory_space<hbm>> -> memref<80x128xi32, #tpu.memory_space<hbm>>
      %dma_wait3A_67 = arith.constant 0 : i32
      %dma_wait3A_68 = arith.constant 0 : i32
      %dma_wait3A_69 = tpu.memref_slice %arg3[%add3A, %dma_wait3A_67, %dma_wait3A_68] : memref<32x80x128xi32, #tpu.memory_space<hbm>> -> memref<1x80x128xi32, #tpu.memory_space<hbm>>
      %dma_wait3A_70 = tpu.memref_squeeze %dma_wait3A_69 : memref<1x80x128xi32, #tpu.memory_space<hbm>> -> memref<80x128xi32, #tpu.memory_space<hbm>>
      tpu.wait_dma2 semaphore(%run_scoped3A : memref<!tpu.dma_semaphore, #tpu.memory_space<semaphore_mem>>) src(%dma_wait3A_70 : memref<80x128xi32, #tpu.memory_space<hbm>>) dst(%arg7 : memref<80x128xi32, #tpu.memory_space<vmem>>)
      tpu.yield
    }) : () -> ()
    "tpu.region"() ({
      %run_scoped3A = tpu.sem_alloc : memref<!tpu.dma_semaphore, #tpu.memory_space<semaphore_mem>>
      %dma_start3A_56 = arith.constant 0 : i32
      %dma_start3A_57 = arith.constant 0 : i32
      %dma_start3A_58 = tpu.memref_slice %arg4[%add3A, %dma_start3A_56, %dma_start3A_57] : memref<32x80x128xi32, #tpu.memory_space<hbm>> -> memref<1x80x128xi32, #tpu.memory_space<hbm>>
      %dma_start3A_59 = tpu.memref_squeeze %dma_start3A_58 : memref<1x80x128xi32, #tpu.memory_space<hbm>> -> memref<80x128xi32, #tpu.memory_space<hbm>>
      %dma_start3A_60 = arith.constant 0 : i32
      %dma_start3A_61 = arith.constant 0 : i32
      %dma_start3A_62 = tpu.memref_slice %arg4[%add3A, %dma_start3A_60, %dma_start3A_61] : memref<32x80x128xi32, #tpu.memory_space<hbm>> -> memref<1x80x128xi32, #tpu.memory_space<hbm>>
      %dma_start3A_63 = tpu.memref_squeeze %dma_start3A_62 : memref<1x80x128xi32, #tpu.memory_space<hbm>> -> memref<80x128xi32, #tpu.memory_space<hbm>>
      tpu.enqueue_dma source(%dma_start3A_63 : memref<80x128xi32, #tpu.memory_space<hbm>>) target(%arg8 : memref<80x128xi32, #tpu.memory_space<vmem>>) target_semaphore(%run_scoped3A : memref<!tpu.dma_semaphore, #tpu.memory_space<semaphore_mem>>)
      %dma_wait3A = arith.constant 0 : i32
      %dma_wait3A_64 = arith.constant 0 : i32
      %dma_wait3A_65 = tpu.memref_slice %arg4[%add3A, %dma_wait3A, %dma_wait3A_64] : memref<32x80x128xi32, #tpu.memory_space<hbm>> -> memref<1x80x128xi32, #tpu.memory_space<hbm>>
      %dma_wait3A_66 = tpu.memref_squeeze %dma_wait3A_65 : memref<1x80x128xi32, #tpu.memory_space<hbm>> -> memref<80x128xi32, #tpu.memory_space<hbm>>
      %dma_wait3A_67 = arith.constant 0 : i32
      %dma_wait3A_68 = arith.constant 0 : i32
      %dma_wait3A_69 = tpu.memref_slice %arg4[%add3A, %dma_wait3A_67, %dma_wait3A_68] : memref<32x80x128xi32, #tpu.memory_space<hbm>> -> memref<1x80x128xi32, #tpu.memory_space<hbm>>
      %dma_wait3A_70 = tpu.memref_squeeze %dma_wait3A_69 : memref<1x80x128xi32, #tpu.memory_space<hbm>> -> memref<80x128xi32, #tpu.memory_space<hbm>>
      tpu.wait_dma2 semaphore(%run_scoped3A : memref<!tpu.dma_semaphore, #tpu.memory_space<semaphore_mem>>) src(%dma_wait3A_70 : memref<80x128xi32, #tpu.memory_space<hbm>>) dst(%arg8 : memref<80x128xi32, #tpu.memory_space<vmem>>)
      tpu.yield
    }) : () -> ()
    %barrier3A = arith.constant 0 : index
    tpu.barrier barrier_id(%barrier3A)
    %dma_start3A = arith.constant 0 : i32
    %dma_start3A_3 = arith.constant 0 : i32
    %dma_start3A_4 = arith.constant 0 : i32
    %dma_start3A_5 = arith.constant 0 : i32
    %dma_start3A_6 = tpu.memref_slice %arg9[%dma_start3A_3, %dma_start3A_4, %dma_start3A_5] : memref<4x128x64xf32, #tpu.memory_space<vmem>> -> memref<1x128x64xf32, #tpu.memory_space<vmem>>
    %dma_start3A_7 = tpu.memref_squeeze %dma_start3A_6 : memref<1x128x64xf32, #tpu.memory_space<vmem>> -> memref<128x64xf32, #tpu.memory_space<vmem>>
    %dma_start3A_8 = arith.constant 0 : i32
    %dma_start3A_9 = tpu.memref_slice %arg7[%dma_start3A, %dma_start3A_8] : memref<80x128xi32, #tpu.memory_space<vmem>> -> memref<1x128xi32, #tpu.memory_space<vmem>>
    %dma_start3A_10 = tpu.memref_squeeze %dma_start3A_9 : memref<1x128xi32, #tpu.memory_space<vmem>> -> memref<128xi32, #tpu.memory_space<vmem>>
    %dma_start3A_11 = arith.constant 0 : i32
    %dma_start3A_12 = arith.constant 0 : i32
    %dma_start3A_13 = tpu.memref_slice %arg2[%dma_start3A_11, %dma_start3A_12] : memref<10000x64xf32, #tpu.memory_space<hbm>> -> memref<10000x64xf32, #tpu.memory_space<hbm>>
    tpu.enqueue_indirect_dma source(%dma_start3A_13 : memref<10000x64xf32, #tpu.memory_space<hbm>>) target(%dma_start3A_7 : memref<128x64xf32, #tpu.memory_space<vmem>>) offsets(%dma_start3A_10 : memref<128xi32, #tpu.memory_space<vmem>>) semaphore(%arg11 : memref<!tpu.dma_semaphore, #tpu.memory_space<semaphore_mem>>)
    %dma_start3A_14 = arith.constant 1 : i32
    %dma_start3A_15 = arith.constant 1 : i32
    %dma_start3A_16 = arith.constant 0 : i32
    %dma_start3A_17 = arith.constant 0 : i32
    %dma_start3A_18 = tpu.memref_slice %arg9[%dma_start3A_15, %dma_start3A_16, %dma_start3A_17] : memref<4x128x64xf32, #tpu.memory_space<vmem>> -> memref<1x128x64xf32, #tpu.memory_space<vmem>>
    %dma_start3A_19 = tpu.memref_squeeze %dma_start3A_18 : memref<1x128x64xf32, #tpu.memory_space<vmem>> -> memref<128x64xf32, #tpu.memory_space<vmem>>
    %dma_start3A_20 = arith.constant 0 : i32
    %dma_start3A_21 = tpu.memref_slice %arg7[%dma_start3A_14, %dma_start3A_20] : memref<80x128xi32, #tpu.memory_space<vmem>> -> memref<1x128xi32, #tpu.memory_space<vmem>>
    %dma_start3A_22 = tpu.memref_squeeze %dma_start3A_21 : memref<1x128xi32, #tpu.memory_space<vmem>> -> memref<128xi32, #tpu.memory_space<vmem>>
    %dma_start3A_23 = arith.constant 0 : i32
    %dma_start3A_24 = arith.constant 0 : i32
    %dma_start3A_25 = tpu.memref_slice %arg2[%dma_start3A_23, %dma_start3A_24] : memref<10000x64xf32, #tpu.memory_space<hbm>> -> memref<10000x64xf32, #tpu.memory_space<hbm>>
    tpu.enqueue_indirect_dma source(%dma_start3A_25 : memref<10000x64xf32, #tpu.memory_space<hbm>>) target(%dma_start3A_19 : memref<128x64xf32, #tpu.memory_space<vmem>>) offsets(%dma_start3A_22 : memref<128xi32, #tpu.memory_space<vmem>>) semaphore(%arg12 : memref<!tpu.dma_semaphore, #tpu.memory_space<semaphore_mem>>)
    %eq3A = arith.constant 31 : i32
    %eq3A_26 = arith.cmpi eq, %add3A, %eq3A : i32
    %jit3A = arith.constant 20 : i32
    %jit3A_27 = arith.constant 80 : i32
    %select_n3A = arith.select %eq3A_26, %jit3A, %jit3A_27 : i32
    %jit3A_28 = arith.constant 4 : i32
    %div3A = arith.divsi %select_n3A, %jit3A_28 : i32
    %sign3A = arith.constant 0 : i32
    %sign3A_29 = arith.cmpi sgt, %select_n3A, %sign3A : i32
    %sign3A_30 = arith.extui %sign3A_29 : i1 to i32
    %sign3A_31 = arith.constant 0 : i32
    %sign3A_32 = arith.cmpi slt, %select_n3A, %sign3A_31 : i32
    %sign3A_33 = arith.extui %sign3A_32 : i1 to i32
    %sign3A_34 = arith.subi %sign3A_30, %sign3A_33 : i32
    %sign3A_35 = arith.constant 0 : i32
    %sign3A_36 = arith.cmpi sgt, %jit3A_28, %sign3A_35 : i32
    %sign3A_37 = arith.extui %sign3A_36 : i1 to i32
    %sign3A_38 = arith.constant 0 : i32
    %sign3A_39 = arith.cmpi slt, %jit3A_28, %sign3A_38 : i32
    %sign3A_40 = arith.extui %sign3A_39 : i1 to i32
    %sign3A_41 = arith.subi %sign3A_37, %sign3A_40 : i32
    %ne3A = arith.cmpi ne, %sign3A_34, %sign3A_41 : i32
    %rem3A = arith.remsi %select_n3A, %jit3A_28 : i32
    %ne3A_42 = arith.constant 0 : i32
    %ne3A_43 = arith.cmpi ne, %rem3A, %ne3A_42 : i32
    %and3A = arith.andi %ne3A, %ne3A_43 : i1
    %sub3A = arith.constant 1 : i32
    %sub3A_44 = arith.subi %div3A, %sub3A : i32
    %select_n3A_45 = arith.select %and3A, %sub3A_44, %div3A : i32
    %while3A = arith.constant 0 : i32
    %while3A_46 = arith.constant 0 : i32
    %while3A_47 = arith.subi %select_n3A_45, %while3A_46 : i32
    %while3A_48 = arith.addi %while3A_46, %while3A_47 : i32
    %while3A_49 = arith.constant 1 : i32
    %while3A_50 = arith.divsi %while3A_47, %while3A_49 : i32
    %while3A_51 = arith.muli %while3A_50, %while3A_49 : i32
    %while3A_52 = arith.addi %while3A_46, %while3A_51 : i32
    %while3A_53 = arith.constant 1 : i32
    scf.for %while3A_56 = %while3A_46 to %while3A_52 step %while3A_53  : i32 {
      %mul3A_57 = arith.constant 4 : i32
      %mul3A_58 = arith.muli %mul3A_57, %while3A_56 : i32
      %add3A_59 = arith.constant 0 : i32
      %add3A_60 = arith.addi %mul3A_58, %add3A_59 : i32
      %dma_wait3A = arith.constant 0 : i32
      %dma_wait3A_61 = arith.constant 0 : i32
      %dma_wait3A_62 = arith.constant 0 : i32
      %dma_wait3A_63 = tpu.memref_slice %arg9[%dma_wait3A, %dma_wait3A_61, %dma_wait3A_62] : memref<4x128x64xf32, #tpu.memory_space<vmem>> -> memref<1x128x64xf32, #tpu.memory_space<vmem>>
      %dma_wait3A_64 = tpu.memref_squeeze %dma_wait3A_63 : memref<1x128x64xf32, #tpu.memory_space<vmem>> -> memref<128x64xf32, #tpu.memory_space<vmem>>
      %dma_wait3A_65 = arith.constant 0 : i32
      %dma_wait3A_66 = tpu.memref_slice %arg7[%add3A_60, %dma_wait3A_65] : memref<80x128xi32, #tpu.memory_space<vmem>> -> memref<1x128xi32, #tpu.memory_space<vmem>>
      %dma_wait3A_67 = tpu.memref_squeeze %dma_wait3A_66 : memref<1x128xi32, #tpu.memory_space<vmem>> -> memref<128xi32, #tpu.memory_space<vmem>>
      %dma_wait3A_68 = arith.constant 0 : i32
      %dma_wait3A_69 = arith.constant 0 : i32
      %dma_wait3A_70 = tpu.memref_slice %arg2[%dma_wait3A_68, %dma_wait3A_69] : memref<10000x64xf32, #tpu.memory_space<hbm>> -> memref<10000x64xf32, #tpu.memory_space<hbm>>
      tpu.wait_indirect_dma semaphore(%arg11 : memref<!tpu.dma_semaphore, #tpu.memory_space<semaphore_mem>>) src(%dma_wait3A_70 : memref<10000x64xf32, #tpu.memory_space<hbm>>) dst(%dma_wait3A_64 : memref<128x64xf32, #tpu.memory_space<vmem>>)
      %run_scoped3A = arith.constant 0 : i32
      "tpu.region"() ({
        %run_scoped3A_140 = tpu.sem_alloc : memref<!tpu.dma_semaphore, #tpu.memory_space<semaphore_mem>>
        %dma_start3A_141 = arith.constant 0 : i32
        %dma_start3A_142 = arith.constant 0 : i32
        %dma_start3A_143 = tpu.memref_slice %arg9[%run_scoped3A, %dma_start3A_141, %dma_start3A_142] : memref<4x128x64xf32, #tpu.memory_space<vmem>> -> memref<1x128x64xf32, #tpu.memory_space<vmem>>
        %dma_start3A_144 = tpu.memref_squeeze %dma_start3A_143 : memref<1x128x64xf32, #tpu.memory_space<vmem>> -> memref<128x64xf32, #tpu.memory_space<vmem>>
        %dma_start3A_145 = arith.constant 0 : i32
        %dma_start3A_146 = tpu.memref_slice %arg8[%add3A_60, %dma_start3A_145] : memref<80x128xi32, #tpu.memory_space<vmem>> -> memref<1x128xi32, #tpu.memory_space<vmem>>
        %dma_start3A_147 = tpu.memref_squeeze %dma_start3A_146 : memref<1x128xi32, #tpu.memory_space<vmem>> -> memref<128xi32, #tpu.memory_space<vmem>>
        %dma_start3A_148 = arith.constant 0 : i32
        %dma_start3A_149 = arith.constant 0 : i32
        %dma_start3A_150 = tpu.memref_slice %arg10[%dma_start3A_148, %dma_start3A_149] : memref<10112x64xf32, #tpu.memory_space<vmem_shared>> -> memref<10112x64xf32, #tpu.memory_space<vmem_shared>>
        tpu.enqueue_indirect_dma source(%dma_start3A_144 : memref<128x64xf32, #tpu.memory_space<vmem>>) target(%dma_start3A_150 : memref<10112x64xf32, #tpu.memory_space<vmem_shared>>) offsets(%dma_start3A_147 : memref<128xi32, #tpu.memory_space<vmem>>) semaphore(%run_scoped3A_140 : memref<!tpu.dma_semaphore, #tpu.memory_space<semaphore_mem>>) {add = true}
        %dma_wait3A_151 = arith.constant 0 : i32
        %dma_wait3A_152 = arith.constant 0 : i32
        %dma_wait3A_153 = tpu.memref_slice %arg9[%run_scoped3A, %dma_wait3A_151, %dma_wait3A_152] : memref<4x128x64xf32, #tpu.memory_space<vmem>> -> memref<1x128x64xf32, #tpu.memory_space<vmem>>
        %dma_wait3A_154 = tpu.memref_squeeze %dma_wait3A_153 : memref<1x128x64xf32, #tpu.memory_space<vmem>> -> memref<128x64xf32, #tpu.memory_space<vmem>>
        %dma_wait3A_155 = arith.constant 0 : i32
        %dma_wait3A_156 = tpu.memref_slice %arg8[%add3A_60, %dma_wait3A_155] : memref<80x128xi32, #tpu.memory_space<vmem>> -> memref<1x128xi32, #tpu.memory_space<vmem>>
        %dma_wait3A_157 = tpu.memref_squeeze %dma_wait3A_156 : memref<1x128xi32, #tpu.memory_space<vmem>> -> memref<128xi32, #tpu.memory_space<vmem>>
        %dma_wait3A_158 = arith.constant 0 : i32
        %dma_wait3A_159 = arith.constant 0 : i32
        %dma_wait3A_160 = tpu.memref_slice %arg10[%dma_wait3A_158, %dma_wait3A_159] : memref<10112x64xf32, #tpu.memory_space<vmem_shared>> -> memref<10112x64xf32, #tpu.memory_space<vmem_shared>>
        tpu.wait_indirect_dma semaphore(%run_scoped3A_140 : memref<!tpu.dma_semaphore, #tpu.memory_space<semaphore_mem>>) src(%dma_wait3A_154 : memref<128x64xf32, #tpu.memory_space<vmem>>) dst(%dma_wait3A_160 : memref<10112x64xf32, #tpu.memory_space<vmem_shared>>)
        tpu.yield
      }) : () -> ()
      %add3A_71 = arith.constant 2 : i32
      %add3A_72 = arith.addi %add3A_60, %add3A_71 : i32
      %lt3A = arith.cmpi slt, %add3A_72, %select_n3A : i32
      %convert_element_type3A = arith.extui %lt3A : i1 to i32
      %cond3A = arith.constant 0 : i32
      %cond3A_73 = arith.cmpi ne, %convert_element_type3A, %cond3A : i32
      scf.if %cond3A_73 {
        %add3A_140 = arith.constant 2 : i32
        %add3A_141 = arith.addi %add3A_60, %add3A_140 : i32
        %dma_start3A_142 = arith.constant 2 : i32
        %dma_start3A_143 = arith.constant 0 : i32
        %dma_start3A_144 = arith.constant 0 : i32
        %dma_start3A_145 = tpu.memref_slice %arg9[%dma_start3A_142, %dma_start3A_143, %dma_start3A_144] : memref<4x128x64xf32, #tpu.memory_space<vmem>> -> memref<1x128x64xf32, #tpu.memory_space<vmem>>
        %dma_start3A_146 = tpu.memref_squeeze %dma_start3A_145 : memref<1x128x64xf32, #tpu.memory_space<vmem>> -> memref<128x64xf32, #tpu.memory_space<vmem>>
        %dma_start3A_147 = arith.constant 0 : i32
        %dma_start3A_148 = tpu.memref_slice %arg7[%add3A_141, %dma_start3A_147] : memref<80x128xi32, #tpu.memory_space<vmem>> -> memref<1x128xi32, #tpu.memory_space<vmem>>
        %dma_start3A_149 = tpu.memref_squeeze %dma_start3A_148 : memref<1x128xi32, #tpu.memory_space<vmem>> -> memref<128xi32, #tpu.memory_space<vmem>>
        %dma_start3A_150 = arith.constant 0 : i32
        %dma_start3A_151 = arith.constant 0 : i32
        %dma_start3A_152 = tpu.memref_slice %arg2[%dma_start3A_150, %dma_start3A_151] : memref<10000x64xf32, #tpu.memory_space<hbm>> -> memref<10000x64xf32, #tpu.memory_space<hbm>>
        tpu.enqueue_indirect_dma source(%dma_start3A_152 : memref<10000x64xf32, #tpu.memory_space<hbm>>) target(%dma_start3A_146 : memref<128x64xf32, #tpu.memory_space<vmem>>) offsets(%dma_start3A_149 : memref<128xi32, #tpu.memory_space<vmem>>) semaphore(%arg13 : memref<!tpu.dma_semaphore, #tpu.memory_space<semaphore_mem>>)
      } else {
      }
      %mul3A_74 = arith.constant 4 : i32
      %mul3A_75 = arith.muli %mul3A_74, %while3A_56 : i32
      %add3A_76 = arith.constant 1 : i32
      %add3A_77 = arith.addi %mul3A_75, %add3A_76 : i32
      %dma_wait3A_78 = arith.constant 1 : i32
      %dma_wait3A_79 = arith.constant 0 : i32
      %dma_wait3A_80 = arith.constant 0 : i32
      %dma_wait3A_81 = tpu.memref_slice %arg9[%dma_wait3A_78, %dma_wait3A_79, %dma_wait3A_80] : memref<4x128x64xf32, #tpu.memory_space<vmem>> -> memref<1x128x64xf32, #tpu.memory_space<vmem>>
      %dma_wait3A_82 = tpu.memref_squeeze %dma_wait3A_81 : memref<1x128x64xf32, #tpu.memory_space<vmem>> -> memref<128x64xf32, #tpu.memory_space<vmem>>
      %dma_wait3A_83 = arith.constant 0 : i32
      %dma_wait3A_84 = tpu.memref_slice %arg7[%add3A_77, %dma_wait3A_83] : memref<80x128xi32, #tpu.memory_space<vmem>> -> memref<1x128xi32, #tpu.memory_space<vmem>>
      %dma_wait3A_85 = tpu.memref_squeeze %dma_wait3A_84 : memref<1x128xi32, #tpu.memory_space<vmem>> -> memref<128xi32, #tpu.memory_space<vmem>>
      %dma_wait3A_86 = arith.constant 0 : i32
      %dma_wait3A_87 = arith.constant 0 : i32
      %dma_wait3A_88 = tpu.memref_slice %arg2[%dma_wait3A_86, %dma_wait3A_87] : memref<10000x64xf32, #tpu.memory_space<hbm>> -> memref<10000x64xf32, #tpu.memory_space<hbm>>
      tpu.wait_indirect_dma semaphore(%arg12 : memref<!tpu.dma_semaphore, #tpu.memory_space<semaphore_mem>>) src(%dma_wait3A_88 : memref<10000x64xf32, #tpu.memory_space<hbm>>) dst(%dma_wait3A_82 : memref<128x64xf32, #tpu.memory_space<vmem>>)
      %run_scoped3A_89 = arith.constant 1 : i32
      "tpu.region"() ({
        %run_scoped3A_140 = tpu.sem_alloc : memref<!tpu.dma_semaphore, #tpu.memory_space<semaphore_mem>>
        %dma_start3A_141 = arith.constant 0 : i32
        %dma_start3A_142 = arith.constant 0 : i32
        %dma_start3A_143 = tpu.memref_slice %arg9[%run_scoped3A_89, %dma_start3A_141, %dma_start3A_142] : memref<4x128x64xf32, #tpu.memory_space<vmem>> -> memref<1x128x64xf32, #tpu.memory_space<vmem>>
        %dma_start3A_144 = tpu.memref_squeeze %dma_start3A_143 : memref<1x128x64xf32, #tpu.memory_space<vmem>> -> memref<128x64xf32, #tpu.memory_space<vmem>>
        %dma_start3A_145 = arith.constant 0 : i32
        %dma_start3A_146 = tpu.memref_slice %arg8[%add3A_77, %dma_start3A_145] : memref<80x128xi32, #tpu.memory_space<vmem>> -> memref<1x128xi32, #tpu.memory_space<vmem>>
        %dma_start3A_147 = tpu.memref_squeeze %dma_start3A_146 : memref<1x128xi32, #tpu.memory_space<vmem>> -> memref<128xi32, #tpu.memory_space<vmem>>
        %dma_start3A_148 = arith.constant 0 : i32
        %dma_start3A_149 = arith.constant 0 : i32
        %dma_start3A_150 = tpu.memref_slice %arg10[%dma_start3A_148, %dma_start3A_149] : memref<10112x64xf32, #tpu.memory_space<vmem_shared>> -> memref<10112x64xf32, #tpu.memory_space<vmem_shared>>
        tpu.enqueue_indirect_dma source(%dma_start3A_144 : memref<128x64xf32, #tpu.memory_space<vmem>>) target(%dma_start3A_150 : memref<10112x64xf32, #tpu.memory_space<vmem_shared>>) offsets(%dma_start3A_147 : memref<128xi32, #tpu.memory_space<vmem>>) semaphore(%run_scoped3A_140 : memref<!tpu.dma_semaphore, #tpu.memory_space<semaphore_mem>>) {add = true}
        %dma_wait3A_151 = arith.constant 0 : i32
        %dma_wait3A_152 = arith.constant 0 : i32
        %dma_wait3A_153 = tpu.memref_slice %arg9[%run_scoped3A_89, %dma_wait3A_151, %dma_wait3A_152] : memref<4x128x64xf32, #tpu.memory_space<vmem>> -> memref<1x128x64xf32, #tpu.memory_space<vmem>>
        %dma_wait3A_154 = tpu.memref_squeeze %dma_wait3A_153 : memref<1x128x64xf32, #tpu.memory_space<vmem>> -> memref<128x64xf32, #tpu.memory_space<vmem>>
        %dma_wait3A_155 = arith.constant 0 : i32
        %dma_wait3A_156 = tpu.memref_slice %arg8[%add3A_77, %dma_wait3A_155] : memref<80x128xi32, #tpu.memory_space<vmem>> -> memref<1x128xi32, #tpu.memory_space<vmem>>
        %dma_wait3A_157 = tpu.memref_squeeze %dma_wait3A_156 : memref<1x128xi32, #tpu.memory_space<vmem>> -> memref<128xi32, #tpu.memory_space<vmem>>
        %dma_wait3A_158 = arith.constant 0 : i32
        %dma_wait3A_159 = arith.constant 0 : i32
        %dma_wait3A_160 = tpu.memref_slice %arg10[%dma_wait3A_158, %dma_wait3A_159] : memref<10112x64xf32, #tpu.memory_space<vmem_shared>> -> memref<10112x64xf32, #tpu.memory_space<vmem_shared>>
        tpu.wait_indirect_dma semaphore(%run_scoped3A_140 : memref<!tpu.dma_semaphore, #tpu.memory_space<semaphore_mem>>) src(%dma_wait3A_154 : memref<128x64xf32, #tpu.memory_space<vmem>>) dst(%dma_wait3A_160 : memref<10112x64xf32, #tpu.memory_space<vmem_shared>>)
        tpu.yield
      }) : () -> ()
      %add3A_90 = arith.constant 2 : i32
      %add3A_91 = arith.addi %add3A_77, %add3A_90 : i32
      %lt3A_92 = arith.cmpi slt, %add3A_91, %select_n3A : i32
      %convert_element_type3A_93 = arith.extui %lt3A_92 : i1 to i32
      %cond3A_94 = arith.constant 0 : i32
      %cond3A_95 = arith.cmpi ne, %convert_element_type3A_93, %cond3A_94 : i32
      scf.if %cond3A_95 {
        %add3A_140 = arith.constant 2 : i32
        %add3A_141 = arith.addi %add3A_77, %add3A_140 : i32
        %dma_start3A_142 = arith.constant 3 : i32
        %dma_start3A_143 = arith.constant 0 : i32
        %dma_start3A_144 = arith.constant 0 : i32
        %dma_start3A_145 = tpu.memref_slice %arg9[%dma_start3A_142, %dma_start3A_143, %dma_start3A_144] : memref<4x128x64xf32, #tpu.memory_space<vmem>> -> memref<1x128x64xf32, #tpu.memory_space<vmem>>
        %dma_start3A_146 = tpu.memref_squeeze %dma_start3A_145 : memref<1x128x64xf32, #tpu.memory_space<vmem>> -> memref<128x64xf32, #tpu.memory_space<vmem>>
        %dma_start3A_147 = arith.constant 0 : i32
        %dma_start3A_148 = tpu.memref_slice %arg7[%add3A_141, %dma_start3A_147] : memref<80x128xi32, #tpu.memory_space<vmem>> -> memref<1x128xi32, #tpu.memory_space<vmem>>
        %dma_start3A_149 = tpu.memref_squeeze %dma_start3A_148 : memref<1x128xi32, #tpu.memory_space<vmem>> -> memref<128xi32, #tpu.memory_space<vmem>>
        %dma_start3A_150 = arith.constant 0 : i32
        %dma_start3A_151 = arith.constant 0 : i32
        %dma_start3A_152 = tpu.memref_slice %arg2[%dma_start3A_150, %dma_start3A_151] : memref<10000x64xf32, #tpu.memory_space<hbm>> -> memref<10000x64xf32, #tpu.memory_space<hbm>>
        tpu.enqueue_indirect_dma source(%dma_start3A_152 : memref<10000x64xf32, #tpu.memory_space<hbm>>) target(%dma_start3A_146 : memref<128x64xf32, #tpu.memory_space<vmem>>) offsets(%dma_start3A_149 : memref<128xi32, #tpu.memory_space<vmem>>) semaphore(%arg14 : memref<!tpu.dma_semaphore, #tpu.memory_space<semaphore_mem>>)
      } else {
      }
      %mul3A_96 = arith.constant 4 : i32
      %mul3A_97 = arith.muli %mul3A_96, %while3A_56 : i32
      %add3A_98 = arith.constant 2 : i32
      %add3A_99 = arith.addi %mul3A_97, %add3A_98 : i32
      %dma_wait3A_100 = arith.constant 2 : i32
      %dma_wait3A_101 = arith.constant 0 : i32
      %dma_wait3A_102 = arith.constant 0 : i32
      %dma_wait3A_103 = tpu.memref_slice %arg9[%dma_wait3A_100, %dma_wait3A_101, %dma_wait3A_102] : memref<4x128x64xf32, #tpu.memory_space<vmem>> -> memref<1x128x64xf32, #tpu.memory_space<vmem>>
      %dma_wait3A_104 = tpu.memref_squeeze %dma_wait3A_103 : memref<1x128x64xf32, #tpu.memory_space<vmem>> -> memref<128x64xf32, #tpu.memory_space<vmem>>
      %dma_wait3A_105 = arith.constant 0 : i32
      %dma_wait3A_106 = tpu.memref_slice %arg7[%add3A_99, %dma_wait3A_105] : memref<80x128xi32, #tpu.memory_space<vmem>> -> memref<1x128xi32, #tpu.memory_space<vmem>>
      %dma_wait3A_107 = tpu.memref_squeeze %dma_wait3A_106 : memref<1x128xi32, #tpu.memory_space<vmem>> -> memref<128xi32, #tpu.memory_space<vmem>>
      %dma_wait3A_108 = arith.constant 0 : i32
      %dma_wait3A_109 = arith.constant 0 : i32
      %dma_wait3A_110 = tpu.memref_slice %arg2[%dma_wait3A_108, %dma_wait3A_109] : memref<10000x64xf32, #tpu.memory_space<hbm>> -> memref<10000x64xf32, #tpu.memory_space<hbm>>
      tpu.wait_indirect_dma semaphore(%arg13 : memref<!tpu.dma_semaphore, #tpu.memory_space<semaphore_mem>>) src(%dma_wait3A_110 : memref<10000x64xf32, #tpu.memory_space<hbm>>) dst(%dma_wait3A_104 : memref<128x64xf32, #tpu.memory_space<vmem>>)
      %run_scoped3A_111 = arith.constant 2 : i32
      "tpu.region"() ({
        %run_scoped3A_140 = tpu.sem_alloc : memref<!tpu.dma_semaphore, #tpu.memory_space<semaphore_mem>>
        %dma_start3A_141 = arith.constant 0 : i32
        %dma_start3A_142 = arith.constant 0 : i32
        %dma_start3A_143 = tpu.memref_slice %arg9[%run_scoped3A_111, %dma_start3A_141, %dma_start3A_142] : memref<4x128x64xf32, #tpu.memory_space<vmem>> -> memref<1x128x64xf32, #tpu.memory_space<vmem>>
        %dma_start3A_144 = tpu.memref_squeeze %dma_start3A_143 : memref<1x128x64xf32, #tpu.memory_space<vmem>> -> memref<128x64xf32, #tpu.memory_space<vmem>>
        %dma_start3A_145 = arith.constant 0 : i32
        %dma_start3A_146 = tpu.memref_slice %arg8[%add3A_99, %dma_start3A_145] : memref<80x128xi32, #tpu.memory_space<vmem>> -> memref<1x128xi32, #tpu.memory_space<vmem>>
        %dma_start3A_147 = tpu.memref_squeeze %dma_start3A_146 : memref<1x128xi32, #tpu.memory_space<vmem>> -> memref<128xi32, #tpu.memory_space<vmem>>
        %dma_start3A_148 = arith.constant 0 : i32
        %dma_start3A_149 = arith.constant 0 : i32
        %dma_start3A_150 = tpu.memref_slice %arg10[%dma_start3A_148, %dma_start3A_149] : memref<10112x64xf32, #tpu.memory_space<vmem_shared>> -> memref<10112x64xf32, #tpu.memory_space<vmem_shared>>
        tpu.enqueue_indirect_dma source(%dma_start3A_144 : memref<128x64xf32, #tpu.memory_space<vmem>>) target(%dma_start3A_150 : memref<10112x64xf32, #tpu.memory_space<vmem_shared>>) offsets(%dma_start3A_147 : memref<128xi32, #tpu.memory_space<vmem>>) semaphore(%run_scoped3A_140 : memref<!tpu.dma_semaphore, #tpu.memory_space<semaphore_mem>>) {add = true}
        %dma_wait3A_151 = arith.constant 0 : i32
        %dma_wait3A_152 = arith.constant 0 : i32
        %dma_wait3A_153 = tpu.memref_slice %arg9[%run_scoped3A_111, %dma_wait3A_151, %dma_wait3A_152] : memref<4x128x64xf32, #tpu.memory_space<vmem>> -> memref<1x128x64xf32, #tpu.memory_space<vmem>>
        %dma_wait3A_154 = tpu.memref_squeeze %dma_wait3A_153 : memref<1x128x64xf32, #tpu.memory_space<vmem>> -> memref<128x64xf32, #tpu.memory_space<vmem>>
        %dma_wait3A_155 = arith.constant 0 : i32
        %dma_wait3A_156 = tpu.memref_slice %arg8[%add3A_99, %dma_wait3A_155] : memref<80x128xi32, #tpu.memory_space<vmem>> -> memref<1x128xi32, #tpu.memory_space<vmem>>
        %dma_wait3A_157 = tpu.memref_squeeze %dma_wait3A_156 : memref<1x128xi32, #tpu.memory_space<vmem>> -> memref<128xi32, #tpu.memory_space<vmem>>
        %dma_wait3A_158 = arith.constant 0 : i32
        %dma_wait3A_159 = arith.constant 0 : i32
        %dma_wait3A_160 = tpu.memref_slice %arg10[%dma_wait3A_158, %dma_wait3A_159] : memref<10112x64xf32, #tpu.memory_space<vmem_shared>> -> memref<10112x64xf32, #tpu.memory_space<vmem_shared>>
        tpu.wait_indirect_dma semaphore(%run_scoped3A_140 : memref<!tpu.dma_semaphore, #tpu.memory_space<semaphore_mem>>) src(%dma_wait3A_154 : memref<128x64xf32, #tpu.memory_space<vmem>>) dst(%dma_wait3A_160 : memref<10112x64xf32, #tpu.memory_space<vmem_shared>>)
        tpu.yield
      }) : () -> ()
      %add3A_112 = arith.constant 2 : i32
      %add3A_113 = arith.addi %add3A_99, %add3A_112 : i32
      %lt3A_114 = arith.cmpi slt, %add3A_113, %select_n3A : i32
      %convert_element_type3A_115 = arith.extui %lt3A_114 : i1 to i32
      %cond3A_116 = arith.constant 0 : i32
      %cond3A_117 = arith.cmpi ne, %convert_element_type3A_115, %cond3A_116 : i32
      scf.if %cond3A_117 {
        %add3A_140 = arith.constant 2 : i32
        %add3A_141 = arith.addi %add3A_99, %add3A_140 : i32
        %dma_start3A_142 = arith.constant 0 : i32
        %dma_start3A_143 = arith.constant 0 : i32
        %dma_start3A_144 = arith.constant 0 : i32
        %dma_start3A_145 = tpu.memref_slice %arg9[%dma_start3A_142, %dma_start3A_143, %dma_start3A_144] : memref<4x128x64xf32, #tpu.memory_space<vmem>> -> memref<1x128x64xf32, #tpu.memory_space<vmem>>
        %dma_start3A_146 = tpu.memref_squeeze %dma_start3A_145 : memref<1x128x64xf32, #tpu.memory_space<vmem>> -> memref<128x64xf32, #tpu.memory_space<vmem>>
        %dma_start3A_147 = arith.constant 0 : i32
        %dma_start3A_148 = tpu.memref_slice %arg7[%add3A_141, %dma_start3A_147] : memref<80x128xi32, #tpu.memory_space<vmem>> -> memref<1x128xi32, #tpu.memory_space<vmem>>
        %dma_start3A_149 = tpu.memref_squeeze %dma_start3A_148 : memref<1x128xi32, #tpu.memory_space<vmem>> -> memref<128xi32, #tpu.memory_space<vmem>>
        %dma_start3A_150 = arith.constant 0 : i32
        %dma_start3A_151 = arith.constant 0 : i32
        %dma_start3A_152 = tpu.memref_slice %arg2[%dma_start3A_150, %dma_start3A_151] : memref<10000x64xf32, #tpu.memory_space<hbm>> -> memref<10000x64xf32, #tpu.memory_space<hbm>>
        tpu.enqueue_indirect_dma source(%dma_start3A_152 : memref<10000x64xf32, #tpu.memory_space<hbm>>) target(%dma_start3A_146 : memref<128x64xf32, #tpu.memory_space<vmem>>) offsets(%dma_start3A_149 : memref<128xi32, #tpu.memory_space<vmem>>) semaphore(%arg11 : memref<!tpu.dma_semaphore, #tpu.memory_space<semaphore_mem>>)
      } else {
      }
      %mul3A_118 = arith.constant 4 : i32
      %mul3A_119 = arith.muli %mul3A_118, %while3A_56 : i32
      %add3A_120 = arith.constant 3 : i32
      %add3A_121 = arith.addi %mul3A_119, %add3A_120 : i32
      %dma_wait3A_122 = arith.constant 3 : i32
      %dma_wait3A_123 = arith.constant 0 : i32
      %dma_wait3A_124 = arith.constant 0 : i32
      %dma_wait3A_125 = tpu.memref_slice %arg9[%dma_wait3A_122, %dma_wait3A_123, %dma_wait3A_124] : memref<4x128x64xf32, #tpu.memory_space<vmem>> -> memref<1x128x64xf32, #tpu.memory_space<vmem>>
      %dma_wait3A_126 = tpu.memref_squeeze %dma_wait3A_125 : memref<1x128x64xf32, #tpu.memory_space<vmem>> -> memref<128x64xf32, #tpu.memory_space<vmem>>
      %dma_wait3A_127 = arith.constant 0 : i32
      %dma_wait3A_128 = tpu.memref_slice %arg7[%add3A_121, %dma_wait3A_127] : memref<80x128xi32, #tpu.memory_space<vmem>> -> memref<1x128xi32, #tpu.memory_space<vmem>>
      %dma_wait3A_129 = tpu.memref_squeeze %dma_wait3A_128 : memref<1x128xi32, #tpu.memory_space<vmem>> -> memref<128xi32, #tpu.memory_space<vmem>>
      %dma_wait3A_130 = arith.constant 0 : i32
      %dma_wait3A_131 = arith.constant 0 : i32
      %dma_wait3A_132 = tpu.memref_slice %arg2[%dma_wait3A_130, %dma_wait3A_131] : memref<10000x64xf32, #tpu.memory_space<hbm>> -> memref<10000x64xf32, #tpu.memory_space<hbm>>
      tpu.wait_indirect_dma semaphore(%arg14 : memref<!tpu.dma_semaphore, #tpu.memory_space<semaphore_mem>>) src(%dma_wait3A_132 : memref<10000x64xf32, #tpu.memory_space<hbm>>) dst(%dma_wait3A_126 : memref<128x64xf32, #tpu.memory_space<vmem>>)
      %run_scoped3A_133 = arith.constant 3 : i32
      "tpu.region"() ({
        %run_scoped3A_140 = tpu.sem_alloc : memref<!tpu.dma_semaphore, #tpu.memory_space<semaphore_mem>>
        %dma_start3A_141 = arith.constant 0 : i32
        %dma_start3A_142 = arith.constant 0 : i32
        %dma_start3A_143 = tpu.memref_slice %arg9[%run_scoped3A_133, %dma_start3A_141, %dma_start3A_142] : memref<4x128x64xf32, #tpu.memory_space<vmem>> -> memref<1x128x64xf32, #tpu.memory_space<vmem>>
        %dma_start3A_144 = tpu.memref_squeeze %dma_start3A_143 : memref<1x128x64xf32, #tpu.memory_space<vmem>> -> memref<128x64xf32, #tpu.memory_space<vmem>>
        %dma_start3A_145 = arith.constant 0 : i32
        %dma_start3A_146 = tpu.memref_slice %arg8[%add3A_121, %dma_start3A_145] : memref<80x128xi32, #tpu.memory_space<vmem>> -> memref<1x128xi32, #tpu.memory_space<vmem>>
        %dma_start3A_147 = tpu.memref_squeeze %dma_start3A_146 : memref<1x128xi32, #tpu.memory_space<vmem>> -> memref<128xi32, #tpu.memory_space<vmem>>
        %dma_start3A_148 = arith.constant 0 : i32
        %dma_start3A_149 = arith.constant 0 : i32
        %dma_start3A_150 = tpu.memref_slice %arg10[%dma_start3A_148, %dma_start3A_149] : memref<10112x64xf32, #tpu.memory_space<vmem_shared>> -> memref<10112x64xf32, #tpu.memory_space<vmem_shared>>
        tpu.enqueue_indirect_dma source(%dma_start3A_144 : memref<128x64xf32, #tpu.memory_space<vmem>>) target(%dma_start3A_150 : memref<10112x64xf32, #tpu.memory_space<vmem_shared>>) offsets(%dma_start3A_147 : memref<128xi32, #tpu.memory_space<vmem>>) semaphore(%run_scoped3A_140 : memref<!tpu.dma_semaphore, #tpu.memory_space<semaphore_mem>>) {add = true}
        %dma_wait3A_151 = arith.constant 0 : i32
        %dma_wait3A_152 = arith.constant 0 : i32
        %dma_wait3A_153 = tpu.memref_slice %arg9[%run_scoped3A_133, %dma_wait3A_151, %dma_wait3A_152] : memref<4x128x64xf32, #tpu.memory_space<vmem>> -> memref<1x128x64xf32, #tpu.memory_space<vmem>>
        %dma_wait3A_154 = tpu.memref_squeeze %dma_wait3A_153 : memref<1x128x64xf32, #tpu.memory_space<vmem>> -> memref<128x64xf32, #tpu.memory_space<vmem>>
        %dma_wait3A_155 = arith.constant 0 : i32
        %dma_wait3A_156 = tpu.memref_slice %arg8[%add3A_121, %dma_wait3A_155] : memref<80x128xi32, #tpu.memory_space<vmem>> -> memref<1x128xi32, #tpu.memory_space<vmem>>
        %dma_wait3A_157 = tpu.memref_squeeze %dma_wait3A_156 : memref<1x128xi32, #tpu.memory_space<vmem>> -> memref<128xi32, #tpu.memory_space<vmem>>
        %dma_wait3A_158 = arith.constant 0 : i32
        %dma_wait3A_159 = arith.constant 0 : i32
        %dma_wait3A_160 = tpu.memref_slice %arg10[%dma_wait3A_158, %dma_wait3A_159] : memref<10112x64xf32, #tpu.memory_space<vmem_shared>> -> memref<10112x64xf32, #tpu.memory_space<vmem_shared>>
        tpu.wait_indirect_dma semaphore(%run_scoped3A_140 : memref<!tpu.dma_semaphore, #tpu.memory_space<semaphore_mem>>) src(%dma_wait3A_154 : memref<128x64xf32, #tpu.memory_space<vmem>>) dst(%dma_wait3A_160 : memref<10112x64xf32, #tpu.memory_space<vmem_shared>>)
        tpu.yield
      }) : () -> ()
      %add3A_134 = arith.constant 2 : i32
      %add3A_135 = arith.addi %add3A_121, %add3A_134 : i32
      %lt3A_136 = arith.cmpi slt, %add3A_135, %select_n3A : i32
      %convert_element_type3A_137 = arith.extui %lt3A_136 : i1 to i32
      %cond3A_138 = arith.constant 0 : i32
      %cond3A_139 = arith.cmpi ne, %convert_element_type3A_137, %cond3A_138 : i32
      scf.if %cond3A_139 {
        %add3A_140 = arith.constant 2 : i32
        %add3A_141 = arith.addi %add3A_121, %add3A_140 : i32
        %dma_start3A_142 = arith.constant 1 : i32
        %dma_start3A_143 = arith.constant 0 : i32
        %dma_start3A_144 = arith.constant 0 : i32
        %dma_start3A_145 = tpu.memref_slice %arg9[%dma_start3A_142, %dma_start3A_143, %dma_start3A_144] : memref<4x128x64xf32, #tpu.memory_space<vmem>> -> memref<1x128x64xf32, #tpu.memory_space<vmem>>
        %dma_start3A_146 = tpu.memref_squeeze %dma_start3A_145 : memref<1x128x64xf32, #tpu.memory_space<vmem>> -> memref<128x64xf32, #tpu.memory_space<vmem>>
        %dma_start3A_147 = arith.constant 0 : i32
        %dma_start3A_148 = tpu.memref_slice %arg7[%add3A_141, %dma_start3A_147] : memref<80x128xi32, #tpu.memory_space<vmem>> -> memref<1x128xi32, #tpu.memory_space<vmem>>
        %dma_start3A_149 = tpu.memref_squeeze %dma_start3A_148 : memref<1x128xi32, #tpu.memory_space<vmem>> -> memref<128xi32, #tpu.memory_space<vmem>>
        %dma_start3A_150 = arith.constant 0 : i32
        %dma_start3A_151 = arith.constant 0 : i32
        %dma_start3A_152 = tpu.memref_slice %arg2[%dma_start3A_150, %dma_start3A_151] : memref<10000x64xf32, #tpu.memory_space<hbm>> -> memref<10000x64xf32, #tpu.memory_space<hbm>>
        tpu.enqueue_indirect_dma source(%dma_start3A_152 : memref<10000x64xf32, #tpu.memory_space<hbm>>) target(%dma_start3A_146 : memref<128x64xf32, #tpu.memory_space<vmem>>) offsets(%dma_start3A_149 : memref<128xi32, #tpu.memory_space<vmem>>) semaphore(%arg12 : memref<!tpu.dma_semaphore, #tpu.memory_space<semaphore_mem>>)
      } else {
      }
    }
    %while3A_54 = arith.constant 1 : i32
    scf.for %while3A_56 = %while3A_52 to %while3A_48 step %while3A_54  : i32 {
      %mul3A_57 = arith.constant 4 : i32
      %mul3A_58 = arith.muli %mul3A_57, %while3A_56 : i32
      %add3A_59 = arith.constant 0 : i32
      %add3A_60 = arith.addi %mul3A_58, %add3A_59 : i32
      %dma_wait3A = arith.constant 0 : i32
      %dma_wait3A_61 = arith.constant 0 : i32
      %dma_wait3A_62 = arith.constant 0 : i32
      %dma_wait3A_63 = tpu.memref_slice %arg9[%dma_wait3A, %dma_wait3A_61, %dma_wait3A_62] : memref<4x128x64xf32, #tpu.memory_space<vmem>> -> memref<1x128x64xf32, #tpu.memory_space<vmem>>
      %dma_wait3A_64 = tpu.memref_squeeze %dma_wait3A_63 : memref<1x128x64xf32, #tpu.memory_space<vmem>> -> memref<128x64xf32, #tpu.memory_space<vmem>>
      %dma_wait3A_65 = arith.constant 0 : i32
      %dma_wait3A_66 = tpu.memref_slice %arg7[%add3A_60, %dma_wait3A_65] : memref<80x128xi32, #tpu.memory_space<vmem>> -> memref<1x128xi32, #tpu.memory_space<vmem>>
      %dma_wait3A_67 = tpu.memref_squeeze %dma_wait3A_66 : memref<1x128xi32, #tpu.memory_space<vmem>> -> memref<128xi32, #tpu.memory_space<vmem>>
      %dma_wait3A_68 = arith.constant 0 : i32
      %dma_wait3A_69 = arith.constant 0 : i32
      %dma_wait3A_70 = tpu.memref_slice %arg2[%dma_wait3A_68, %dma_wait3A_69] : memref<10000x64xf32, #tpu.memory_space<hbm>> -> memref<10000x64xf32, #tpu.memory_space<hbm>>
      tpu.wait_indirect_dma semaphore(%arg11 : memref<!tpu.dma_semaphore, #tpu.memory_space<semaphore_mem>>) src(%dma_wait3A_70 : memref<10000x64xf32, #tpu.memory_space<hbm>>) dst(%dma_wait3A_64 : memref<128x64xf32, #tpu.memory_space<vmem>>)
      %run_scoped3A = arith.constant 0 : i32
      "tpu.region"() ({
        %run_scoped3A_140 = tpu.sem_alloc : memref<!tpu.dma_semaphore, #tpu.memory_space<semaphore_mem>>
        %dma_start3A_141 = arith.constant 0 : i32
        %dma_start3A_142 = arith.constant 0 : i32
        %dma_start3A_143 = tpu.memref_slice %arg9[%run_scoped3A, %dma_start3A_141, %dma_start3A_142] : memref<4x128x64xf32, #tpu.memory_space<vmem>> -> memref<1x128x64xf32, #tpu.memory_space<vmem>>
        %dma_start3A_144 = tpu.memref_squeeze %dma_start3A_143 : memref<1x128x64xf32, #tpu.memory_space<vmem>> -> memref<128x64xf32, #tpu.memory_space<vmem>>
        %dma_start3A_145 = arith.constant 0 : i32
        %dma_start3A_146 = tpu.memref_slice %arg8[%add3A_60, %dma_start3A_145] : memref<80x128xi32, #tpu.memory_space<vmem>> -> memref<1x128xi32, #tpu.memory_space<vmem>>
        %dma_start3A_147 = tpu.memref_squeeze %dma_start3A_146 : memref<1x128xi32, #tpu.memory_space<vmem>> -> memref<128xi32, #tpu.memory_space<vmem>>
        %dma_start3A_148 = arith.constant 0 : i32
        %dma_start3A_149 = arith.constant 0 : i32
        %dma_start3A_150 = tpu.memref_slice %arg10[%dma_start3A_148, %dma_start3A_149] : memref<10112x64xf32, #tpu.memory_space<vmem_shared>> -> memref<10112x64xf32, #tpu.memory_space<vmem_shared>>
        tpu.enqueue_indirect_dma source(%dma_start3A_144 : memref<128x64xf32, #tpu.memory_space<vmem>>) target(%dma_start3A_150 : memref<10112x64xf32, #tpu.memory_space<vmem_shared>>) offsets(%dma_start3A_147 : memref<128xi32, #tpu.memory_space<vmem>>) semaphore(%run_scoped3A_140 : memref<!tpu.dma_semaphore, #tpu.memory_space<semaphore_mem>>) {add = true}
        %dma_wait3A_151 = arith.constant 0 : i32
        %dma_wait3A_152 = arith.constant 0 : i32
        %dma_wait3A_153 = tpu.memref_slice %arg9[%run_scoped3A, %dma_wait3A_151, %dma_wait3A_152] : memref<4x128x64xf32, #tpu.memory_space<vmem>> -> memref<1x128x64xf32, #tpu.memory_space<vmem>>
        %dma_wait3A_154 = tpu.memref_squeeze %dma_wait3A_153 : memref<1x128x64xf32, #tpu.memory_space<vmem>> -> memref<128x64xf32, #tpu.memory_space<vmem>>
        %dma_wait3A_155 = arith.constant 0 : i32
        %dma_wait3A_156 = tpu.memref_slice %arg8[%add3A_60, %dma_wait3A_155] : memref<80x128xi32, #tpu.memory_space<vmem>> -> memref<1x128xi32, #tpu.memory_space<vmem>>
        %dma_wait3A_157 = tpu.memref_squeeze %dma_wait3A_156 : memref<1x128xi32, #tpu.memory_space<vmem>> -> memref<128xi32, #tpu.memory_space<vmem>>
        %dma_wait3A_158 = arith.constant 0 : i32
        %dma_wait3A_159 = arith.constant 0 : i32
        %dma_wait3A_160 = tpu.memref_slice %arg10[%dma_wait3A_158, %dma_wait3A_159] : memref<10112x64xf32, #tpu.memory_space<vmem_shared>> -> memref<10112x64xf32, #tpu.memory_space<vmem_shared>>
        tpu.wait_indirect_dma semaphore(%run_scoped3A_140 : memref<!tpu.dma_semaphore, #tpu.memory_space<semaphore_mem>>) src(%dma_wait3A_154 : memref<128x64xf32, #tpu.memory_space<vmem>>) dst(%dma_wait3A_160 : memref<10112x64xf32, #tpu.memory_space<vmem_shared>>)
        tpu.yield
      }) : () -> ()
      %add3A_71 = arith.constant 2 : i32
      %add3A_72 = arith.addi %add3A_60, %add3A_71 : i32
      %lt3A = arith.cmpi slt, %add3A_72, %select_n3A : i32
      %convert_element_type3A = arith.extui %lt3A : i1 to i32
      %cond3A = arith.constant 0 : i32
      %cond3A_73 = arith.cmpi ne, %convert_element_type3A, %cond3A : i32
      scf.if %cond3A_73 {
        %add3A_140 = arith.constant 2 : i32
        %add3A_141 = arith.addi %add3A_60, %add3A_140 : i32
        %dma_start3A_142 = arith.constant 2 : i32
        %dma_start3A_143 = arith.constant 0 : i32
        %dma_start3A_144 = arith.constant 0 : i32
        %dma_start3A_145 = tpu.memref_slice %arg9[%dma_start3A_142, %dma_start3A_143, %dma_start3A_144] : memref<4x128x64xf32, #tpu.memory_space<vmem>> -> memref<1x128x64xf32, #tpu.memory_space<vmem>>
        %dma_start3A_146 = tpu.memref_squeeze %dma_start3A_145 : memref<1x128x64xf32, #tpu.memory_space<vmem>> -> memref<128x64xf32, #tpu.memory_space<vmem>>
        %dma_start3A_147 = arith.constant 0 : i32
        %dma_start3A_148 = tpu.memref_slice %arg7[%add3A_141, %dma_start3A_147] : memref<80x128xi32, #tpu.memory_space<vmem>> -> memref<1x128xi32, #tpu.memory_space<vmem>>
        %dma_start3A_149 = tpu.memref_squeeze %dma_start3A_148 : memref<1x128xi32, #tpu.memory_space<vmem>> -> memref<128xi32, #tpu.memory_space<vmem>>
        %dma_start3A_150 = arith.constant 0 : i32
        %dma_start3A_151 = arith.constant 0 : i32
        %dma_start3A_152 = tpu.memref_slice %arg2[%dma_start3A_150, %dma_start3A_151] : memref<10000x64xf32, #tpu.memory_space<hbm>> -> memref<10000x64xf32, #tpu.memory_space<hbm>>
        tpu.enqueue_indirect_dma source(%dma_start3A_152 : memref<10000x64xf32, #tpu.memory_space<hbm>>) target(%dma_start3A_146 : memref<128x64xf32, #tpu.memory_space<vmem>>) offsets(%dma_start3A_149 : memref<128xi32, #tpu.memory_space<vmem>>) semaphore(%arg13 : memref<!tpu.dma_semaphore, #tpu.memory_space<semaphore_mem>>)
      } else {
      }
      %mul3A_74 = arith.constant 4 : i32
      %mul3A_75 = arith.muli %mul3A_74, %while3A_56 : i32
      %add3A_76 = arith.constant 1 : i32
      %add3A_77 = arith.addi %mul3A_75, %add3A_76 : i32
      %dma_wait3A_78 = arith.constant 1 : i32
      %dma_wait3A_79 = arith.constant 0 : i32
      %dma_wait3A_80 = arith.constant 0 : i32
      %dma_wait3A_81 = tpu.memref_slice %arg9[%dma_wait3A_78, %dma_wait3A_79, %dma_wait3A_80] : memref<4x128x64xf32, #tpu.memory_space<vmem>> -> memref<1x128x64xf32, #tpu.memory_space<vmem>>
      %dma_wait3A_82 = tpu.memref_squeeze %dma_wait3A_81 : memref<1x128x64xf32, #tpu.memory_space<vmem>> -> memref<128x64xf32, #tpu.memory_space<vmem>>
      %dma_wait3A_83 = arith.constant 0 : i32
      %dma_wait3A_84 = tpu.memref_slice %arg7[%add3A_77, %dma_wait3A_83] : memref<80x128xi32, #tpu.memory_space<vmem>> -> memref<1x128xi32, #tpu.memory_space<vmem>>
      %dma_wait3A_85 = tpu.memref_squeeze %dma_wait3A_84 : memref<1x128xi32, #tpu.memory_space<vmem>> -> memref<128xi32, #tpu.memory_space<vmem>>
      %dma_wait3A_86 = arith.constant 0 : i32
      %dma_wait3A_87 = arith.constant 0 : i32
      %dma_wait3A_88 = tpu.memref_slice %arg2[%dma_wait3A_86, %dma_wait3A_87] : memref<10000x64xf32, #tpu.memory_space<hbm>> -> memref<10000x64xf32, #tpu.memory_space<hbm>>
      tpu.wait_indirect_dma semaphore(%arg12 : memref<!tpu.dma_semaphore, #tpu.memory_space<semaphore_mem>>) src(%dma_wait3A_88 : memref<10000x64xf32, #tpu.memory_space<hbm>>) dst(%dma_wait3A_82 : memref<128x64xf32, #tpu.memory_space<vmem>>)
      %run_scoped3A_89 = arith.constant 1 : i32
      "tpu.region"() ({
        %run_scoped3A_140 = tpu.sem_alloc : memref<!tpu.dma_semaphore, #tpu.memory_space<semaphore_mem>>
        %dma_start3A_141 = arith.constant 0 : i32
        %dma_start3A_142 = arith.constant 0 : i32
        %dma_start3A_143 = tpu.memref_slice %arg9[%run_scoped3A_89, %dma_start3A_141, %dma_start3A_142] : memref<4x128x64xf32, #tpu.memory_space<vmem>> -> memref<1x128x64xf32, #tpu.memory_space<vmem>>
        %dma_start3A_144 = tpu.memref_squeeze %dma_start3A_143 : memref<1x128x64xf32, #tpu.memory_space<vmem>> -> memref<128x64xf32, #tpu.memory_space<vmem>>
        %dma_start3A_145 = arith.constant 0 : i32
        %dma_start3A_146 = tpu.memref_slice %arg8[%add3A_77, %dma_start3A_145] : memref<80x128xi32, #tpu.memory_space<vmem>> -> memref<1x128xi32, #tpu.memory_space<vmem>>
        %dma_start3A_147 = tpu.memref_squeeze %dma_start3A_146 : memref<1x128xi32, #tpu.memory_space<vmem>> -> memref<128xi32, #tpu.memory_space<vmem>>
        %dma_start3A_148 = arith.constant 0 : i32
        %dma_start3A_149 = arith.constant 0 : i32
        %dma_start3A_150 = tpu.memref_slice %arg10[%dma_start3A_148, %dma_start3A_149] : memref<10112x64xf32, #tpu.memory_space<vmem_shared>> -> memref<10112x64xf32, #tpu.memory_space<vmem_shared>>
        tpu.enqueue_indirect_dma source(%dma_start3A_144 : memref<128x64xf32, #tpu.memory_space<vmem>>) target(%dma_start3A_150 : memref<10112x64xf32, #tpu.memory_space<vmem_shared>>) offsets(%dma_start3A_147 : memref<128xi32, #tpu.memory_space<vmem>>) semaphore(%run_scoped3A_140 : memref<!tpu.dma_semaphore, #tpu.memory_space<semaphore_mem>>) {add = true}
        %dma_wait3A_151 = arith.constant 0 : i32
        %dma_wait3A_152 = arith.constant 0 : i32
        %dma_wait3A_153 = tpu.memref_slice %arg9[%run_scoped3A_89, %dma_wait3A_151, %dma_wait3A_152] : memref<4x128x64xf32, #tpu.memory_space<vmem>> -> memref<1x128x64xf32, #tpu.memory_space<vmem>>
        %dma_wait3A_154 = tpu.memref_squeeze %dma_wait3A_153 : memref<1x128x64xf32, #tpu.memory_space<vmem>> -> memref<128x64xf32, #tpu.memory_space<vmem>>
        %dma_wait3A_155 = arith.constant 0 : i32
        %dma_wait3A_156 = tpu.memref_slice %arg8[%add3A_77, %dma_wait3A_155] : memref<80x128xi32, #tpu.memory_space<vmem>> -> memref<1x128xi32, #tpu.memory_space<vmem>>
        %dma_wait3A_157 = tpu.memref_squeeze %dma_wait3A_156 : memref<1x128xi32, #tpu.memory_space<vmem>> -> memref<128xi32, #tpu.memory_space<vmem>>
        %dma_wait3A_158 = arith.constant 0 : i32
        %dma_wait3A_159 = arith.constant 0 : i32
        %dma_wait3A_160 = tpu.memref_slice %arg10[%dma_wait3A_158, %dma_wait3A_159] : memref<10112x64xf32, #tpu.memory_space<vmem_shared>> -> memref<10112x64xf32, #tpu.memory_space<vmem_shared>>
        tpu.wait_indirect_dma semaphore(%run_scoped3A_140 : memref<!tpu.dma_semaphore, #tpu.memory_space<semaphore_mem>>) src(%dma_wait3A_154 : memref<128x64xf32, #tpu.memory_space<vmem>>) dst(%dma_wait3A_160 : memref<10112x64xf32, #tpu.memory_space<vmem_shared>>)
        tpu.yield
      }) : () -> ()
      %add3A_90 = arith.constant 2 : i32
      %add3A_91 = arith.addi %add3A_77, %add3A_90 : i32
      %lt3A_92 = arith.cmpi slt, %add3A_91, %select_n3A : i32
      %convert_element_type3A_93 = arith.extui %lt3A_92 : i1 to i32
      %cond3A_94 = arith.constant 0 : i32
      %cond3A_95 = arith.cmpi ne, %convert_element_type3A_93, %cond3A_94 : i32
      scf.if %cond3A_95 {
        %add3A_140 = arith.constant 2 : i32
        %add3A_141 = arith.addi %add3A_77, %add3A_140 : i32
        %dma_start3A_142 = arith.constant 3 : i32
        %dma_start3A_143 = arith.constant 0 : i32
        %dma_start3A_144 = arith.constant 0 : i32
        %dma_start3A_145 = tpu.memref_slice %arg9[%dma_start3A_142, %dma_start3A_143, %dma_start3A_144] : memref<4x128x64xf32, #tpu.memory_space<vmem>> -> memref<1x128x64xf32, #tpu.memory_space<vmem>>
        %dma_start3A_146 = tpu.memref_squeeze %dma_start3A_145 : memref<1x128x64xf32, #tpu.memory_space<vmem>> -> memref<128x64xf32, #tpu.memory_space<vmem>>
        %dma_start3A_147 = arith.constant 0 : i32
        %dma_start3A_148 = tpu.memref_slice %arg7[%add3A_141, %dma_start3A_147] : memref<80x128xi32, #tpu.memory_space<vmem>> -> memref<1x128xi32, #tpu.memory_space<vmem>>
        %dma_start3A_149 = tpu.memref_squeeze %dma_start3A_148 : memref<1x128xi32, #tpu.memory_space<vmem>> -> memref<128xi32, #tpu.memory_space<vmem>>
        %dma_start3A_150 = arith.constant 0 : i32
        %dma_start3A_151 = arith.constant 0 : i32
        %dma_start3A_152 = tpu.memref_slice %arg2[%dma_start3A_150, %dma_start3A_151] : memref<10000x64xf32, #tpu.memory_space<hbm>> -> memref<10000x64xf32, #tpu.memory_space<hbm>>
        tpu.enqueue_indirect_dma source(%dma_start3A_152 : memref<10000x64xf32, #tpu.memory_space<hbm>>) target(%dma_start3A_146 : memref<128x64xf32, #tpu.memory_space<vmem>>) offsets(%dma_start3A_149 : memref<128xi32, #tpu.memory_space<vmem>>) semaphore(%arg14 : memref<!tpu.dma_semaphore, #tpu.memory_space<semaphore_mem>>)
      } else {
      }
      %mul3A_96 = arith.constant 4 : i32
      %mul3A_97 = arith.muli %mul3A_96, %while3A_56 : i32
      %add3A_98 = arith.constant 2 : i32
      %add3A_99 = arith.addi %mul3A_97, %add3A_98 : i32
      %dma_wait3A_100 = arith.constant 2 : i32
      %dma_wait3A_101 = arith.constant 0 : i32
      %dma_wait3A_102 = arith.constant 0 : i32
      %dma_wait3A_103 = tpu.memref_slice %arg9[%dma_wait3A_100, %dma_wait3A_101, %dma_wait3A_102] : memref<4x128x64xf32, #tpu.memory_space<vmem>> -> memref<1x128x64xf32, #tpu.memory_space<vmem>>
      %dma_wait3A_104 = tpu.memref_squeeze %dma_wait3A_103 : memref<1x128x64xf32, #tpu.memory_space<vmem>> -> memref<128x64xf32, #tpu.memory_space<vmem>>
      %dma_wait3A_105 = arith.constant 0 : i32
      %dma_wait3A_106 = tpu.memref_slice %arg7[%add3A_99, %dma_wait3A_105] : memref<80x128xi32, #tpu.memory_space<vmem>> -> memref<1x128xi32, #tpu.memory_space<vmem>>
      %dma_wait3A_107 = tpu.memref_squeeze %dma_wait3A_106 : memref<1x128xi32, #tpu.memory_space<vmem>> -> memref<128xi32, #tpu.memory_space<vmem>>
      %dma_wait3A_108 = arith.constant 0 : i32
      %dma_wait3A_109 = arith.constant 0 : i32
      %dma_wait3A_110 = tpu.memref_slice %arg2[%dma_wait3A_108, %dma_wait3A_109] : memref<10000x64xf32, #tpu.memory_space<hbm>> -> memref<10000x64xf32, #tpu.memory_space<hbm>>
      tpu.wait_indirect_dma semaphore(%arg13 : memref<!tpu.dma_semaphore, #tpu.memory_space<semaphore_mem>>) src(%dma_wait3A_110 : memref<10000x64xf32, #tpu.memory_space<hbm>>) dst(%dma_wait3A_104 : memref<128x64xf32, #tpu.memory_space<vmem>>)
      %run_scoped3A_111 = arith.constant 2 : i32
      "tpu.region"() ({
        %run_scoped3A_140 = tpu.sem_alloc : memref<!tpu.dma_semaphore, #tpu.memory_space<semaphore_mem>>
        %dma_start3A_141 = arith.constant 0 : i32
        %dma_start3A_142 = arith.constant 0 : i32
        %dma_start3A_143 = tpu.memref_slice %arg9[%run_scoped3A_111, %dma_start3A_141, %dma_start3A_142] : memref<4x128x64xf32, #tpu.memory_space<vmem>> -> memref<1x128x64xf32, #tpu.memory_space<vmem>>
        %dma_start3A_144 = tpu.memref_squeeze %dma_start3A_143 : memref<1x128x64xf32, #tpu.memory_space<vmem>> -> memref<128x64xf32, #tpu.memory_space<vmem>>
        %dma_start3A_145 = arith.constant 0 : i32
        %dma_start3A_146 = tpu.memref_slice %arg8[%add3A_99, %dma_start3A_145] : memref<80x128xi32, #tpu.memory_space<vmem>> -> memref<1x128xi32, #tpu.memory_space<vmem>>
        %dma_start3A_147 = tpu.memref_squeeze %dma_start3A_146 : memref<1x128xi32, #tpu.memory_space<vmem>> -> memref<128xi32, #tpu.memory_space<vmem>>
        %dma_start3A_148 = arith.constant 0 : i32
        %dma_start3A_149 = arith.constant 0 : i32
        %dma_start3A_150 = tpu.memref_slice %arg10[%dma_start3A_148, %dma_start3A_149] : memref<10112x64xf32, #tpu.memory_space<vmem_shared>> -> memref<10112x64xf32, #tpu.memory_space<vmem_shared>>
        tpu.enqueue_indirect_dma source(%dma_start3A_144 : memref<128x64xf32, #tpu.memory_space<vmem>>) target(%dma_start3A_150 : memref<10112x64xf32, #tpu.memory_space<vmem_shared>>) offsets(%dma_start3A_147 : memref<128xi32, #tpu.memory_space<vmem>>) semaphore(%run_scoped3A_140 : memref<!tpu.dma_semaphore, #tpu.memory_space<semaphore_mem>>) {add = true}
        %dma_wait3A_151 = arith.constant 0 : i32
        %dma_wait3A_152 = arith.constant 0 : i32
        %dma_wait3A_153 = tpu.memref_slice %arg9[%run_scoped3A_111, %dma_wait3A_151, %dma_wait3A_152] : memref<4x128x64xf32, #tpu.memory_space<vmem>> -> memref<1x128x64xf32, #tpu.memory_space<vmem>>
        %dma_wait3A_154 = tpu.memref_squeeze %dma_wait3A_153 : memref<1x128x64xf32, #tpu.memory_space<vmem>> -> memref<128x64xf32, #tpu.memory_space<vmem>>
        %dma_wait3A_155 = arith.constant 0 : i32
        %dma_wait3A_156 = tpu.memref_slice %arg8[%add3A_99, %dma_wait3A_155] : memref<80x128xi32, #tpu.memory_space<vmem>> -> memref<1x128xi32, #tpu.memory_space<vmem>>
        %dma_wait3A_157 = tpu.memref_squeeze %dma_wait3A_156 : memref<1x128xi32, #tpu.memory_space<vmem>> -> memref<128xi32, #tpu.memory_space<vmem>>
        %dma_wait3A_158 = arith.constant 0 : i32
        %dma_wait3A_159 = arith.constant 0 : i32
        %dma_wait3A_160 = tpu.memref_slice %arg10[%dma_wait3A_158, %dma_wait3A_159] : memref<10112x64xf32, #tpu.memory_space<vmem_shared>> -> memref<10112x64xf32, #tpu.memory_space<vmem_shared>>
        tpu.wait_indirect_dma semaphore(%run_scoped3A_140 : memref<!tpu.dma_semaphore, #tpu.memory_space<semaphore_mem>>) src(%dma_wait3A_154 : memref<128x64xf32, #tpu.memory_space<vmem>>) dst(%dma_wait3A_160 : memref<10112x64xf32, #tpu.memory_space<vmem_shared>>)
        tpu.yield
      }) : () -> ()
      %add3A_112 = arith.constant 2 : i32
      %add3A_113 = arith.addi %add3A_99, %add3A_112 : i32
      %lt3A_114 = arith.cmpi slt, %add3A_113, %select_n3A : i32
      %convert_element_type3A_115 = arith.extui %lt3A_114 : i1 to i32
      %cond3A_116 = arith.constant 0 : i32
      %cond3A_117 = arith.cmpi ne, %convert_element_type3A_115, %cond3A_116 : i32
      scf.if %cond3A_117 {
        %add3A_140 = arith.constant 2 : i32
        %add3A_141 = arith.addi %add3A_99, %add3A_140 : i32
        %dma_start3A_142 = arith.constant 0 : i32
        %dma_start3A_143 = arith.constant 0 : i32
        %dma_start3A_144 = arith.constant 0 : i32
        %dma_start3A_145 = tpu.memref_slice %arg9[%dma_start3A_142, %dma_start3A_143, %dma_start3A_144] : memref<4x128x64xf32, #tpu.memory_space<vmem>> -> memref<1x128x64xf32, #tpu.memory_space<vmem>>
        %dma_start3A_146 = tpu.memref_squeeze %dma_start3A_145 : memref<1x128x64xf32, #tpu.memory_space<vmem>> -> memref<128x64xf32, #tpu.memory_space<vmem>>
        %dma_start3A_147 = arith.constant 0 : i32
        %dma_start3A_148 = tpu.memref_slice %arg7[%add3A_141, %dma_start3A_147] : memref<80x128xi32, #tpu.memory_space<vmem>> -> memref<1x128xi32, #tpu.memory_space<vmem>>
        %dma_start3A_149 = tpu.memref_squeeze %dma_start3A_148 : memref<1x128xi32, #tpu.memory_space<vmem>> -> memref<128xi32, #tpu.memory_space<vmem>>
        %dma_start3A_150 = arith.constant 0 : i32
        %dma_start3A_151 = arith.constant 0 : i32
        %dma_start3A_152 = tpu.memref_slice %arg2[%dma_start3A_150, %dma_start3A_151] : memref<10000x64xf32, #tpu.memory_space<hbm>> -> memref<10000x64xf32, #tpu.memory_space<hbm>>
        tpu.enqueue_indirect_dma source(%dma_start3A_152 : memref<10000x64xf32, #tpu.memory_space<hbm>>) target(%dma_start3A_146 : memref<128x64xf32, #tpu.memory_space<vmem>>) offsets(%dma_start3A_149 : memref<128xi32, #tpu.memory_space<vmem>>) semaphore(%arg11 : memref<!tpu.dma_semaphore, #tpu.memory_space<semaphore_mem>>)
      } else {
      }
      %mul3A_118 = arith.constant 4 : i32
      %mul3A_119 = arith.muli %mul3A_118, %while3A_56 : i32
      %add3A_120 = arith.constant 3 : i32
      %add3A_121 = arith.addi %mul3A_119, %add3A_120 : i32
      %dma_wait3A_122 = arith.constant 3 : i32
      %dma_wait3A_123 = arith.constant 0 : i32
      %dma_wait3A_124 = arith.constant 0 : i32
      %dma_wait3A_125 = tpu.memref_slice %arg9[%dma_wait3A_122, %dma_wait3A_123, %dma_wait3A_124] : memref<4x128x64xf32, #tpu.memory_space<vmem>> -> memref<1x128x64xf32, #tpu.memory_space<vmem>>
      %dma_wait3A_126 = tpu.memref_squeeze %dma_wait3A_125 : memref<1x128x64xf32, #tpu.memory_space<vmem>> -> memref<128x64xf32, #tpu.memory_space<vmem>>
      %dma_wait3A_127 = arith.constant 0 : i32
      %dma_wait3A_128 = tpu.memref_slice %arg7[%add3A_121, %dma_wait3A_127] : memref<80x128xi32, #tpu.memory_space<vmem>> -> memref<1x128xi32, #tpu.memory_space<vmem>>
      %dma_wait3A_129 = tpu.memref_squeeze %dma_wait3A_128 : memref<1x128xi32, #tpu.memory_space<vmem>> -> memref<128xi32, #tpu.memory_space<vmem>>
      %dma_wait3A_130 = arith.constant 0 : i32
      %dma_wait3A_131 = arith.constant 0 : i32
      %dma_wait3A_132 = tpu.memref_slice %arg2[%dma_wait3A_130, %dma_wait3A_131] : memref<10000x64xf32, #tpu.memory_space<hbm>> -> memref<10000x64xf32, #tpu.memory_space<hbm>>
      tpu.wait_indirect_dma semaphore(%arg14 : memref<!tpu.dma_semaphore, #tpu.memory_space<semaphore_mem>>) src(%dma_wait3A_132 : memref<10000x64xf32, #tpu.memory_space<hbm>>) dst(%dma_wait3A_126 : memref<128x64xf32, #tpu.memory_space<vmem>>)
      %run_scoped3A_133 = arith.constant 3 : i32
      "tpu.region"() ({
        %run_scoped3A_140 = tpu.sem_alloc : memref<!tpu.dma_semaphore, #tpu.memory_space<semaphore_mem>>
        %dma_start3A_141 = arith.constant 0 : i32
        %dma_start3A_142 = arith.constant 0 : i32
        %dma_start3A_143 = tpu.memref_slice %arg9[%run_scoped3A_133, %dma_start3A_141, %dma_start3A_142] : memref<4x128x64xf32, #tpu.memory_space<vmem>> -> memref<1x128x64xf32, #tpu.memory_space<vmem>>
        %dma_start3A_144 = tpu.memref_squeeze %dma_start3A_143 : memref<1x128x64xf32, #tpu.memory_space<vmem>> -> memref<128x64xf32, #tpu.memory_space<vmem>>
        %dma_start3A_145 = arith.constant 0 : i32
        %dma_start3A_146 = tpu.memref_slice %arg8[%add3A_121, %dma_start3A_145] : memref<80x128xi32, #tpu.memory_space<vmem>> -> memref<1x128xi32, #tpu.memory_space<vmem>>
        %dma_start3A_147 = tpu.memref_squeeze %dma_start3A_146 : memref<1x128xi32, #tpu.memory_space<vmem>> -> memref<128xi32, #tpu.memory_space<vmem>>
        %dma_start3A_148 = arith.constant 0 : i32
        %dma_start3A_149 = arith.constant 0 : i32
        %dma_start3A_150 = tpu.memref_slice %arg10[%dma_start3A_148, %dma_start3A_149] : memref<10112x64xf32, #tpu.memory_space<vmem_shared>> -> memref<10112x64xf32, #tpu.memory_space<vmem_shared>>
        tpu.enqueue_indirect_dma source(%dma_start3A_144 : memref<128x64xf32, #tpu.memory_space<vmem>>) target(%dma_start3A_150 : memref<10112x64xf32, #tpu.memory_space<vmem_shared>>) offsets(%dma_start3A_147 : memref<128xi32, #tpu.memory_space<vmem>>) semaphore(%run_scoped3A_140 : memref<!tpu.dma_semaphore, #tpu.memory_space<semaphore_mem>>) {add = true}
        %dma_wait3A_151 = arith.constant 0 : i32
        %dma_wait3A_152 = arith.constant 0 : i32
        %dma_wait3A_153 = tpu.memref_slice %arg9[%run_scoped3A_133, %dma_wait3A_151, %dma_wait3A_152] : memref<4x128x64xf32, #tpu.memory_space<vmem>> -> memref<1x128x64xf32, #tpu.memory_space<vmem>>
        %dma_wait3A_154 = tpu.memref_squeeze %dma_wait3A_153 : memref<1x128x64xf32, #tpu.memory_space<vmem>> -> memref<128x64xf32, #tpu.memory_space<vmem>>
        %dma_wait3A_155 = arith.constant 0 : i32
        %dma_wait3A_156 = tpu.memref_slice %arg8[%add3A_121, %dma_wait3A_155] : memref<80x128xi32, #tpu.memory_space<vmem>> -> memref<1x128xi32, #tpu.memory_space<vmem>>
        %dma_wait3A_157 = tpu.memref_squeeze %dma_wait3A_156 : memref<1x128xi32, #tpu.memory_space<vmem>> -> memref<128xi32, #tpu.memory_space<vmem>>
        %dma_wait3A_158 = arith.constant 0 : i32
        %dma_wait3A_159 = arith.constant 0 : i32
        %dma_wait3A_160 = tpu.memref_slice %arg10[%dma_wait3A_158, %dma_wait3A_159] : memref<10112x64xf32, #tpu.memory_space<vmem_shared>> -> memref<10112x64xf32, #tpu.memory_space<vmem_shared>>
        tpu.wait_indirect_dma semaphore(%run_scoped3A_140 : memref<!tpu.dma_semaphore, #tpu.memory_space<semaphore_mem>>) src(%dma_wait3A_154 : memref<128x64xf32, #tpu.memory_space<vmem>>) dst(%dma_wait3A_160 : memref<10112x64xf32, #tpu.memory_space<vmem_shared>>)
        tpu.yield
      }) : () -> ()
      %add3A_134 = arith.constant 2 : i32
      %add3A_135 = arith.addi %add3A_121, %add3A_134 : i32
      %lt3A_136 = arith.cmpi slt, %add3A_135, %select_n3A : i32
      %convert_element_type3A_137 = arith.extui %lt3A_136 : i1 to i32
      %cond3A_138 = arith.constant 0 : i32
      %cond3A_139 = arith.cmpi ne, %convert_element_type3A_137, %cond3A_138 : i32
      scf.if %cond3A_139 {
        %add3A_140 = arith.constant 2 : i32
        %add3A_141 = arith.addi %add3A_121, %add3A_140 : i32
        %dma_start3A_142 = arith.constant 1 : i32
        %dma_start3A_143 = arith.constant 0 : i32
        %dma_start3A_144 = arith.constant 0 : i32
        %dma_start3A_145 = tpu.memref_slice %arg9[%dma_start3A_142, %dma_start3A_143, %dma_start3A_144] : memref<4x128x64xf32, #tpu.memory_space<vmem>> -> memref<1x128x64xf32, #tpu.memory_space<vmem>>
        %dma_start3A_146 = tpu.memref_squeeze %dma_start3A_145 : memref<1x128x64xf32, #tpu.memory_space<vmem>> -> memref<128x64xf32, #tpu.memory_space<vmem>>
        %dma_start3A_147 = arith.constant 0 : i32
        %dma_start3A_148 = tpu.memref_slice %arg7[%add3A_141, %dma_start3A_147] : memref<80x128xi32, #tpu.memory_space<vmem>> -> memref<1x128xi32, #tpu.memory_space<vmem>>
        %dma_start3A_149 = tpu.memref_squeeze %dma_start3A_148 : memref<1x128xi32, #tpu.memory_space<vmem>> -> memref<128xi32, #tpu.memory_space<vmem>>
        %dma_start3A_150 = arith.constant 0 : i32
        %dma_start3A_151 = arith.constant 0 : i32
        %dma_start3A_152 = tpu.memref_slice %arg2[%dma_start3A_150, %dma_start3A_151] : memref<10000x64xf32, #tpu.memory_space<hbm>> -> memref<10000x64xf32, #tpu.memory_space<hbm>>
        tpu.enqueue_indirect_dma source(%dma_start3A_152 : memref<10000x64xf32, #tpu.memory_space<hbm>>) target(%dma_start3A_146 : memref<128x64xf32, #tpu.memory_space<vmem>>) offsets(%dma_start3A_149 : memref<128xi32, #tpu.memory_space<vmem>>) semaphore(%arg12 : memref<!tpu.dma_semaphore, #tpu.memory_space<semaphore_mem>>)
      } else {
      }
    }
    %barrier3A_55 = arith.constant 0 : index
    tpu.barrier barrier_id(%barrier3A_55)
    "tpu.region"() ({
      %run_scoped3A = tpu.sem_alloc : memref<!tpu.dma_semaphore, #tpu.memory_space<semaphore_mem>>
      %dma_start3A_56 = arith.constant 0 : i32
      %dma_start3A_57 = arith.constant 0 : i32
      %dma_start3A_58 = tpu.memref_slice %arg6[%arg0, %dma_start3A_56, %dma_start3A_57] : memref<2x10112x64xf32, #tpu.memory_space<hbm>> -> memref<1x10112x64xf32, #tpu.memory_space<hbm>>
      %dma_start3A_59 = tpu.memref_squeeze %dma_start3A_58 : memref<1x10112x64xf32, #tpu.memory_space<hbm>> -> memref<10112x64xf32, #tpu.memory_space<hbm>>
      %dma_start3A_60 = arith.constant 0 : i32
      %dma_start3A_61 = tpu.memref_slice %dma_start3A_59[%mul3A_2, %dma_start3A_60] : memref<10112x64xf32, #tpu.memory_space<hbm>> -> memref<632x64xf32, #tpu.memory_space<hbm>>
      %dma_start3A_62 = arith.constant 0 : i32
      %dma_start3A_63 = tpu.memref_slice %arg10[%mul3A_2, %dma_start3A_62] : memref<10112x64xf32, #tpu.memory_space<vmem_shared>> -> memref<632x64xf32, #tpu.memory_space<vmem_shared>>
      tpu.enqueue_dma source(%dma_start3A_63 : memref<632x64xf32, #tpu.memory_space<vmem_shared>>) target(%dma_start3A_61 : memref<632x64xf32, #tpu.memory_space<hbm>>) target_semaphore(%run_scoped3A : memref<!tpu.dma_semaphore, #tpu.memory_space<semaphore_mem>>)
      %dma_wait3A = arith.constant 0 : i32
      %dma_wait3A_64 = arith.constant 0 : i32
      %dma_wait3A_65 = tpu.memref_slice %arg6[%arg0, %dma_wait3A, %dma_wait3A_64] : memref<2x10112x64xf32, #tpu.memory_space<hbm>> -> memref<1x10112x64xf32, #tpu.memory_space<hbm>>
      %dma_wait3A_66 = tpu.memref_squeeze %dma_wait3A_65 : memref<1x10112x64xf32, #tpu.memory_space<hbm>> -> memref<10112x64xf32, #tpu.memory_space<hbm>>
      %dma_wait3A_67 = arith.constant 0 : i32
      %dma_wait3A_68 = tpu.memref_slice %dma_wait3A_66[%mul3A_2, %dma_wait3A_67] : memref<10112x64xf32, #tpu.memory_space<hbm>> -> memref<632x64xf32, #tpu.memory_space<hbm>>
      %dma_wait3A_69 = arith.constant 0 : i32
      %dma_wait3A_70 = tpu.memref_slice %arg10[%mul3A_2, %dma_wait3A_69] : memref<10112x64xf32, #tpu.memory_space<vmem_shared>> -> memref<632x64xf32, #tpu.memory_space<vmem_shared>>
      tpu.wait_dma2 semaphore(%run_scoped3A : memref<!tpu.dma_semaphore, #tpu.memory_space<semaphore_mem>>) src(%dma_wait3A_70 : memref<632x64xf32, #tpu.memory_space<vmem_shared>>) dst(%dma_wait3A_68 : memref<632x64xf32, #tpu.memory_space<hbm>>)
      tpu.yield
    }) : () -> ()
    return
  }
}

module attributes {stable_mosaic.version = 14 : i64} {
  func.func @_enc_tc_body(%arg0: memref<10000x128xf32, #tpu.memory_space<vmem>>, %arg1: memref<128x64xf32, #tpu.memory_space<vmem>>, %arg2: memref<1x64xf32, #tpu.memory_space<vmem>>, %arg3: memref<32x10112xf32, #tpu.memory_space<vmem>>, %arg4: memref<10000x64xf32, #tpu.memory_space<vmem>>, %arg5: memref<10000x64xf32, #tpu.memory_space<vmem>>, %arg6: memref<10000x1xf32, #tpu.memory_space<vmem>>) attributes {dimension_semantics = [], scalar_prefetch = 0 : i64, scratch_operands = 0 : i64, tpu.core_type = #tpu.core_type<tc>} {
    %get3A = arith.constant 0 : index
    %get3A_0 = arith.constant 0 : index
    %get3A_1 = vector.load %arg3[%get3A, %get3A_0] : memref<32x10112xf32, #tpu.memory_space<vmem>>, vector<32x10000xf32>
    %reduce_sum3A = arith.constant dense<0.000000e+00> : vector<10000xf32>
    %reduce_sum3A_2 = vector.multi_reduction <add>, %get3A_1, %reduce_sum3A [0] : vector<32x10000xf32> to vector<10000xf32>
    %broadcast_in_dim3A = vector.shape_cast %reduce_sum3A_2 : vector<10000xf32> to vector<10000x1xf32>
    %add3A = arith.constant 1.000000e+00 : f32
    %add3A_3 = vector.broadcast %add3A : f32 to vector<10000x1xf32>
    %add3A_4 = arith.addf %add3A_3, %broadcast_in_dim3A : vector<10000x1xf32>
    %sqrt3A = math.sqrt %add3A_4 : vector<10000x1xf32>
    %div3A = arith.constant 1.000000e+00 : f32
    %div3A_5 = vector.broadcast %div3A : f32 to vector<10000x1xf32>
    %div3A_6 = arith.divf %div3A_5, %sqrt3A : vector<10000x1xf32>
    %get3A_7 = arith.constant 0 : index
    %get3A_8 = arith.constant 0 : index
    %get3A_9 = vector.load %arg0[%get3A_7, %get3A_8] : memref<10000x128xf32, #tpu.memory_space<vmem>>, vector<10000x128xf32>
    %get3A_10 = arith.constant 0 : index
    %get3A_11 = arith.constant 0 : index
    %get3A_12 = vector.load %arg1[%get3A_10, %get3A_11] : memref<128x64xf32, #tpu.memory_space<vmem>>, vector<128x64xf32>
    %dot_general3A = arith.constant dense<0.000000e+00> : vector<10000x64xf32>
    %dot_general3A_13 = tpu.matmul %get3A_9, %get3A_12, %dot_general3A {dimension_numbers = #tpu.dot_dimension_numbers<[1], [0], [0], [1], [0, 0, 1, 1], [], []>, transpose_lhs_hint = false} : vector<10000x128xf32>, vector<128x64xf32>, vector<10000x64xf32> -> vector<10000x64xf32>
    %get3A_14 = arith.constant 0 : index
    %get3A_15 = arith.constant 0 : index
    %get3A_16 = vector.load %arg2[%get3A_14, %get3A_15] : memref<1x64xf32, #tpu.memory_space<vmem>>, vector<1x64xf32>
    %add3A_17 = vector.broadcast %get3A_16 : vector<1x64xf32> to vector<10000x64xf32>
    %add3A_18 = arith.addf %dot_general3A_13, %add3A_17 : vector<10000x64xf32>
    %swap3A = arith.constant 0 : index
    %swap3A_19 = arith.constant 0 : index
    %swap3A_20 = vector.load %arg4[%swap3A, %swap3A_19] : memref<10000x64xf32, #tpu.memory_space<vmem>>, vector<10000x64xf32>
    tpu.vector_store %arg4[%swap3A, %swap3A_19], %add3A_18 {strides = array<i32>} : memref<10000x64xf32, #tpu.memory_space<vmem>>, vector<10000x64xf32>,
    %mul3A = vector.broadcast %div3A_6 : vector<10000x1xf32> to vector<10000x64xf32>
    %mul3A_21 = arith.mulf %add3A_18, %mul3A : vector<10000x64xf32>
    %swap3A_22 = arith.constant 0 : index
    %swap3A_23 = arith.constant 0 : index
    %swap3A_24 = vector.load %arg5[%swap3A_22, %swap3A_23] : memref<10000x64xf32, #tpu.memory_space<vmem>>, vector<10000x64xf32>
    tpu.vector_store %arg5[%swap3A_22, %swap3A_23], %mul3A_21 {strides = array<i32>} : memref<10000x64xf32, #tpu.memory_space<vmem>>, vector<10000x64xf32>,
    %swap3A_25 = arith.constant 0 : index
    %swap3A_26 = arith.constant 0 : index
    %swap3A_27 = vector.load %arg6[%swap3A_25, %swap3A_26] : memref<10000x1xf32, #tpu.memory_space<vmem>>, vector<10000x1xf32>
    tpu.vector_store %arg6[%swap3A_25, %swap3A_26], %div3A_6 {strides = array<i32>} : memref<10000x1xf32, #tpu.memory_space<vmem>>, vector<10000x1xf32>,
    return
  }
}

module attributes {stable_mosaic.version = 14 : i64} {
  func.func @_mid_tc_body(%arg0: memref<2x10112x64xf32, #tpu.memory_space<vmem>>, %arg1: memref<10000x64xf32, #tpu.memory_space<vmem>>, %arg2: memref<10000x1xf32, #tpu.memory_space<vmem>>, %arg3: memref<64x64xf32, #tpu.memory_space<vmem>>, %arg4: memref<1x64xf32, #tpu.memory_space<vmem>>, %arg5: memref<10000x64xf32, #tpu.memory_space<vmem>>, %arg6: memref<10000x64xf32, #tpu.memory_space<vmem>>) attributes {dimension_semantics = [], scalar_prefetch = 0 : i64, scratch_operands = 0 : i64, tpu.core_type = #tpu.core_type<tc>} {
    %get3A = arith.constant 0 : index
    %get3A_0 = arith.constant 0 : index
    %get3A_1 = vector.load %arg2[%get3A, %get3A_0] : memref<10000x1xf32, #tpu.memory_space<vmem>>, vector<10000x1xf32>
    %get3A_2 = arith.constant 0 : index
    %get3A_3 = arith.constant 0 : index
    %get3A_4 = arith.constant 0 : index
    %get3A_5 = vector.load %arg0[%get3A_2, %get3A_3, %get3A_4] : memref<2x10112x64xf32, #tpu.memory_space<vmem>>, vector<1x10000x64xf32>
    %get3A_6 = vector.shape_cast %get3A_5 : vector<1x10000x64xf32> to vector<10000x64xf32>
    %get3A_7 = arith.constant 1 : index
    %get3A_8 = arith.constant 0 : index
    %get3A_9 = arith.constant 0 : index
    %get3A_10 = vector.load %arg0[%get3A_7, %get3A_8, %get3A_9] : memref<2x10112x64xf32, #tpu.memory_space<vmem>>, vector<1x10000x64xf32>
    %get3A_11 = vector.shape_cast %get3A_10 : vector<1x10000x64xf32> to vector<10000x64xf32>
    %add3A = arith.addf %get3A_6, %get3A_11 : vector<10000x64xf32>
    %get3A_12 = arith.constant 0 : index
    %get3A_13 = arith.constant 0 : index
    %get3A_14 = vector.load %arg1[%get3A_12, %get3A_13] : memref<10000x64xf32, #tpu.memory_space<vmem>>, vector<10000x64xf32>
    %add3A_15 = arith.addf %add3A, %get3A_14 : vector<10000x64xf32>
    %mul3A = vector.broadcast %get3A_1 : vector<10000x1xf32> to vector<10000x64xf32>
    %mul3A_16 = arith.mulf %add3A_15, %mul3A : vector<10000x64xf32>
    %get3A_17 = arith.constant 0 : index
    %get3A_18 = arith.constant 0 : index
    %get3A_19 = vector.load %arg3[%get3A_17, %get3A_18] : memref<64x64xf32, #tpu.memory_space<vmem>>, vector<64x64xf32>
    %dot_general3A = arith.constant dense<0.000000e+00> : vector<10000x64xf32>
    %dot_general3A_20 = tpu.matmul %mul3A_16, %get3A_19, %dot_general3A {dimension_numbers = #tpu.dot_dimension_numbers<[1], [0], [0], [1], [0, 0, 1, 1], [], []>, transpose_lhs_hint = false} : vector<10000x64xf32>, vector<64x64xf32>, vector<10000x64xf32> -> vector<10000x64xf32>
    %get3A_21 = arith.constant 0 : index
    %get3A_22 = arith.constant 0 : index
    %get3A_23 = vector.load %arg4[%get3A_21, %get3A_22] : memref<1x64xf32, #tpu.memory_space<vmem>>, vector<1x64xf32>
    %add3A_24 = vector.broadcast %get3A_23 : vector<1x64xf32> to vector<10000x64xf32>
    %add3A_25 = arith.addf %dot_general3A_20, %add3A_24 : vector<10000x64xf32>
    %max3A = arith.constant 0.000000e+00 : f32
    %max3A_26 = vector.broadcast %max3A : f32 to vector<10000x64xf32>
    %max3A_27 = arith.maximumf %add3A_25, %max3A_26 : vector<10000x64xf32>
    %swap3A = arith.constant 0 : index
    %swap3A_28 = arith.constant 0 : index
    %swap3A_29 = vector.load %arg5[%swap3A, %swap3A_28] : memref<10000x64xf32, #tpu.memory_space<vmem>>, vector<10000x64xf32>
    tpu.vector_store %arg5[%swap3A, %swap3A_28], %max3A_27 {strides = array<i32>} : memref<10000x64xf32, #tpu.memory_space<vmem>>, vector<10000x64xf32>,
    %mul3A_30 = vector.broadcast %get3A_1 : vector<10000x1xf32> to vector<10000x64xf32>
    %mul3A_31 = arith.mulf %max3A_27, %mul3A_30 : vector<10000x64xf32>
    %swap3A_32 = arith.constant 0 : index
    %swap3A_33 = arith.constant 0 : index
    %swap3A_34 = vector.load %arg6[%swap3A_32, %swap3A_33] : memref<10000x64xf32, #tpu.memory_space<vmem>>, vector<10000x64xf32>
    tpu.vector_store %arg6[%swap3A_32, %swap3A_33], %mul3A_31 {strides = array<i32>} : memref<10000x64xf32, #tpu.memory_space<vmem>>, vector<10000x64xf32>,
    return
  }
}

module attributes {stable_mosaic.version = 14 : i64} {
  func.func @_mid_tc_body(%arg0: memref<2x10112x64xf32, #tpu.memory_space<vmem>>, %arg1: memref<10000x64xf32, #tpu.memory_space<vmem>>, %arg2: memref<10000x1xf32, #tpu.memory_space<vmem>>, %arg3: memref<64x64xf32, #tpu.memory_space<vmem>>, %arg4: memref<1x64xf32, #tpu.memory_space<vmem>>, %arg5: memref<10000x64xf32, #tpu.memory_space<vmem>>, %arg6: memref<10000x64xf32, #tpu.memory_space<vmem>>) attributes {dimension_semantics = [], scalar_prefetch = 0 : i64, scratch_operands = 0 : i64, tpu.core_type = #tpu.core_type<tc>} {
    %get3A = arith.constant 0 : index
    %get3A_0 = arith.constant 0 : index
    %get3A_1 = vector.load %arg2[%get3A, %get3A_0] : memref<10000x1xf32, #tpu.memory_space<vmem>>, vector<10000x1xf32>
    %get3A_2 = arith.constant 0 : index
    %get3A_3 = arith.constant 0 : index
    %get3A_4 = arith.constant 0 : index
    %get3A_5 = vector.load %arg0[%get3A_2, %get3A_3, %get3A_4] : memref<2x10112x64xf32, #tpu.memory_space<vmem>>, vector<1x10000x64xf32>
    %get3A_6 = vector.shape_cast %get3A_5 : vector<1x10000x64xf32> to vector<10000x64xf32>
    %get3A_7 = arith.constant 1 : index
    %get3A_8 = arith.constant 0 : index
    %get3A_9 = arith.constant 0 : index
    %get3A_10 = vector.load %arg0[%get3A_7, %get3A_8, %get3A_9] : memref<2x10112x64xf32, #tpu.memory_space<vmem>>, vector<1x10000x64xf32>
    %get3A_11 = vector.shape_cast %get3A_10 : vector<1x10000x64xf32> to vector<10000x64xf32>
    %add3A = arith.addf %get3A_6, %get3A_11 : vector<10000x64xf32>
    %get3A_12 = arith.constant 0 : index
    %get3A_13 = arith.constant 0 : index
    %get3A_14 = vector.load %arg1[%get3A_12, %get3A_13] : memref<10000x64xf32, #tpu.memory_space<vmem>>, vector<10000x64xf32>
    %add3A_15 = arith.addf %add3A, %get3A_14 : vector<10000x64xf32>
    %mul3A = vector.broadcast %get3A_1 : vector<10000x1xf32> to vector<10000x64xf32>
    %mul3A_16 = arith.mulf %add3A_15, %mul3A : vector<10000x64xf32>
    %get3A_17 = arith.constant 0 : index
    %get3A_18 = arith.constant 0 : index
    %get3A_19 = vector.load %arg3[%get3A_17, %get3A_18] : memref<64x64xf32, #tpu.memory_space<vmem>>, vector<64x64xf32>
    %dot_general3A = arith.constant dense<0.000000e+00> : vector<10000x64xf32>
    %dot_general3A_20 = tpu.matmul %mul3A_16, %get3A_19, %dot_general3A {dimension_numbers = #tpu.dot_dimension_numbers<[1], [0], [0], [1], [0, 0, 1, 1], [], []>, transpose_lhs_hint = false} : vector<10000x64xf32>, vector<64x64xf32>, vector<10000x64xf32> -> vector<10000x64xf32>
    %get3A_21 = arith.constant 0 : index
    %get3A_22 = arith.constant 0 : index
    %get3A_23 = vector.load %arg4[%get3A_21, %get3A_22] : memref<1x64xf32, #tpu.memory_space<vmem>>, vector<1x64xf32>
    %add3A_24 = vector.broadcast %get3A_23 : vector<1x64xf32> to vector<10000x64xf32>
    %add3A_25 = arith.addf %dot_general3A_20, %add3A_24 : vector<10000x64xf32>
    %max3A = arith.constant 0.000000e+00 : f32
    %max3A_26 = vector.broadcast %max3A : f32 to vector<10000x64xf32>
    %max3A_27 = arith.maximumf %add3A_25, %max3A_26 : vector<10000x64xf32>
    %swap3A = arith.constant 0 : index
    %swap3A_28 = arith.constant 0 : index
    %swap3A_29 = vector.load %arg5[%swap3A, %swap3A_28] : memref<10000x64xf32, #tpu.memory_space<vmem>>, vector<10000x64xf32>
    tpu.vector_store %arg5[%swap3A, %swap3A_28], %max3A_27 {strides = array<i32>} : memref<10000x64xf32, #tpu.memory_space<vmem>>, vector<10000x64xf32>,
    %mul3A_30 = vector.broadcast %get3A_1 : vector<10000x1xf32> to vector<10000x64xf32>
    %mul3A_31 = arith.mulf %max3A_27, %mul3A_30 : vector<10000x64xf32>
    %swap3A_32 = arith.constant 0 : index
    %swap3A_33 = arith.constant 0 : index
    %swap3A_34 = vector.load %arg6[%swap3A_32, %swap3A_33] : memref<10000x64xf32, #tpu.memory_space<vmem>>, vector<10000x64xf32>
    tpu.vector_store %arg6[%swap3A_32, %swap3A_33], %mul3A_31 {strides = array<i32>} : memref<10000x64xf32, #tpu.memory_space<vmem>>, vector<10000x64xf32>,
    return
  }
}

module attributes {stable_mosaic.version = 14 : i64} {
  func.func @_fin_tc_body(%arg0: memref<10000x64xf32, #tpu.memory_space<vmem>>, %arg1: memref<64x32xf32, #tpu.memory_space<vmem>>, %arg2: memref<1x32xf32, #tpu.memory_space<vmem>>, %arg3: memref<32x1xf32, #tpu.memory_space<vmem>>, %arg4: memref<1x1xf32, #tpu.memory_space<vmem>>, %arg5: memref<1x1xf32, #tpu.memory_space<vmem>>) attributes {dimension_semantics = [], scalar_prefetch = 0 : i64, scratch_operands = 0 : i64, tpu.core_type = #tpu.core_type<tc>} {
    %get3A = arith.constant 0 : index
    %get3A_0 = arith.constant 0 : index
    %get3A_1 = vector.load %arg0[%get3A, %get3A_0] : memref<10000x64xf32, #tpu.memory_space<vmem>>, vector<10000x64xf32>
    %reduce_sum3A = arith.constant dense<0.000000e+00> : vector<64xf32>
    %reduce_sum3A_2 = vector.multi_reduction <add>, %get3A_1, %reduce_sum3A [0] : vector<10000x64xf32> to vector<64xf32>
    %broadcast_in_dim3A = vector.shape_cast %reduce_sum3A_2 : vector<64xf32> to vector<1x64xf32>
    %div3A = arith.constant 1.000000e+04 : f32
    %div3A_3 = vector.broadcast %div3A : f32 to vector<1x64xf32>
    %div3A_4 = arith.divf %broadcast_in_dim3A, %div3A_3 : vector<1x64xf32>
    %get3A_5 = arith.constant 0 : index
    %get3A_6 = arith.constant 0 : index
    %get3A_7 = vector.load %arg1[%get3A_5, %get3A_6] : memref<64x32xf32, #tpu.memory_space<vmem>>, vector<64x32xf32>
    %dot_general3A = arith.constant dense<0.000000e+00> : vector<1x32xf32>
    %dot_general3A_8 = tpu.matmul %div3A_4, %get3A_7, %dot_general3A {dimension_numbers = #tpu.dot_dimension_numbers<[1], [0], [0], [1], [0, 0, 1, 1], [], []>, transpose_lhs_hint = false} : vector<1x64xf32>, vector<64x32xf32>, vector<1x32xf32> -> vector<1x32xf32>
    %get3A_9 = arith.constant 0 : index
    %get3A_10 = arith.constant 0 : index
    %get3A_11 = vector.load %arg2[%get3A_9, %get3A_10] : memref<1x32xf32, #tpu.memory_space<vmem>>, vector<1x32xf32>
    %add3A = arith.addf %dot_general3A_8, %get3A_11 : vector<1x32xf32>
    %max3A = arith.constant 0.000000e+00 : f32
    %max3A_12 = vector.broadcast %max3A : f32 to vector<1x32xf32>
    %max3A_13 = arith.maximumf %add3A, %max3A_12 : vector<1x32xf32>
    %get3A_14 = arith.constant 0 : index
    %get3A_15 = arith.constant 0 : index
    %get3A_16 = vector.load %arg3[%get3A_14, %get3A_15] : memref<32x1xf32, #tpu.memory_space<vmem>>, vector<32x1xf32>
    %dot_general3A_17 = arith.constant dense<0.000000e+00> : vector<1x1xf32>
    %dot_general3A_18 = tpu.matmul %max3A_13, %get3A_16, %dot_general3A_17 {dimension_numbers = #tpu.dot_dimension_numbers<[1], [0], [0], [1], [0, 0, 1, 1], [], []>, transpose_lhs_hint = false} : vector<1x32xf32>, vector<32x1xf32>, vector<1x1xf32> -> vector<1x1xf32>
    %get3A_19 = arith.constant 0 : index
    %get3A_20 = arith.constant 0 : index
    %get3A_21 = vector.load %arg4[%get3A_19, %get3A_20] : memref<1x1xf32, #tpu.memory_space<vmem>>, vector<1x1xf32>
    %add3A_22 = arith.addf %dot_general3A_18, %get3A_21 : vector<1x1xf32>
    %swap3A = arith.constant 0 : index
    %swap3A_23 = arith.constant 0 : index
    %swap3A_24 = vector.load %arg5[%swap3A, %swap3A_23] : memref<1x1xf32, #tpu.memory_space<vmem>>, vector<1x1xf32>
    tpu.vector_store %arg5[%swap3A, %swap3A_23], %add3A_22 {strides = array<i32>} : memref<1x1xf32, #tpu.memory_space<vmem>>, vector<1x1xf32>,
    return
  }
}

</mosaic_0001>

<sc_bundles>
// kernel: kernel.11.cloned.1.call-start
scs
__scs_entry_jumppad:
0x0: {  	(pc) =	sbr.rel $0x88, $3  }
0x1: {  	(tag) =	ssettag $0x0;
	lr =	simm.s32 $0x1  }
0x2: {  	[smem:$0x3F93] =	sst lr;
	_ =	strace $0xD0000000  }
0x3: {  	_ = 	snop  }
0x4: {  	_ = 	snop  }
0x5: {  	_ = 	snop  }
0x6: {  	_ = 	snop  }
0x7: {  	_ = 	snop  }
__scs_overlays_trampoline_lowered:
0x8: {  	[smem:$0x3FA2] =	sst s0  }
0x9: {  	[smem:$0x3FA3] =	sst s1  }
0xa: {  	[smem:$0x3FA4] =	sst s2  }
0xb: {  	[smem:$0x3FA5] =	sst s3  }
0xc: {  	[smem:$0x3FA6] =	sst s4  }
0xd: {  	[smem:$0x3FA7] =	sst s5  }
0xe: {  	[smem:$0x3FA8] =	sst s6  }
0xf: {  	[smem:$0x3FA9] =	sst s7  }
0x10: {  	[smem:$0x3FAA] =	sst s8  }
0x11: {  	[smem:$0x3FAB] =	sst s9;
	s0 =	simm.s32 @!p0 $0x0  }
0x12: {  	s1 =	sld [smem:$0x3F91];
	s0 =	simm.s32 @p0 $0x1  }
0x13: {  	[smem:$0x3FAC] =	sst s0;
	s0 =	simm.s32 @!p1 $0x0  }
0x14: {  	s2 =	sld [smem:$0x3F90];
	s0 =	simm.s32 @p1 $0x1  }
0x15: {  	[smem:$0x3FAD] =	sst s0;
	s0 =	simm.s32 @!p2 $0x0  }
0x16: {  	s3 =	sld [smem:$0x3FDB];
	s0 =	simm.s32 @p2 $0x1  }
0x17: {  	s4 =	simm.s32 $0x1BF5;
	[smem:$0x3FAF] =	sst s0  }
0x18: {  	s0 =	sld [smem:$0x3F92];
	_ =	swait.ge [sflag:s4], $0x0  }
0x19: {  	s7 =	sld [smem:$0x3F93]  }
0x1a: {  	s8 =	sadd.s32 $0xFFFFE003, lr  }
0x1b: {  	s9 =	sadd.s32 $0xFFFFFEF7, lr;
	s5 =	simm.s32 $0xFFFFFFFF;
	p2 =	slt.u32 s8, $0xFFFFF086  }
0x1c: {  	p1 =	slt.u32 s9, $0xF7A;
	s5 =	simm.s32 @!p2 $0x0  }
0x1d: {  	s5 =	simm.s32 @p1 $0x1;
	p0 =	seq.s32 s7, s2  }
0x1e: {  	s7 =	smul.u32 @!p0 $0xF7A, s2;
	p2 =	seq.s32 @!p0 s5, $0x0  }
0x1f: {  	s9 =	smul.u32 $0xF7A, s1;
	s8 =	simm.s32 @!p0 $0x1BF5;
	p2 =	por !p2, p0  }
0x20: {  	[sflag:s8] =	ssyncset.s32 @!p0 $0xFFFFF086;
	s6 =	sadd.s32 @!p0 s3, s7;
	s7 =	simm.s32 @!p0 $0x108  }
0x21: {  	s3 =	sadd.s32 s3, s9;
	s6 =	sadd.s32 @!p0 $0x88, s6;
	s7 =	simm.s32 @p2 $0x1082  }
0x22: {  	[simem:s7], [sflag:s8] =	dma.local @!p0 [hbm:s6], $0xF7A  }
0x23: {  	s9 =	sor.u32 $0xD0000000, s2;
	s6 =	simm.s32 $0x108;
	_ =	swait.ge @!p0 [sflag:s8], $0x0  }
0x24: {  	s3 =	sadd.s32 $0x88, s3;
	s6 =	simm.s32 @!p1 $0x1082;
	[sflag:s4] =	ssyncset.s32 $0xFFFFF086  }
0x25: {  	[simem:s6], [sflag:s4] =	dma.local [hbm:s3], $0xF7A  }
0x26: {  	[smem:$0x3F93] =	sst s1;
	(tag) =	ssettag s2;
	_ =	strace s9  }
0x27: {  	s1 =	sld [smem:$0x3FA3]  }
0x28: {  	s2 =	sld [smem:$0x3FA4]  }
0x29: {  	s4 =	sld [smem:$0x3FA6]  }
0x2a: {  	p0 =	seq.s32 s5, $0x0;
	s5 =	sld [smem:$0x3FA7]  }
0x2b: {  	s6 =	sld [smem:$0x3FA8]  }
0x2c: {  	s7 =	sld [smem:$0x3FA9]  }
0x2d: {  	s3 =	simm.s32 $0x108;
	s8 =	sld [smem:$0x3FAA]  }
0x2e: {  	s3 =	simm.s32 @!p0 $0x1082;
	s9 =	sld [smem:$0x3FAB]  }
0x2f: {  	lr =	sadd.s32 s0, s3;
	s0 =	sld [smem:$0x3FA2]  }
0x30: {  	s3 =	sld [smem:$0x3FA5]  }
0x31: {  	[smem:$0x3FAE] =	sst s10  }
0x32: {  	s10 =	sld [smem:$0x3FAC];
	_ =	sdelay $0x3  }
0x33: {  	p0 =	seq.s32 s10, $0x1;
	s10 =	sld [smem:$0x3FAE];
	_ =	sdelay $0x3  }
0x34: {  	[smem:$0x3FAE] =	sst s10  }
0x35: {  	s10 =	sld [smem:$0x3FAD];
	_ =	sdelay $0x3  }
0x36: {  	p1 =	seq.s32 s10, $0x1;
	s10 =	sld [smem:$0x3FAE];
	_ =	sdelay $0x3  }
0x37: {  	[smem:$0x3FAE] =	sst s10  }
0x38: {  	s10 =	sld [smem:$0x3FAF]  }
0x39: {  	_ = 	snop;
	(pc) =	sbr.ind lr, $3  }
0x3a: {  	_ = 	snop  }
0x3b: {  	_ = 	snop  }
0x3c: {  	p2 =	seq.s32 s10, $0x1;
	s10 =	sld [smem:$0x3FAE]  }
0x3d: {  	_ =	shalt  }
0x3e: {  	_ =	shalt  }
0x3f: {  	_ =	shalt  }
0x40: {  	_ =	shalt  }
0x41: {  	_ =	shalt  }
0x42: {  	_ =	shalt  }
0x43: {  	_ =	shalt  }
0x44: {  	_ =	shalt  }
0x45: {  	_ =	shalt  }
0x46: {  	_ =	shalt  }
0x47: {  	_ =	shalt  }
0x48: {  	_ =	shalt  }
0x49: {  	_ =	shalt  }
0x4a: {  	_ =	shalt  }
0x4b: {  	_ =	shalt  }
0x4c: {  	_ =	shalt  }
0x4d: {  	_ =	shalt  }
0x4e: {  	_ =	shalt  }
0x4f: {  	_ =	shalt  }
0x50: {  	_ =	shalt  }
0x51: {  	_ =	shalt  }
0x52: {  	_ =	shalt  }
0x53: {  	_ =	shalt  }
0x54: {  	_ =	shalt  }
0x55: {  	_ =	shalt  }
0x56: {  	_ =	shalt  }
0x57: {  	_ =	shalt  }
0x58: {  	_ =	shalt  }
0x59: {  	_ =	shalt  }
0x5a: {  	_ =	shalt  }
0x5b: {  	_ =	shalt  }
0x5c: {  	_ =	shalt  }
0x5d: {  	_ =	shalt  }
0x5e: {  	_ =	shalt  }
0x5f: {  	_ =	shalt  }
0x60: {  	_ =	shalt  }
0x61: {  	_ =	shalt  }
0x62: {  	_ =	shalt  }
0x63: {  	_ =	shalt  }
0x64: {  	_ =	shalt  }
0x65: {  	_ =	shalt  }
0x66: {  	_ =	shalt  }
0x67: {  	_ =	shalt  }
0x68: {  	_ =	shalt  }
0x69: {  	_ =	shalt  }
0x6a: {  	_ =	shalt  }
0x6b: {  	_ =	shalt  }
0x6c: {  	_ =	shalt  }
0x6d: {  	_ =	shalt  }
0x6e: {  	_ =	shalt  }
0x6f: {  	_ =	shalt  }
0x70: {  	_ =	shalt  }
0x71: {  	_ =	shalt  }
0x72: {  	_ =	shalt  }
0x73: {  	_ =	shalt  }
0x74: {  	_ =	shalt  }
0x75: {  	_ =	shalt  }
0x76: {  	_ =	shalt  }
0x77: {  	_ =	shalt  }
0x78: {  	_ =	shalt  }
0x79: {  	_ =	shalt  }
0x7a: {  	_ =	shalt  }
0x7b: {  	_ =	shalt  }
0x7c: {  	_ =	shalt  }
0x7d: {  	_ =	shalt  }
0x7e: {  	_ =	shalt  }
0x7f: {  	_ =	shalt  }
0x80: {  	_ =	shalt  }
0x81: {  	_ =	shalt  }
0x82: {  	_ =	shalt  }
0x83: {  	_ =	shalt  }
0x84: {  	_ =	shalt  }
0x85: {  	_ =	shalt  }
0x86: {  	_ =	shalt  }
0x87: {  	_ =	shalt  }
.Lfunc_end0:
.L_simem_size_0:
called_computation_lowered:
.L_overlay_start_0:
0x88: {  	s2 =	sld [smem:$0x3FD9]  }
0x89: {  	s3 =	sld [smem:$0x3FFE];
	_ =	sdelay $0x1  }
0x8a: {  	s1 =	srdreg.scid  }
0x8b: {  	s0 =	sand.u32 $0x1, s1  }
0x8c: {  	s16 =	sshll.u32 s0, $0xA;
	s2 =	sadd.s32 s3, s2  }
0x8d: {  	s2 =	sadd.s32 s2, s16  }
0x8e: {  	[smem:$0x3FBA] =	sst s2  }
0x8f: {  	_ = 	snop  }
0x90: {  	(tm) =	ssettm $0x1  }
0x91: {  	s17 =	sld [smem:$0x3FFB];
	_ =	sdelay $0x3  }
0x92: {  	_ =	strace s17  }
0x93: {  	s2 =	sld [smem:$0x3FFC];
	_ =	sdelay $0x3  }
0x94: {  	_ =	strace s2  }
0x95: {  	s2 =	sld [smem:$0x3FFD];
	_ =	sdelay $0x3  }
0x96: {  	_ =	strace s2  }
0x97: {  	_ =	strace $0x8FFFFFFF  }
0x98: {  	s18 =	sld [smem:$0x3FDB];
	_ =	sdelay $0x1  }
0x99: {  	s19 =	simm.s32 $_scs_section_size  }
0x9a: {  	s4 =	simm.s32 $_size__tile_overlayer_lowered;
	s5 =	simm.s32 $_tile_overlayer_lowered  }
0x9b: {  	s22 =	simm.s32 $0x1BFF;
	s21 =	sshll.u32 s5, $0x1;
	s2 =	sadd.s32 s19, s18  }
0x9c: {  	s6 =	simm.s32 $0x0;
	s20 =	sshll.u32 s4, $0x1;
	s4 =	sadd.s32 s21, s2  }
0x9d: {  	[timem:s6], [sflag:s22] =	dma.local [hbm:s4], s20  }
0x9e: {  	_ =	swait.ge [sflag:s22], s20  }
0x9f: {  	s3 =	ssub.s32 $0x0, s20;
	[sflag:s22] =	ssyncset.done $0x0  }
0xa0: {  	[sflag:s22] =	ssyncadd.s32 s3;
	_ =	sdelay $0x1  }
0xa1: {  	s23 =	simm.s32 $0x1B8B  }
0xa2: {  	_ =	swait.ge [sflag:s23], $0x1  }
0xa3: {  	[sflag:s23] =	ssyncset.done $0x0  }
0xa4: {  	s25 =	simm.s32 $0x1B8E;
	s24 =	sld [smem:$0x3FFE];
	[sflag:s23] =	ssyncadd.s32 $0xFFFFFFFF  }
0xa5: {  	s26 =	simm.s32 $execute0_lowered;
	[smem:$0x3FD2] =	sst s25  }
0xa6: {  	s4 =	sshll.u32 s26, $0x1;
	_ =	strace $0x80000046;
	[dreg:$0x1] =	wrdreg $0xFFFFFFFF  }
0xa7: {  	s28 =	simm.s32 $_size_execute0_lowered;
	s2 =	sadd.s32 s2, s4;
	[dreg:$0x0] =	wrdreg $0x0  }
0xa8: {  	s4 =	sshll.u32 s28, $0x1;
	[dreg:$0x2] =	wrdreg s2  }
0xa9: {  	[dreg:$0x3] =	wrdreg s4  }
0xaa: {  	[dreg:$0x4] =	wrdreg $0xC0  }
0xab: {  	_ =	task [dreg:s6], $0x5FFFF  }
0xac: {  	[dreg:$0x1] =	wrdreg $0xFFFFFFFF  }
0xad: {  	[dreg:$0x0] =	wrdreg $0x60  }
0xae: {  	[dreg:$0x2] =	wrdreg s24  }
0xaf: {  	[dreg:$0x3] =	wrdreg $0x9  }
0xb0: {  	_ =	task.clear_ibuf [dreg:s6], $0x4FFFF;
	_ =	strace $0x90000046  }
0xb1: {  	s29 =	simm.s32 $0x9;
	_ =	strace $0x80000048  }
0xb2: {  	_ =	swait.ge [sflag:s29], $0x1  }
0xb3: {  	[sflag:s29] =	ssyncadd.s32 $0xFFFFFFFF  }
0xb4: {  	_ =	strace $0x90000048  }
0xb5: {  	_ =	sfence  }
0xb6: {  	s30 =	sld [smem:$0x0];
	_ =	sdelay $0x2  }
0xb7: {  	s31 =	sshll.u32 s1, $0xD;
	s1 =	sshrl.u32 s1, $0x2  }
0xb8: {  	s3 =	sand.u32 $0x4000, s31;
	s1 =	sadd.s32 s1, s30  }
0xb9: {  	s0 =	sor.u32 s3, s0;
	s1 =	sshll.u32 s1, $0x11  }
0xba: {  	s0 =	sor.u32 s1, s0  }
0xbb: {  	s0 =	sadd.s32 $0x8F2B, s0  }
0xbc: {  	[sflag:s0] =	ssyncadd.remote.s32 $0x1  }
0xbd: {  	_ =	sfence.sel $0xFFFF  }
0xbe: {  	[dreg:$0x0] =	wrdreg $0xFFFFFFFF;
	(pc) =	sbr.abs _section_cstart, $3  }
0xbf: {  	[dreg:$0x1] =	wrdreg $0xFFFFFFFF  }
0xc0: {  	_ =	task.clear_ibuf [dreg:s6], $0x2FFFF;
	_ =	strace $0x9FFFFFFF  }
0xc1: {  	(tm) =	ssettm $0x7FFFFFFF  }
tec
execute0_lowered:
.L_overlay_start_1:
0x0: {  	(tag) =	ssettag $0x1  }
0x1: {  	s0 =	srdreg.scid;
	s4 =	rddreg [dreg:$0x0];
	s2 =	simm.s32 $0x0  }
0x2: {  	s10 =	simm.s32 $0x0;
	s3 =	sand.u32 $0x1, s0;
	s0 =	stileid.u32  }
0x3: {  	[smem:$0x7FF] =	sst s2;
	s1 =	sshll.u32 s3, $0x4;
	s8 =	ssub.s32 $0x2, s3  }
0x4: {  	s3 =	sadd.s32 $0xCE00, s4;
	s5 =	sor.u32 s0, s1;
	s1 =	rddreg [dreg:$0x1]  }
0x5: {  	_ =	strace $0x80000047;
	s9 =	sshrl.u32 s8, $0x1;
	s6 =	smul.u32 $0x500, s5  }
0x6: {  	s7 =	smul.u32 $0x4F0, s5;
	s8 =	ssub.s32 s8, s9;
	p0 =	seq.s32 s5, $0x1F  }
0x7: {  	s5 =	simm.s32 $0x14;
	s9 =	simm.s32 $0x1;
	s6 =	sadd.s32 s6, s4  }
0x8: {  	s5 =	simm.s32 @!p0 $0x50;
	s7 =	sadd.s32 s7, s4;
	s4 =	sadd.s32 $0x2E00, s6  }
0x9: {  	v0 =	vimm.f32 $1.000000000e+00;
	s6 =	sadd.s32 $0xD400, s7;
	s7 =	smax.u32 s8, $0x1;
	s8 =	simm.s32 $0x2800  }
.LBB2_1:
0xa: {  	[tilespmem:s8], [sflag:$0x1] =	stream.linear.gather [hbm4b:s3+s2], $0x2780, $0x38;
	[tilespmem:$0x4F80] =	vst v63  }
0xb: {  	_ =	swait.ge [sflag:s9], $0x2780  }
0xc: {  	[sflag:s9] =	ssyncset.done $0x0  }
0xd: {  	[sflag:s9] =	ssyncadd.s32 $0xFFFFD880  }
0xe: {  	[tilespmem:s2], [sflag:$0x1] =	stream.linear.gather [hbm4b:s4+s2], $0x2800, $0x38;
	[tilespmem:$0x4F80] =	vst v63  }
0xf: {  	_ =	swait.ge [sflag:s9], $0x2800  }
0x10: {  	[sflag:s9] =	ssyncset.done $0x0  }
0x11: {  	s11 =	simm.s32 $0x40;
	s12 =	smov.u32 s5;
	[sflag:s9] =	ssyncadd.s32 $0xFFFFD800  }
.LBB2_2:
0x12: {  	v1 =	vld [tilespmem:s11+$0xFFFFFFC0];
	_ =	sdelay $0x7  }
0x13: {  	[tilespmem:v1+s8+$0x0] =	vst.idx.add.f32.msk $0xffff, v0  }
0x14: {  	v1 =	vld [tilespmem:s11+$0xFFFFFFD0];
	_ =	sdelay $0x7  }
0x15: {  	[tilespmem:v1+s8+$0x0] =	vst.idx.add.f32.msk $0xffff, v0  }
0x16: {  	v1 =	vld [tilespmem:s11+$0xFFFFFFE0];
	_ =	sdelay $0x7  }
0x17: {  	[tilespmem:v1+s8+$0x0] =	vst.idx.add.f32.msk $0xffff, v0  }
0x18: {  	v1 =	vld [tilespmem:s11+$0xFFFFFFF0];
	_ =	sdelay $0x7  }
0x19: {  	[tilespmem:v1+s8+$0x0] =	vst.idx.add.f32.msk $0xffff, v0  }
0x1a: {  	v1 =	vld [tilespmem:s11+$0x0];
	_ =	sdelay $0x7  }
0x1b: {  	[tilespmem:v1+s8+$0x0] =	vst.idx.add.f32.msk $0xffff, v0  }
0x1c: {  	v1 =	vld [tilespmem:s11+$0x10];
	_ =	sdelay $0x7  }
0x1d: {  	[tilespmem:v1+s8+$0x0] =	vst.idx.add.f32.msk $0xffff, v0  }
0x1e: {  	v1 =	vld [tilespmem:s11+$0x20];
	_ =	sdelay $0x7  }
0x1f: {  	[tilespmem:v1+s8+$0x0] =	vst.idx.add.f32.msk $0xffff, v0  }
0x20: {  	v1 =	vld [tilespmem:s11+$0x30];
	_ =	sdelay $0x2  }
0x21: {  	p0 =	sne.s32 s12, $0x1  }
.Ltmp0:
0x22: {  	_ = 	snop;
	(pc) =	sbr.rel @p0 .LBB2_2-.Ltmp0, $2  }
0x23: {  	_ =	sdelay $0x2  }
0x24: {  	s12 =	sadd.s32 $0xFFFFFFFF, s12;
	s11 =	sadd.s32 $0x80, s11;
	[tilespmem:v1+s8+$0x0] =	vst.idx.add.f32.msk $0xffff, v0  }
0x25: {  	s10 =	sadd.s32 $0x1, s10  }
0x26: {  	p0 =	sne.s32 s10, s7  }
.Ltmp1:
0x27: {  	_ = 	snop;
	(pc) =	sbr.rel @p0 .LBB2_1-.Ltmp1, $4  }
0x28: {  	[hbm4b:s6+s2] =	stream.linear.scatter [tilespmem:s8], [sflag:$0x1], $0x2780, $0x38;
	[tilespmem:$0x4F80] =	vst v63  }
0x29: {  	_ =	swait.ge [sflag:s9], $0x2780  }
0x2a: {  	[sflag:s9] =	ssyncset.done $0x0  }
0x2b: {  	[sflag:s9] =	ssyncadd.s32 $0xFFFFD880  }
0x2c: {  	_ =	sfence.sel $0x180000  }
0x2d: {  	[bflag:$0x0] =	sbarrier.arrive $0xFFFF  }
0x2e: {  	p0 =	sne.s32 s0, $0x0;
	_ =	strace $0x90000047  }
0x2f: {  	s0 =	sadd.s32 @!p0 $0x100000, s1;
	[bflag:$0x2] =	sbarrier.arrive $0xFFFF  }
0x30: {  	[sflag:s0] =	ssyncadd.tile.s32 @!p0 $0x1;
	_ =	shalt  }
.Lfunc_end2:
_tile_overlayer_lowered:
.L_overlay_start_2:
0x31: {  	(tag) =	ssettag $0x2  }
0x32: {  	s0 =	rddreg [dreg:$0x0];
	s2 =	stileid.u32  }
0x33: {  	s1 =	rddreg [dreg:$0x1];
	p0 =	sne.s32 s2, $0x0  }
0x34: {  	s3 =	rddreg [dreg:$0x2];
	[bflag:$0x3] =	sbarrier.arrive $0xFFFF;
	s2 =	simm.s32 @!p0 $0x1C01  }
0x35: {  	[timem:s3], [sflag:s2] =	dma.local @!p0 [hbm:s0], s1  }
0x36: {  	s0 =	simm.s32 @!p0 $0x1  }
0x37: {  	_ =	swait.ge @!p0 [sflag:s0], s1  }
0x38: {  	s1 =	ssub.s32 @!p0 $0x0, s1;
	[sflag:s0] =	ssyncset.done @!p0 $0x0  }
0x39: {  	[sflag:s0] =	ssyncadd.s32 @!p0 s1  }
0x3a: {  	[bflag:$0x3] =	sbarrier.arrive $0xFFFF  }
0x3b: {  	_ =	shalt  }

// kernel: kernel.14.cloned.1.call-start
scs
__scs_entry_jumppad:
0x0: {  	(pc) =	sbr.rel $0x88, $3  }
0x1: {  	(tag) =	ssettag $0x0;
	lr =	simm.s32 $0x1  }
0x2: {  	[smem:$0x3F93] =	sst lr;
	_ =	strace $0xD0000000  }
0x3: {  	_ = 	snop  }
0x4: {  	_ = 	snop  }
0x5: {  	_ = 	snop  }
0x6: {  	_ = 	snop  }
0x7: {  	_ = 	snop  }
__scs_overlays_trampoline_lowered:
0x8: {  	[smem:$0x3FA2] =	sst s0  }
0x9: {  	[smem:$0x3FA3] =	sst s1  }
0xa: {  	[smem:$0x3FA4] =	sst s2  }
0xb: {  	[smem:$0x3FA5] =	sst s3  }
0xc: {  	[smem:$0x3FA6] =	sst s4  }
0xd: {  	[smem:$0x3FA7] =	sst s5  }
0xe: {  	[smem:$0x3FA8] =	sst s6  }
0xf: {  	[smem:$0x3FA9] =	sst s7  }
0x10: {  	[smem:$0x3FAA] =	sst s8  }
0x11: {  	[smem:$0x3FAB] =	sst s9;
	s0 =	simm.s32 @!p0 $0x0  }
0x12: {  	s1 =	sld [smem:$0x3F91];
	s0 =	simm.s32 @p0 $0x1  }
0x13: {  	[smem:$0x3FAC] =	sst s0;
	s0 =	simm.s32 @!p1 $0x0  }
0x14: {  	s2 =	sld [smem:$0x3F90];
	s0 =	simm.s32 @p1 $0x1  }
0x15: {  	[smem:$0x3FAD] =	sst s0;
	s0 =	simm.s32 @!p2 $0x0  }
0x16: {  	s3 =	sld [smem:$0x3FDB];
	s0 =	simm.s32 @p2 $0x1  }
0x17: {  	s4 =	simm.s32 $0x1BF5;
	[smem:$0x3FAF] =	sst s0  }
0x18: {  	s0 =	sld [smem:$0x3F92];
	_ =	swait.ge [sflag:s4], $0x0  }
0x19: {  	s7 =	sld [smem:$0x3F93]  }
0x1a: {  	s8 =	sadd.s32 $0xFFFFE003, lr  }
0x1b: {  	s9 =	sadd.s32 $0xFFFFFEF7, lr;
	s5 =	simm.s32 $0xFFFFFFFF;
	p2 =	slt.u32 s8, $0xFFFFF086  }
0x1c: {  	p1 =	slt.u32 s9, $0xF7A;
	s5 =	simm.s32 @!p2 $0x0  }
0x1d: {  	s5 =	simm.s32 @p1 $0x1;
	p0 =	seq.s32 s7, s2  }
0x1e: {  	s7 =	smul.u32 @!p0 $0xF7A, s2;
	p2 =	seq.s32 @!p0 s5, $0x0  }
0x1f: {  	s9 =	smul.u32 $0xF7A, s1;
	s8 =	simm.s32 @!p0 $0x1BF5;
	p2 =	por !p2, p0  }
0x20: {  	[sflag:s8] =	ssyncset.s32 @!p0 $0xFFFFF086;
	s6 =	sadd.s32 @!p0 s3, s7;
	s7 =	simm.s32 @!p0 $0x108  }
0x21: {  	s3 =	sadd.s32 s3, s9;
	s6 =	sadd.s32 @!p0 $0x88, s6;
	s7 =	simm.s32 @p2 $0x1082  }
0x22: {  	[simem:s7], [sflag:s8] =	dma.local @!p0 [hbm:s6], $0xF7A  }
0x23: {  	s9 =	sor.u32 $0xD0000000, s2;
	s6 =	simm.s32 $0x108;
	_ =	swait.ge @!p0 [sflag:s8], $0x0  }
0x24: {  	s3 =	sadd.s32 $0x88, s3;
	s6 =	simm.s32 @!p1 $0x1082;
	[sflag:s4] =	ssyncset.s32 $0xFFFFF086  }
0x25: {  	[simem:s6], [sflag:s4] =	dma.local [hbm:s3], $0xF7A  }
0x26: {  	[smem:$0x3F93] =	sst s1;
	(tag) =	ssettag s2;
	_ =	strace s9  }
0x27: {  	s1 =	sld [smem:$0x3FA3]  }
0x28: {  	s2 =	sld [smem:$0x3FA4]  }
0x29: {  	s4 =	sld [smem:$0x3FA6]  }
0x2a: {  	p0 =	seq.s32 s5, $0x0;
	s5 =	sld [smem:$0x3FA7]  }
0x2b: {  	s6 =	sld [smem:$0x3FA8]  }
0x2c: {  	s7 =	sld [smem:$0x3FA9]  }
0x2d: {  	s3 =	simm.s32 $0x108;
	s8 =	sld [smem:$0x3FAA]  }
0x2e: {  	s3 =	simm.s32 @!p0 $0x1082;
	s9 =	sld [smem:$0x3FAB]  }
0x2f: {  	lr =	sadd.s32 s0, s3;
	s0 =	sld [smem:$0x3FA2]  }
0x30: {  	s3 =	sld [smem:$0x3FA5]  }
0x31: {  	[smem:$0x3FAE] =	sst s10  }
0x32: {  	s10 =	sld [smem:$0x3FAC];
	_ =	sdelay $0x3  }
0x33: {  	p0 =	seq.s32 s10, $0x1;
	s10 =	sld [smem:$0x3FAE];
	_ =	sdelay $0x3  }
0x34: {  	[smem:$0x3FAE] =	sst s10  }
0x35: {  	s10 =	sld [smem:$0x3FAD];
	_ =	sdelay $0x3  }
0x36: {  	p1 =	seq.s32 s10, $0x1;
	s10 =	sld [smem:$0x3FAE];
	_ =	sdelay $0x3  }
0x37: {  	[smem:$0x3FAE] =	sst s10  }
0x38: {  	s10 =	sld [smem:$0x3FAF]  }
0x39: {  	_ = 	snop;
	(pc) =	sbr.ind lr, $3  }
0x3a: {  	_ = 	snop  }
0x3b: {  	_ = 	snop  }
0x3c: {  	p2 =	seq.s32 s10, $0x1;
	s10 =	sld [smem:$0x3FAE]  }
0x3d: {  	_ =	shalt  }
0x3e: {  	_ =	shalt  }
0x3f: {  	_ =	shalt  }
0x40: {  	_ =	shalt  }
0x41: {  	_ =	shalt  }
0x42: {  	_ =	shalt  }
0x43: {  	_ =	shalt  }
0x44: {  	_ =	shalt  }
0x45: {  	_ =	shalt  }
0x46: {  	_ =	shalt  }
0x47: {  	_ =	shalt  }
0x48: {  	_ =	shalt  }
0x49: {  	_ =	shalt  }
0x4a: {  	_ =	shalt  }
0x4b: {  	_ =	shalt  }
0x4c: {  	_ =	shalt  }
0x4d: {  	_ =	shalt  }
0x4e: {  	_ =	shalt  }
0x4f: {  	_ =	shalt  }
0x50: {  	_ =	shalt  }
0x51: {  	_ =	shalt  }
0x52: {  	_ =	shalt  }
0x53: {  	_ =	shalt  }
0x54: {  	_ =	shalt  }
0x55: {  	_ =	shalt  }
0x56: {  	_ =	shalt  }
0x57: {  	_ =	shalt  }
0x58: {  	_ =	shalt  }
0x59: {  	_ =	shalt  }
0x5a: {  	_ =	shalt  }
0x5b: {  	_ =	shalt  }
0x5c: {  	_ =	shalt  }
0x5d: {  	_ =	shalt  }
0x5e: {  	_ =	shalt  }
0x5f: {  	_ =	shalt  }
0x60: {  	_ =	shalt  }
0x61: {  	_ =	shalt  }
0x62: {  	_ =	shalt  }
0x63: {  	_ =	shalt  }
0x64: {  	_ =	shalt  }
0x65: {  	_ =	shalt  }
0x66: {  	_ =	shalt  }
0x67: {  	_ =	shalt  }
0x68: {  	_ =	shalt  }
0x69: {  	_ =	shalt  }
0x6a: {  	_ =	shalt  }
0x6b: {  	_ =	shalt  }
0x6c: {  	_ =	shalt  }
0x6d: {  	_ =	shalt  }
0x6e: {  	_ =	shalt  }
0x6f: {  	_ =	shalt  }
0x70: {  	_ =	shalt  }
0x71: {  	_ =	shalt  }
0x72: {  	_ =	shalt  }
0x73: {  	_ =	shalt  }
0x74: {  	_ =	shalt  }
0x75: {  	_ =	shalt  }
0x76: {  	_ =	shalt  }
0x77: {  	_ =	shalt  }
0x78: {  	_ =	shalt  }
0x79: {  	_ =	shalt  }
0x7a: {  	_ =	shalt  }
0x7b: {  	_ =	shalt  }
0x7c: {  	_ =	shalt  }
0x7d: {  	_ =	shalt  }
0x7e: {  	_ =	shalt  }
0x7f: {  	_ =	shalt  }
0x80: {  	_ =	shalt  }
0x81: {  	_ =	shalt  }
0x82: {  	_ =	shalt  }
0x83: {  	_ =	shalt  }
0x84: {  	_ =	shalt  }
0x85: {  	_ =	shalt  }
0x86: {  	_ =	shalt  }
0x87: {  	_ =	shalt  }
.Lfunc_end0:
.L_simem_size_0:
called_computation.1_lowered:
.L_overlay_start_0:
0x88: {  	s2 =	sld [smem:$0x3FD9]  }
0x89: {  	s3 =	sld [smem:$0x3FFE];
	_ =	sdelay $0x1  }
0x8a: {  	s1 =	srdreg.scid  }
0x8b: {  	s0 =	sand.u32 $0x1, s1  }
0x8c: {  	s16 =	sshll.u32 s0, $0xA;
	s2 =	sadd.s32 s3, s2  }
0x8d: {  	s2 =	sadd.s32 s2, s16  }
0x8e: {  	[smem:$0x3FBA] =	sst s2  }
0x8f: {  	_ = 	snop  }
0x90: {  	(tm) =	ssettm $0x1  }
0x91: {  	s17 =	sld [smem:$0x3FFB];
	_ =	sdelay $0x3  }
0x92: {  	_ =	strace s17  }
0x93: {  	s2 =	sld [smem:$0x3FFC];
	_ =	sdelay $0x3  }
0x94: {  	_ =	strace s2  }
0x95: {  	s2 =	sld [smem:$0x3FFD];
	_ =	sdelay $0x3  }
0x96: {  	_ =	strace s2  }
0x97: {  	_ =	strace $0x8FFFFFFF  }
0x98: {  	s18 =	sld [smem:$0x3FDB];
	_ =	sdelay $0x1  }
0x99: {  	s19 =	simm.s32 $_scs_section_size  }
0x9a: {  	s4 =	simm.s32 $_size__tile_overlayer_lowered;
	s5 =	simm.s32 $_tile_overlayer_lowered  }
0x9b: {  	s22 =	simm.s32 $0x1BFF;
	s21 =	sshll.u32 s5, $0x1;
	s2 =	sadd.s32 s19, s18  }
0x9c: {  	s6 =	simm.s32 $0x0;
	s20 =	sshll.u32 s4, $0x1;
	s4 =	sadd.s32 s21, s2  }
0x9d: {  	[timem:s6], [sflag:s22] =	dma.local [hbm:s4], s20  }
0x9e: {  	_ =	swait.ge [sflag:s22], s20  }
0x9f: {  	s3 =	ssub.s32 $0x0, s20;
	[sflag:s22] =	ssyncset.done $0x0  }
0xa0: {  	[sflag:s22] =	ssyncadd.s32 s3;
	_ =	sdelay $0x1  }
0xa1: {  	s23 =	simm.s32 $0x1B8B  }
0xa2: {  	_ =	swait.ge [sflag:s23], $0x1  }
0xa3: {  	[sflag:s23] =	ssyncset.done $0x0  }
0xa4: {  	s25 =	simm.s32 $0x1B8E;
	s24 =	sld [smem:$0x3FFE];
	[sflag:s23] =	ssyncadd.s32 $0xFFFFFFFF  }
0xa5: {  	s26 =	simm.s32 $execute0_lowered;
	[smem:$0x3FD2] =	sst s25  }
0xa6: {  	s4 =	sshll.u32 s26, $0x1;
	_ =	strace $0x80000049;
	[dreg:$0x1] =	wrdreg $0xFFFFFFFF  }
0xa7: {  	s28 =	simm.s32 $_size_execute0_lowered;
	s2 =	sadd.s32 s2, s4;
	[dreg:$0x0] =	wrdreg $0x0  }
0xa8: {  	s4 =	sshll.u32 s28, $0x1;
	[dreg:$0x2] =	wrdreg s2  }
0xa9: {  	[dreg:$0x3] =	wrdreg s4  }
0xaa: {  	[dreg:$0x4] =	wrdreg $0xC0  }
0xab: {  	_ =	task [dreg:s6], $0x5FFFF  }
0xac: {  	[dreg:$0x1] =	wrdreg $0xFFFFFFFF  }
0xad: {  	[dreg:$0x0] =	wrdreg $0x60  }
0xae: {  	[dreg:$0x2] =	wrdreg s24  }
0xaf: {  	[dreg:$0x3] =	wrdreg $0xD0000  }
0xb0: {  	[dreg:$0x4] =	wrdreg $0x9  }
0xb1: {  	_ =	task.clear_ibuf [dreg:s6], $0x5FFFF;
	_ =	strace $0x90000049  }
0xb2: {  	s29 =	simm.s32 $0x9;
	_ =	strace $0x8000004B  }
0xb3: {  	_ =	swait.ge [sflag:s29], $0x1  }
0xb4: {  	[sflag:s29] =	ssyncadd.s32 $0xFFFFFFFF  }
0xb5: {  	_ =	strace $0x9000004B  }
0xb6: {  	_ =	sfence  }
0xb7: {  	s30 =	sld [smem:$0x0];
	_ =	sdelay $0x2  }
0xb8: {  	s31 =	sshll.u32 s1, $0xD;
	s1 =	sshrl.u32 s1, $0x2  }
0xb9: {  	s3 =	sand.u32 $0x4000, s31;
	s1 =	sadd.s32 s1, s30  }
0xba: {  	s0 =	sor.u32 s3, s0;
	s1 =	sshll.u32 s1, $0x11  }
0xbb: {  	s0 =	sor.u32 s1, s0  }
0xbc: {  	s0 =	sadd.s32 $0x8F2B, s0  }
0xbd: {  	[sflag:s0] =	ssyncadd.remote.s32 $0x1  }
0xbe: {  	_ =	sfence.sel $0xFFFF  }
0xbf: {  	[dreg:$0x0] =	wrdreg $0xFFFFFFFF;
	(pc) =	sbr.abs _section_cstart, $3  }
0xc0: {  	[dreg:$0x1] =	wrdreg $0xFFFFFFFF  }
0xc1: {  	_ =	task.clear_ibuf [dreg:s6], $0x2FFFF;
	_ =	strace $0x9FFFFFFF  }
0xc2: {  	(tm) =	ssettm $0x7FFFFFFF  }
0xc3: {  	_ =	shalt  }
tec
execute0_lowered:
.L_overlay_start_1:
0x0: {  	(tag) =	ssettag $0x1  }
0x1: {  	s0 =	srdreg.scid;
	s6 =	rddreg [dreg:$0x0]  }
0x2: {  	s2 =	rddreg [dreg:$0x1];
	s1 =	stileid.u32  }
0x3: {  	s3 =	simm.s32 $0x0;
	s15 =	simm.s32 $0x7000;
	s16 =	simm.s32 $0x1  }
0x4: {  	s17 =	simm.s32 $0x5;
	s18 =	simm.s32 $0x2;
	s19 =	simm.s32 $0x3  }
0x5: {  	s20 =	simm.s32 $0x9000;
	s5 =	sand.u32 $0x1, s0;
	s0 =	rddreg [dreg:$0x2]  }
0x6: {  	s21 =	simm.s32 $0x4;
	s22 =	simm.s32 $0xB000;
	[smem:$0x7FF] =	sst s3  }
0x7: {  	s11 =	smul.u32 $0x9E00, s1;
	s29 =	sshll.u32 s1, $0x6;
	s4 =	sshll.u32 s5, $0x4  }
0x8: {  	_ =	strace $0x8000004A;
	s9 =	smul.u32 $0x13C00, s5;
	s10 =	ssub.s32 $0x2, s5  }
0x9: {  	s5 =	sadd.s32 $0xCE00, s6;
	s7 =	sor.u32 s1, s4;
	s4 =	sadd.s32 $0x21200, s6  }
0xa: {  	s28 =	sshrl.u32 s10, $0x1;
	s14 =	sadd.s32 s11, s2;
	s24 =	sshrl.u32 s11, $0x3  }
0xb: {  	s8 =	smul.u32 $0x500, s7;
	s13 =	sadd.s32 s9, s6;
	s10 =	ssub.s32 s10, s28  }
0xc: {  	p0 =	seq.s32 s7, $0x1F;
	s7 =	sor.u32 $0x1C05, s29;
	s11 =	sshrl.u32 s14, $0x3  }
0xd: {  	s14 =	simm.s32 $0x5000;
	s12 =	sadd.s32 s8, s6;
	s6 =	simm.s32 $0x14  }
0xe: {  	s23 =	sadd.s32 $0x34C00, s13;
	s10 =	smax.u32 s10, $0x1;
	s6 =	simm.s32 @!p0 $0x50  }
0xf: {  	s13 =	simm.s32 $0x80;
	s23 =	sadd.s32 s24, s23;
	s30 =	sshll.u32 s6, $0x9  }
0x10: {  	s24 =	simm.s32 $0x0;
	s8 =	sadd.s32 $0x17200, s12;
	s31 =	sadd.s32 $0xFFFFF800, s30  }
0x11: {  	s9 =	sadd.s32 $0x2E00, s12;
	s12 =	simm.s32 $0x2800;
	[dreg:$0x3] =	wrdreg s31  }
.LBB2_1:
0x12: {  	[spmem:s11], [sflag:s7] =	dma.local [hbm:s5], $0x13C0  }
0x13: {  	_ =	swait.ge [sflag:s17], $0x13C0  }
0x14: {  	[sflag:s17] =	ssyncset.done $0x0  }
0x15: {  	[sflag:s17] =	ssyncadd.s32 $0xFFFFEC40  }
0x16: {  	[tilespmem:s3], [sflag:$0x5] =	stream.linear.gather [hbm4b:s8+s3], $0x2800, $0x38;
	[tilespmem:$0x16E00] =	vst v63  }
0x17: {  	_ =	swait.ge [sflag:s17], $0x2800  }
0x18: {  	[sflag:s17] =	ssyncset.done $0x0  }
0x19: {  	[sflag:s17] =	ssyncadd.s32 $0xFFFFD800  }
0x1a: {  	[tilespmem:s12], [sflag:$0x5] =	stream.linear.gather [hbm4b:s9+s3], $0x2800, $0x38;
	[tilespmem:$0x16E00] =	vst v63  }
0x1b: {  	_ =	swait.ge [sflag:s17], $0x2800  }
0x1c: {  	[sflag:s17] =	ssyncset.done $0x0  }
0x1d: {  	[sflag:s17] =	ssyncadd.s32 $0xFFFFD800  }
0x1e: {  	[bflag:$0x0] =	sbarrier.arrive $0xFFFF  }
0x1f: {  	[tilespmem:s14], [sflag:$0x1] =	stream.indirect.gather [hbm4b:s4+s13], $0x40, s3, s13, $0xb8;
	[tilespmem:$0x16E00] =	vst v63  }
0x20: {  	s26 =	simm.s32 $0x5;
	s25 =	simm.s32 $0x0  }
0x21: {  	[tilespmem:s15], [sflag:$0x2] =	stream.indirect.gather [hbm4b:s4+s13], $0x40, s13, s13, $0xb8;
	[tilespmem:$0x16E00] =	vst v63  }
.LBB2_2:
0x22: {  	_ =	swait.ge [sflag:s16], $0x2000  }
0x23: {  	s28 =	sshra.s32 s25, $0x2;
	[sflag:s16] =	ssyncset.done $0x0  }
0x24: {  	s31 =	sadd.s32 $0xFFFFFFFD, s26;
	s29 =	sadd.s32 $0x2800, s28;
	[sflag:s16] =	ssyncadd.s32 $0xFFFFE000  }
0x25: {  	[spmem:s2] =	stream.indirect.scatter.add.f32 [tilespmem:s14], [sflag:$0x5], $0x40, s29, s13, $0xb8;
	[tilespmem:$0x16E00] =	vst v63  }
0x26: {  	p0 =	sge.u32 s31, s6;
	_ =	swait.ge [sflag:s17], $0x2000  }
0x27: {  	s30 =	simm.s32 @!p0 $0x80;
	s29 =	sshra.s32 @!p0 s25, $0x2;
	[sflag:s17] =	ssyncset.done $0x0  }
0x28: {  	s31 =	simm.s32 @!p0 $0x9000;
	s29 =	sadd.s32 @!p0 $0x100, s29;
	[sflag:s17] =	ssyncadd.s32 $0xFFFFE000  }
0x29: {  	[tilespmem:s31], [sflag:$0x3] =	stream.indirect.gather @!p0 [hbm4b:s4+s30], $0x40, s29, s30, $0xb8;
	[tilespmem:$0x16E00] =	vst v63  }
0x2a: {  	_ =	swait.ge [sflag:s18], $0x2000  }
0x2b: {  	[sflag:s18] =	ssyncset.done $0x0  }
0x2c: {  	s30 =	sadd.s32 $0x2880, s28;
	s31 =	sadd.s32 $0xFFFFFFFE, s26;
	[sflag:s18] =	ssyncadd.s32 $0xFFFFE000  }
0x2d: {  	[spmem:s2] =	stream.indirect.scatter.add.f32 [tilespmem:s15], [sflag:$0x5], $0x40, s30, s13, $0xb8;
	[tilespmem:$0x16E00] =	vst v63  }
0x2e: {  	p0 =	sge.u32 s31, s6;
	_ =	swait.ge [sflag:s17], $0x2000  }
0x2f: {  	s29 =	sshra.s32 @!p0 s25, $0x2;
	s31 =	simm.s32 @!p0 $0xB000;
	[sflag:s17] =	ssyncset.done $0x0  }
0x30: {  	s29 =	sadd.s32 @!p0 $0x180, s29;
	s30 =	simm.s32 @!p0 $0x80;
	[sflag:s17] =	ssyncadd.s32 $0xFFFFE000  }
0x31: {  	[tilespmem:s31], [sflag:$0x4] =	stream.indirect.gather @!p0 [hbm4b:s4+s30], $0x40, s29, s30, $0xb8;
	[tilespmem:$0x16E00] =	vst v63  }
0x32: {  	_ =	swait.ge [sflag:s19], $0x2000  }
0x33: {  	[sflag:s19] =	ssyncset.done $0x0  }
0x34: {  	s30 =	sadd.s32 $0x2900, s28;
	s31 =	sadd.s32 $0xFFFFFFFF, s26;
	[sflag:s19] =	ssyncadd.s32 $0xFFFFE000  }
0x35: {  	[spmem:s2] =	stream.indirect.scatter.add.f32 [tilespmem:s20], [sflag:$0x5], $0x40, s30, s13, $0xb8;
	[tilespmem:$0x16E00] =	vst v63  }
0x36: {  	p0 =	sge.u32 s31, s6;
	_ =	swait.ge [sflag:s17], $0x2000  }
0x37: {  	s29 =	sshra.s32 @!p0 s25, $0x2;
	s31 =	simm.s32 @!p0 $0x5000;
	[sflag:s17] =	ssyncset.done $0x0  }
0x38: {  	s29 =	sadd.s32 @!p0 $0x200, s29;
	s30 =	simm.s32 @!p0 $0x80;
	[sflag:s17] =	ssyncadd.s32 $0xFFFFE000  }
0x39: {  	[tilespmem:s31], [sflag:$0x1] =	stream.indirect.gather @!p0 [hbm4b:s4+s30], $0x40, s29, s30, $0xb8;
	[tilespmem:$0x16E00] =	vst v63  }
0x3a: {  	_ =	swait.ge [sflag:s21], $0x2000  }
0x3b: {  	[sflag:s21] =	ssyncset.done $0x0  }
0x3c: {  	s28 =	sadd.s32 $0x2980, s28;
	p0 =	sge.u32 s26, s6;
	[sflag:s21] =	ssyncadd.s32 $0xFFFFE000  }
0x3d: {  	[spmem:s2] =	stream.indirect.scatter.add.f32 [tilespmem:s22], [sflag:$0x5], $0x40, s28, s13, $0xb8;
	[tilespmem:$0x16E00] =	vst v63  }
0x3e: {  	s29 =	simm.s32 @!p0 $0x80;
	s30 =	simm.s32 @!p0 $0x7000;
	_ =	swait.ge [sflag:s17], $0x2000  }
0x3f: {  	s28 =	sshra.s32 @!p0 s25, $0x2;
	s25 =	sadd.s32 $0x800, s25;
	[sflag:s17] =	ssyncset.done $0x0  }
0x40: {  	s28 =	sadd.s32 @!p0 $0x280, s28;
	s31 =	rddreg [dreg:$0x3];
	[sflag:s17] =	ssyncadd.s32 $0xFFFFE000  }
0x41: {  	[tilespmem:s30], [sflag:$0x2] =	stream.indirect.gather @!p0 [hbm4b:s4+s29], $0x40, s28, s29, $0xb8;
	[tilespmem:$0x16E00] =	vst v63  }
0x42: {  	p0 =	sne.s32 s31, s25  }
.Ltmp0:
0x43: {  	_ = 	snop;
	(pc) =	sbr.rel @p0 .LBB2_2-.Ltmp0, $2  }
0x44: {  	_ =	sdelay $0x2  }
0x45: {  	s26 =	sadd.s32 $0x4, s26  }
0x46: {  	_ =	swait.ge [sflag:s16], $0x2000  }
0x47: {  	s28 =	sshra.s32 s25, $0x2;
	[sflag:s16] =	ssyncset.done $0x0  }
0x48: {  	s31 =	sadd.s32 $0xFFFFFFFD, s26;
	s29 =	sadd.s32 $0x2800, s28;
	[sflag:s16] =	ssyncadd.s32 $0xFFFFE000  }
0x49: {  	[spmem:s2] =	stream.indirect.scatter.add.f32 [tilespmem:s14], [sflag:$0x5], $0x40, s29, s13, $0xb8;
	[tilespmem:$0x16E00] =	vst v63  }
0x4a: {  	p0 =	sge.u32 s31, s6;
	_ =	swait.ge [sflag:s17], $0x2000  }
0x4b: {  	s30 =	simm.s32 @!p0 $0x80;
	s29 =	sshra.s32 @!p0 s25, $0x2;
	[sflag:s17] =	ssyncset.done $0x0  }
0x4c: {  	s31 =	simm.s32 @!p0 $0x9000;
	s29 =	sadd.s32 @!p0 $0x100, s29;
	[sflag:s17] =	ssyncadd.s32 $0xFFFFE000  }
0x4d: {  	[tilespmem:s31], [sflag:$0x3] =	stream.indirect.gather @!p0 [hbm4b:s4+s30], $0x40, s29, s30, $0xb8;
	[tilespmem:$0x16E00] =	vst v63  }
0x4e: {  	_ =	swait.ge [sflag:s18], $0x2000  }
0x4f: {  	[sflag:s18] =	ssyncset.done $0x0  }
0x50: {  	s30 =	sadd.s32 $0x2880, s28;
	s31 =	sadd.s32 $0xFFFFFFFE, s26;
	[sflag:s18] =	ssyncadd.s32 $0xFFFFE000  }
0x51: {  	[spmem:s2] =	stream.indirect.scatter.add.f32 [tilespmem:s15], [sflag:$0x5], $0x40, s30, s13, $0xb8;
	[tilespmem:$0x16E00] =	vst v63  }
0x52: {  	p0 =	sge.u32 s31, s6;
	_ =	swait.ge [sflag:s17], $0x2000  }
0x53: {  	s29 =	sshra.s32 @!p0 s25, $0x2;
	s31 =	simm.s32 @!p0 $0xB000;
	[sflag:s17] =	ssyncset.done $0x0  }
0x54: {  	s29 =	sadd.s32 @!p0 $0x180, s29;
	s30 =	simm.s32 @!p0 $0x80;
	[sflag:s17] =	ssyncadd.s32 $0xFFFFE000  }
0x55: {  	[tilespmem:s31], [sflag:$0x4] =	stream.indirect.gather @!p0 [hbm4b:s4+s30], $0x40, s29, s30, $0xb8;
	[tilespmem:$0x16E00] =	vst v63  }
0x56: {  	_ =	swait.ge [sflag:s19], $0x2000  }
0x57: {  	[sflag:s19] =	ssyncset.done $0x0  }
0x58: {  	s30 =	sadd.s32 $0x2900, s28;
	s31 =	sadd.s32 $0xFFFFFFFF, s26;
	[sflag:s19] =	ssyncadd.s32 $0xFFFFE000  }
0x59: {  	[spmem:s2] =	stream.indirect.scatter.add.f32 [tilespmem:s20], [sflag:$0x5], $0x40, s30, s13, $0xb8;
	[tilespmem:$0x16E00] =	vst v63  }
0x5a: {  	p0 =	sge.u32 s31, s6;
	_ =	swait.ge [sflag:s17], $0x2000  }
0x5b: {  	s29 =	sshra.s32 @!p0 s25, $0x2;
	s31 =	simm.s32 @!p0 $0x5000;
	[sflag:s17] =	ssyncset.done $0x0  }
0x5c: {  	s29 =	sadd.s32 @!p0 $0x200, s29;
	s30 =	simm.s32 @!p0 $0x80;
	[sflag:s17] =	ssyncadd.s32 $0xFFFFE000  }
0x5d: {  	[tilespmem:s31], [sflag:$0x1] =	stream.indirect.gather @!p0 [hbm4b:s4+s30], $0x40, s29, s30, $0xb8;
	[tilespmem:$0x16E00] =	vst v63  }
0x5e: {  	_ =	swait.ge [sflag:s21], $0x2000  }
0x5f: {  	[sflag:s21] =	ssyncset.done $0x0  }
0x60: {  	s28 =	sadd.s32 $0x2980, s28;
	[sflag:s21] =	ssyncadd.s32 $0xFFFFE000  }
0x61: {  	[spmem:s2] =	stream.indirect.scatter.add.f32 [tilespmem:s22], [sflag:$0x5], $0x40, s28, s13, $0xb8;
	[tilespmem:$0x16E00] =	vst v63  }
0x62: {  	s24 =	sadd.s32 $0x1, s24;
	p0 =	sge.u32 s26, s6;
	_ =	swait.ge [sflag:s17], $0x2000  }
0x63: {  	s25 =	sshra.s32 @!p0 s25, $0x2;
	s26 =	simm.s32 @!p0 $0x80;
	[sflag:s17] =	ssyncset.done $0x0  }
0x64: {  	s25 =	sadd.s32 @!p0 $0x280, s25;
	s28 =	simm.s32 @!p0 $0x7000;
	[sflag:s17] =	ssyncadd.s32 $0xFFFFE000  }
0x65: {  	[tilespmem:s28], [sflag:$0x2] =	stream.indirect.gather @!p0 [hbm4b:s4+s26], $0x40, s25, s26, $0xb8;
	[tilespmem:$0x16E00] =	vst v63  }
0x66: {  	p0 =	sne.s32 s24, s10  }
.Ltmp1:
0x67: {  	[bflag:$0x0] =	sbarrier.arrive $0xFFFF;
	(pc) =	sbr.rel @p0 .LBB2_1-.Ltmp1, $4  }
0x68: {  	[hbm:s23], [sflag:s7] =	dma.local [spmem:s11], $0x13C0  }
0x69: {  	_ =	swait.ge [sflag:s17], $0x13C0  }
0x6a: {  	[sflag:s17] =	ssyncset.done $0x0  }
0x6b: {  	[sflag:s17] =	ssyncadd.s32 $0xFFFFEC40  }
0x6c: {  	_ =	sfence.sel $0x180000  }
0x6d: {  	[bflag:$0x0] =	sbarrier.arrive $0xFFFF  }
0x6e: {  	p0 =	sne.s32 s1, $0x0;
	_ =	strace $0x9000004A  }
0x6f: {  	s0 =	sadd.s32 @!p0 $0x100000, s0;
	[bflag:$0x2] =	sbarrier.arrive $0xFFFF  }
0x70: {  	[sflag:s0] =	ssyncadd.tile.s32 @!p0 $0x1;
	_ =	shalt  }
.Lfunc_end2:
_tile_overlayer_lowered:
.L_overlay_start_2:
0x71: {  	(tag) =	ssettag $0x2  }
0x72: {  	s0 =	rddreg [dreg:$0x0];
	s2 =	stileid.u32  }
0x73: {  	s1 =	rddreg [dreg:$0x1];
	p0 =	sne.s32 s2, $0x0  }
0x74: {  	s3 =	rddreg [dreg:$0x2];
	[bflag:$0x3] =	sbarrier.arrive $0xFFFF;
	s2 =	simm.s32 @!p0 $0x1C05  }
0x75: {  	[timem:s3], [sflag:s2] =	dma.local @!p0 [hbm:s0], s1  }
0x76: {  	s0 =	simm.s32 @!p0 $0x5  }
0x77: {  	_ =	swait.ge @!p0 [sflag:s0], s1  }
0x78: {  	s1 =	ssub.s32 @!p0 $0x0, s1;
	[sflag:s0] =	ssyncset.done @!p0 $0x0  }
0x79: {  	[sflag:s0] =	ssyncadd.s32 @!p0 s1  }
0x7a: {  	[bflag:$0x3] =	sbarrier.arrive $0xFFFF  }
0x7b: {  	_ =	shalt  }

// kernel: kernel.17.cloned.1.call-start
scs
__scs_entry_jumppad:
0x0: {  	(pc) =	sbr.rel $0x88, $3  }
0x1: {  	(tag) =	ssettag $0x0;
	lr =	simm.s32 $0x1  }
0x2: {  	[smem:$0x3F93] =	sst lr;
	_ =	strace $0xD0000000  }
0x3: {  	_ = 	snop  }
0x4: {  	_ = 	snop  }
0x5: {  	_ = 	snop  }
0x6: {  	_ = 	snop  }
0x7: {  	_ = 	snop  }
__scs_overlays_trampoline_lowered:
0x8: {  	[smem:$0x3FA2] =	sst s0  }
0x9: {  	[smem:$0x3FA3] =	sst s1  }
0xa: {  	[smem:$0x3FA4] =	sst s2  }
0xb: {  	[smem:$0x3FA5] =	sst s3  }
0xc: {  	[smem:$0x3FA6] =	sst s4  }
0xd: {  	[smem:$0x3FA7] =	sst s5  }
0xe: {  	[smem:$0x3FA8] =	sst s6  }
0xf: {  	[smem:$0x3FA9] =	sst s7  }
0x10: {  	[smem:$0x3FAA] =	sst s8  }
0x11: {  	[smem:$0x3FAB] =	sst s9;
	s0 =	simm.s32 @!p0 $0x0  }
0x12: {  	s1 =	sld [smem:$0x3F91];
	s0 =	simm.s32 @p0 $0x1  }
0x13: {  	[smem:$0x3FAC] =	sst s0;
	s0 =	simm.s32 @!p1 $0x0  }
0x14: {  	s2 =	sld [smem:$0x3F90];
	s0 =	simm.s32 @p1 $0x1  }
0x15: {  	[smem:$0x3FAD] =	sst s0;
	s0 =	simm.s32 @!p2 $0x0  }
0x16: {  	s3 =	sld [smem:$0x3FDB];
	s0 =	simm.s32 @p2 $0x1  }
0x17: {  	s4 =	simm.s32 $0x1BF5;
	[smem:$0x3FAF] =	sst s0  }
0x18: {  	s0 =	sld [smem:$0x3F92];
	_ =	swait.ge [sflag:s4], $0x0  }
0x19: {  	s7 =	sld [smem:$0x3F93]  }
0x1a: {  	s8 =	sadd.s32 $0xFFFFE003, lr  }
0x1b: {  	s9 =	sadd.s32 $0xFFFFFEF7, lr;
	s5 =	simm.s32 $0xFFFFFFFF;
	p2 =	slt.u32 s8, $0xFFFFF086  }
0x1c: {  	p1 =	slt.u32 s9, $0xF7A;
	s5 =	simm.s32 @!p2 $0x0  }
0x1d: {  	s5 =	simm.s32 @p1 $0x1;
	p0 =	seq.s32 s7, s2  }
0x1e: {  	s7 =	smul.u32 @!p0 $0xF7A, s2;
	p2 =	seq.s32 @!p0 s5, $0x0  }
0x1f: {  	s9 =	smul.u32 $0xF7A, s1;
	s8 =	simm.s32 @!p0 $0x1BF5;
	p2 =	por !p2, p0  }
0x20: {  	[sflag:s8] =	ssyncset.s32 @!p0 $0xFFFFF086;
	s6 =	sadd.s32 @!p0 s3, s7;
	s7 =	simm.s32 @!p0 $0x108  }
0x21: {  	s3 =	sadd.s32 s3, s9;
	s6 =	sadd.s32 @!p0 $0x88, s6;
	s7 =	simm.s32 @p2 $0x1082  }
0x22: {  	[simem:s7], [sflag:s8] =	dma.local @!p0 [hbm:s6], $0xF7A  }
0x23: {  	s9 =	sor.u32 $0xD0000000, s2;
	s6 =	simm.s32 $0x108;
	_ =	swait.ge @!p0 [sflag:s8], $0x0  }
0x24: {  	s3 =	sadd.s32 $0x88, s3;
	s6 =	simm.s32 @!p1 $0x1082;
	[sflag:s4] =	ssyncset.s32 $0xFFFFF086  }
0x25: {  	[simem:s6], [sflag:s4] =	dma.local [hbm:s3], $0xF7A  }
0x26: {  	[smem:$0x3F93] =	sst s1;
	(tag) =	ssettag s2;
	_ =	strace s9  }
0x27: {  	s1 =	sld [smem:$0x3FA3]  }
0x28: {  	s2 =	sld [smem:$0x3FA4]  }
0x29: {  	s4 =	sld [smem:$0x3FA6]  }
0x2a: {  	p0 =	seq.s32 s5, $0x0;
	s5 =	sld [smem:$0x3FA7]  }
0x2b: {  	s6 =	sld [smem:$0x3FA8]  }
0x2c: {  	s7 =	sld [smem:$0x3FA9]  }
0x2d: {  	s3 =	simm.s32 $0x108;
	s8 =	sld [smem:$0x3FAA]  }
0x2e: {  	s3 =	simm.s32 @!p0 $0x1082;
	s9 =	sld [smem:$0x3FAB]  }
0x2f: {  	lr =	sadd.s32 s0, s3;
	s0 =	sld [smem:$0x3FA2]  }
0x30: {  	s3 =	sld [smem:$0x3FA5]  }
0x31: {  	[smem:$0x3FAE] =	sst s10  }
0x32: {  	s10 =	sld [smem:$0x3FAC];
	_ =	sdelay $0x3  }
0x33: {  	p0 =	seq.s32 s10, $0x1;
	s10 =	sld [smem:$0x3FAE];
	_ =	sdelay $0x3  }
0x34: {  	[smem:$0x3FAE] =	sst s10  }
0x35: {  	s10 =	sld [smem:$0x3FAD];
	_ =	sdelay $0x3  }
0x36: {  	p1 =	seq.s32 s10, $0x1;
	s10 =	sld [smem:$0x3FAE];
	_ =	sdelay $0x3  }
0x37: {  	[smem:$0x3FAE] =	sst s10  }
0x38: {  	s10 =	sld [smem:$0x3FAF]  }
0x39: {  	_ = 	snop;
	(pc) =	sbr.ind lr, $3  }
0x3a: {  	_ = 	snop  }
0x3b: {  	_ = 	snop  }
0x3c: {  	p2 =	seq.s32 s10, $0x1;
	s10 =	sld [smem:$0x3FAE]  }
0x3d: {  	_ =	shalt  }
0x3e: {  	_ =	shalt  }
0x3f: {  	_ =	shalt  }
0x40: {  	_ =	shalt  }
0x41: {  	_ =	shalt  }
0x42: {  	_ =	shalt  }
0x43: {  	_ =	shalt  }
0x44: {  	_ =	shalt  }
0x45: {  	_ =	shalt  }
0x46: {  	_ =	shalt  }
0x47: {  	_ =	shalt  }
0x48: {  	_ =	shalt  }
0x49: {  	_ =	shalt  }
0x4a: {  	_ =	shalt  }
0x4b: {  	_ =	shalt  }
0x4c: {  	_ =	shalt  }
0x4d: {  	_ =	shalt  }
0x4e: {  	_ =	shalt  }
0x4f: {  	_ =	shalt  }
0x50: {  	_ =	shalt  }
0x51: {  	_ =	shalt  }
0x52: {  	_ =	shalt  }
0x53: {  	_ =	shalt  }
0x54: {  	_ =	shalt  }
0x55: {  	_ =	shalt  }
0x56: {  	_ =	shalt  }
0x57: {  	_ =	shalt  }
0x58: {  	_ =	shalt  }
0x59: {  	_ =	shalt  }
0x5a: {  	_ =	shalt  }
0x5b: {  	_ =	shalt  }
0x5c: {  	_ =	shalt  }
0x5d: {  	_ =	shalt  }
0x5e: {  	_ =	shalt  }
0x5f: {  	_ =	shalt  }
0x60: {  	_ =	shalt  }
0x61: {  	_ =	shalt  }
0x62: {  	_ =	shalt  }
0x63: {  	_ =	shalt  }
0x64: {  	_ =	shalt  }
0x65: {  	_ =	shalt  }
0x66: {  	_ =	shalt  }
0x67: {  	_ =	shalt  }
0x68: {  	_ =	shalt  }
0x69: {  	_ =	shalt  }
0x6a: {  	_ =	shalt  }
0x6b: {  	_ =	shalt  }
0x6c: {  	_ =	shalt  }
0x6d: {  	_ =	shalt  }
0x6e: {  	_ =	shalt  }
0x6f: {  	_ =	shalt  }
0x70: {  	_ =	shalt  }
0x71: {  	_ =	shalt  }
0x72: {  	_ =	shalt  }
0x73: {  	_ =	shalt  }
0x74: {  	_ =	shalt  }
0x75: {  	_ =	shalt  }
0x76: {  	_ =	shalt  }
0x77: {  	_ =	shalt  }
0x78: {  	_ =	shalt  }
0x79: {  	_ =	shalt  }
0x7a: {  	_ =	shalt  }
0x7b: {  	_ =	shalt  }
0x7c: {  	_ =	shalt  }
0x7d: {  	_ =	shalt  }
0x7e: {  	_ =	shalt  }
0x7f: {  	_ =	shalt  }
0x80: {  	_ =	shalt  }
0x81: {  	_ =	shalt  }
0x82: {  	_ =	shalt  }
0x83: {  	_ =	shalt  }
0x84: {  	_ =	shalt  }
0x85: {  	_ =	shalt  }
0x86: {  	_ =	shalt  }
0x87: {  	_ =	shalt  }
.Lfunc_end0:
.L_simem_size_0:
called_computation.2_lowered:
.L_overlay_start_0:
0x88: {  	s2 =	sld [smem:$0x3FD9]  }
0x89: {  	s3 =	sld [smem:$0x3FFE];
	_ =	sdelay $0x1  }
0x8a: {  	s1 =	srdreg.scid  }
0x8b: {  	s0 =	sand.u32 $0x1, s1  }
0x8c: {  	s16 =	sshll.u32 s0, $0xA;
	s2 =	sadd.s32 s3, s2  }
0x8d: {  	s2 =	sadd.s32 s2, s16  }
0x8e: {  	[smem:$0x3FBA] =	sst s2  }
0x8f: {  	_ = 	snop  }
0x90: {  	(tm) =	ssettm $0x1  }
0x91: {  	s17 =	sld [smem:$0x3FFB];
	_ =	sdelay $0x3  }
0x92: {  	_ =	strace s17  }
0x93: {  	s2 =	sld [smem:$0x3FFC];
	_ =	sdelay $0x3  }
0x94: {  	_ =	strace s2  }
0x95: {  	s2 =	sld [smem:$0x3FFD];
	_ =	sdelay $0x3  }
0x96: {  	_ =	strace s2  }
0x97: {  	_ =	strace $0x8FFFFFFF  }
0x98: {  	s18 =	sld [smem:$0x3FDB];
	_ =	sdelay $0x1  }
0x99: {  	s19 =	simm.s32 $_scs_section_size  }
0x9a: {  	s4 =	simm.s32 $_size__tile_overlayer_lowered;
	s5 =	simm.s32 $_tile_overlayer_lowered  }
0x9b: {  	s22 =	simm.s32 $0x1BFF;
	s21 =	sshll.u32 s5, $0x1;
	s2 =	sadd.s32 s19, s18  }
0x9c: {  	s6 =	simm.s32 $0x0;
	s20 =	sshll.u32 s4, $0x1;
	s4 =	sadd.s32 s21, s2  }
0x9d: {  	[timem:s6], [sflag:s22] =	dma.local [hbm:s4], s20  }
0x9e: {  	_ =	swait.ge [sflag:s22], s20  }
0x9f: {  	s3 =	ssub.s32 $0x0, s20;
	[sflag:s22] =	ssyncset.done $0x0  }
0xa0: {  	[sflag:s22] =	ssyncadd.s32 s3;
	_ =	sdelay $0x1  }
0xa1: {  	s23 =	simm.s32 $0x1B8B  }
0xa2: {  	_ =	swait.ge [sflag:s23], $0x1  }
0xa3: {  	[sflag:s23] =	ssyncset.done $0x0  }
0xa4: {  	s25 =	simm.s32 $0x1B8E;
	s24 =	sld [smem:$0x3FFE];
	[sflag:s23] =	ssyncadd.s32 $0xFFFFFFFF  }
0xa5: {  	s26 =	simm.s32 $execute0_lowered;
	[smem:$0x3FD2] =	sst s25  }
0xa6: {  	s4 =	sshll.u32 s26, $0x1;
	_ =	strace $0x8000004C;
	[dreg:$0x1] =	wrdreg $0xFFFFFFFF  }
0xa7: {  	s28 =	simm.s32 $_size_execute0_lowered;
	s2 =	sadd.s32 s2, s4;
	[dreg:$0x0] =	wrdreg $0x0  }
0xa8: {  	s4 =	sshll.u32 s28, $0x1;
	[dreg:$0x2] =	wrdreg s2  }
0xa9: {  	[dreg:$0x3] =	wrdreg s4  }
0xaa: {  	[dreg:$0x4] =	wrdreg $0xC0  }
0xab: {  	_ =	task [dreg:s6], $0x5FFFF  }
0xac: {  	[dreg:$0x1] =	wrdreg $0xFFFFFFFF  }
0xad: {  	[dreg:$0x0] =	wrdreg $0x60  }
0xae: {  	[dreg:$0x2] =	wrdreg s24  }
0xaf: {  	[dreg:$0x3] =	wrdreg $0xD0000  }
0xb0: {  	[dreg:$0x4] =	wrdreg $0x9  }
0xb1: {  	_ =	task.clear_ibuf [dreg:s6], $0x5FFFF;
	_ =	strace $0x9000004C  }
0xb2: {  	s29 =	simm.s32 $0x9;
	_ =	strace $0x8000004E  }
0xb3: {  	_ =	swait.ge [sflag:s29], $0x1  }
0xb4: {  	[sflag:s29] =	ssyncadd.s32 $0xFFFFFFFF  }
0xb5: {  	_ =	strace $0x9000004E  }
0xb6: {  	_ =	sfence  }
0xb7: {  	s30 =	sld [smem:$0x0];
	_ =	sdelay $0x2  }
0xb8: {  	s31 =	sshll.u32 s1, $0xD;
	s1 =	sshrl.u32 s1, $0x2  }
0xb9: {  	s3 =	sand.u32 $0x4000, s31;
	s1 =	sadd.s32 s1, s30  }
0xba: {  	s0 =	sor.u32 s3, s0;
	s1 =	sshll.u32 s1, $0x11  }
0xbb: {  	s0 =	sor.u32 s1, s0  }
0xbc: {  	s0 =	sadd.s32 $0x8F2B, s0  }
0xbd: {  	[sflag:s0] =	ssyncadd.remote.s32 $0x1  }
0xbe: {  	_ =	sfence.sel $0xFFFF  }
0xbf: {  	[dreg:$0x0] =	wrdreg $0xFFFFFFFF;
	(pc) =	sbr.abs _section_cstart, $3  }
0xc0: {  	[dreg:$0x1] =	wrdreg $0xFFFFFFFF  }
0xc1: {  	_ =	task.clear_ibuf [dreg:s6], $0x2FFFF;
	_ =	strace $0x9FFFFFFF  }
0xc2: {  	(tm) =	ssettm $0x7FFFFFFF  }
0xc3: {  	_ =	shalt  }
tec
execute0_lowered:
.L_overlay_start_1:
0x0: {  	(tag) =	ssettag $0x1  }
0x1: {  	s0 =	srdreg.scid;
	s6 =	rddreg [dreg:$0x0]  }
0x2: {  	s2 =	rddreg [dreg:$0x1];
	s1 =	stileid.u32  }
0x3: {  	s3 =	simm.s32 $0x0;
	s15 =	simm.s32 $0x7000;
	s16 =	simm.s32 $0x1  }
0x4: {  	s17 =	simm.s32 $0x5;
	s18 =	simm.s32 $0x2;
	s19 =	simm.s32 $0x3  }
0x5: {  	s20 =	simm.s32 $0x9000;
	s5 =	sand.u32 $0x1, s0;
	s0 =	rddreg [dreg:$0x2]  }
0x6: {  	s21 =	simm.s32 $0x4;
	s22 =	simm.s32 $0xB000;
	[smem:$0x7FF] =	sst s3  }
0x7: {  	s11 =	smul.u32 $0x9E00, s1;
	s29 =	sshll.u32 s1, $0x6;
	s4 =	sshll.u32 s5, $0x4  }
0x8: {  	_ =	strace $0x8000004D;
	s9 =	smul.u32 $0x13C00, s5;
	s10 =	ssub.s32 $0x2, s5  }
0x9: {  	s5 =	sadd.s32 $0xCE00, s6;
	s7 =	sor.u32 s1, s4;
	s4 =	sadd.s32 $0x21200, s6  }
0xa: {  	s28 =	sshrl.u32 s10, $0x1;
	s14 =	sadd.s32 s11, s2;
	s24 =	sshrl.u32 s11, $0x3  }
0xb: {  	s8 =	smul.u32 $0x500, s7;
	s13 =	sadd.s32 s9, s6;
	s10 =	ssub.s32 s10, s28  }
0xc: {  	p0 =	seq.s32 s7, $0x1F;
	s7 =	sor.u32 $0x1C05, s29;
	s11 =	sshrl.u32 s14, $0x3  }
0xd: {  	s14 =	simm.s32 $0x5000;
	s12 =	sadd.s32 s8, s6;
	s6 =	simm.s32 $0x14  }
0xe: {  	s23 =	sadd.s32 $0x34C00, s13;
	s10 =	smax.u32 s10, $0x1;
	s6 =	simm.s32 @!p0 $0x50  }
0xf: {  	s13 =	simm.s32 $0x80;
	s23 =	sadd.s32 s24, s23;
	s30 =	sshll.u32 s6, $0x9  }
0x10: {  	s24 =	simm.s32 $0x0;
	s8 =	sadd.s32 $0x17200, s12;
	s31 =	sadd.s32 $0xFFFFF800, s30  }
0x11: {  	s9 =	sadd.s32 $0x2E00, s12;
	s12 =	simm.s32 $0x2800;
	[dreg:$0x3] =	wrdreg s31  }
.LBB2_1:
0x12: {  	[spmem:s11], [sflag:s7] =	dma.local [hbm:s5], $0x13C0  }
0x13: {  	_ =	swait.ge [sflag:s17], $0x13C0  }
0x14: {  	[sflag:s17] =	ssyncset.done $0x0  }
0x15: {  	[sflag:s17] =	ssyncadd.s32 $0xFFFFEC40  }
0x16: {  	[tilespmem:s3], [sflag:$0x5] =	stream.linear.gather [hbm4b:s8+s3], $0x2800, $0x38;
	[tilespmem:$0x16E00] =	vst v63  }
0x17: {  	_ =	swait.ge [sflag:s17], $0x2800  }
0x18: {  	[sflag:s17] =	ssyncset.done $0x0  }
0x19: {  	[sflag:s17] =	ssyncadd.s32 $0xFFFFD800  }
0x1a: {  	[tilespmem:s12], [sflag:$0x5] =	stream.linear.gather [hbm4b:s9+s3], $0x2800, $0x38;
	[tilespmem:$0x16E00] =	vst v63  }
0x1b: {  	_ =	swait.ge [sflag:s17], $0x2800  }
0x1c: {  	[sflag:s17] =	ssyncset.done $0x0  }
0x1d: {  	[sflag:s17] =	ssyncadd.s32 $0xFFFFD800  }
0x1e: {  	[bflag:$0x0] =	sbarrier.arrive $0xFFFF  }
0x1f: {  	[tilespmem:s14], [sflag:$0x1] =	stream.indirect.gather [hbm4b:s4+s13], $0x40, s3, s13, $0xb8;
	[tilespmem:$0x16E00] =	vst v63  }
0x20: {  	s26 =	simm.s32 $0x5;
	s25 =	simm.s32 $0x0  }
0x21: {  	[tilespmem:s15], [sflag:$0x2] =	stream.indirect.gather [hbm4b:s4+s13], $0x40, s13, s13, $0xb8;
	[tilespmem:$0x16E00] =	vst v63  }
.LBB2_2:
0x22: {  	_ =	swait.ge [sflag:s16], $0x2000  }
0x23: {  	s28 =	sshra.s32 s25, $0x2;
	[sflag:s16] =	ssyncset.done $0x0  }
0x24: {  	s31 =	sadd.s32 $0xFFFFFFFD, s26;
	s29 =	sadd.s32 $0x2800, s28;
	[sflag:s16] =	ssyncadd.s32 $0xFFFFE000  }
0x25: {  	[spmem:s2] =	stream.indirect.scatter.add.f32 [tilespmem:s14], [sflag:$0x5], $0x40, s29, s13, $0xb8;
	[tilespmem:$0x16E00] =	vst v63  }
0x26: {  	p0 =	sge.u32 s31, s6;
	_ =	swait.ge [sflag:s17], $0x2000  }
0x27: {  	s30 =	simm.s32 @!p0 $0x80;
	s29 =	sshra.s32 @!p0 s25, $0x2;
	[sflag:s17] =	ssyncset.done $0x0  }
0x28: {  	s31 =	simm.s32 @!p0 $0x9000;
	s29 =	sadd.s32 @!p0 $0x100, s29;
	[sflag:s17] =	ssyncadd.s32 $0xFFFFE000  }
0x29: {  	[tilespmem:s31], [sflag:$0x3] =	stream.indirect.gather @!p0 [hbm4b:s4+s30], $0x40, s29, s30, $0xb8;
	[tilespmem:$0x16E00] =	vst v63  }
0x2a: {  	_ =	swait.ge [sflag:s18], $0x2000  }
0x2b: {  	[sflag:s18] =	ssyncset.done $0x0  }
0x2c: {  	s30 =	sadd.s32 $0x2880, s28;
	s31 =	sadd.s32 $0xFFFFFFFE, s26;
	[sflag:s18] =	ssyncadd.s32 $0xFFFFE000  }
0x2d: {  	[spmem:s2] =	stream.indirect.scatter.add.f32 [tilespmem:s15], [sflag:$0x5], $0x40, s30, s13, $0xb8;
	[tilespmem:$0x16E00] =	vst v63  }
0x2e: {  	p0 =	sge.u32 s31, s6;
	_ =	swait.ge [sflag:s17], $0x2000  }
0x2f: {  	s29 =	sshra.s32 @!p0 s25, $0x2;
	s31 =	simm.s32 @!p0 $0xB000;
	[sflag:s17] =	ssyncset.done $0x0  }
0x30: {  	s29 =	sadd.s32 @!p0 $0x180, s29;
	s30 =	simm.s32 @!p0 $0x80;
	[sflag:s17] =	ssyncadd.s32 $0xFFFFE000  }
0x31: {  	[tilespmem:s31], [sflag:$0x4] =	stream.indirect.gather @!p0 [hbm4b:s4+s30], $0x40, s29, s30, $0xb8;
	[tilespmem:$0x16E00] =	vst v63  }
0x32: {  	_ =	swait.ge [sflag:s19], $0x2000  }
0x33: {  	[sflag:s19] =	ssyncset.done $0x0  }
0x34: {  	s30 =	sadd.s32 $0x2900, s28;
	s31 =	sadd.s32 $0xFFFFFFFF, s26;
	[sflag:s19] =	ssyncadd.s32 $0xFFFFE000  }
0x35: {  	[spmem:s2] =	stream.indirect.scatter.add.f32 [tilespmem:s20], [sflag:$0x5], $0x40, s30, s13, $0xb8;
	[tilespmem:$0x16E00] =	vst v63  }
0x36: {  	p0 =	sge.u32 s31, s6;
	_ =	swait.ge [sflag:s17], $0x2000  }
0x37: {  	s29 =	sshra.s32 @!p0 s25, $0x2;
	s31 =	simm.s32 @!p0 $0x5000;
	[sflag:s17] =	ssyncset.done $0x0  }
0x38: {  	s29 =	sadd.s32 @!p0 $0x200, s29;
	s30 =	simm.s32 @!p0 $0x80;
	[sflag:s17] =	ssyncadd.s32 $0xFFFFE000  }
0x39: {  	[tilespmem:s31], [sflag:$0x1] =	stream.indirect.gather @!p0 [hbm4b:s4+s30], $0x40, s29, s30, $0xb8;
	[tilespmem:$0x16E00] =	vst v63  }
0x3a: {  	_ =	swait.ge [sflag:s21], $0x2000  }
0x3b: {  	[sflag:s21] =	ssyncset.done $0x0  }
0x3c: {  	s28 =	sadd.s32 $0x2980, s28;
	p0 =	sge.u32 s26, s6;
	[sflag:s21] =	ssyncadd.s32 $0xFFFFE000  }
0x3d: {  	[spmem:s2] =	stream.indirect.scatter.add.f32 [tilespmem:s22], [sflag:$0x5], $0x40, s28, s13, $0xb8;
	[tilespmem:$0x16E00] =	vst v63  }
0x3e: {  	s29 =	simm.s32 @!p0 $0x80;
	s30 =	simm.s32 @!p0 $0x7000;
	_ =	swait.ge [sflag:s17], $0x2000  }
0x3f: {  	s28 =	sshra.s32 @!p0 s25, $0x2;
	s25 =	sadd.s32 $0x800, s25;
	[sflag:s17] =	ssyncset.done $0x0  }
0x40: {  	s28 =	sadd.s32 @!p0 $0x280, s28;
	s31 =	rddreg [dreg:$0x3];
	[sflag:s17] =	ssyncadd.s32 $0xFFFFE000  }
0x41: {  	[tilespmem:s30], [sflag:$0x2] =	stream.indirect.gather @!p0 [hbm4b:s4+s29], $0x40, s28, s29, $0xb8;
	[tilespmem:$0x16E00] =	vst v63  }
0x42: {  	p0 =	sne.s32 s31, s25  }
.Ltmp0:
0x43: {  	_ = 	snop;
	(pc) =	sbr.rel @p0 .LBB2_2-.Ltmp0, $2  }
0x44: {  	_ =	sdelay $0x2  }
0x45: {  	s26 =	sadd.s32 $0x4, s26  }
0x46: {  	_ =	swait.ge [sflag:s16], $0x2000  }
0x47: {  	s28 =	sshra.s32 s25, $0x2;
	[sflag:s16] =	ssyncset.done $0x0  }
0x48: {  	s31 =	sadd.s32 $0xFFFFFFFD, s26;
	s29 =	sadd.s32 $0x2800, s28;
	[sflag:s16] =	ssyncadd.s32 $0xFFFFE000  }
0x49: {  	[spmem:s2] =	stream.indirect.scatter.add.f32 [tilespmem:s14], [sflag:$0x5], $0x40, s29, s13, $0xb8;
	[tilespmem:$0x16E00] =	vst v63  }
0x4a: {  	p0 =	sge.u32 s31, s6;
	_ =	swait.ge [sflag:s17], $0x2000  }
0x4b: {  	s30 =	simm.s32 @!p0 $0x80;
	s29 =	sshra.s32 @!p0 s25, $0x2;
	[sflag:s17] =	ssyncset.done $0x0  }
0x4c: {  	s31 =	simm.s32 @!p0 $0x9000;
	s29 =	sadd.s32 @!p0 $0x100, s29;
	[sflag:s17] =	ssyncadd.s32 $0xFFFFE000  }
0x4d: {  	[tilespmem:s31], [sflag:$0x3] =	stream.indirect.gather @!p0 [hbm4b:s4+s30], $0x40, s29, s30, $0xb8;
	[tilespmem:$0x16E00] =	vst v63  }
0x4e: {  	_ =	swait.ge [sflag:s18], $0x2000  }
0x4f: {  	[sflag:s18] =	ssyncset.done $0x0  }
0x50: {  	s30 =	sadd.s32 $0x2880, s28;
	s31 =	sadd.s32 $0xFFFFFFFE, s26;
	[sflag:s18] =	ssyncadd.s32 $0xFFFFE000  }
0x51: {  	[spmem:s2] =	stream.indirect.scatter.add.f32 [tilespmem:s15], [sflag:$0x5], $0x40, s30, s13, $0xb8;
	[tilespmem:$0x16E00] =	vst v63  }
0x52: {  	p0 =	sge.u32 s31, s6;
	_ =	swait.ge [sflag:s17], $0x2000  }
0x53: {  	s29 =	sshra.s32 @!p0 s25, $0x2;
	s31 =	simm.s32 @!p0 $0xB000;
	[sflag:s17] =	ssyncset.done $0x0  }
0x54: {  	s29 =	sadd.s32 @!p0 $0x180, s29;
	s30 =	simm.s32 @!p0 $0x80;
	[sflag:s17] =	ssyncadd.s32 $0xFFFFE000  }
0x55: {  	[tilespmem:s31], [sflag:$0x4] =	stream.indirect.gather @!p0 [hbm4b:s4+s30], $0x40, s29, s30, $0xb8;
	[tilespmem:$0x16E00] =	vst v63  }
0x56: {  	_ =	swait.ge [sflag:s19], $0x2000  }
0x57: {  	[sflag:s19] =	ssyncset.done $0x0  }
0x58: {  	s30 =	sadd.s32 $0x2900, s28;
	s31 =	sadd.s32 $0xFFFFFFFF, s26;
	[sflag:s19] =	ssyncadd.s32 $0xFFFFE000  }
0x59: {  	[spmem:s2] =	stream.indirect.scatter.add.f32 [tilespmem:s20], [sflag:$0x5], $0x40, s30, s13, $0xb8;
	[tilespmem:$0x16E00] =	vst v63  }
0x5a: {  	p0 =	sge.u32 s31, s6;
	_ =	swait.ge [sflag:s17], $0x2000  }
0x5b: {  	s29 =	sshra.s32 @!p0 s25, $0x2;
	s31 =	simm.s32 @!p0 $0x5000;
	[sflag:s17] =	ssyncset.done $0x0  }
0x5c: {  	s29 =	sadd.s32 @!p0 $0x200, s29;
	s30 =	simm.s32 @!p0 $0x80;
	[sflag:s17] =	ssyncadd.s32 $0xFFFFE000  }
0x5d: {  	[tilespmem:s31], [sflag:$0x1] =	stream.indirect.gather @!p0 [hbm4b:s4+s30], $0x40, s29, s30, $0xb8;
	[tilespmem:$0x16E00] =	vst v63  }
0x5e: {  	_ =	swait.ge [sflag:s21], $0x2000  }
0x5f: {  	[sflag:s21] =	ssyncset.done $0x0  }
0x60: {  	s28 =	sadd.s32 $0x2980, s28;
	[sflag:s21] =	ssyncadd.s32 $0xFFFFE000  }
0x61: {  	[spmem:s2] =	stream.indirect.scatter.add.f32 [tilespmem:s22], [sflag:$0x5], $0x40, s28, s13, $0xb8;
	[tilespmem:$0x16E00] =	vst v63  }
0x62: {  	s24 =	sadd.s32 $0x1, s24;
	p0 =	sge.u32 s26, s6;
	_ =	swait.ge [sflag:s17], $0x2000  }
0x63: {  	s25 =	sshra.s32 @!p0 s25, $0x2;
	s26 =	simm.s32 @!p0 $0x80;
	[sflag:s17] =	ssyncset.done $0x0  }
0x64: {  	s25 =	sadd.s32 @!p0 $0x280, s25;
	s28 =	simm.s32 @!p0 $0x7000;
	[sflag:s17] =	ssyncadd.s32 $0xFFFFE000  }
0x65: {  	[tilespmem:s28], [sflag:$0x2] =	stream.indirect.gather @!p0 [hbm4b:s4+s26], $0x40, s25, s26, $0xb8;
	[tilespmem:$0x16E00] =	vst v63  }
0x66: {  	p0 =	sne.s32 s24, s10  }
.Ltmp1:
0x67: {  	[bflag:$0x0] =	sbarrier.arrive $0xFFFF;
	(pc) =	sbr.rel @p0 .LBB2_1-.Ltmp1, $4  }
0x68: {  	[hbm:s23], [sflag:s7] =	dma.local [spmem:s11], $0x13C0  }
0x69: {  	_ =	swait.ge [sflag:s17], $0x13C0  }
0x6a: {  	[sflag:s17] =	ssyncset.done $0x0  }
0x6b: {  	[sflag:s17] =	ssyncadd.s32 $0xFFFFEC40  }
0x6c: {  	_ =	sfence.sel $0x180000  }
0x6d: {  	[bflag:$0x0] =	sbarrier.arrive $0xFFFF  }
0x6e: {  	p0 =	sne.s32 s1, $0x0;
	_ =	strace $0x9000004D  }
0x6f: {  	s0 =	sadd.s32 @!p0 $0x100000, s0;
	[bflag:$0x2] =	sbarrier.arrive $0xFFFF  }
0x70: {  	[sflag:s0] =	ssyncadd.tile.s32 @!p0 $0x1;
	_ =	shalt  }
.Lfunc_end2:
_tile_overlayer_lowered:
.L_overlay_start_2:
0x71: {  	(tag) =	ssettag $0x2  }
0x72: {  	s0 =	rddreg [dreg:$0x0];
	s2 =	stileid.u32  }
0x73: {  	s1 =	rddreg [dreg:$0x1];
	p0 =	sne.s32 s2, $0x0  }
0x74: {  	s3 =	rddreg [dreg:$0x2];
	[bflag:$0x3] =	sbarrier.arrive $0xFFFF;
	s2 =	simm.s32 @!p0 $0x1C05  }
0x75: {  	[timem:s3], [sflag:s2] =	dma.local @!p0 [hbm:s0], s1  }
0x76: {  	s0 =	simm.s32 @!p0 $0x5  }
0x77: {  	_ =	swait.ge @!p0 [sflag:s0], s1  }
0x78: {  	s1 =	ssub.s32 @!p0 $0x0, s1;
	[sflag:s0] =	ssyncset.done @!p0 $0x0  }
0x79: {  	[sflag:s0] =	ssyncadd.s32 @!p0 s1  }
0x7a: {  	[bflag:$0x3] =	sbarrier.arrive $0xFFFF  }
0x7b: {  	_ =	shalt  }

// kernel: kernel.20.cloned.1.call-start
scs
__scs_entry_jumppad:
0x0: {  	(pc) =	sbr.rel $0x88, $3  }
0x1: {  	(tag) =	ssettag $0x0;
	lr =	simm.s32 $0x1  }
0x2: {  	[smem:$0x3F93] =	sst lr;
	_ =	strace $0xD0000000  }
0x3: {  	_ = 	snop  }
0x4: {  	_ = 	snop  }
0x5: {  	_ = 	snop  }
0x6: {  	_ = 	snop  }
0x7: {  	_ = 	snop  }
__scs_overlays_trampoline_lowered:
0x8: {  	[smem:$0x3FA2] =	sst s0  }
0x9: {  	[smem:$0x3FA3] =	sst s1  }
0xa: {  	[smem:$0x3FA4] =	sst s2  }
0xb: {  	[smem:$0x3FA5] =	sst s3  }
0xc: {  	[smem:$0x3FA6] =	sst s4  }
0xd: {  	[smem:$0x3FA7] =	sst s5  }
0xe: {  	[smem:$0x3FA8] =	sst s6  }
0xf: {  	[smem:$0x3FA9] =	sst s7  }
0x10: {  	[smem:$0x3FAA] =	sst s8  }
0x11: {  	[smem:$0x3FAB] =	sst s9;
	s0 =	simm.s32 @!p0 $0x0  }
0x12: {  	s1 =	sld [smem:$0x3F91];
	s0 =	simm.s32 @p0 $0x1  }
0x13: {  	[smem:$0x3FAC] =	sst s0;
	s0 =	simm.s32 @!p1 $0x0  }
0x14: {  	s2 =	sld [smem:$0x3F90];
	s0 =	simm.s32 @p1 $0x1  }
0x15: {  	[smem:$0x3FAD] =	sst s0;
	s0 =	simm.s32 @!p2 $0x0  }
0x16: {  	s3 =	sld [smem:$0x3FDB];
	s0 =	simm.s32 @p2 $0x1  }
0x17: {  	s4 =	simm.s32 $0x1BF5;
	[smem:$0x3FAF] =	sst s0  }
0x18: {  	s0 =	sld [smem:$0x3F92];
	_ =	swait.ge [sflag:s4], $0x0  }
0x19: {  	s7 =	sld [smem:$0x3F93]  }
0x1a: {  	s8 =	sadd.s32 $0xFFFFE003, lr  }
0x1b: {  	s9 =	sadd.s32 $0xFFFFFEF7, lr;
	s5 =	simm.s32 $0xFFFFFFFF;
	p2 =	slt.u32 s8, $0xFFFFF086  }
0x1c: {  	p1 =	slt.u32 s9, $0xF7A;
	s5 =	simm.s32 @!p2 $0x0  }
0x1d: {  	s5 =	simm.s32 @p1 $0x1;
	p0 =	seq.s32 s7, s2  }
0x1e: {  	s7 =	smul.u32 @!p0 $0xF7A, s2;
	p2 =	seq.s32 @!p0 s5, $0x0  }
0x1f: {  	s9 =	smul.u32 $0xF7A, s1;
	s8 =	simm.s32 @!p0 $0x1BF5;
	p2 =	por !p2, p0  }
0x20: {  	[sflag:s8] =	ssyncset.s32 @!p0 $0xFFFFF086;
	s6 =	sadd.s32 @!p0 s3, s7;
	s7 =	simm.s32 @!p0 $0x108  }
0x21: {  	s3 =	sadd.s32 s3, s9;
	s6 =	sadd.s32 @!p0 $0x88, s6;
	s7 =	simm.s32 @p2 $0x1082  }
0x22: {  	[simem:s7], [sflag:s8] =	dma.local @!p0 [hbm:s6], $0xF7A  }
0x23: {  	s9 =	sor.u32 $0xD0000000, s2;
	s6 =	simm.s32 $0x108;
	_ =	swait.ge @!p0 [sflag:s8], $0x0  }
0x24: {  	s3 =	sadd.s32 $0x88, s3;
	s6 =	simm.s32 @!p1 $0x1082;
	[sflag:s4] =	ssyncset.s32 $0xFFFFF086  }
0x25: {  	[simem:s6], [sflag:s4] =	dma.local [hbm:s3], $0xF7A  }
0x26: {  	[smem:$0x3F93] =	sst s1;
	(tag) =	ssettag s2;
	_ =	strace s9  }
0x27: {  	s1 =	sld [smem:$0x3FA3]  }
0x28: {  	s2 =	sld [smem:$0x3FA4]  }
0x29: {  	s4 =	sld [smem:$0x3FA6]  }
0x2a: {  	p0 =	seq.s32 s5, $0x0;
	s5 =	sld [smem:$0x3FA7]  }
0x2b: {  	s6 =	sld [smem:$0x3FA8]  }
0x2c: {  	s7 =	sld [smem:$0x3FA9]  }
0x2d: {  	s3 =	simm.s32 $0x108;
	s8 =	sld [smem:$0x3FAA]  }
0x2e: {  	s3 =	simm.s32 @!p0 $0x1082;
	s9 =	sld [smem:$0x3FAB]  }
0x2f: {  	lr =	sadd.s32 s0, s3;
	s0 =	sld [smem:$0x3FA2]  }
0x30: {  	s3 =	sld [smem:$0x3FA5]  }
0x31: {  	[smem:$0x3FAE] =	sst s10  }
0x32: {  	s10 =	sld [smem:$0x3FAC];
	_ =	sdelay $0x3  }
0x33: {  	p0 =	seq.s32 s10, $0x1;
	s10 =	sld [smem:$0x3FAE];
	_ =	sdelay $0x3  }
0x34: {  	[smem:$0x3FAE] =	sst s10  }
0x35: {  	s10 =	sld [smem:$0x3FAD];
	_ =	sdelay $0x3  }
0x36: {  	p1 =	seq.s32 s10, $0x1;
	s10 =	sld [smem:$0x3FAE];
	_ =	sdelay $0x3  }
0x37: {  	[smem:$0x3FAE] =	sst s10  }
0x38: {  	s10 =	sld [smem:$0x3FAF]  }
0x39: {  	_ = 	snop;
	(pc) =	sbr.ind lr, $3  }
0x3a: {  	_ = 	snop  }
0x3b: {  	_ = 	snop  }
0x3c: {  	p2 =	seq.s32 s10, $0x1;
	s10 =	sld [smem:$0x3FAE]  }
0x3d: {  	_ =	shalt  }
0x3e: {  	_ =	shalt  }
0x3f: {  	_ =	shalt  }
0x40: {  	_ =	shalt  }
0x41: {  	_ =	shalt  }
0x42: {  	_ =	shalt  }
0x43: {  	_ =	shalt  }
0x44: {  	_ =	shalt  }
0x45: {  	_ =	shalt  }
0x46: {  	_ =	shalt  }
0x47: {  	_ =	shalt  }
0x48: {  	_ =	shalt  }
0x49: {  	_ =	shalt  }
0x4a: {  	_ =	shalt  }
0x4b: {  	_ =	shalt  }
0x4c: {  	_ =	shalt  }
0x4d: {  	_ =	shalt  }
0x4e: {  	_ =	shalt  }
0x4f: {  	_ =	shalt  }
0x50: {  	_ =	shalt  }
0x51: {  	_ =	shalt  }
0x52: {  	_ =	shalt  }
0x53: {  	_ =	shalt  }
0x54: {  	_ =	shalt  }
0x55: {  	_ =	shalt  }
0x56: {  	_ =	shalt  }
0x57: {  	_ =	shalt  }
0x58: {  	_ =	shalt  }
0x59: {  	_ =	shalt  }
0x5a: {  	_ =	shalt  }
0x5b: {  	_ =	shalt  }
0x5c: {  	_ =	shalt  }
0x5d: {  	_ =	shalt  }
0x5e: {  	_ =	shalt  }
0x5f: {  	_ =	shalt  }
0x60: {  	_ =	shalt  }
0x61: {  	_ =	shalt  }
0x62: {  	_ =	shalt  }
0x63: {  	_ =	shalt  }
0x64: {  	_ =	shalt  }
0x65: {  	_ =	shalt  }
0x66: {  	_ =	shalt  }
0x67: {  	_ =	shalt  }
0x68: {  	_ =	shalt  }
0x69: {  	_ =	shalt  }
0x6a: {  	_ =	shalt  }
0x6b: {  	_ =	shalt  }
0x6c: {  	_ =	shalt  }
0x6d: {  	_ =	shalt  }
0x6e: {  	_ =	shalt  }
0x6f: {  	_ =	shalt  }
0x70: {  	_ =	shalt  }
0x71: {  	_ =	shalt  }
0x72: {  	_ =	shalt  }
0x73: {  	_ =	shalt  }
0x74: {  	_ =	shalt  }
0x75: {  	_ =	shalt  }
0x76: {  	_ =	shalt  }
0x77: {  	_ =	shalt  }
0x78: {  	_ =	shalt  }
0x79: {  	_ =	shalt  }
0x7a: {  	_ =	shalt  }
0x7b: {  	_ =	shalt  }
0x7c: {  	_ =	shalt  }
0x7d: {  	_ =	shalt  }
0x7e: {  	_ =	shalt  }
0x7f: {  	_ =	shalt  }
0x80: {  	_ =	shalt  }
0x81: {  	_ =	shalt  }
0x82: {  	_ =	shalt  }
0x83: {  	_ =	shalt  }
0x84: {  	_ =	shalt  }
0x85: {  	_ =	shalt  }
0x86: {  	_ =	shalt  }
0x87: {  	_ =	shalt  }
.Lfunc_end0:
.L_simem_size_0:
called_computation.3_lowered:
.L_overlay_start_0:
0x88: {  	s2 =	sld [smem:$0x3FD9]  }
0x89: {  	s3 =	sld [smem:$0x3FFE];
	_ =	sdelay $0x1  }
0x8a: {  	s1 =	srdreg.scid  }
0x8b: {  	s0 =	sand.u32 $0x1, s1  }
0x8c: {  	s16 =	sshll.u32 s0, $0xA;
	s2 =	sadd.s32 s3, s2  }
0x8d: {  	s2 =	sadd.s32 s2, s16  }
0x8e: {  	[smem:$0x3FBA] =	sst s2  }
0x8f: {  	_ = 	snop  }
0x90: {  	(tm) =	ssettm $0x1  }
0x91: {  	s17 =	sld [smem:$0x3FFB];
	_ =	sdelay $0x3  }
0x92: {  	_ =	strace s17  }
0x93: {  	s2 =	sld [smem:$0x3FFC];
	_ =	sdelay $0x3  }
0x94: {  	_ =	strace s2  }
0x95: {  	s2 =	sld [smem:$0x3FFD];
	_ =	sdelay $0x3  }
0x96: {  	_ =	strace s2  }
0x97: {  	_ =	strace $0x8FFFFFFF  }
0x98: {  	s18 =	sld [smem:$0x3FDB];
	_ =	sdelay $0x1  }
0x99: {  	s19 =	simm.s32 $_scs_section_size  }
0x9a: {  	s4 =	simm.s32 $_size__tile_overlayer_lowered;
	s5 =	simm.s32 $_tile_overlayer_lowered  }
0x9b: {  	s22 =	simm.s32 $0x1BFF;
	s21 =	sshll.u32 s5, $0x1;
	s2 =	sadd.s32 s19, s18  }
0x9c: {  	s6 =	simm.s32 $0x0;
	s20 =	sshll.u32 s4, $0x1;
	s4 =	sadd.s32 s21, s2  }
0x9d: {  	[timem:s6], [sflag:s22] =	dma.local [hbm:s4], s20  }
0x9e: {  	_ =	swait.ge [sflag:s22], s20  }
0x9f: {  	s3 =	ssub.s32 $0x0, s20;
	[sflag:s22] =	ssyncset.done $0x0  }
0xa0: {  	[sflag:s22] =	ssyncadd.s32 s3;
	_ =	sdelay $0x1  }
0xa1: {  	s23 =	simm.s32 $0x1B8B  }
0xa2: {  	_ =	swait.ge [sflag:s23], $0x1  }
0xa3: {  	[sflag:s23] =	ssyncset.done $0x0  }
0xa4: {  	s25 =	simm.s32 $0x1B8E;
	s24 =	sld [smem:$0x3FFE];
	[sflag:s23] =	ssyncadd.s32 $0xFFFFFFFF  }
0xa5: {  	s26 =	simm.s32 $execute0_lowered;
	[smem:$0x3FD2] =	sst s25  }
0xa6: {  	s4 =	sshll.u32 s26, $0x1;
	_ =	strace $0x8000004F;
	[dreg:$0x1] =	wrdreg $0xFFFFFFFF  }
0xa7: {  	s28 =	simm.s32 $_size_execute0_lowered;
	s2 =	sadd.s32 s2, s4;
	[dreg:$0x0] =	wrdreg $0x0  }
0xa8: {  	s4 =	sshll.u32 s28, $0x1;
	[dreg:$0x2] =	wrdreg s2  }
0xa9: {  	[dreg:$0x3] =	wrdreg s4  }
0xaa: {  	[dreg:$0x4] =	wrdreg $0xC0  }
0xab: {  	_ =	task [dreg:s6], $0x5FFFF  }
0xac: {  	[dreg:$0x1] =	wrdreg $0xFFFFFFFF  }
0xad: {  	[dreg:$0x0] =	wrdreg $0x60  }
0xae: {  	[dreg:$0x2] =	wrdreg s24  }
0xaf: {  	[dreg:$0x3] =	wrdreg $0xD0000  }
0xb0: {  	[dreg:$0x4] =	wrdreg $0x9  }
0xb1: {  	_ =	task.clear_ibuf [dreg:s6], $0x5FFFF;
	_ =	strace $0x9000004F  }
0xb2: {  	s29 =	simm.s32 $0x9;
	_ =	strace $0x80000051  }
0xb3: {  	_ =	swait.ge [sflag:s29], $0x1  }
0xb4: {  	[sflag:s29] =	ssyncadd.s32 $0xFFFFFFFF  }
0xb5: {  	_ =	strace $0x90000051  }
0xb6: {  	_ =	sfence  }
0xb7: {  	s30 =	sld [smem:$0x0];
	_ =	sdelay $0x2  }
0xb8: {  	s31 =	sshll.u32 s1, $0xD;
	s1 =	sshrl.u32 s1, $0x2  }
0xb9: {  	s3 =	sand.u32 $0x4000, s31;
	s1 =	sadd.s32 s1, s30  }
0xba: {  	s0 =	sor.u32 s3, s0;
	s1 =	sshll.u32 s1, $0x11  }
0xbb: {  	s0 =	sor.u32 s1, s0  }
0xbc: {  	s0 =	sadd.s32 $0x8F2B, s0  }
0xbd: {  	[sflag:s0] =	ssyncadd.remote.s32 $0x1  }
0xbe: {  	_ =	sfence.sel $0xFFFF  }
0xbf: {  	[dreg:$0x0] =	wrdreg $0xFFFFFFFF;
	(pc) =	sbr.abs _section_cstart, $3  }
0xc0: {  	[dreg:$0x1] =	wrdreg $0xFFFFFFFF  }
0xc1: {  	_ =	task.clear_ibuf [dreg:s6], $0x2FFFF;
	_ =	strace $0x9FFFFFFF  }
0xc2: {  	(tm) =	ssettm $0x7FFFFFFF  }
0xc3: {  	_ =	shalt  }
tec
execute0_lowered:
.L_overlay_start_1:
0x0: {  	(tag) =	ssettag $0x1  }
0x1: {  	s0 =	srdreg.scid;
	s6 =	rddreg [dreg:$0x0]  }
0x2: {  	s2 =	rddreg [dreg:$0x1];
	s1 =	stileid.u32  }
0x3: {  	s3 =	simm.s32 $0x0;
	s15 =	simm.s32 $0x7000;
	s16 =	simm.s32 $0x1  }
0x4: {  	s17 =	simm.s32 $0x5;
	s18 =	simm.s32 $0x2;
	s19 =	simm.s32 $0x3  }
0x5: {  	s20 =	simm.s32 $0x9000;
	s5 =	sand.u32 $0x1, s0;
	s0 =	rddreg [dreg:$0x2]  }
0x6: {  	s21 =	simm.s32 $0x4;
	s22 =	simm.s32 $0xB000;
	[smem:$0x7FF] =	sst s3  }
0x7: {  	s11 =	smul.u32 $0x9E00, s1;
	s29 =	sshll.u32 s1, $0x6;
	s4 =	sshll.u32 s5, $0x4  }
0x8: {  	_ =	strace $0x80000050;
	s9 =	smul.u32 $0x13C00, s5;
	s10 =	ssub.s32 $0x2, s5  }
0x9: {  	s5 =	sadd.s32 $0xCE00, s6;
	s7 =	sor.u32 s1, s4;
	s4 =	sadd.s32 $0x21200, s6  }
0xa: {  	s28 =	sshrl.u32 s10, $0x1;
	s14 =	sadd.s32 s11, s2;
	s24 =	sshrl.u32 s11, $0x3  }
0xb: {  	s8 =	smul.u32 $0x500, s7;
	s13 =	sadd.s32 s9, s6;
	s10 =	ssub.s32 s10, s28  }
0xc: {  	p0 =	seq.s32 s7, $0x1F;
	s7 =	sor.u32 $0x1C05, s29;
	s11 =	sshrl.u32 s14, $0x3  }
0xd: {  	s14 =	simm.s32 $0x5000;
	s12 =	sadd.s32 s8, s6;
	s6 =	simm.s32 $0x14  }
0xe: {  	s23 =	sadd.s32 $0x34C00, s13;
	s10 =	smax.u32 s10, $0x1;
	s6 =	simm.s32 @!p0 $0x50  }
0xf: {  	s13 =	simm.s32 $0x80;
	s23 =	sadd.s32 s24, s23;
	s30 =	sshll.u32 s6, $0x9  }
0x10: {  	s24 =	simm.s32 $0x0;
	s8 =	sadd.s32 $0x17200, s12;
	s31 =	sadd.s32 $0xFFFFF800, s30  }
0x11: {  	s9 =	sadd.s32 $0x2E00, s12;
	s12 =	simm.s32 $0x2800;
	[dreg:$0x3] =	wrdreg s31  }
.LBB2_1:
0x12: {  	[spmem:s11], [sflag:s7] =	dma.local [hbm:s5], $0x13C0  }
0x13: {  	_ =	swait.ge [sflag:s17], $0x13C0  }
0x14: {  	[sflag:s17] =	ssyncset.done $0x0  }
0x15: {  	[sflag:s17] =	ssyncadd.s32 $0xFFFFEC40  }
0x16: {  	[tilespmem:s3], [sflag:$0x5] =	stream.linear.gather [hbm4b:s8+s3], $0x2800, $0x38;
	[tilespmem:$0x16E00] =	vst v63  }
0x17: {  	_ =	swait.ge [sflag:s17], $0x2800  }
0x18: {  	[sflag:s17] =	ssyncset.done $0x0  }
0x19: {  	[sflag:s17] =	ssyncadd.s32 $0xFFFFD800  }
0x1a: {  	[tilespmem:s12], [sflag:$0x5] =	stream.linear.gather [hbm4b:s9+s3], $0x2800, $0x38;
	[tilespmem:$0x16E00] =	vst v63  }
0x1b: {  	_ =	swait.ge [sflag:s17], $0x2800  }
0x1c: {  	[sflag:s17] =	ssyncset.done $0x0  }
0x1d: {  	[sflag:s17] =	ssyncadd.s32 $0xFFFFD800  }
0x1e: {  	[bflag:$0x0] =	sbarrier.arrive $0xFFFF  }
0x1f: {  	[tilespmem:s14], [sflag:$0x1] =	stream.indirect.gather [hbm4b:s4+s13], $0x40, s3, s13, $0xb8;
	[tilespmem:$0x16E00] =	vst v63  }
0x20: {  	s26 =	simm.s32 $0x5;
	s25 =	simm.s32 $0x0  }
0x21: {  	[tilespmem:s15], [sflag:$0x2] =	stream.indirect.gather [hbm4b:s4+s13], $0x40, s13, s13, $0xb8;
	[tilespmem:$0x16E00] =	vst v63  }
.LBB2_2:
0x22: {  	_ =	swait.ge [sflag:s16], $0x2000  }
0x23: {  	s28 =	sshra.s32 s25, $0x2;
	[sflag:s16] =	ssyncset.done $0x0  }
0x24: {  	s31 =	sadd.s32 $0xFFFFFFFD, s26;
	s29 =	sadd.s32 $0x2800, s28;
	[sflag:s16] =	ssyncadd.s32 $0xFFFFE000  }
0x25: {  	[spmem:s2] =	stream.indirect.scatter.add.f32 [tilespmem:s14], [sflag:$0x5], $0x40, s29, s13, $0xb8;
	[tilespmem:$0x16E00] =	vst v63  }
0x26: {  	p0 =	sge.u32 s31, s6;
	_ =	swait.ge [sflag:s17], $0x2000  }
0x27: {  	s30 =	simm.s32 @!p0 $0x80;
	s29 =	sshra.s32 @!p0 s25, $0x2;
	[sflag:s17] =	ssyncset.done $0x0  }
0x28: {  	s31 =	simm.s32 @!p0 $0x9000;
	s29 =	sadd.s32 @!p0 $0x100, s29;
	[sflag:s17] =	ssyncadd.s32 $0xFFFFE000  }
0x29: {  	[tilespmem:s31], [sflag:$0x3] =	stream.indirect.gather @!p0 [hbm4b:s4+s30], $0x40, s29, s30, $0xb8;
	[tilespmem:$0x16E00] =	vst v63  }
0x2a: {  	_ =	swait.ge [sflag:s18], $0x2000  }
0x2b: {  	[sflag:s18] =	ssyncset.done $0x0  }
0x2c: {  	s30 =	sadd.s32 $0x2880, s28;
	s31 =	sadd.s32 $0xFFFFFFFE, s26;
	[sflag:s18] =	ssyncadd.s32 $0xFFFFE000  }
0x2d: {  	[spmem:s2] =	stream.indirect.scatter.add.f32 [tilespmem:s15], [sflag:$0x5], $0x40, s30, s13, $0xb8;
	[tilespmem:$0x16E00] =	vst v63  }
0x2e: {  	p0 =	sge.u32 s31, s6;
	_ =	swait.ge [sflag:s17], $0x2000  }
0x2f: {  	s29 =	sshra.s32 @!p0 s25, $0x2;
	s31 =	simm.s32 @!p0 $0xB000;
	[sflag:s17] =	ssyncset.done $0x0  }
0x30: {  	s29 =	sadd.s32 @!p0 $0x180, s29;
	s30 =	simm.s32 @!p0 $0x80;
	[sflag:s17] =	ssyncadd.s32 $0xFFFFE000  }
0x31: {  	[tilespmem:s31], [sflag:$0x4] =	stream.indirect.gather @!p0 [hbm4b:s4+s30], $0x40, s29, s30, $0xb8;
	[tilespmem:$0x16E00] =	vst v63  }
0x32: {  	_ =	swait.ge [sflag:s19], $0x2000  }
0x33: {  	[sflag:s19] =	ssyncset.done $0x0  }
0x34: {  	s30 =	sadd.s32 $0x2900, s28;
	s31 =	sadd.s32 $0xFFFFFFFF, s26;
	[sflag:s19] =	ssyncadd.s32 $0xFFFFE000  }
0x35: {  	[spmem:s2] =	stream.indirect.scatter.add.f32 [tilespmem:s20], [sflag:$0x5], $0x40, s30, s13, $0xb8;
	[tilespmem:$0x16E00] =	vst v63  }
0x36: {  	p0 =	sge.u32 s31, s6;
	_ =	swait.ge [sflag:s17], $0x2000  }
0x37: {  	s29 =	sshra.s32 @!p0 s25, $0x2;
	s31 =	simm.s32 @!p0 $0x5000;
	[sflag:s17] =	ssyncset.done $0x0  }
0x38: {  	s29 =	sadd.s32 @!p0 $0x200, s29;
	s30 =	simm.s32 @!p0 $0x80;
	[sflag:s17] =	ssyncadd.s32 $0xFFFFE000  }
0x39: {  	[tilespmem:s31], [sflag:$0x1] =	stream.indirect.gather @!p0 [hbm4b:s4+s30], $0x40, s29, s30, $0xb8;
	[tilespmem:$0x16E00] =	vst v63  }
0x3a: {  	_ =	swait.ge [sflag:s21], $0x2000  }
0x3b: {  	[sflag:s21] =	ssyncset.done $0x0  }
0x3c: {  	s28 =	sadd.s32 $0x2980, s28;
	p0 =	sge.u32 s26, s6;
	[sflag:s21] =	ssyncadd.s32 $0xFFFFE000  }
0x3d: {  	[spmem:s2] =	stream.indirect.scatter.add.f32 [tilespmem:s22], [sflag:$0x5], $0x40, s28, s13, $0xb8;
	[tilespmem:$0x16E00] =	vst v63  }
0x3e: {  	s29 =	simm.s32 @!p0 $0x80;
	s30 =	simm.s32 @!p0 $0x7000;
	_ =	swait.ge [sflag:s17], $0x2000  }
0x3f: {  	s28 =	sshra.s32 @!p0 s25, $0x2;
	s25 =	sadd.s32 $0x800, s25;
	[sflag:s17] =	ssyncset.done $0x0  }
0x40: {  	s28 =	sadd.s32 @!p0 $0x280, s28;
	s31 =	rddreg [dreg:$0x3];
	[sflag:s17] =	ssyncadd.s32 $0xFFFFE000  }
0x41: {  	[tilespmem:s30], [sflag:$0x2] =	stream.indirect.gather @!p0 [hbm4b:s4+s29], $0x40, s28, s29, $0xb8;
	[tilespmem:$0x16E00] =	vst v63  }
0x42: {  	p0 =	sne.s32 s31, s25  }
.Ltmp0:
0x43: {  	_ = 	snop;
	(pc) =	sbr.rel @p0 .LBB2_2-.Ltmp0, $2  }
0x44: {  	_ =	sdelay $0x2  }
0x45: {  	s26 =	sadd.s32 $0x4, s26  }
0x46: {  	_ =	swait.ge [sflag:s16], $0x2000  }
0x47: {  	s28 =	sshra.s32 s25, $0x2;
	[sflag:s16] =	ssyncset.done $0x0  }
0x48: {  	s31 =	sadd.s32 $0xFFFFFFFD, s26;
	s29 =	sadd.s32 $0x2800, s28;
	[sflag:s16] =	ssyncadd.s32 $0xFFFFE000  }
0x49: {  	[spmem:s2] =	stream.indirect.scatter.add.f32 [tilespmem:s14], [sflag:$0x5], $0x40, s29, s13, $0xb8;
	[tilespmem:$0x16E00] =	vst v63  }
0x4a: {  	p0 =	sge.u32 s31, s6;
	_ =	swait.ge [sflag:s17], $0x2000  }
0x4b: {  	s30 =	simm.s32 @!p0 $0x80;
	s29 =	sshra.s32 @!p0 s25, $0x2;
	[sflag:s17] =	ssyncset.done $0x0  }
0x4c: {  	s31 =	simm.s32 @!p0 $0x9000;
	s29 =	sadd.s32 @!p0 $0x100, s29;
	[sflag:s17] =	ssyncadd.s32 $0xFFFFE000  }
0x4d: {  	[tilespmem:s31], [sflag:$0x3] =	stream.indirect.gather @!p0 [hbm4b:s4+s30], $0x40, s29, s30, $0xb8;
	[tilespmem:$0x16E00] =	vst v63  }
0x4e: {  	_ =	swait.ge [sflag:s18], $0x2000  }
0x4f: {  	[sflag:s18] =	ssyncset.done $0x0  }
0x50: {  	s30 =	sadd.s32 $0x2880, s28;
	s31 =	sadd.s32 $0xFFFFFFFE, s26;
	[sflag:s18] =	ssyncadd.s32 $0xFFFFE000  }
0x51: {  	[spmem:s2] =	stream.indirect.scatter.add.f32 [tilespmem:s15], [sflag:$0x5], $0x40, s30, s13, $0xb8;
	[tilespmem:$0x16E00] =	vst v63  }
0x52: {  	p0 =	sge.u32 s31, s6;
	_ =	swait.ge [sflag:s17], $0x2000  }
0x53: {  	s29 =	sshra.s32 @!p0 s25, $0x2;
	s31 =	simm.s32 @!p0 $0xB000;
	[sflag:s17] =	ssyncset.done $0x0  }
0x54: {  	s29 =	sadd.s32 @!p0 $0x180, s29;
	s30 =	simm.s32 @!p0 $0x80;
	[sflag:s17] =	ssyncadd.s32 $0xFFFFE000  }
0x55: {  	[tilespmem:s31], [sflag:$0x4] =	stream.indirect.gather @!p0 [hbm4b:s4+s30], $0x40, s29, s30, $0xb8;
	[tilespmem:$0x16E00] =	vst v63  }
0x56: {  	_ =	swait.ge [sflag:s19], $0x2000  }
0x57: {  	[sflag:s19] =	ssyncset.done $0x0  }
0x58: {  	s30 =	sadd.s32 $0x2900, s28;
	s31 =	sadd.s32 $0xFFFFFFFF, s26;
	[sflag:s19] =	ssyncadd.s32 $0xFFFFE000  }
0x59: {  	[spmem:s2] =	stream.indirect.scatter.add.f32 [tilespmem:s20], [sflag:$0x5], $0x40, s30, s13, $0xb8;
	[tilespmem:$0x16E00] =	vst v63  }
0x5a: {  	p0 =	sge.u32 s31, s6;
	_ =	swait.ge [sflag:s17], $0x2000  }
0x5b: {  	s29 =	sshra.s32 @!p0 s25, $0x2;
	s31 =	simm.s32 @!p0 $0x5000;
	[sflag:s17] =	ssyncset.done $0x0  }
0x5c: {  	s29 =	sadd.s32 @!p0 $0x200, s29;
	s30 =	simm.s32 @!p0 $0x80;
	[sflag:s17] =	ssyncadd.s32 $0xFFFFE000  }
0x5d: {  	[tilespmem:s31], [sflag:$0x1] =	stream.indirect.gather @!p0 [hbm4b:s4+s30], $0x40, s29, s30, $0xb8;
	[tilespmem:$0x16E00] =	vst v63  }
0x5e: {  	_ =	swait.ge [sflag:s21], $0x2000  }
0x5f: {  	[sflag:s21] =	ssyncset.done $0x0  }
0x60: {  	s28 =	sadd.s32 $0x2980, s28;
	[sflag:s21] =	ssyncadd.s32 $0xFFFFE000  }
0x61: {  	[spmem:s2] =	stream.indirect.scatter.add.f32 [tilespmem:s22], [sflag:$0x5], $0x40, s28, s13, $0xb8;
	[tilespmem:$0x16E00] =	vst v63  }
0x62: {  	s24 =	sadd.s32 $0x1, s24;
	p0 =	sge.u32 s26, s6;
	_ =	swait.ge [sflag:s17], $0x2000  }
0x63: {  	s25 =	sshra.s32 @!p0 s25, $0x2;
	s26 =	simm.s32 @!p0 $0x80;
	[sflag:s17] =	ssyncset.done $0x0  }
0x64: {  	s25 =	sadd.s32 @!p0 $0x280, s25;
	s28 =	simm.s32 @!p0 $0x7000;
	[sflag:s17] =	ssyncadd.s32 $0xFFFFE000  }
0x65: {  	[tilespmem:s28], [sflag:$0x2] =	stream.indirect.gather @!p0 [hbm4b:s4+s26], $0x40, s25, s26, $0xb8;
	[tilespmem:$0x16E00] =	vst v63  }
0x66: {  	p0 =	sne.s32 s24, s10  }
.Ltmp1:
0x67: {  	[bflag:$0x0] =	sbarrier.arrive $0xFFFF;
	(pc) =	sbr.rel @p0 .LBB2_1-.Ltmp1, $4  }
0x68: {  	[hbm:s23], [sflag:s7] =	dma.local [spmem:s11], $0x13C0  }
0x69: {  	_ =	swait.ge [sflag:s17], $0x13C0  }
0x6a: {  	[sflag:s17] =	ssyncset.done $0x0  }
0x6b: {  	[sflag:s17] =	ssyncadd.s32 $0xFFFFEC40  }
0x6c: {  	_ =	sfence.sel $0x180000  }
0x6d: {  	[bflag:$0x0] =	sbarrier.arrive $0xFFFF  }
0x6e: {  	p0 =	sne.s32 s1, $0x0;
	_ =	strace $0x90000050  }
0x6f: {  	s0 =	sadd.s32 @!p0 $0x100000, s0;
	[bflag:$0x2] =	sbarrier.arrive $0xFFFF  }
0x70: {  	[sflag:s0] =	ssyncadd.tile.s32 @!p0 $0x1;
	_ =	shalt  }
.Lfunc_end2:
_tile_overlayer_lowered:
.L_overlay_start_2:
0x71: {  	(tag) =	ssettag $0x2  }
0x72: {  	s0 =	rddreg [dreg:$0x0];
	s2 =	stileid.u32  }
0x73: {  	s1 =	rddreg [dreg:$0x1];
	p0 =	sne.s32 s2, $0x0  }
0x74: {  	s3 =	rddreg [dreg:$0x2];
	[bflag:$0x3] =	sbarrier.arrive $0xFFFF;
	s2 =	simm.s32 @!p0 $0x1C05  }
0x75: {  	[timem:s3], [sflag:s2] =	dma.local @!p0 [hbm:s0], s1  }
0x76: {  	s0 =	simm.s32 @!p0 $0x5  }
0x77: {  	_ =	swait.ge @!p0 [sflag:s0], s1  }
0x78: {  	s1 =	ssub.s32 @!p0 $0x0, s1;
	[sflag:s0] =	ssyncset.done @!p0 $0x0  }
0x79: {  	[sflag:s0] =	ssyncadd.s32 @!p0 s1  }
0x7a: {  	[bflag:$0x3] =	sbarrier.arrive $0xFFFF  }
0x7b: {  	_ =	shalt  }

</sc_bundles>
